<compile_context>
chip_gen: v7x
topology: tpu7x:2x2x1
jax: 0.10.2.dev20260603
libtpu: 0.0.44.dev20260713+nightly
codegen_flags: <defaults>
</compile_context>

<pallas_src>
import functools

import jax
import jax.numpy as jnp
from jax import lax
from jax.experimental import pallas as pl
from jax.experimental.pallas import tpu as pltpu
from jax.experimental.pallas import tpu_sc as plsc

B = 16384
D = 16
NROWS = 1000000
GRP = 16


def _sc_gather_body(nc, ns, bpw,
                    uid, iid, tug, tig, tum, tim,
                    oug, oig, oum, oim,
                    xu, xi,
                    ba, bb, cug, cig, cum, cim,
                    sem, sem2, sem3, sem4, sem5, sem6, sem7, sem8, wsem):
  wid = lax.axis_index("s") * nc + lax.axis_index("c")
  base = wid * bpw
  pltpu.sync_copy(uid.at[pl.ds(base, bpw)], xu)
  pltpu.sync_copy(iid.at[pl.ds(base, bpw)], xi)
  riota = lax.iota(jnp.int32, GRP)
  ng = bpw // GRP
  phases = ((xu, tug, cug), (xu, tum, cum), (xi, tig, cig), (xi, tim, cim))
  bufsem = ((ba, (sem, sem2, sem5, sem6)), (bb, (sem3, sem4, sem7, sem8)))

  def fire(g, t):
    idx_v, tbl, _ = phases[t]
    buf, sms = bufsem[t % 2]
    vec = idx_v[pl.ds(g * GRP, GRP)]
    offs = lax.shift_left(lax.shift_right_logical(vec, 7), 7)
    for r in range(GRP):
      off = pl.multiple_of(offs[r], 128)
      pltpu.async_copy(tbl.at[:, pl.ds(off, 128)], buf.at[r], sms[r % 4])

  def drain_extract(g, t):
    idx_v, tbl, out = phases[t]
    buf, sms = bufsem[t % 2]
    for r in range(GRP):
      pltpu.make_async_copy(tug.at[:, pl.ds(0, 128)], buf.at[r],
                            sms[r % 4]).wait()
    lanes = jnp.bitwise_and(idx_v[pl.ds(g * GRP, GRP)], 127)
    for tt in range(D):
      tvec = jnp.full((GRP,), tt, jnp.int32)
      col = plsc.load_gather(buf, [riota, tvec, lanes])
      plsc.store_scatter(out, [riota, tvec], col)

  fire(0, 0)

  def group(g, _):
    posl = pl.ds(base + (g - 1) * GRP, GRP)

    @pl.when(g > 0)
    def _drain():
      for c, o in ((cug, oug), (cig, oig), (cum, oum), (cim, oim)):
        pltpu.make_async_copy(c, o.at[posl], wsem).wait()

    for t in range(4):
      if t < 3:
        fire(g, t + 1)
      else:
        @pl.when(g < ng - 1)
        def _prefetch():
          fire(g + 1, 0)
      drain_extract(g, t)
    osl = pl.ds(base + g * GRP, GRP)
    for c, o in ((cug, oug), (cig, oig), (cum, oum), (cim, oim)):
      pltpu.async_copy(c, o.at[osl], wsem)
    return _

  lax.fori_loop(0, ng, group, 0)
  losl = pl.ds(base + (ng - 1) * GRP, GRP)
  for c, o in ((cug, oug), (cig, oig), (cum, oum), (cim, oim)):
    pltpu.make_async_copy(c, o.at[losl], wsem).wait()


@jax.jit
def _sc_gather(uid, iid, tug, tig, tum, tim):
  info = plsc.get_sparse_core_info()
  nc, ns = info.num_cores, info.num_subcores
  nw = nc * ns
  bpw = B // nw
  mesh = plsc.VectorSubcoreMesh(core_axis_name="c", subcore_axis_name="s")
  rowo = jax.ShapeDtypeStruct((B, D), jnp.float32)
  body = functools.partial(_sc_gather_body, nc, ns, bpw)
  return pl.kernel(
      body,
      mesh=mesh,
      compiler_params=pltpu.CompilerParams(needs_layout_passes=False),
      out_type=(rowo, rowo, rowo, rowo),
      scratch_types=[
          pltpu.VMEM((bpw,), jnp.int32),
          pltpu.VMEM((bpw,), jnp.int32),
          pltpu.VMEM((GRP, D, 128), jnp.float32),
          pltpu.VMEM((GRP, D, 128), jnp.float32),
          pltpu.VMEM((GRP, D), jnp.float32),
          pltpu.VMEM((GRP, D), jnp.float32),
          pltpu.VMEM((GRP, D), jnp.float32),
          pltpu.VMEM((GRP, D), jnp.float32),
          pltpu.SemaphoreType.DMA,
          pltpu.SemaphoreType.DMA,
          pltpu.SemaphoreType.DMA,
          pltpu.SemaphoreType.DMA,
          pltpu.SemaphoreType.DMA,
          pltpu.SemaphoreType.DMA,
          pltpu.SemaphoreType.DMA,
          pltpu.SemaphoreType.DMA,
          pltpu.SemaphoreType.DMA,
      ],
  )(uid, iid, tug, tig, tum, tim)


def _bn_relu(x, g, be):
  mean = jnp.mean(x, axis=0)
  var = jnp.mean((x - mean) ** 2, axis=0)
  x = (x - mean) * lax.rsqrt(var + 1e-5) * g + be
  return jnp.maximum(x, 0.0)


def _tc_body(ug, ig, um, im,
             W0, b0, g0, be0, W1, b1, g1, be1,
             W2, b2, g2, be2, W3, b3, g3, be3,
             Wp, bp, out):
  f32 = jnp.float32
  x = (jnp.dot(um[...], W0[0:D, :], preferred_element_type=f32)
       + jnp.dot(im[...], W0[D:2 * D, :], preferred_element_type=f32)
       + b0[...])
  x = _bn_relu(x, g0[...], be0[...])
  x = jnp.dot(x, W1[...], preferred_element_type=f32) + b1[...]
  x = _bn_relu(x, g1[...], be1[...])
  x = jnp.dot(x, W2[...], preferred_element_type=f32) + b2[...]
  x = _bn_relu(x, g2[...], be2[...])
  x = jnp.dot(x, W3[...], preferred_element_type=f32) + b3[...]
  x = _bn_relu(x, g3[...], be3[...])
  gmf = ug[...] * ig[...]
  logit = (jnp.dot(gmf, Wp[0:D, :], preferred_element_type=f32)
           + jnp.dot(x, Wp[D:D + 8, :], preferred_element_type=f32)
           + bp[...])
  out[...] = jax.nn.sigmoid(logit)


@jax.jit
def _tc_mlp(ug, ig, um, im, *weights):
  return pl.pallas_call(
      _tc_body,
      out_shape=jax.ShapeDtypeStruct((B, 1), jnp.float32),
  )(ug, ig, um, im, *weights)


def kernel(user_indices, item_indices, user_gmf, item_gmf, user_mlp, item_mlp,
           W0, b0, g0, be0, W1, b1, g1, be1, W2, b2, g2, be2, W3, b3, g3, be3,
           Wp, bp):
  uid = user_indices.astype(jnp.int32)
  iid = item_indices.astype(jnp.int32)
  ug, ig, um, im = _sc_gather(uid, iid, user_gmf.T, item_gmf.T,
                              user_mlp.T, item_mlp.T)
  pred = _tc_mlp(ug, ig, um, im,
                 W0, b0, g0, be0, W1, b1, g1, be1,
                 W2, b2, g2, be2, W3, b3, g3, be3, Wp, bp)
  return jnp.squeeze(pred, axis=-1)

# --- scband reference (transcript-rebuilt; emitter-appended) ---
"""Pipeline reference for scband-ncf-65025804861475 (READ-ONLY COPY).

The authoritative reference and input builder live on the scoring server;
editing this copy changes nothing except your own understanding.
"""

import jax, jax.numpy as jnp
import numpy as np

NUM_USERS = 1000000
NUM_ITEMS = 1000000
D = 16
LAYERS = [64, 32, 16, 8]
B = 16384


def _xavier(key, fan_in, fan_out):
    limit = float(np.sqrt(6.0 / (fan_in + fan_out)))
    return jax.random.uniform(key, (fan_in, fan_out), minval=-limit, maxval=limit, dtype=jnp.float32)


def setup_inputs(seed: int = 0) -> dict:
    key = jax.random.key(seed)
    ks = jax.random.split(key, 32)
    inp = {}
    inp["user_indices"] = jax.random.randint(ks[0], (B,), 0, NUM_USERS, dtype=jnp.int64 if jax.config.read('jax_enable_x64') else jnp.int32)
    inp["item_indices"] = jax.random.randint(ks[1], (B,), 0, NUM_ITEMS, dtype=jnp.int64 if jax.config.read('jax_enable_x64') else jnp.int32)
    inp["user_gmf"] = jax.random.normal(ks[2], (NUM_USERS, D), dtype=jnp.float32) * 0.01
    inp["item_gmf"] = jax.random.normal(ks[3], (NUM_ITEMS, D), dtype=jnp.float32) * 0.01
    inp["user_mlp"] = jax.random.normal(ks[4], (NUM_USERS, D), dtype=jnp.float32) * 0.01
    inp["item_mlp"] = jax.random.normal(ks[5], (NUM_ITEMS, D), dtype=jnp.float32) * 0.01
    in_dim = 2 * D
    ki = 6
    for i, out_dim in enumerate(LAYERS):
        inp[f"W{i}"] = _xavier(ks[ki], in_dim, out_dim); ki += 1
        inp[f"b{i}"] = jnp.zeros((out_dim,), dtype=jnp.float32)
        inp[f"g{i}"] = jnp.ones((out_dim,), dtype=jnp.float32)
        inp[f"be{i}"] = jnp.zeros((out_dim,), dtype=jnp.float32)
        in_dim = out_dim
    inp["Wp"] = _xavier(ks[ki], LAYERS[-1] + D, 1)
    inp["bp"] = jnp.zeros((1,), dtype=jnp.float32)
    return inp


def reference(user_indices, item_indices, user_gmf, item_gmf, user_mlp, item_mlp,
              W0, b0, g0, be0, W1, b1, g1, be1, W2, b2, g2, be2, W3, b3, g3, be3,
              Wp, bp):
    # GMF branch: embedding gathers + elementwise product
    ug = jnp.take(user_gmf, user_indices, axis=0)
    ig = jnp.take(item_gmf, item_indices, axis=0)
    gmf = ug * ig
    # MLP branch
    um = jnp.take(user_mlp, user_indices, axis=0)
    im = jnp.take(item_mlp, item_indices, axis=0)
    x = jnp.concatenate([um, im], axis=-1)
    eps = 1e-5
    for W, b, g, be in ((W0, b0, g0, be0), (W1, b1, g1, be1), (W2, b2, g2, be2), (W3, b3, g3, be3)):
        x = x @ W + b
        mean = jnp.mean(x, axis=0)
        var = jnp.var(x, axis=0)
        x = (x - mean) / jnp.sqrt(var + eps) * g + be  # BatchNorm1d (training-mode batch stats)
        x = jax.nn.relu(x)
        # Dropout(p=0.2) treated as identity (eval mode)
    concat = jnp.concatenate([gmf, x], axis=-1)
    pred = jax.nn.sigmoid(concat @ Wp + bp)
    return jnp.squeeze(pred, axis=-1)

if __name__ == "__main__":
    import jax
    _d = setup_inputs()
    print(jax.jit(kernel)(*tuple(_d.values())))

</pallas_src>

<mosaic_0001>
#map = affine_map<(d0, d1) -> (0)>
#map1 = affine_map<(d0, d1) -> (0, 0)>
module attributes {stable_mosaic.version = 14 : i64} {
  func.func @_sc_gather_body(%arg0: i32, %arg1: i32, %arg2: memref<16384xi32, #tpu.memory_space<hbm>>, %arg3: memref<16384xi32, #tpu.memory_space<hbm>>, %arg4: memref<16x1000000xf32, #tpu.memory_space<hbm>>, %arg5: memref<16x1000000xf32, #tpu.memory_space<hbm>>, %arg6: memref<16x1000000xf32, #tpu.memory_space<hbm>>, %arg7: memref<16x1000000xf32, #tpu.memory_space<hbm>>, %arg8: memref<16384x16xf32, #tpu.memory_space<hbm>>, %arg9: memref<16384x16xf32, #tpu.memory_space<hbm>>, %arg10: memref<16384x16xf32, #tpu.memory_space<hbm>>, %arg11: memref<16384x16xf32, #tpu.memory_space<hbm>>, %arg12: memref<512xi32, #tpu.memory_space<vmem>>, %arg13: memref<512xi32, #tpu.memory_space<vmem>>, %arg14: memref<16x16x128xf32, #tpu.memory_space<vmem>>, %arg15: memref<16x16x128xf32, #tpu.memory_space<vmem>>, %arg16: memref<16x16xf32, #tpu.memory_space<vmem>>, %arg17: memref<16x16xf32, #tpu.memory_space<vmem>>, %arg18: memref<16x16xf32, #tpu.memory_space<vmem>>, %arg19: memref<16x16xf32, #tpu.memory_space<vmem>>, %arg20: memref<!tpu.dma_semaphore, #tpu.memory_space<semaphore_mem>>, %arg21: memref<!tpu.dma_semaphore, #tpu.memory_space<semaphore_mem>>, %arg22: memref<!tpu.dma_semaphore, #tpu.memory_space<semaphore_mem>>, %arg23: memref<!tpu.dma_semaphore, #tpu.memory_space<semaphore_mem>>, %arg24: memref<!tpu.dma_semaphore, #tpu.memory_space<semaphore_mem>>, %arg25: memref<!tpu.dma_semaphore, #tpu.memory_space<semaphore_mem>>, %arg26: memref<!tpu.dma_semaphore, #tpu.memory_space<semaphore_mem>>, %arg27: memref<!tpu.dma_semaphore, #tpu.memory_space<semaphore_mem>>, %arg28: memref<!tpu.dma_semaphore, #tpu.memory_space<semaphore_mem>>) attributes {dimension_semantics = [#tpu.dimension_semantics<core_parallel>, #tpu.dimension_semantics<subcore_parallel>], iteration_bounds = array<i64: 2, 16>, scalar_prefetch = 0 : i64, scratch_operands = 17 : i64, tpu.core_type = #tpu.core_type<sc_vector_subcore>, window_params = [{transform_indices = #map}, {transform_indices = #map}, {transform_indices = #map1}, {transform_indices = #map1}, {transform_indices = #map1}, {transform_indices = #map1}, {transform_indices = #map1}, {transform_indices = #map1}, {transform_indices = #map1}, {transform_indices = #map1}]} {
    %mul3A = arith.constant 2 : i32
    %mul3A_0 = arith.muli %arg1, %mul3A : i32
    %add3A = arith.addi %mul3A_0, %arg0 : i32
    %mul3A_1 = arith.constant 512 : i32
    %mul3A_2 = arith.muli %add3A, %mul3A_1 : i32
    "tpu.region"() ({
      %run_scoped3A = tpu.sem_alloc : memref<!tpu.dma_semaphore, #tpu.memory_space<semaphore_mem>>
      %dma_start3A_282 = tpu.memref_slice %arg2[%mul3A_2] : memref<16384xi32, #tpu.memory_space<hbm>> -> memref<512xi32, #tpu.memory_space<hbm>>
      %dma_start3A_283 = tpu.memref_slice %arg2[%mul3A_2] : memref<16384xi32, #tpu.memory_space<hbm>> -> memref<512xi32, #tpu.memory_space<hbm>>
      tpu.enqueue_dma source(%dma_start3A_283 : memref<512xi32, #tpu.memory_space<hbm>>) target(%arg12 : memref<512xi32, #tpu.memory_space<vmem>>) target_semaphore(%run_scoped3A : memref<!tpu.dma_semaphore, #tpu.memory_space<semaphore_mem>>)
      %dma_wait3A_284 = tpu.memref_slice %arg2[%mul3A_2] : memref<16384xi32, #tpu.memory_space<hbm>> -> memref<512xi32, #tpu.memory_space<hbm>>
      %dma_wait3A_285 = tpu.memref_slice %arg2[%mul3A_2] : memref<16384xi32, #tpu.memory_space<hbm>> -> memref<512xi32, #tpu.memory_space<hbm>>
      tpu.wait_dma2 semaphore(%run_scoped3A : memref<!tpu.dma_semaphore, #tpu.memory_space<semaphore_mem>>) src(%dma_wait3A_285 : memref<512xi32, #tpu.memory_space<hbm>>) dst(%arg12 : memref<512xi32, #tpu.memory_space<vmem>>)
      tpu.yield
    }) : () -> ()
    "tpu.region"() ({
      %run_scoped3A = tpu.sem_alloc : memref<!tpu.dma_semaphore, #tpu.memory_space<semaphore_mem>>
      %dma_start3A_282 = tpu.memref_slice %arg3[%mul3A_2] : memref<16384xi32, #tpu.memory_space<hbm>> -> memref<512xi32, #tpu.memory_space<hbm>>
      %dma_start3A_283 = tpu.memref_slice %arg3[%mul3A_2] : memref<16384xi32, #tpu.memory_space<hbm>> -> memref<512xi32, #tpu.memory_space<hbm>>
      tpu.enqueue_dma source(%dma_start3A_283 : memref<512xi32, #tpu.memory_space<hbm>>) target(%arg13 : memref<512xi32, #tpu.memory_space<vmem>>) target_semaphore(%run_scoped3A : memref<!tpu.dma_semaphore, #tpu.memory_space<semaphore_mem>>)
      %dma_wait3A_284 = tpu.memref_slice %arg3[%mul3A_2] : memref<16384xi32, #tpu.memory_space<hbm>> -> memref<512xi32, #tpu.memory_space<hbm>>
      %dma_wait3A_285 = tpu.memref_slice %arg3[%mul3A_2] : memref<16384xi32, #tpu.memory_space<hbm>> -> memref<512xi32, #tpu.memory_space<hbm>>
      tpu.wait_dma2 semaphore(%run_scoped3A : memref<!tpu.dma_semaphore, #tpu.memory_space<semaphore_mem>>) src(%dma_wait3A_285 : memref<512xi32, #tpu.memory_space<hbm>>) dst(%arg13 : memref<512xi32, #tpu.memory_space<vmem>>)
      tpu.yield
    }) : () -> ()
    %iota3A = tpu.iota {dimensions = array<i32: 0>} : vector<16xi32>
    %get3A = arith.constant 0 : index
    %get3A_3 = tpu.vector_load %arg12[%get3A] {strides = array<i32>} : memref<512xi32, #tpu.memory_space<vmem>>, vector<16xi32>,
    %shift_right_logical3A = arith.constant 7 : i32
    %shift_right_logical3A_4 = vector.broadcast %shift_right_logical3A : i32 to vector<16xi32>
    %shift_right_logical3A_5 = arith.shrui %get3A_3, %shift_right_logical3A_4 : vector<16xi32>
    %shift_left3A = arith.constant 7 : i32
    %shift_left3A_6 = vector.broadcast %shift_left3A : i32 to vector<16xi32>
    %shift_left3A_7 = arith.shli %shift_right_logical3A_5, %shift_left3A_6 : vector<16xi32>
    %slice3A = vector.extract_strided_slice %shift_left3A_7 {offsets = [0], sizes = [1], strides = [1]} : vector<16xi32> to vector<1xi32>
    %squeeze3A = vector.extract %slice3A[0] : i32 from vector<1xi32>
    %multiple_of3A = tpu.assume_multiple %squeeze3A, 128 : i32
    %dma_start3A = arith.constant 0 : i32
    %dma_start3A_8 = arith.constant 0 : i32
    %dma_start3A_9 = arith.constant 0 : i32
    %dma_start3A_10 = tpu.memref_slice %arg14[%dma_start3A, %dma_start3A_8, %dma_start3A_9] : memref<16x16x128xf32, #tpu.memory_space<vmem>> -> memref<1x16x128xf32, #tpu.memory_space<vmem>>
    %dma_start3A_11 = tpu.memref_squeeze %dma_start3A_10 : memref<1x16x128xf32, #tpu.memory_space<vmem>> -> memref<16x128xf32, #tpu.memory_space<vmem>>
    %dma_start3A_12 = arith.constant 0 : i32
    %dma_start3A_13 = tpu.memref_slice %arg4[%dma_start3A_12, %multiple_of3A] : memref<16x1000000xf32, #tpu.memory_space<hbm>> -> memref<16x128xf32, #tpu.memory_space<hbm>>
    %dma_start3A_14 = arith.constant 0 : i32
    %dma_start3A_15 = arith.constant 0 : i32
    %dma_start3A_16 = tpu.memref_slice %arg14[%dma_start3A, %dma_start3A_14, %dma_start3A_15] : memref<16x16x128xf32, #tpu.memory_space<vmem>> -> memref<1x16x128xf32, #tpu.memory_space<vmem>>
    %dma_start3A_17 = tpu.memref_squeeze %dma_start3A_16 : memref<1x16x128xf32, #tpu.memory_space<vmem>> -> memref<16x128xf32, #tpu.memory_space<vmem>>
    %dma_start3A_18 = arith.constant 0 : i32
    %dma_start3A_19 = tpu.memref_slice %arg4[%dma_start3A_18, %multiple_of3A] : memref<16x1000000xf32, #tpu.memory_space<hbm>> -> memref<16x128xf32, #tpu.memory_space<hbm>>
    tpu.enqueue_dma source(%dma_start3A_19 : memref<16x128xf32, #tpu.memory_space<hbm>>) target(%dma_start3A_17 : memref<16x128xf32, #tpu.memory_space<vmem>>) target_semaphore(%arg20 : memref<!tpu.dma_semaphore, #tpu.memory_space<semaphore_mem>>)
    %slice3A_20 = vector.extract_strided_slice %shift_left3A_7 {offsets = [1], sizes = [1], strides = [1]} : vector<16xi32> to vector<1xi32>
    %squeeze3A_21 = vector.extract %slice3A_20[0] : i32 from vector<1xi32>
    %multiple_of3A_22 = tpu.assume_multiple %squeeze3A_21, 128 : i32
    %dma_start3A_23 = arith.constant 1 : i32
    %dma_start3A_24 = arith.constant 0 : i32
    %dma_start3A_25 = arith.constant 0 : i32
    %dma_start3A_26 = tpu.memref_slice %arg14[%dma_start3A_23, %dma_start3A_24, %dma_start3A_25] : memref<16x16x128xf32, #tpu.memory_space<vmem>> -> memref<1x16x128xf32, #tpu.memory_space<vmem>>
    %dma_start3A_27 = tpu.memref_squeeze %dma_start3A_26 : memref<1x16x128xf32, #tpu.memory_space<vmem>> -> memref<16x128xf32, #tpu.memory_space<vmem>>
    %dma_start3A_28 = arith.constant 0 : i32
    %dma_start3A_29 = tpu.memref_slice %arg4[%dma_start3A_28, %multiple_of3A_22] : memref<16x1000000xf32, #tpu.memory_space<hbm>> -> memref<16x128xf32, #tpu.memory_space<hbm>>
    %dma_start3A_30 = arith.constant 0 : i32
    %dma_start3A_31 = arith.constant 0 : i32
    %dma_start3A_32 = tpu.memref_slice %arg14[%dma_start3A_23, %dma_start3A_30, %dma_start3A_31] : memref<16x16x128xf32, #tpu.memory_space<vmem>> -> memref<1x16x128xf32, #tpu.memory_space<vmem>>
    %dma_start3A_33 = tpu.memref_squeeze %dma_start3A_32 : memref<1x16x128xf32, #tpu.memory_space<vmem>> -> memref<16x128xf32, #tpu.memory_space<vmem>>
    %dma_start3A_34 = arith.constant 0 : i32
    %dma_start3A_35 = tpu.memref_slice %arg4[%dma_start3A_34, %multiple_of3A_22] : memref<16x1000000xf32, #tpu.memory_space<hbm>> -> memref<16x128xf32, #tpu.memory_space<hbm>>
    tpu.enqueue_dma source(%dma_start3A_35 : memref<16x128xf32, #tpu.memory_space<hbm>>) target(%dma_start3A_33 : memref<16x128xf32, #tpu.memory_space<vmem>>) target_semaphore(%arg21 : memref<!tpu.dma_semaphore, #tpu.memory_space<semaphore_mem>>)
    %slice3A_36 = vector.extract_strided_slice %shift_left3A_7 {offsets = [2], sizes = [1], strides = [1]} : vector<16xi32> to vector<1xi32>
    %squeeze3A_37 = vector.extract %slice3A_36[0] : i32 from vector<1xi32>
    %multiple_of3A_38 = tpu.assume_multiple %squeeze3A_37, 128 : i32
    %dma_start3A_39 = arith.constant 2 : i32
    %dma_start3A_40 = arith.constant 0 : i32
    %dma_start3A_41 = arith.constant 0 : i32
    %dma_start3A_42 = tpu.memref_slice %arg14[%dma_start3A_39, %dma_start3A_40, %dma_start3A_41] : memref<16x16x128xf32, #tpu.memory_space<vmem>> -> memref<1x16x128xf32, #tpu.memory_space<vmem>>
    %dma_start3A_43 = tpu.memref_squeeze %dma_start3A_42 : memref<1x16x128xf32, #tpu.memory_space<vmem>> -> memref<16x128xf32, #tpu.memory_space<vmem>>
    %dma_start3A_44 = arith.constant 0 : i32
    %dma_start3A_45 = tpu.memref_slice %arg4[%dma_start3A_44, %multiple_of3A_38] : memref<16x1000000xf32, #tpu.memory_space<hbm>> -> memref<16x128xf32, #tpu.memory_space<hbm>>
    %dma_start3A_46 = arith.constant 0 : i32
    %dma_start3A_47 = arith.constant 0 : i32
    %dma_start3A_48 = tpu.memref_slice %arg14[%dma_start3A_39, %dma_start3A_46, %dma_start3A_47] : memref<16x16x128xf32, #tpu.memory_space<vmem>> -> memref<1x16x128xf32, #tpu.memory_space<vmem>>
    %dma_start3A_49 = tpu.memref_squeeze %dma_start3A_48 : memref<1x16x128xf32, #tpu.memory_space<vmem>> -> memref<16x128xf32, #tpu.memory_space<vmem>>
    %dma_start3A_50 = arith.constant 0 : i32
    %dma_start3A_51 = tpu.memref_slice %arg4[%dma_start3A_50, %multiple_of3A_38] : memref<16x1000000xf32, #tpu.memory_space<hbm>> -> memref<16x128xf32, #tpu.memory_space<hbm>>
    tpu.enqueue_dma source(%dma_start3A_51 : memref<16x128xf32, #tpu.memory_space<hbm>>) target(%dma_start3A_49 : memref<16x128xf32, #tpu.memory_space<vmem>>) target_semaphore(%arg24 : memref<!tpu.dma_semaphore, #tpu.memory_space<semaphore_mem>>)
    %slice3A_52 = vector.extract_strided_slice %shift_left3A_7 {offsets = [3], sizes = [1], strides = [1]} : vector<16xi32> to vector<1xi32>
    %squeeze3A_53 = vector.extract %slice3A_52[0] : i32 from vector<1xi32>
    %multiple_of3A_54 = tpu.assume_multiple %squeeze3A_53, 128 : i32
    %dma_start3A_55 = arith.constant 3 : i32
    %dma_start3A_56 = arith.constant 0 : i32
    %dma_start3A_57 = arith.constant 0 : i32
    %dma_start3A_58 = tpu.memref_slice %arg14[%dma_start3A_55, %dma_start3A_56, %dma_start3A_57] : memref<16x16x128xf32, #tpu.memory_space<vmem>> -> memref<1x16x128xf32, #tpu.memory_space<vmem>>
    %dma_start3A_59 = tpu.memref_squeeze %dma_start3A_58 : memref<1x16x128xf32, #tpu.memory_space<vmem>> -> memref<16x128xf32, #tpu.memory_space<vmem>>
    %dma_start3A_60 = arith.constant 0 : i32
    %dma_start3A_61 = tpu.memref_slice %arg4[%dma_start3A_60, %multiple_of3A_54] : memref<16x1000000xf32, #tpu.memory_space<hbm>> -> memref<16x128xf32, #tpu.memory_space<hbm>>
    %dma_start3A_62 = arith.constant 0 : i32
    %dma_start3A_63 = arith.constant 0 : i32
    %dma_start3A_64 = tpu.memref_slice %arg14[%dma_start3A_55, %dma_start3A_62, %dma_start3A_63] : memref<16x16x128xf32, #tpu.memory_space<vmem>> -> memref<1x16x128xf32, #tpu.memory_space<vmem>>
    %dma_start3A_65 = tpu.memref_squeeze %dma_start3A_64 : memref<1x16x128xf32, #tpu.memory_space<vmem>> -> memref<16x128xf32, #tpu.memory_space<vmem>>
    %dma_start3A_66 = arith.constant 0 : i32
    %dma_start3A_67 = tpu.memref_slice %arg4[%dma_start3A_66, %multiple_of3A_54] : memref<16x1000000xf32, #tpu.memory_space<hbm>> -> memref<16x128xf32, #tpu.memory_space<hbm>>
    tpu.enqueue_dma source(%dma_start3A_67 : memref<16x128xf32, #tpu.memory_space<hbm>>) target(%dma_start3A_65 : memref<16x128xf32, #tpu.memory_space<vmem>>) target_semaphore(%arg25 : memref<!tpu.dma_semaphore, #tpu.memory_space<semaphore_mem>>)
    %slice3A_68 = vector.extract_strided_slice %shift_left3A_7 {offsets = [4], sizes = [1], strides = [1]} : vector<16xi32> to vector<1xi32>
    %squeeze3A_69 = vector.extract %slice3A_68[0] : i32 from vector<1xi32>
    %multiple_of3A_70 = tpu.assume_multiple %squeeze3A_69, 128 : i32
    %dma_start3A_71 = arith.constant 4 : i32
    %dma_start3A_72 = arith.constant 0 : i32
    %dma_start3A_73 = arith.constant 0 : i32
    %dma_start3A_74 = tpu.memref_slice %arg14[%dma_start3A_71, %dma_start3A_72, %dma_start3A_73] : memref<16x16x128xf32, #tpu.memory_space<vmem>> -> memref<1x16x128xf32, #tpu.memory_space<vmem>>
    %dma_start3A_75 = tpu.memref_squeeze %dma_start3A_74 : memref<1x16x128xf32, #tpu.memory_space<vmem>> -> memref<16x128xf32, #tpu.memory_space<vmem>>
    %dma_start3A_76 = arith.constant 0 : i32
    %dma_start3A_77 = tpu.memref_slice %arg4[%dma_start3A_76, %multiple_of3A_70] : memref<16x1000000xf32, #tpu.memory_space<hbm>> -> memref<16x128xf32, #tpu.memory_space<hbm>>
    %dma_start3A_78 = arith.constant 0 : i32
    %dma_start3A_79 = arith.constant 0 : i32
    %dma_start3A_80 = tpu.memref_slice %arg14[%dma_start3A_71, %dma_start3A_78, %dma_start3A_79] : memref<16x16x128xf32, #tpu.memory_space<vmem>> -> memref<1x16x128xf32, #tpu.memory_space<vmem>>
    %dma_start3A_81 = tpu.memref_squeeze %dma_start3A_80 : memref<1x16x128xf32, #tpu.memory_space<vmem>> -> memref<16x128xf32, #tpu.memory_space<vmem>>
    %dma_start3A_82 = arith.constant 0 : i32
    %dma_start3A_83 = tpu.memref_slice %arg4[%dma_start3A_82, %multiple_of3A_70] : memref<16x1000000xf32, #tpu.memory_space<hbm>> -> memref<16x128xf32, #tpu.memory_space<hbm>>
    tpu.enqueue_dma source(%dma_start3A_83 : memref<16x128xf32, #tpu.memory_space<hbm>>) target(%dma_start3A_81 : memref<16x128xf32, #tpu.memory_space<vmem>>) target_semaphore(%arg20 : memref<!tpu.dma_semaphore, #tpu.memory_space<semaphore_mem>>)
    %slice3A_84 = vector.extract_strided_slice %shift_left3A_7 {offsets = [5], sizes = [1], strides = [1]} : vector<16xi32> to vector<1xi32>
    %squeeze3A_85 = vector.extract %slice3A_84[0] : i32 from vector<1xi32>
    %multiple_of3A_86 = tpu.assume_multiple %squeeze3A_85, 128 : i32
    %dma_start3A_87 = arith.constant 5 : i32
    %dma_start3A_88 = arith.constant 0 : i32
    %dma_start3A_89 = arith.constant 0 : i32
    %dma_start3A_90 = tpu.memref_slice %arg14[%dma_start3A_87, %dma_start3A_88, %dma_start3A_89] : memref<16x16x128xf32, #tpu.memory_space<vmem>> -> memref<1x16x128xf32, #tpu.memory_space<vmem>>
    %dma_start3A_91 = tpu.memref_squeeze %dma_start3A_90 : memref<1x16x128xf32, #tpu.memory_space<vmem>> -> memref<16x128xf32, #tpu.memory_space<vmem>>
    %dma_start3A_92 = arith.constant 0 : i32
    %dma_start3A_93 = tpu.memref_slice %arg4[%dma_start3A_92, %multiple_of3A_86] : memref<16x1000000xf32, #tpu.memory_space<hbm>> -> memref<16x128xf32, #tpu.memory_space<hbm>>
    %dma_start3A_94 = arith.constant 0 : i32
    %dma_start3A_95 = arith.constant 0 : i32
    %dma_start3A_96 = tpu.memref_slice %arg14[%dma_start3A_87, %dma_start3A_94, %dma_start3A_95] : memref<16x16x128xf32, #tpu.memory_space<vmem>> -> memref<1x16x128xf32, #tpu.memory_space<vmem>>
    %dma_start3A_97 = tpu.memref_squeeze %dma_start3A_96 : memref<1x16x128xf32, #tpu.memory_space<vmem>> -> memref<16x128xf32, #tpu.memory_space<vmem>>
    %dma_start3A_98 = arith.constant 0 : i32
    %dma_start3A_99 = tpu.memref_slice %arg4[%dma_start3A_98, %multiple_of3A_86] : memref<16x1000000xf32, #tpu.memory_space<hbm>> -> memref<16x128xf32, #tpu.memory_space<hbm>>
    tpu.enqueue_dma source(%dma_start3A_99 : memref<16x128xf32, #tpu.memory_space<hbm>>) target(%dma_start3A_97 : memref<16x128xf32, #tpu.memory_space<vmem>>) target_semaphore(%arg21 : memref<!tpu.dma_semaphore, #tpu.memory_space<semaphore_mem>>)
    %slice3A_100 = vector.extract_strided_slice %shift_left3A_7 {offsets = [6], sizes = [1], strides = [1]} : vector<16xi32> to vector<1xi32>
    %squeeze3A_101 = vector.extract %slice3A_100[0] : i32 from vector<1xi32>
    %multiple_of3A_102 = tpu.assume_multiple %squeeze3A_101, 128 : i32
    %dma_start3A_103 = arith.constant 6 : i32
    %dma_start3A_104 = arith.constant 0 : i32
    %dma_start3A_105 = arith.constant 0 : i32
    %dma_start3A_106 = tpu.memref_slice %arg14[%dma_start3A_103, %dma_start3A_104, %dma_start3A_105] : memref<16x16x128xf32, #tpu.memory_space<vmem>> -> memref<1x16x128xf32, #tpu.memory_space<vmem>>
    %dma_start3A_107 = tpu.memref_squeeze %dma_start3A_106 : memref<1x16x128xf32, #tpu.memory_space<vmem>> -> memref<16x128xf32, #tpu.memory_space<vmem>>
    %dma_start3A_108 = arith.constant 0 : i32
    %dma_start3A_109 = tpu.memref_slice %arg4[%dma_start3A_108, %multiple_of3A_102] : memref<16x1000000xf32, #tpu.memory_space<hbm>> -> memref<16x128xf32, #tpu.memory_space<hbm>>
    %dma_start3A_110 = arith.constant 0 : i32
    %dma_start3A_111 = arith.constant 0 : i32
    %dma_start3A_112 = tpu.memref_slice %arg14[%dma_start3A_103, %dma_start3A_110, %dma_start3A_111] : memref<16x16x128xf32, #tpu.memory_space<vmem>> -> memref<1x16x128xf32, #tpu.memory_space<vmem>>
    %dma_start3A_113 = tpu.memref_squeeze %dma_start3A_112 : memref<1x16x128xf32, #tpu.memory_space<vmem>> -> memref<16x128xf32, #tpu.memory_space<vmem>>
    %dma_start3A_114 = arith.constant 0 : i32
    %dma_start3A_115 = tpu.memref_slice %arg4[%dma_start3A_114, %multiple_of3A_102] : memref<16x1000000xf32, #tpu.memory_space<hbm>> -> memref<16x128xf32, #tpu.memory_space<hbm>>
    tpu.enqueue_dma source(%dma_start3A_115 : memref<16x128xf32, #tpu.memory_space<hbm>>) target(%dma_start3A_113 : memref<16x128xf32, #tpu.memory_space<vmem>>) target_semaphore(%arg24 : memref<!tpu.dma_semaphore, #tpu.memory_space<semaphore_mem>>)
    %slice3A_116 = vector.extract_strided_slice %shift_left3A_7 {offsets = [7], sizes = [1], strides = [1]} : vector<16xi32> to vector<1xi32>
    %squeeze3A_117 = vector.extract %slice3A_116[0] : i32 from vector<1xi32>
    %multiple_of3A_118 = tpu.assume_multiple %squeeze3A_117, 128 : i32
    %dma_start3A_119 = arith.constant 7 : i32
    %dma_start3A_120 = arith.constant 0 : i32
    %dma_start3A_121 = arith.constant 0 : i32
    %dma_start3A_122 = tpu.memref_slice %arg14[%dma_start3A_119, %dma_start3A_120, %dma_start3A_121] : memref<16x16x128xf32, #tpu.memory_space<vmem>> -> memref<1x16x128xf32, #tpu.memory_space<vmem>>
    %dma_start3A_123 = tpu.memref_squeeze %dma_start3A_122 : memref<1x16x128xf32, #tpu.memory_space<vmem>> -> memref<16x128xf32, #tpu.memory_space<vmem>>
    %dma_start3A_124 = arith.constant 0 : i32
    %dma_start3A_125 = tpu.memref_slice %arg4[%dma_start3A_124, %multiple_of3A_118] : memref<16x1000000xf32, #tpu.memory_space<hbm>> -> memref<16x128xf32, #tpu.memory_space<hbm>>
    %dma_start3A_126 = arith.constant 0 : i32
    %dma_start3A_127 = arith.constant 0 : i32
    %dma_start3A_128 = tpu.memref_slice %arg14[%dma_start3A_119, %dma_start3A_126, %dma_start3A_127] : memref<16x16x128xf32, #tpu.memory_space<vmem>> -> memref<1x16x128xf32, #tpu.memory_space<vmem>>
    %dma_start3A_129 = tpu.memref_squeeze %dma_start3A_128 : memref<1x16x128xf32, #tpu.memory_space<vmem>> -> memref<16x128xf32, #tpu.memory_space<vmem>>
    %dma_start3A_130 = arith.constant 0 : i32
    %dma_start3A_131 = tpu.memref_slice %arg4[%dma_start3A_130, %multiple_of3A_118] : memref<16x1000000xf32, #tpu.memory_space<hbm>> -> memref<16x128xf32, #tpu.memory_space<hbm>>
    tpu.enqueue_dma source(%dma_start3A_131 : memref<16x128xf32, #tpu.memory_space<hbm>>) target(%dma_start3A_129 : memref<16x128xf32, #tpu.memory_space<vmem>>) target_semaphore(%arg25 : memref<!tpu.dma_semaphore, #tpu.memory_space<semaphore_mem>>)
    %slice3A_132 = vector.extract_strided_slice %shift_left3A_7 {offsets = [8], sizes = [1], strides = [1]} : vector<16xi32> to vector<1xi32>
    %squeeze3A_133 = vector.extract %slice3A_132[0] : i32 from vector<1xi32>
    %multiple_of3A_134 = tpu.assume_multiple %squeeze3A_133, 128 : i32
    %dma_start3A_135 = arith.constant 8 : i32
    %dma_start3A_136 = arith.constant 0 : i32
    %dma_start3A_137 = arith.constant 0 : i32
    %dma_start3A_138 = tpu.memref_slice %arg14[%dma_start3A_135, %dma_start3A_136, %dma_start3A_137] : memref<16x16x128xf32, #tpu.memory_space<vmem>> -> memref<1x16x128xf32, #tpu.memory_space<vmem>>
    %dma_start3A_139 = tpu.memref_squeeze %dma_start3A_138 : memref<1x16x128xf32, #tpu.memory_space<vmem>> -> memref<16x128xf32, #tpu.memory_space<vmem>>
    %dma_start3A_140 = arith.constant 0 : i32
    %dma_start3A_141 = tpu.memref_slice %arg4[%dma_start3A_140, %multiple_of3A_134] : memref<16x1000000xf32, #tpu.memory_space<hbm>> -> memref<16x128xf32, #tpu.memory_space<hbm>>
    %dma_start3A_142 = arith.constant 0 : i32
    %dma_start3A_143 = arith.constant 0 : i32
    %dma_start3A_144 = tpu.memref_slice %arg14[%dma_start3A_135, %dma_start3A_142, %dma_start3A_143] : memref<16x16x128xf32, #tpu.memory_space<vmem>> -> memref<1x16x128xf32, #tpu.memory_space<vmem>>
    %dma_start3A_145 = tpu.memref_squeeze %dma_start3A_144 : memref<1x16x128xf32, #tpu.memory_space<vmem>> -> memref<16x128xf32, #tpu.memory_space<vmem>>
    %dma_start3A_146 = arith.constant 0 : i32
    %dma_start3A_147 = tpu.memref_slice %arg4[%dma_start3A_146, %multiple_of3A_134] : memref<16x1000000xf32, #tpu.memory_space<hbm>> -> memref<16x128xf32, #tpu.memory_space<hbm>>
    tpu.enqueue_dma source(%dma_start3A_147 : memref<16x128xf32, #tpu.memory_space<hbm>>) target(%dma_start3A_145 : memref<16x128xf32, #tpu.memory_space<vmem>>) target_semaphore(%arg20 : memref<!tpu.dma_semaphore, #tpu.memory_space<semaphore_mem>>)
    %slice3A_148 = vector.extract_strided_slice %shift_left3A_7 {offsets = [9], sizes = [1], strides = [1]} : vector<16xi32> to vector<1xi32>
    %squeeze3A_149 = vector.extract %slice3A_148[0] : i32 from vector<1xi32>
    %multiple_of3A_150 = tpu.assume_multiple %squeeze3A_149, 128 : i32
    %dma_start3A_151 = arith.constant 9 : i32
    %dma_start3A_152 = arith.constant 0 : i32
    %dma_start3A_153 = arith.constant 0 : i32
    %dma_start3A_154 = tpu.memref_slice %arg14[%dma_start3A_151, %dma_start3A_152, %dma_start3A_153] : memref<16x16x128xf32, #tpu.memory_space<vmem>> -> memref<1x16x128xf32, #tpu.memory_space<vmem>>
    %dma_start3A_155 = tpu.memref_squeeze %dma_start3A_154 : memref<1x16x128xf32, #tpu.memory_space<vmem>> -> memref<16x128xf32, #tpu.memory_space<vmem>>
    %dma_start3A_156 = arith.constant 0 : i32
    %dma_start3A_157 = tpu.memref_slice %arg4[%dma_start3A_156, %multiple_of3A_150] : memref<16x1000000xf32, #tpu.memory_space<hbm>> -> memref<16x128xf32, #tpu.memory_space<hbm>>
    %dma_start3A_158 = arith.constant 0 : i32
    %dma_start3A_159 = arith.constant 0 : i32
    %dma_start3A_160 = tpu.memref_slice %arg14[%dma_start3A_151, %dma_start3A_158, %dma_start3A_159] : memref<16x16x128xf32, #tpu.memory_space<vmem>> -> memref<1x16x128xf32, #tpu.memory_space<vmem>>
    %dma_start3A_161 = tpu.memref_squeeze %dma_start3A_160 : memref<1x16x128xf32, #tpu.memory_space<vmem>> -> memref<16x128xf32, #tpu.memory_space<vmem>>
    %dma_start3A_162 = arith.constant 0 : i32
    %dma_start3A_163 = tpu.memref_slice %arg4[%dma_start3A_162, %multiple_of3A_150] : memref<16x1000000xf32, #tpu.memory_space<hbm>> -> memref<16x128xf32, #tpu.memory_space<hbm>>
    tpu.enqueue_dma source(%dma_start3A_163 : memref<16x128xf32, #tpu.memory_space<hbm>>) target(%dma_start3A_161 : memref<16x128xf32, #tpu.memory_space<vmem>>) target_semaphore(%arg21 : memref<!tpu.dma_semaphore, #tpu.memory_space<semaphore_mem>>)
    %slice3A_164 = vector.extract_strided_slice %shift_left3A_7 {offsets = [10], sizes = [1], strides = [1]} : vector<16xi32> to vector<1xi32>
    %squeeze3A_165 = vector.extract %slice3A_164[0] : i32 from vector<1xi32>
    %multiple_of3A_166 = tpu.assume_multiple %squeeze3A_165, 128 : i32
    %dma_start3A_167 = arith.constant 10 : i32
    %dma_start3A_168 = arith.constant 0 : i32
    %dma_start3A_169 = arith.constant 0 : i32
    %dma_start3A_170 = tpu.memref_slice %arg14[%dma_start3A_167, %dma_start3A_168, %dma_start3A_169] : memref<16x16x128xf32, #tpu.memory_space<vmem>> -> memref<1x16x128xf32, #tpu.memory_space<vmem>>
    %dma_start3A_171 = tpu.memref_squeeze %dma_start3A_170 : memref<1x16x128xf32, #tpu.memory_space<vmem>> -> memref<16x128xf32, #tpu.memory_space<vmem>>
    %dma_start3A_172 = arith.constant 0 : i32
    %dma_start3A_173 = tpu.memref_slice %arg4[%dma_start3A_172, %multiple_of3A_166] : memref<16x1000000xf32, #tpu.memory_space<hbm>> -> memref<16x128xf32, #tpu.memory_space<hbm>>
    %dma_start3A_174 = arith.constant 0 : i32
    %dma_start3A_175 = arith.constant 0 : i32
    %dma_start3A_176 = tpu.memref_slice %arg14[%dma_start3A_167, %dma_start3A_174, %dma_start3A_175] : memref<16x16x128xf32, #tpu.memory_space<vmem>> -> memref<1x16x128xf32, #tpu.memory_space<vmem>>
    %dma_start3A_177 = tpu.memref_squeeze %dma_start3A_176 : memref<1x16x128xf32, #tpu.memory_space<vmem>> -> memref<16x128xf32, #tpu.memory_space<vmem>>
    %dma_start3A_178 = arith.constant 0 : i32
    %dma_start3A_179 = tpu.memref_slice %arg4[%dma_start3A_178, %multiple_of3A_166] : memref<16x1000000xf32, #tpu.memory_space<hbm>> -> memref<16x128xf32, #tpu.memory_space<hbm>>
    tpu.enqueue_dma source(%dma_start3A_179 : memref<16x128xf32, #tpu.memory_space<hbm>>) target(%dma_start3A_177 : memref<16x128xf32, #tpu.memory_space<vmem>>) target_semaphore(%arg24 : memref<!tpu.dma_semaphore, #tpu.memory_space<semaphore_mem>>)
    %slice3A_180 = vector.extract_strided_slice %shift_left3A_7 {offsets = [11], sizes = [1], strides = [1]} : vector<16xi32> to vector<1xi32>
    %squeeze3A_181 = vector.extract %slice3A_180[0] : i32 from vector<1xi32>
    %multiple_of3A_182 = tpu.assume_multiple %squeeze3A_181, 128 : i32
    %dma_start3A_183 = arith.constant 11 : i32
    %dma_start3A_184 = arith.constant 0 : i32
    %dma_start3A_185 = arith.constant 0 : i32
    %dma_start3A_186 = tpu.memref_slice %arg14[%dma_start3A_183, %dma_start3A_184, %dma_start3A_185] : memref<16x16x128xf32, #tpu.memory_space<vmem>> -> memref<1x16x128xf32, #tpu.memory_space<vmem>>
    %dma_start3A_187 = tpu.memref_squeeze %dma_start3A_186 : memref<1x16x128xf32, #tpu.memory_space<vmem>> -> memref<16x128xf32, #tpu.memory_space<vmem>>
    %dma_start3A_188 = arith.constant 0 : i32
    %dma_start3A_189 = tpu.memref_slice %arg4[%dma_start3A_188, %multiple_of3A_182] : memref<16x1000000xf32, #tpu.memory_space<hbm>> -> memref<16x128xf32, #tpu.memory_space<hbm>>
    %dma_start3A_190 = arith.constant 0 : i32
    %dma_start3A_191 = arith.constant 0 : i32
    %dma_start3A_192 = tpu.memref_slice %arg14[%dma_start3A_183, %dma_start3A_190, %dma_start3A_191] : memref<16x16x128xf32, #tpu.memory_space<vmem>> -> memref<1x16x128xf32, #tpu.memory_space<vmem>>
    %dma_start3A_193 = tpu.memref_squeeze %dma_start3A_192 : memref<1x16x128xf32, #tpu.memory_space<vmem>> -> memref<16x128xf32, #tpu.memory_space<vmem>>
    %dma_start3A_194 = arith.constant 0 : i32
    %dma_start3A_195 = tpu.memref_slice %arg4[%dma_start3A_194, %multiple_of3A_182] : memref<16x1000000xf32, #tpu.memory_space<hbm>> -> memref<16x128xf32, #tpu.memory_space<hbm>>
    tpu.enqueue_dma source(%dma_start3A_195 : memref<16x128xf32, #tpu.memory_space<hbm>>) target(%dma_start3A_193 : memref<16x128xf32, #tpu.memory_space<vmem>>) target_semaphore(%arg25 : memref<!tpu.dma_semaphore, #tpu.memory_space<semaphore_mem>>)
    %slice3A_196 = vector.extract_strided_slice %shift_left3A_7 {offsets = [12], sizes = [1], strides = [1]} : vector<16xi32> to vector<1xi32>
    %squeeze3A_197 = vector.extract %slice3A_196[0] : i32 from vector<1xi32>
    %multiple_of3A_198 = tpu.assume_multiple %squeeze3A_197, 128 : i32
    %dma_start3A_199 = arith.constant 12 : i32
    %dma_start3A_200 = arith.constant 0 : i32
    %dma_start3A_201 = arith.constant 0 : i32
    %dma_start3A_202 = tpu.memref_slice %arg14[%dma_start3A_199, %dma_start3A_200, %dma_start3A_201] : memref<16x16x128xf32, #tpu.memory_space<vmem>> -> memref<1x16x128xf32, #tpu.memory_space<vmem>>
    %dma_start3A_203 = tpu.memref_squeeze %dma_start3A_202 : memref<1x16x128xf32, #tpu.memory_space<vmem>> -> memref<16x128xf32, #tpu.memory_space<vmem>>
    %dma_start3A_204 = arith.constant 0 : i32
    %dma_start3A_205 = tpu.memref_slice %arg4[%dma_start3A_204, %multiple_of3A_198] : memref<16x1000000xf32, #tpu.memory_space<hbm>> -> memref<16x128xf32, #tpu.memory_space<hbm>>
    %dma_start3A_206 = arith.constant 0 : i32
    %dma_start3A_207 = arith.constant 0 : i32
    %dma_start3A_208 = tpu.memref_slice %arg14[%dma_start3A_199, %dma_start3A_206, %dma_start3A_207] : memref<16x16x128xf32, #tpu.memory_space<vmem>> -> memref<1x16x128xf32, #tpu.memory_space<vmem>>
    %dma_start3A_209 = tpu.memref_squeeze %dma_start3A_208 : memref<1x16x128xf32, #tpu.memory_space<vmem>> -> memref<16x128xf32, #tpu.memory_space<vmem>>
    %dma_start3A_210 = arith.constant 0 : i32
    %dma_start3A_211 = tpu.memref_slice %arg4[%dma_start3A_210, %multiple_of3A_198] : memref<16x1000000xf32, #tpu.memory_space<hbm>> -> memref<16x128xf32, #tpu.memory_space<hbm>>
    tpu.enqueue_dma source(%dma_start3A_211 : memref<16x128xf32, #tpu.memory_space<hbm>>) target(%dma_start3A_209 : memref<16x128xf32, #tpu.memory_space<vmem>>) target_semaphore(%arg20 : memref<!tpu.dma_semaphore, #tpu.memory_space<semaphore_mem>>)
    %slice3A_212 = vector.extract_strided_slice %shift_left3A_7 {offsets = [13], sizes = [1], strides = [1]} : vector<16xi32> to vector<1xi32>
    %squeeze3A_213 = vector.extract %slice3A_212[0] : i32 from vector<1xi32>
    %multiple_of3A_214 = tpu.assume_multiple %squeeze3A_213, 128 : i32
    %dma_start3A_215 = arith.constant 13 : i32
    %dma_start3A_216 = arith.constant 0 : i32
    %dma_start3A_217 = arith.constant 0 : i32
    %dma_start3A_218 = tpu.memref_slice %arg14[%dma_start3A_215, %dma_start3A_216, %dma_start3A_217] : memref<16x16x128xf32, #tpu.memory_space<vmem>> -> memref<1x16x128xf32, #tpu.memory_space<vmem>>
    %dma_start3A_219 = tpu.memref_squeeze %dma_start3A_218 : memref<1x16x128xf32, #tpu.memory_space<vmem>> -> memref<16x128xf32, #tpu.memory_space<vmem>>
    %dma_start3A_220 = arith.constant 0 : i32
    %dma_start3A_221 = tpu.memref_slice %arg4[%dma_start3A_220, %multiple_of3A_214] : memref<16x1000000xf32, #tpu.memory_space<hbm>> -> memref<16x128xf32, #tpu.memory_space<hbm>>
    %dma_start3A_222 = arith.constant 0 : i32
    %dma_start3A_223 = arith.constant 0 : i32
    %dma_start3A_224 = tpu.memref_slice %arg14[%dma_start3A_215, %dma_start3A_222, %dma_start3A_223] : memref<16x16x128xf32, #tpu.memory_space<vmem>> -> memref<1x16x128xf32, #tpu.memory_space<vmem>>
    %dma_start3A_225 = tpu.memref_squeeze %dma_start3A_224 : memref<1x16x128xf32, #tpu.memory_space<vmem>> -> memref<16x128xf32, #tpu.memory_space<vmem>>
    %dma_start3A_226 = arith.constant 0 : i32
    %dma_start3A_227 = tpu.memref_slice %arg4[%dma_start3A_226, %multiple_of3A_214] : memref<16x1000000xf32, #tpu.memory_space<hbm>> -> memref<16x128xf32, #tpu.memory_space<hbm>>
    tpu.enqueue_dma source(%dma_start3A_227 : memref<16x128xf32, #tpu.memory_space<hbm>>) target(%dma_start3A_225 : memref<16x128xf32, #tpu.memory_space<vmem>>) target_semaphore(%arg21 : memref<!tpu.dma_semaphore, #tpu.memory_space<semaphore_mem>>)
    %slice3A_228 = vector.extract_strided_slice %shift_left3A_7 {offsets = [14], sizes = [1], strides = [1]} : vector<16xi32> to vector<1xi32>
    %squeeze3A_229 = vector.extract %slice3A_228[0] : i32 from vector<1xi32>
    %multiple_of3A_230 = tpu.assume_multiple %squeeze3A_229, 128 : i32
    %dma_start3A_231 = arith.constant 14 : i32
    %dma_start3A_232 = arith.constant 0 : i32
    %dma_start3A_233 = arith.constant 0 : i32
    %dma_start3A_234 = tpu.memref_slice %arg14[%dma_start3A_231, %dma_start3A_232, %dma_start3A_233] : memref<16x16x128xf32, #tpu.memory_space<vmem>> -> memref<1x16x128xf32, #tpu.memory_space<vmem>>
    %dma_start3A_235 = tpu.memref_squeeze %dma_start3A_234 : memref<1x16x128xf32, #tpu.memory_space<vmem>> -> memref<16x128xf32, #tpu.memory_space<vmem>>
    %dma_start3A_236 = arith.constant 0 : i32
    %dma_start3A_237 = tpu.memref_slice %arg4[%dma_start3A_236, %multiple_of3A_230] : memref<16x1000000xf32, #tpu.memory_space<hbm>> -> memref<16x128xf32, #tpu.memory_space<hbm>>
    %dma_start3A_238 = arith.constant 0 : i32
    %dma_start3A_239 = arith.constant 0 : i32
    %dma_start3A_240 = tpu.memref_slice %arg14[%dma_start3A_231, %dma_start3A_238, %dma_start3A_239] : memref<16x16x128xf32, #tpu.memory_space<vmem>> -> memref<1x16x128xf32, #tpu.memory_space<vmem>>
    %dma_start3A_241 = tpu.memref_squeeze %dma_start3A_240 : memref<1x16x128xf32, #tpu.memory_space<vmem>> -> memref<16x128xf32, #tpu.memory_space<vmem>>
    %dma_start3A_242 = arith.constant 0 : i32
    %dma_start3A_243 = tpu.memref_slice %arg4[%dma_start3A_242, %multiple_of3A_230] : memref<16x1000000xf32, #tpu.memory_space<hbm>> -> memref<16x128xf32, #tpu.memory_space<hbm>>
    tpu.enqueue_dma source(%dma_start3A_243 : memref<16x128xf32, #tpu.memory_space<hbm>>) target(%dma_start3A_241 : memref<16x128xf32, #tpu.memory_space<vmem>>) target_semaphore(%arg24 : memref<!tpu.dma_semaphore, #tpu.memory_space<semaphore_mem>>)
    %slice3A_244 = vector.extract_strided_slice %shift_left3A_7 {offsets = [15], sizes = [1], strides = [1]} : vector<16xi32> to vector<1xi32>
    %squeeze3A_245 = vector.extract %slice3A_244[0] : i32 from vector<1xi32>
    %multiple_of3A_246 = tpu.assume_multiple %squeeze3A_245, 128 : i32
    %dma_start3A_247 = arith.constant 15 : i32
    %dma_start3A_248 = arith.constant 0 : i32
    %dma_start3A_249 = arith.constant 0 : i32
    %dma_start3A_250 = tpu.memref_slice %arg14[%dma_start3A_247, %dma_start3A_248, %dma_start3A_249] : memref<16x16x128xf32, #tpu.memory_space<vmem>> -> memref<1x16x128xf32, #tpu.memory_space<vmem>>
    %dma_start3A_251 = tpu.memref_squeeze %dma_start3A_250 : memref<1x16x128xf32, #tpu.memory_space<vmem>> -> memref<16x128xf32, #tpu.memory_space<vmem>>
    %dma_start3A_252 = arith.constant 0 : i32
    %dma_start3A_253 = tpu.memref_slice %arg4[%dma_start3A_252, %multiple_of3A_246] : memref<16x1000000xf32, #tpu.memory_space<hbm>> -> memref<16x128xf32, #tpu.memory_space<hbm>>
    %dma_start3A_254 = arith.constant 0 : i32
    %dma_start3A_255 = arith.constant 0 : i32
    %dma_start3A_256 = tpu.memref_slice %arg14[%dma_start3A_247, %dma_start3A_254, %dma_start3A_255] : memref<16x16x128xf32, #tpu.memory_space<vmem>> -> memref<1x16x128xf32, #tpu.memory_space<vmem>>
    %dma_start3A_257 = tpu.memref_squeeze %dma_start3A_256 : memref<1x16x128xf32, #tpu.memory_space<vmem>> -> memref<16x128xf32, #tpu.memory_space<vmem>>
    %dma_start3A_258 = arith.constant 0 : i32
    %dma_start3A_259 = tpu.memref_slice %arg4[%dma_start3A_258, %multiple_of3A_246] : memref<16x1000000xf32, #tpu.memory_space<hbm>> -> memref<16x128xf32, #tpu.memory_space<hbm>>
    tpu.enqueue_dma source(%dma_start3A_259 : memref<16x128xf32, #tpu.memory_space<hbm>>) target(%dma_start3A_257 : memref<16x128xf32, #tpu.memory_space<vmem>>) target_semaphore(%arg25 : memref<!tpu.dma_semaphore, #tpu.memory_space<semaphore_mem>>)
    %scan3A = arith.constant 0 : i32
    %scan3A_260 = arith.constant 0 : i32
    %scan3A_261 = arith.constant 32 : i32
    %scan3A_262 = arith.addi %scan3A_260, %scan3A_261 : i32
    %scan3A_263 = arith.constant 1 : i32
    scf.for %scan3A_282 = %scan3A_260 to %scan3A_262 step %scan3A_263  : i32 {
      %sub3A = arith.constant 1 : i32
      %sub3A_283 = arith.subi %scan3A_282, %sub3A : i32
      %mul3A_284 = arith.constant 16 : i32
      %mul3A_285 = arith.muli %sub3A_283, %mul3A_284 : i32
      %add3A_286 = arith.addi %mul3A_2, %mul3A_285 : i32
      %gt3A = arith.constant 0 : i32
      %gt3A_287 = arith.cmpi sgt, %scan3A_282, %gt3A : i32
      %convert_element_type3A = arith.extui %gt3A_287 : i1 to i32
      %cond3A = arith.constant 0 : i32
      %cond3A_288 = arith.cmpi ne, %convert_element_type3A, %cond3A : i32
      scf.if %cond3A_288 {
        %dma_wait3A_2287 = arith.constant 0 : i32
        %dma_wait3A_2288 = tpu.memref_slice %arg8[%add3A_286, %dma_wait3A_2287] : memref<16384x16xf32, #tpu.memory_space<hbm>> -> memref<16x16xf32, #tpu.memory_space<hbm>>
        %dma_wait3A_2289 = arith.constant 0 : i32
        %dma_wait3A_2290 = tpu.memref_slice %arg8[%add3A_286, %dma_wait3A_2289] : memref<16384x16xf32, #tpu.memory_space<hbm>> -> memref<16x16xf32, #tpu.memory_space<hbm>>
        tpu.wait_dma2 semaphore(%arg28 : memref<!tpu.dma_semaphore, #tpu.memory_space<semaphore_mem>>) src(%arg16 : memref<16x16xf32, #tpu.memory_space<vmem>>) dst(%dma_wait3A_2290 : memref<16x16xf32, #tpu.memory_space<hbm>>)
        %dma_wait3A_2291 = arith.constant 0 : i32
        %dma_wait3A_2292 = tpu.memref_slice %arg9[%add3A_286, %dma_wait3A_2291] : memref<16384x16xf32, #tpu.memory_space<hbm>> -> memref<16x16xf32, #tpu.memory_space<hbm>>
        %dma_wait3A_2293 = arith.constant 0 : i32
        %dma_wait3A_2294 = tpu.memref_slice %arg9[%add3A_286, %dma_wait3A_2293] : memref<16384x16xf32, #tpu.memory_space<hbm>> -> memref<16x16xf32, #tpu.memory_space<hbm>>
        tpu.wait_dma2 semaphore(%arg28 : memref<!tpu.dma_semaphore, #tpu.memory_space<semaphore_mem>>) src(%arg17 : memref<16x16xf32, #tpu.memory_space<vmem>>) dst(%dma_wait3A_2294 : memref<16x16xf32, #tpu.memory_space<hbm>>)
        %dma_wait3A_2295 = arith.constant 0 : i32
        %dma_wait3A_2296 = tpu.memref_slice %arg10[%add3A_286, %dma_wait3A_2295] : memref<16384x16xf32, #tpu.memory_space<hbm>> -> memref<16x16xf32, #tpu.memory_space<hbm>>
        %dma_wait3A_2297 = arith.constant 0 : i32
        %dma_wait3A_2298 = tpu.memref_slice %arg10[%add3A_286, %dma_wait3A_2297] : memref<16384x16xf32, #tpu.memory_space<hbm>> -> memref<16x16xf32, #tpu.memory_space<hbm>>
        tpu.wait_dma2 semaphore(%arg28 : memref<!tpu.dma_semaphore, #tpu.memory_space<semaphore_mem>>) src(%arg18 : memref<16x16xf32, #tpu.memory_space<vmem>>) dst(%dma_wait3A_2298 : memref<16x16xf32, #tpu.memory_space<hbm>>)
        %dma_wait3A_2299 = arith.constant 0 : i32
        %dma_wait3A_2300 = tpu.memref_slice %arg11[%add3A_286, %dma_wait3A_2299] : memref<16384x16xf32, #tpu.memory_space<hbm>> -> memref<16x16xf32, #tpu.memory_space<hbm>>
        %dma_wait3A_2301 = arith.constant 0 : i32
        %dma_wait3A_2302 = tpu.memref_slice %arg11[%add3A_286, %dma_wait3A_2301] : memref<16384x16xf32, #tpu.memory_space<hbm>> -> memref<16x16xf32, #tpu.memory_space<hbm>>
        tpu.wait_dma2 semaphore(%arg28 : memref<!tpu.dma_semaphore, #tpu.memory_space<semaphore_mem>>) src(%arg19 : memref<16x16xf32, #tpu.memory_space<vmem>>) dst(%dma_wait3A_2302 : memref<16x16xf32, #tpu.memory_space<hbm>>)
      } else {
      }
      %mul3A_289 = arith.constant 16 : i32
      %mul3A_290 = arith.muli %scan3A_282, %mul3A_289 : i32
      %get3A_291 = arith.index_cast %mul3A_290 : i32 to index
      %get3A_292 = tpu.vector_load %arg12[%get3A_291] {strides = array<i32>} : memref<512xi32, #tpu.memory_space<vmem>>, vector<16xi32>,
      %shift_right_logical3A_293 = arith.constant 7 : i32
      %shift_right_logical3A_294 = vector.broadcast %shift_right_logical3A_293 : i32 to vector<16xi32>
      %shift_right_logical3A_295 = arith.shrui %get3A_292, %shift_right_logical3A_294 : vector<16xi32>
      %shift_left3A_296 = arith.constant 7 : i32
      %shift_left3A_297 = vector.broadcast %shift_left3A_296 : i32 to vector<16xi32>
      %shift_left3A_298 = arith.shli %shift_right_logical3A_295, %shift_left3A_297 : vector<16xi32>
      %slice3A_299 = vector.extract_strided_slice %shift_left3A_298 {offsets = [0], sizes = [1], strides = [1]} : vector<16xi32> to vector<1xi32>
      %squeeze3A_300 = vector.extract %slice3A_299[0] : i32 from vector<1xi32>
      %multiple_of3A_301 = tpu.assume_multiple %squeeze3A_300, 128 : i32
      %dma_start3A_302 = arith.constant 0 : i32
      %dma_start3A_303 = arith.constant 0 : i32
      %dma_start3A_304 = arith.constant 0 : i32
      %dma_start3A_305 = tpu.memref_slice %arg15[%dma_start3A_302, %dma_start3A_303, %dma_start3A_304] : memref<16x16x128xf32, #tpu.memory_space<vmem>> -> memref<1x16x128xf32, #tpu.memory_space<vmem>>
      %dma_start3A_306 = tpu.memref_squeeze %dma_start3A_305 : memref<1x16x128xf32, #tpu.memory_space<vmem>> -> memref<16x128xf32, #tpu.memory_space<vmem>>
      %dma_start3A_307 = arith.constant 0 : i32
      %dma_start3A_308 = tpu.memref_slice %arg6[%dma_start3A_307, %multiple_of3A_301] : memref<16x1000000xf32, #tpu.memory_space<hbm>> -> memref<16x128xf32, #tpu.memory_space<hbm>>
      %dma_start3A_309 = arith.constant 0 : i32
      %dma_start3A_310 = arith.constant 0 : i32
      %dma_start3A_311 = tpu.memref_slice %arg15[%dma_start3A_302, %dma_start3A_309, %dma_start3A_310] : memref<16x16x128xf32, #tpu.memory_space<vmem>> -> memref<1x16x128xf32, #tpu.memory_space<vmem>>
      %dma_start3A_312 = tpu.memref_squeeze %dma_start3A_311 : memref<1x16x128xf32, #tpu.memory_space<vmem>> -> memref<16x128xf32, #tpu.memory_space<vmem>>
      %dma_start3A_313 = arith.constant 0 : i32
      %dma_start3A_314 = tpu.memref_slice %arg6[%dma_start3A_313, %multiple_of3A_301] : memref<16x1000000xf32, #tpu.memory_space<hbm>> -> memref<16x128xf32, #tpu.memory_space<hbm>>
      tpu.enqueue_dma source(%dma_start3A_314 : memref<16x128xf32, #tpu.memory_space<hbm>>) target(%dma_start3A_312 : memref<16x128xf32, #tpu.memory_space<vmem>>) target_semaphore(%arg22 : memref<!tpu.dma_semaphore, #tpu.memory_space<semaphore_mem>>)
      %slice3A_315 = vector.extract_strided_slice %shift_left3A_298 {offsets = [1], sizes = [1], strides = [1]} : vector<16xi32> to vector<1xi32>
      %squeeze3A_316 = vector.extract %slice3A_315[0] : i32 from vector<1xi32>
      %multiple_of3A_317 = tpu.assume_multiple %squeeze3A_316, 128 : i32
      %dma_start3A_318 = arith.constant 1 : i32
      %dma_start3A_319 = arith.constant 0 : i32
      %dma_start3A_320 = arith.constant 0 : i32
      %dma_start3A_321 = tpu.memref_slice %arg15[%dma_start3A_318, %dma_start3A_319, %dma_start3A_320] : memref<16x16x128xf32, #tpu.memory_space<vmem>> -> memref<1x16x128xf32, #tpu.memory_space<vmem>>
      %dma_start3A_322 = tpu.memref_squeeze %dma_start3A_321 : memref<1x16x128xf32, #tpu.memory_space<vmem>> -> memref<16x128xf32, #tpu.memory_space<vmem>>
      %dma_start3A_323 = arith.constant 0 : i32
      %dma_start3A_324 = tpu.memref_slice %arg6[%dma_start3A_323, %multiple_of3A_317] : memref<16x1000000xf32, #tpu.memory_space<hbm>> -> memref<16x128xf32, #tpu.memory_space<hbm>>
      %dma_start3A_325 = arith.constant 0 : i32
      %dma_start3A_326 = arith.constant 0 : i32
      %dma_start3A_327 = tpu.memref_slice %arg15[%dma_start3A_318, %dma_start3A_325, %dma_start3A_326] : memref<16x16x128xf32, #tpu.memory_space<vmem>> -> memref<1x16x128xf32, #tpu.memory_space<vmem>>
      %dma_start3A_328 = tpu.memref_squeeze %dma_start3A_327 : memref<1x16x128xf32, #tpu.memory_space<vmem>> -> memref<16x128xf32, #tpu.memory_space<vmem>>
      %dma_start3A_329 = arith.constant 0 : i32
      %dma_start3A_330 = tpu.memref_slice %arg6[%dma_start3A_329, %multiple_of3A_317] : memref<16x1000000xf32, #tpu.memory_space<hbm>> -> memref<16x128xf32, #tpu.memory_space<hbm>>
      tpu.enqueue_dma source(%dma_start3A_330 : memref<16x128xf32, #tpu.memory_space<hbm>>) target(%dma_start3A_328 : memref<16x128xf32, #tpu.memory_space<vmem>>) target_semaphore(%arg23 : memref<!tpu.dma_semaphore, #tpu.memory_space<semaphore_mem>>)
      %slice3A_331 = vector.extract_strided_slice %shift_left3A_298 {offsets = [2], sizes = [1], strides = [1]} : vector<16xi32> to vector<1xi32>
      %squeeze3A_332 = vector.extract %slice3A_331[0] : i32 from vector<1xi32>
      %multiple_of3A_333 = tpu.assume_multiple %squeeze3A_332, 128 : i32
      %dma_start3A_334 = arith.constant 2 : i32
      %dma_start3A_335 = arith.constant 0 : i32
      %dma_start3A_336 = arith.constant 0 : i32
      %dma_start3A_337 = tpu.memref_slice %arg15[%dma_start3A_334, %dma_start3A_335, %dma_start3A_336] : memref<16x16x128xf32, #tpu.memory_space<vmem>> -> memref<1x16x128xf32, #tpu.memory_space<vmem>>
      %dma_start3A_338 = tpu.memref_squeeze %dma_start3A_337 : memref<1x16x128xf32, #tpu.memory_space<vmem>> -> memref<16x128xf32, #tpu.memory_space<vmem>>
      %dma_start3A_339 = arith.constant 0 : i32
      %dma_start3A_340 = tpu.memref_slice %arg6[%dma_start3A_339, %multiple_of3A_333] : memref<16x1000000xf32, #tpu.memory_space<hbm>> -> memref<16x128xf32, #tpu.memory_space<hbm>>
      %dma_start3A_341 = arith.constant 0 : i32
      %dma_start3A_342 = arith.constant 0 : i32
      %dma_start3A_343 = tpu.memref_slice %arg15[%dma_start3A_334, %dma_start3A_341, %dma_start3A_342] : memref<16x16x128xf32, #tpu.memory_space<vmem>> -> memref<1x16x128xf32, #tpu.memory_space<vmem>>
      %dma_start3A_344 = tpu.memref_squeeze %dma_start3A_343 : memref<1x16x128xf32, #tpu.memory_space<vmem>> -> memref<16x128xf32, #tpu.memory_space<vmem>>
      %dma_start3A_345 = arith.constant 0 : i32
      %dma_start3A_346 = tpu.memref_slice %arg6[%dma_start3A_345, %multiple_of3A_333] : memref<16x1000000xf32, #tpu.memory_space<hbm>> -> memref<16x128xf32, #tpu.memory_space<hbm>>
      tpu.enqueue_dma source(%dma_start3A_346 : memref<16x128xf32, #tpu.memory_space<hbm>>) target(%dma_start3A_344 : memref<16x128xf32, #tpu.memory_space<vmem>>) target_semaphore(%arg26 : memref<!tpu.dma_semaphore, #tpu.memory_space<semaphore_mem>>)
      %slice3A_347 = vector.extract_strided_slice %shift_left3A_298 {offsets = [3], sizes = [1], strides = [1]} : vector<16xi32> to vector<1xi32>
      %squeeze3A_348 = vector.extract %slice3A_347[0] : i32 from vector<1xi32>
      %multiple_of3A_349 = tpu.assume_multiple %squeeze3A_348, 128 : i32
      %dma_start3A_350 = arith.constant 3 : i32
      %dma_start3A_351 = arith.constant 0 : i32
      %dma_start3A_352 = arith.constant 0 : i32
      %dma_start3A_353 = tpu.memref_slice %arg15[%dma_start3A_350, %dma_start3A_351, %dma_start3A_352] : memref<16x16x128xf32, #tpu.memory_space<vmem>> -> memref<1x16x128xf32, #tpu.memory_space<vmem>>
      %dma_start3A_354 = tpu.memref_squeeze %dma_start3A_353 : memref<1x16x128xf32, #tpu.memory_space<vmem>> -> memref<16x128xf32, #tpu.memory_space<vmem>>
      %dma_start3A_355 = arith.constant 0 : i32
      %dma_start3A_356 = tpu.memref_slice %arg6[%dma_start3A_355, %multiple_of3A_349] : memref<16x1000000xf32, #tpu.memory_space<hbm>> -> memref<16x128xf32, #tpu.memory_space<hbm>>
      %dma_start3A_357 = arith.constant 0 : i32
      %dma_start3A_358 = arith.constant 0 : i32
      %dma_start3A_359 = tpu.memref_slice %arg15[%dma_start3A_350, %dma_start3A_357, %dma_start3A_358] : memref<16x16x128xf32, #tpu.memory_space<vmem>> -> memref<1x16x128xf32, #tpu.memory_space<vmem>>
      %dma_start3A_360 = tpu.memref_squeeze %dma_start3A_359 : memref<1x16x128xf32, #tpu.memory_space<vmem>> -> memref<16x128xf32, #tpu.memory_space<vmem>>
      %dma_start3A_361 = arith.constant 0 : i32
      %dma_start3A_362 = tpu.memref_slice %arg6[%dma_start3A_361, %multiple_of3A_349] : memref<16x1000000xf32, #tpu.memory_space<hbm>> -> memref<16x128xf32, #tpu.memory_space<hbm>>
      tpu.enqueue_dma source(%dma_start3A_362 : memref<16x128xf32, #tpu.memory_space<hbm>>) target(%dma_start3A_360 : memref<16x128xf32, #tpu.memory_space<vmem>>) target_semaphore(%arg27 : memref<!tpu.dma_semaphore, #tpu.memory_space<semaphore_mem>>)
      %slice3A_363 = vector.extract_strided_slice %shift_left3A_298 {offsets = [4], sizes = [1], strides = [1]} : vector<16xi32> to vector<1xi32>
      %squeeze3A_364 = vector.extract %slice3A_363[0] : i32 from vector<1xi32>
      %multiple_of3A_365 = tpu.assume_multiple %squeeze3A_364, 128 : i32
      %dma_start3A_366 = arith.constant 4 : i32
      %dma_start3A_367 = arith.constant 0 : i32
      %dma_start3A_368 = arith.constant 0 : i32
      %dma_start3A_369 = tpu.memref_slice %arg15[%dma_start3A_366, %dma_start3A_367, %dma_start3A_368] : memref<16x16x128xf32, #tpu.memory_space<vmem>> -> memref<1x16x128xf32, #tpu.memory_space<vmem>>
      %dma_start3A_370 = tpu.memref_squeeze %dma_start3A_369 : memref<1x16x128xf32, #tpu.memory_space<vmem>> -> memref<16x128xf32, #tpu.memory_space<vmem>>
      %dma_start3A_371 = arith.constant 0 : i32
      %dma_start3A_372 = tpu.memref_slice %arg6[%dma_start3A_371, %multiple_of3A_365] : memref<16x1000000xf32, #tpu.memory_space<hbm>> -> memref<16x128xf32, #tpu.memory_space<hbm>>
      %dma_start3A_373 = arith.constant 0 : i32
      %dma_start3A_374 = arith.constant 0 : i32
      %dma_start3A_375 = tpu.memref_slice %arg15[%dma_start3A_366, %dma_start3A_373, %dma_start3A_374] : memref<16x16x128xf32, #tpu.memory_space<vmem>> -> memref<1x16x128xf32, #tpu.memory_space<vmem>>
      %dma_start3A_376 = tpu.memref_squeeze %dma_start3A_375 : memref<1x16x128xf32, #tpu.memory_space<vmem>> -> memref<16x128xf32, #tpu.memory_space<vmem>>
      %dma_start3A_377 = arith.constant 0 : i32
      %dma_start3A_378 = tpu.memref_slice %arg6[%dma_start3A_377, %multiple_of3A_365] : memref<16x1000000xf32, #tpu.memory_space<hbm>> -> memref<16x128xf32, #tpu.memory_space<hbm>>
      tpu.enqueue_dma source(%dma_start3A_378 : memref<16x128xf32, #tpu.memory_space<hbm>>) target(%dma_start3A_376 : memref<16x128xf32, #tpu.memory_space<vmem>>) target_semaphore(%arg22 : memref<!tpu.dma_semaphore, #tpu.memory_space<semaphore_mem>>)
      %slice3A_379 = vector.extract_strided_slice %shift_left3A_298 {offsets = [5], sizes = [1], strides = [1]} : vector<16xi32> to vector<1xi32>
      %squeeze3A_380 = vector.extract %slice3A_379[0] : i32 from vector<1xi32>
      %multiple_of3A_381 = tpu.assume_multiple %squeeze3A_380, 128 : i32
      %dma_start3A_382 = arith.constant 5 : i32
      %dma_start3A_383 = arith.constant 0 : i32
      %dma_start3A_384 = arith.constant 0 : i32
      %dma_start3A_385 = tpu.memref_slice %arg15[%dma_start3A_382, %dma_start3A_383, %dma_start3A_384] : memref<16x16x128xf32, #tpu.memory_space<vmem>> -> memref<1x16x128xf32, #tpu.memory_space<vmem>>
      %dma_start3A_386 = tpu.memref_squeeze %dma_start3A_385 : memref<1x16x128xf32, #tpu.memory_space<vmem>> -> memref<16x128xf32, #tpu.memory_space<vmem>>
      %dma_start3A_387 = arith.constant 0 : i32
      %dma_start3A_388 = tpu.memref_slice %arg6[%dma_start3A_387, %multiple_of3A_381] : memref<16x1000000xf32, #tpu.memory_space<hbm>> -> memref<16x128xf32, #tpu.memory_space<hbm>>
      %dma_start3A_389 = arith.constant 0 : i32
      %dma_start3A_390 = arith.constant 0 : i32
      %dma_start3A_391 = tpu.memref_slice %arg15[%dma_start3A_382, %dma_start3A_389, %dma_start3A_390] : memref<16x16x128xf32, #tpu.memory_space<vmem>> -> memref<1x16x128xf32, #tpu.memory_space<vmem>>
      %dma_start3A_392 = tpu.memref_squeeze %dma_start3A_391 : memref<1x16x128xf32, #tpu.memory_space<vmem>> -> memref<16x128xf32, #tpu.memory_space<vmem>>
      %dma_start3A_393 = arith.constant 0 : i32
      %dma_start3A_394 = tpu.memref_slice %arg6[%dma_start3A_393, %multiple_of3A_381] : memref<16x1000000xf32, #tpu.memory_space<hbm>> -> memref<16x128xf32, #tpu.memory_space<hbm>>
      tpu.enqueue_dma source(%dma_start3A_394 : memref<16x128xf32, #tpu.memory_space<hbm>>) target(%dma_start3A_392 : memref<16x128xf32, #tpu.memory_space<vmem>>) target_semaphore(%arg23 : memref<!tpu.dma_semaphore, #tpu.memory_space<semaphore_mem>>)
      %slice3A_395 = vector.extract_strided_slice %shift_left3A_298 {offsets = [6], sizes = [1], strides = [1]} : vector<16xi32> to vector<1xi32>
      %squeeze3A_396 = vector.extract %slice3A_395[0] : i32 from vector<1xi32>
      %multiple_of3A_397 = tpu.assume_multiple %squeeze3A_396, 128 : i32
      %dma_start3A_398 = arith.constant 6 : i32
      %dma_start3A_399 = arith.constant 0 : i32
      %dma_start3A_400 = arith.constant 0 : i32
      %dma_start3A_401 = tpu.memref_slice %arg15[%dma_start3A_398, %dma_start3A_399, %dma_start3A_400] : memref<16x16x128xf32, #tpu.memory_space<vmem>> -> memref<1x16x128xf32, #tpu.memory_space<vmem>>
      %dma_start3A_402 = tpu.memref_squeeze %dma_start3A_401 : memref<1x16x128xf32, #tpu.memory_space<vmem>> -> memref<16x128xf32, #tpu.memory_space<vmem>>
      %dma_start3A_403 = arith.constant 0 : i32
      %dma_start3A_404 = tpu.memref_slice %arg6[%dma_start3A_403, %multiple_of3A_397] : memref<16x1000000xf32, #tpu.memory_space<hbm>> -> memref<16x128xf32, #tpu.memory_space<hbm>>
      %dma_start3A_405 = arith.constant 0 : i32
      %dma_start3A_406 = arith.constant 0 : i32
      %dma_start3A_407 = tpu.memref_slice %arg15[%dma_start3A_398, %dma_start3A_405, %dma_start3A_406] : memref<16x16x128xf32, #tpu.memory_space<vmem>> -> memref<1x16x128xf32, #tpu.memory_space<vmem>>
      %dma_start3A_408 = tpu.memref_squeeze %dma_start3A_407 : memref<1x16x128xf32, #tpu.memory_space<vmem>> -> memref<16x128xf32, #tpu.memory_space<vmem>>
      %dma_start3A_409 = arith.constant 0 : i32
      %dma_start3A_410 = tpu.memref_slice %arg6[%dma_start3A_409, %multiple_of3A_397] : memref<16x1000000xf32, #tpu.memory_space<hbm>> -> memref<16x128xf32, #tpu.memory_space<hbm>>
      tpu.enqueue_dma source(%dma_start3A_410 : memref<16x128xf32, #tpu.memory_space<hbm>>) target(%dma_start3A_408 : memref<16x128xf32, #tpu.memory_space<vmem>>) target_semaphore(%arg26 : memref<!tpu.dma_semaphore, #tpu.memory_space<semaphore_mem>>)
      %slice3A_411 = vector.extract_strided_slice %shift_left3A_298 {offsets = [7], sizes = [1], strides = [1]} : vector<16xi32> to vector<1xi32>
      %squeeze3A_412 = vector.extract %slice3A_411[0] : i32 from vector<1xi32>
      %multiple_of3A_413 = tpu.assume_multiple %squeeze3A_412, 128 : i32
      %dma_start3A_414 = arith.constant 7 : i32
      %dma_start3A_415 = arith.constant 0 : i32
      %dma_start3A_416 = arith.constant 0 : i32
      %dma_start3A_417 = tpu.memref_slice %arg15[%dma_start3A_414, %dma_start3A_415, %dma_start3A_416] : memref<16x16x128xf32, #tpu.memory_space<vmem>> -> memref<1x16x128xf32, #tpu.memory_space<vmem>>
      %dma_start3A_418 = tpu.memref_squeeze %dma_start3A_417 : memref<1x16x128xf32, #tpu.memory_space<vmem>> -> memref<16x128xf32, #tpu.memory_space<vmem>>
      %dma_start3A_419 = arith.constant 0 : i32
      %dma_start3A_420 = tpu.memref_slice %arg6[%dma_start3A_419, %multiple_of3A_413] : memref<16x1000000xf32, #tpu.memory_space<hbm>> -> memref<16x128xf32, #tpu.memory_space<hbm>>
      %dma_start3A_421 = arith.constant 0 : i32
      %dma_start3A_422 = arith.constant 0 : i32
      %dma_start3A_423 = tpu.memref_slice %arg15[%dma_start3A_414, %dma_start3A_421, %dma_start3A_422] : memref<16x16x128xf32, #tpu.memory_space<vmem>> -> memref<1x16x128xf32, #tpu.memory_space<vmem>>
      %dma_start3A_424 = tpu.memref_squeeze %dma_start3A_423 : memref<1x16x128xf32, #tpu.memory_space<vmem>> -> memref<16x128xf32, #tpu.memory_space<vmem>>
      %dma_start3A_425 = arith.constant 0 : i32
      %dma_start3A_426 = tpu.memref_slice %arg6[%dma_start3A_425, %multiple_of3A_413] : memref<16x1000000xf32, #tpu.memory_space<hbm>> -> memref<16x128xf32, #tpu.memory_space<hbm>>
      tpu.enqueue_dma source(%dma_start3A_426 : memref<16x128xf32, #tpu.memory_space<hbm>>) target(%dma_start3A_424 : memref<16x128xf32, #tpu.memory_space<vmem>>) target_semaphore(%arg27 : memref<!tpu.dma_semaphore, #tpu.memory_space<semaphore_mem>>)
      %slice3A_427 = vector.extract_strided_slice %shift_left3A_298 {offsets = [8], sizes = [1], strides = [1]} : vector<16xi32> to vector<1xi32>
      %squeeze3A_428 = vector.extract %slice3A_427[0] : i32 from vector<1xi32>
      %multiple_of3A_429 = tpu.assume_multiple %squeeze3A_428, 128 : i32
      %dma_start3A_430 = arith.constant 8 : i32
      %dma_start3A_431 = arith.constant 0 : i32
      %dma_start3A_432 = arith.constant 0 : i32
      %dma_start3A_433 = tpu.memref_slice %arg15[%dma_start3A_430, %dma_start3A_431, %dma_start3A_432] : memref<16x16x128xf32, #tpu.memory_space<vmem>> -> memref<1x16x128xf32, #tpu.memory_space<vmem>>
      %dma_start3A_434 = tpu.memref_squeeze %dma_start3A_433 : memref<1x16x128xf32, #tpu.memory_space<vmem>> -> memref<16x128xf32, #tpu.memory_space<vmem>>
      %dma_start3A_435 = arith.constant 0 : i32
      %dma_start3A_436 = tpu.memref_slice %arg6[%dma_start3A_435, %multiple_of3A_429] : memref<16x1000000xf32, #tpu.memory_space<hbm>> -> memref<16x128xf32, #tpu.memory_space<hbm>>
      %dma_start3A_437 = arith.constant 0 : i32
      %dma_start3A_438 = arith.constant 0 : i32
      %dma_start3A_439 = tpu.memref_slice %arg15[%dma_start3A_430, %dma_start3A_437, %dma_start3A_438] : memref<16x16x128xf32, #tpu.memory_space<vmem>> -> memref<1x16x128xf32, #tpu.memory_space<vmem>>
      %dma_start3A_440 = tpu.memref_squeeze %dma_start3A_439 : memref<1x16x128xf32, #tpu.memory_space<vmem>> -> memref<16x128xf32, #tpu.memory_space<vmem>>
      %dma_start3A_441 = arith.constant 0 : i32
      %dma_start3A_442 = tpu.memref_slice %arg6[%dma_start3A_441, %multiple_of3A_429] : memref<16x1000000xf32, #tpu.memory_space<hbm>> -> memref<16x128xf32, #tpu.memory_space<hbm>>
      tpu.enqueue_dma source(%dma_start3A_442 : memref<16x128xf32, #tpu.memory_space<hbm>>) target(%dma_start3A_440 : memref<16x128xf32, #tpu.memory_space<vmem>>) target_semaphore(%arg22 : memref<!tpu.dma_semaphore, #tpu.memory_space<semaphore_mem>>)
      %slice3A_443 = vector.extract_strided_slice %shift_left3A_298 {offsets = [9], sizes = [1], strides = [1]} : vector<16xi32> to vector<1xi32>
      %squeeze3A_444 = vector.extract %slice3A_443[0] : i32 from vector<1xi32>
      %multiple_of3A_445 = tpu.assume_multiple %squeeze3A_444, 128 : i32
      %dma_start3A_446 = arith.constant 9 : i32
      %dma_start3A_447 = arith.constant 0 : i32
      %dma_start3A_448 = arith.constant 0 : i32
      %dma_start3A_449 = tpu.memref_slice %arg15[%dma_start3A_446, %dma_start3A_447, %dma_start3A_448] : memref<16x16x128xf32, #tpu.memory_space<vmem>> -> memref<1x16x128xf32, #tpu.memory_space<vmem>>
      %dma_start3A_450 = tpu.memref_squeeze %dma_start3A_449 : memref<1x16x128xf32, #tpu.memory_space<vmem>> -> memref<16x128xf32, #tpu.memory_space<vmem>>
      %dma_start3A_451 = arith.constant 0 : i32
      %dma_start3A_452 = tpu.memref_slice %arg6[%dma_start3A_451, %multiple_of3A_445] : memref<16x1000000xf32, #tpu.memory_space<hbm>> -> memref<16x128xf32, #tpu.memory_space<hbm>>
      %dma_start3A_453 = arith.constant 0 : i32
      %dma_start3A_454 = arith.constant 0 : i32
      %dma_start3A_455 = tpu.memref_slice %arg15[%dma_start3A_446, %dma_start3A_453, %dma_start3A_454] : memref<16x16x128xf32, #tpu.memory_space<vmem>> -> memref<1x16x128xf32, #tpu.memory_space<vmem>>
      %dma_start3A_456 = tpu.memref_squeeze %dma_start3A_455 : memref<1x16x128xf32, #tpu.memory_space<vmem>> -> memref<16x128xf32, #tpu.memory_space<vmem>>
      %dma_start3A_457 = arith.constant 0 : i32
      %dma_start3A_458 = tpu.memref_slice %arg6[%dma_start3A_457, %multiple_of3A_445] : memref<16x1000000xf32, #tpu.memory_space<hbm>> -> memref<16x128xf32, #tpu.memory_space<hbm>>
      tpu.enqueue_dma source(%dma_start3A_458 : memref<16x128xf32, #tpu.memory_space<hbm>>) target(%dma_start3A_456 : memref<16x128xf32, #tpu.memory_space<vmem>>) target_semaphore(%arg23 : memref<!tpu.dma_semaphore, #tpu.memory_space<semaphore_mem>>)
      %slice3A_459 = vector.extract_strided_slice %shift_left3A_298 {offsets = [10], sizes = [1], strides = [1]} : vector<16xi32> to vector<1xi32>
      %squeeze3A_460 = vector.extract %slice3A_459[0] : i32 from vector<1xi32>
      %multiple_of3A_461 = tpu.assume_multiple %squeeze3A_460, 128 : i32
      %dma_start3A_462 = arith.constant 10 : i32
      %dma_start3A_463 = arith.constant 0 : i32
      %dma_start3A_464 = arith.constant 0 : i32
      %dma_start3A_465 = tpu.memref_slice %arg15[%dma_start3A_462, %dma_start3A_463, %dma_start3A_464] : memref<16x16x128xf32, #tpu.memory_space<vmem>> -> memref<1x16x128xf32, #tpu.memory_space<vmem>>
      %dma_start3A_466 = tpu.memref_squeeze %dma_start3A_465 : memref<1x16x128xf32, #tpu.memory_space<vmem>> -> memref<16x128xf32, #tpu.memory_space<vmem>>
      %dma_start3A_467 = arith.constant 0 : i32
      %dma_start3A_468 = tpu.memref_slice %arg6[%dma_start3A_467, %multiple_of3A_461] : memref<16x1000000xf32, #tpu.memory_space<hbm>> -> memref<16x128xf32, #tpu.memory_space<hbm>>
      %dma_start3A_469 = arith.constant 0 : i32
      %dma_start3A_470 = arith.constant 0 : i32
      %dma_start3A_471 = tpu.memref_slice %arg15[%dma_start3A_462, %dma_start3A_469, %dma_start3A_470] : memref<16x16x128xf32, #tpu.memory_space<vmem>> -> memref<1x16x128xf32, #tpu.memory_space<vmem>>
      %dma_start3A_472 = tpu.memref_squeeze %dma_start3A_471 : memref<1x16x128xf32, #tpu.memory_space<vmem>> -> memref<16x128xf32, #tpu.memory_space<vmem>>
      %dma_start3A_473 = arith.constant 0 : i32
      %dma_start3A_474 = tpu.memref_slice %arg6[%dma_start3A_473, %multiple_of3A_461] : memref<16x1000000xf32, #tpu.memory_space<hbm>> -> memref<16x128xf32, #tpu.memory_space<hbm>>
      tpu.enqueue_dma source(%dma_start3A_474 : memref<16x128xf32, #tpu.memory_space<hbm>>) target(%dma_start3A_472 : memref<16x128xf32, #tpu.memory_space<vmem>>) target_semaphore(%arg26 : memref<!tpu.dma_semaphore, #tpu.memory_space<semaphore_mem>>)
      %slice3A_475 = vector.extract_strided_slice %shift_left3A_298 {offsets = [11], sizes = [1], strides = [1]} : vector<16xi32> to vector<1xi32>
      %squeeze3A_476 = vector.extract %slice3A_475[0] : i32 from vector<1xi32>
      %multiple_of3A_477 = tpu.assume_multiple %squeeze3A_476, 128 : i32
      %dma_start3A_478 = arith.constant 11 : i32
      %dma_start3A_479 = arith.constant 0 : i32
      %dma_start3A_480 = arith.constant 0 : i32
      %dma_start3A_481 = tpu.memref_slice %arg15[%dma_start3A_478, %dma_start3A_479, %dma_start3A_480] : memref<16x16x128xf32, #tpu.memory_space<vmem>> -> memref<1x16x128xf32, #tpu.memory_space<vmem>>
      %dma_start3A_482 = tpu.memref_squeeze %dma_start3A_481 : memref<1x16x128xf32, #tpu.memory_space<vmem>> -> memref<16x128xf32, #tpu.memory_space<vmem>>
      %dma_start3A_483 = arith.constant 0 : i32
      %dma_start3A_484 = tpu.memref_slice %arg6[%dma_start3A_483, %multiple_of3A_477] : memref<16x1000000xf32, #tpu.memory_space<hbm>> -> memref<16x128xf32, #tpu.memory_space<hbm>>
      %dma_start3A_485 = arith.constant 0 : i32
      %dma_start3A_486 = arith.constant 0 : i32
      %dma_start3A_487 = tpu.memref_slice %arg15[%dma_start3A_478, %dma_start3A_485, %dma_start3A_486] : memref<16x16x128xf32, #tpu.memory_space<vmem>> -> memref<1x16x128xf32, #tpu.memory_space<vmem>>
      %dma_start3A_488 = tpu.memref_squeeze %dma_start3A_487 : memref<1x16x128xf32, #tpu.memory_space<vmem>> -> memref<16x128xf32, #tpu.memory_space<vmem>>
      %dma_start3A_489 = arith.constant 0 : i32
      %dma_start3A_490 = tpu.memref_slice %arg6[%dma_start3A_489, %multiple_of3A_477] : memref<16x1000000xf32, #tpu.memory_space<hbm>> -> memref<16x128xf32, #tpu.memory_space<hbm>>
      tpu.enqueue_dma source(%dma_start3A_490 : memref<16x128xf32, #tpu.memory_space<hbm>>) target(%dma_start3A_488 : memref<16x128xf32, #tpu.memory_space<vmem>>) target_semaphore(%arg27 : memref<!tpu.dma_semaphore, #tpu.memory_space<semaphore_mem>>)
      %slice3A_491 = vector.extract_strided_slice %shift_left3A_298 {offsets = [12], sizes = [1], strides = [1]} : vector<16xi32> to vector<1xi32>
      %squeeze3A_492 = vector.extract %slice3A_491[0] : i32 from vector<1xi32>
      %multiple_of3A_493 = tpu.assume_multiple %squeeze3A_492, 128 : i32
      %dma_start3A_494 = arith.constant 12 : i32
      %dma_start3A_495 = arith.constant 0 : i32
      %dma_start3A_496 = arith.constant 0 : i32
      %dma_start3A_497 = tpu.memref_slice %arg15[%dma_start3A_494, %dma_start3A_495, %dma_start3A_496] : memref<16x16x128xf32, #tpu.memory_space<vmem>> -> memref<1x16x128xf32, #tpu.memory_space<vmem>>
      %dma_start3A_498 = tpu.memref_squeeze %dma_start3A_497 : memref<1x16x128xf32, #tpu.memory_space<vmem>> -> memref<16x128xf32, #tpu.memory_space<vmem>>
      %dma_start3A_499 = arith.constant 0 : i32
      %dma_start3A_500 = tpu.memref_slice %arg6[%dma_start3A_499, %multiple_of3A_493] : memref<16x1000000xf32, #tpu.memory_space<hbm>> -> memref<16x128xf32, #tpu.memory_space<hbm>>
      %dma_start3A_501 = arith.constant 0 : i32
      %dma_start3A_502 = arith.constant 0 : i32
      %dma_start3A_503 = tpu.memref_slice %arg15[%dma_start3A_494, %dma_start3A_501, %dma_start3A_502] : memref<16x16x128xf32, #tpu.memory_space<vmem>> -> memref<1x16x128xf32, #tpu.memory_space<vmem>>
      %dma_start3A_504 = tpu.memref_squeeze %dma_start3A_503 : memref<1x16x128xf32, #tpu.memory_space<vmem>> -> memref<16x128xf32, #tpu.memory_space<vmem>>
      %dma_start3A_505 = arith.constant 0 : i32
      %dma_start3A_506 = tpu.memref_slice %arg6[%dma_start3A_505, %multiple_of3A_493] : memref<16x1000000xf32, #tpu.memory_space<hbm>> -> memref<16x128xf32, #tpu.memory_space<hbm>>
      tpu.enqueue_dma source(%dma_start3A_506 : memref<16x128xf32, #tpu.memory_space<hbm>>) target(%dma_start3A_504 : memref<16x128xf32, #tpu.memory_space<vmem>>) target_semaphore(%arg22 : memref<!tpu.dma_semaphore, #tpu.memory_space<semaphore_mem>>)
      %slice3A_507 = vector.extract_strided_slice %shift_left3A_298 {offsets = [13], sizes = [1], strides = [1]} : vector<16xi32> to vector<1xi32>
      %squeeze3A_508 = vector.extract %slice3A_507[0] : i32 from vector<1xi32>
      %multiple_of3A_509 = tpu.assume_multiple %squeeze3A_508, 128 : i32
      %dma_start3A_510 = arith.constant 13 : i32
      %dma_start3A_511 = arith.constant 0 : i32
      %dma_start3A_512 = arith.constant 0 : i32
      %dma_start3A_513 = tpu.memref_slice %arg15[%dma_start3A_510, %dma_start3A_511, %dma_start3A_512] : memref<16x16x128xf32, #tpu.memory_space<vmem>> -> memref<1x16x128xf32, #tpu.memory_space<vmem>>
      %dma_start3A_514 = tpu.memref_squeeze %dma_start3A_513 : memref<1x16x128xf32, #tpu.memory_space<vmem>> -> memref<16x128xf32, #tpu.memory_space<vmem>>
      %dma_start3A_515 = arith.constant 0 : i32
      %dma_start3A_516 = tpu.memref_slice %arg6[%dma_start3A_515, %multiple_of3A_509] : memref<16x1000000xf32, #tpu.memory_space<hbm>> -> memref<16x128xf32, #tpu.memory_space<hbm>>
      %dma_start3A_517 = arith.constant 0 : i32
      %dma_start3A_518 = arith.constant 0 : i32
      %dma_start3A_519 = tpu.memref_slice %arg15[%dma_start3A_510, %dma_start3A_517, %dma_start3A_518] : memref<16x16x128xf32, #tpu.memory_space<vmem>> -> memref<1x16x128xf32, #tpu.memory_space<vmem>>
      %dma_start3A_520 = tpu.memref_squeeze %dma_start3A_519 : memref<1x16x128xf32, #tpu.memory_space<vmem>> -> memref<16x128xf32, #tpu.memory_space<vmem>>
      %dma_start3A_521 = arith.constant 0 : i32
      %dma_start3A_522 = tpu.memref_slice %arg6[%dma_start3A_521, %multiple_of3A_509] : memref<16x1000000xf32, #tpu.memory_space<hbm>> -> memref<16x128xf32, #tpu.memory_space<hbm>>
      tpu.enqueue_dma source(%dma_start3A_522 : memref<16x128xf32, #tpu.memory_space<hbm>>) target(%dma_start3A_520 : memref<16x128xf32, #tpu.memory_space<vmem>>) target_semaphore(%arg23 : memref<!tpu.dma_semaphore, #tpu.memory_space<semaphore_mem>>)
      %slice3A_523 = vector.extract_strided_slice %shift_left3A_298 {offsets = [14], sizes = [1], strides = [1]} : vector<16xi32> to vector<1xi32>
      %squeeze3A_524 = vector.extract %slice3A_523[0] : i32 from vector<1xi32>
      %multiple_of3A_525 = tpu.assume_multiple %squeeze3A_524, 128 : i32
      %dma_start3A_526 = arith.constant 14 : i32
      %dma_start3A_527 = arith.constant 0 : i32
      %dma_start3A_528 = arith.constant 0 : i32
      %dma_start3A_529 = tpu.memref_slice %arg15[%dma_start3A_526, %dma_start3A_527, %dma_start3A_528] : memref<16x16x128xf32, #tpu.memory_space<vmem>> -> memref<1x16x128xf32, #tpu.memory_space<vmem>>
      %dma_start3A_530 = tpu.memref_squeeze %dma_start3A_529 : memref<1x16x128xf32, #tpu.memory_space<vmem>> -> memref<16x128xf32, #tpu.memory_space<vmem>>
      %dma_start3A_531 = arith.constant 0 : i32
      %dma_start3A_532 = tpu.memref_slice %arg6[%dma_start3A_531, %multiple_of3A_525] : memref<16x1000000xf32, #tpu.memory_space<hbm>> -> memref<16x128xf32, #tpu.memory_space<hbm>>
      %dma_start3A_533 = arith.constant 0 : i32
      %dma_start3A_534 = arith.constant 0 : i32
      %dma_start3A_535 = tpu.memref_slice %arg15[%dma_start3A_526, %dma_start3A_533, %dma_start3A_534] : memref<16x16x128xf32, #tpu.memory_space<vmem>> -> memref<1x16x128xf32, #tpu.memory_space<vmem>>
      %dma_start3A_536 = tpu.memref_squeeze %dma_start3A_535 : memref<1x16x128xf32, #tpu.memory_space<vmem>> -> memref<16x128xf32, #tpu.memory_space<vmem>>
      %dma_start3A_537 = arith.constant 0 : i32
      %dma_start3A_538 = tpu.memref_slice %arg6[%dma_start3A_537, %multiple_of3A_525] : memref<16x1000000xf32, #tpu.memory_space<hbm>> -> memref<16x128xf32, #tpu.memory_space<hbm>>
      tpu.enqueue_dma source(%dma_start3A_538 : memref<16x128xf32, #tpu.memory_space<hbm>>) target(%dma_start3A_536 : memref<16x128xf32, #tpu.memory_space<vmem>>) target_semaphore(%arg26 : memref<!tpu.dma_semaphore, #tpu.memory_space<semaphore_mem>>)
      %slice3A_539 = vector.extract_strided_slice %shift_left3A_298 {offsets = [15], sizes = [1], strides = [1]} : vector<16xi32> to vector<1xi32>
      %squeeze3A_540 = vector.extract %slice3A_539[0] : i32 from vector<1xi32>
      %multiple_of3A_541 = tpu.assume_multiple %squeeze3A_540, 128 : i32
      %dma_start3A_542 = arith.constant 15 : i32
      %dma_start3A_543 = arith.constant 0 : i32
      %dma_start3A_544 = arith.constant 0 : i32
      %dma_start3A_545 = tpu.memref_slice %arg15[%dma_start3A_542, %dma_start3A_543, %dma_start3A_544] : memref<16x16x128xf32, #tpu.memory_space<vmem>> -> memref<1x16x128xf32, #tpu.memory_space<vmem>>
      %dma_start3A_546 = tpu.memref_squeeze %dma_start3A_545 : memref<1x16x128xf32, #tpu.memory_space<vmem>> -> memref<16x128xf32, #tpu.memory_space<vmem>>
      %dma_start3A_547 = arith.constant 0 : i32
      %dma_start3A_548 = tpu.memref_slice %arg6[%dma_start3A_547, %multiple_of3A_541] : memref<16x1000000xf32, #tpu.memory_space<hbm>> -> memref<16x128xf32, #tpu.memory_space<hbm>>
      %dma_start3A_549 = arith.constant 0 : i32
      %dma_start3A_550 = arith.constant 0 : i32
      %dma_start3A_551 = tpu.memref_slice %arg15[%dma_start3A_542, %dma_start3A_549, %dma_start3A_550] : memref<16x16x128xf32, #tpu.memory_space<vmem>> -> memref<1x16x128xf32, #tpu.memory_space<vmem>>
      %dma_start3A_552 = tpu.memref_squeeze %dma_start3A_551 : memref<1x16x128xf32, #tpu.memory_space<vmem>> -> memref<16x128xf32, #tpu.memory_space<vmem>>
      %dma_start3A_553 = arith.constant 0 : i32
      %dma_start3A_554 = tpu.memref_slice %arg6[%dma_start3A_553, %multiple_of3A_541] : memref<16x1000000xf32, #tpu.memory_space<hbm>> -> memref<16x128xf32, #tpu.memory_space<hbm>>
      tpu.enqueue_dma source(%dma_start3A_554 : memref<16x128xf32, #tpu.memory_space<hbm>>) target(%dma_start3A_552 : memref<16x128xf32, #tpu.memory_space<vmem>>) target_semaphore(%arg27 : memref<!tpu.dma_semaphore, #tpu.memory_space<semaphore_mem>>)
      %dma_wait3A_555 = arith.constant 0 : i32
      %dma_wait3A_556 = arith.constant 0 : i32
      %dma_wait3A_557 = arith.constant 0 : i32
      %dma_wait3A_558 = tpu.memref_slice %arg14[%dma_wait3A_555, %dma_wait3A_556, %dma_wait3A_557] : memref<16x16x128xf32, #tpu.memory_space<vmem>> -> memref<1x16x128xf32, #tpu.memory_space<vmem>>
      %dma_wait3A_559 = tpu.memref_squeeze %dma_wait3A_558 : memref<1x16x128xf32, #tpu.memory_space<vmem>> -> memref<16x128xf32, #tpu.memory_space<vmem>>
      %dma_wait3A_560 = arith.constant 0 : i32
      %dma_wait3A_561 = arith.constant 0 : i32
      %dma_wait3A_562 = tpu.memref_slice %arg4[%dma_wait3A_560, %dma_wait3A_561] : memref<16x1000000xf32, #tpu.memory_space<hbm>> -> memref<16x128xf32, #tpu.memory_space<hbm>>
      %dma_wait3A_563 = arith.constant 0 : i32
      %dma_wait3A_564 = arith.constant 0 : i32
      %dma_wait3A_565 = tpu.memref_slice %arg14[%dma_wait3A_555, %dma_wait3A_563, %dma_wait3A_564] : memref<16x16x128xf32, #tpu.memory_space<vmem>> -> memref<1x16x128xf32, #tpu.memory_space<vmem>>
      %dma_wait3A_566 = tpu.memref_squeeze %dma_wait3A_565 : memref<1x16x128xf32, #tpu.memory_space<vmem>> -> memref<16x128xf32, #tpu.memory_space<vmem>>
      %dma_wait3A_567 = arith.constant 0 : i32
      %dma_wait3A_568 = arith.constant 0 : i32
      %dma_wait3A_569 = tpu.memref_slice %arg4[%dma_wait3A_567, %dma_wait3A_568] : memref<16x1000000xf32, #tpu.memory_space<hbm>> -> memref<16x128xf32, #tpu.memory_space<hbm>>
      tpu.wait_dma2 semaphore(%arg20 : memref<!tpu.dma_semaphore, #tpu.memory_space<semaphore_mem>>) src(%dma_wait3A_569 : memref<16x128xf32, #tpu.memory_space<hbm>>) dst(%dma_wait3A_566 : memref<16x128xf32, #tpu.memory_space<vmem>>)
      %dma_wait3A_570 = arith.constant 1 : i32
      %dma_wait3A_571 = arith.constant 0 : i32
      %dma_wait3A_572 = arith.constant 0 : i32
      %dma_wait3A_573 = tpu.memref_slice %arg14[%dma_wait3A_570, %dma_wait3A_571, %dma_wait3A_572] : memref<16x16x128xf32, #tpu.memory_space<vmem>> -> memref<1x16x128xf32, #tpu.memory_space<vmem>>
      %dma_wait3A_574 = tpu.memref_squeeze %dma_wait3A_573 : memref<1x16x128xf32, #tpu.memory_space<vmem>> -> memref<16x128xf32, #tpu.memory_space<vmem>>
      %dma_wait3A_575 = arith.constant 0 : i32
      %dma_wait3A_576 = arith.constant 0 : i32
      %dma_wait3A_577 = tpu.memref_slice %arg4[%dma_wait3A_575, %dma_wait3A_576] : memref<16x1000000xf32, #tpu.memory_space<hbm>> -> memref<16x128xf32, #tpu.memory_space<hbm>>
      %dma_wait3A_578 = arith.constant 0 : i32
      %dma_wait3A_579 = arith.constant 0 : i32
      %dma_wait3A_580 = tpu.memref_slice %arg14[%dma_wait3A_570, %dma_wait3A_578, %dma_wait3A_579] : memref<16x16x128xf32, #tpu.memory_space<vmem>> -> memref<1x16x128xf32, #tpu.memory_space<vmem>>
      %dma_wait3A_581 = tpu.memref_squeeze %dma_wait3A_580 : memref<1x16x128xf32, #tpu.memory_space<vmem>> -> memref<16x128xf32, #tpu.memory_space<vmem>>
      %dma_wait3A_582 = arith.constant 0 : i32
      %dma_wait3A_583 = arith.constant 0 : i32
      %dma_wait3A_584 = tpu.memref_slice %arg4[%dma_wait3A_582, %dma_wait3A_583] : memref<16x1000000xf32, #tpu.memory_space<hbm>> -> memref<16x128xf32, #tpu.memory_space<hbm>>
      tpu.wait_dma2 semaphore(%arg21 : memref<!tpu.dma_semaphore, #tpu.memory_space<semaphore_mem>>) src(%dma_wait3A_584 : memref<16x128xf32, #tpu.memory_space<hbm>>) dst(%dma_wait3A_581 : memref<16x128xf32, #tpu.memory_space<vmem>>)
      %dma_wait3A_585 = arith.constant 2 : i32
      %dma_wait3A_586 = arith.constant 0 : i32
      %dma_wait3A_587 = arith.constant 0 : i32
      %dma_wait3A_588 = tpu.memref_slice %arg14[%dma_wait3A_585, %dma_wait3A_586, %dma_wait3A_587] : memref<16x16x128xf32, #tpu.memory_space<vmem>> -> memref<1x16x128xf32, #tpu.memory_space<vmem>>
      %dma_wait3A_589 = tpu.memref_squeeze %dma_wait3A_588 : memref<1x16x128xf32, #tpu.memory_space<vmem>> -> memref<16x128xf32, #tpu.memory_space<vmem>>
      %dma_wait3A_590 = arith.constant 0 : i32
      %dma_wait3A_591 = arith.constant 0 : i32
      %dma_wait3A_592 = tpu.memref_slice %arg4[%dma_wait3A_590, %dma_wait3A_591] : memref<16x1000000xf32, #tpu.memory_space<hbm>> -> memref<16x128xf32, #tpu.memory_space<hbm>>
      %dma_wait3A_593 = arith.constant 0 : i32
      %dma_wait3A_594 = arith.constant 0 : i32
      %dma_wait3A_595 = tpu.memref_slice %arg14[%dma_wait3A_585, %dma_wait3A_593, %dma_wait3A_594] : memref<16x16x128xf32, #tpu.memory_space<vmem>> -> memref<1x16x128xf32, #tpu.memory_space<vmem>>
      %dma_wait3A_596 = tpu.memref_squeeze %dma_wait3A_595 : memref<1x16x128xf32, #tpu.memory_space<vmem>> -> memref<16x128xf32, #tpu.memory_space<vmem>>
      %dma_wait3A_597 = arith.constant 0 : i32
      %dma_wait3A_598 = arith.constant 0 : i32
      %dma_wait3A_599 = tpu.memref_slice %arg4[%dma_wait3A_597, %dma_wait3A_598] : memref<16x1000000xf32, #tpu.memory_space<hbm>> -> memref<16x128xf32, #tpu.memory_space<hbm>>
      tpu.wait_dma2 semaphore(%arg24 : memref<!tpu.dma_semaphore, #tpu.memory_space<semaphore_mem>>) src(%dma_wait3A_599 : memref<16x128xf32, #tpu.memory_space<hbm>>) dst(%dma_wait3A_596 : memref<16x128xf32, #tpu.memory_space<vmem>>)
      %dma_wait3A_600 = arith.constant 3 : i32
      %dma_wait3A_601 = arith.constant 0 : i32
      %dma_wait3A_602 = arith.constant 0 : i32
      %dma_wait3A_603 = tpu.memref_slice %arg14[%dma_wait3A_600, %dma_wait3A_601, %dma_wait3A_602] : memref<16x16x128xf32, #tpu.memory_space<vmem>> -> memref<1x16x128xf32, #tpu.memory_space<vmem>>
      %dma_wait3A_604 = tpu.memref_squeeze %dma_wait3A_603 : memref<1x16x128xf32, #tpu.memory_space<vmem>> -> memref<16x128xf32, #tpu.memory_space<vmem>>
      %dma_wait3A_605 = arith.constant 0 : i32
      %dma_wait3A_606 = arith.constant 0 : i32
      %dma_wait3A_607 = tpu.memref_slice %arg4[%dma_wait3A_605, %dma_wait3A_606] : memref<16x1000000xf32, #tpu.memory_space<hbm>> -> memref<16x128xf32, #tpu.memory_space<hbm>>
      %dma_wait3A_608 = arith.constant 0 : i32
      %dma_wait3A_609 = arith.constant 0 : i32
      %dma_wait3A_610 = tpu.memref_slice %arg14[%dma_wait3A_600, %dma_wait3A_608, %dma_wait3A_609] : memref<16x16x128xf32, #tpu.memory_space<vmem>> -> memref<1x16x128xf32, #tpu.memory_space<vmem>>
      %dma_wait3A_611 = tpu.memref_squeeze %dma_wait3A_610 : memref<1x16x128xf32, #tpu.memory_space<vmem>> -> memref<16x128xf32, #tpu.memory_space<vmem>>
      %dma_wait3A_612 = arith.constant 0 : i32
      %dma_wait3A_613 = arith.constant 0 : i32
      %dma_wait3A_614 = tpu.memref_slice %arg4[%dma_wait3A_612, %dma_wait3A_613] : memref<16x1000000xf32, #tpu.memory_space<hbm>> -> memref<16x128xf32, #tpu.memory_space<hbm>>
      tpu.wait_dma2 semaphore(%arg25 : memref<!tpu.dma_semaphore, #tpu.memory_space<semaphore_mem>>) src(%dma_wait3A_614 : memref<16x128xf32, #tpu.memory_space<hbm>>) dst(%dma_wait3A_611 : memref<16x128xf32, #tpu.memory_space<vmem>>)
      %dma_wait3A_615 = arith.constant 4 : i32
      %dma_wait3A_616 = arith.constant 0 : i32
      %dma_wait3A_617 = arith.constant 0 : i32
      %dma_wait3A_618 = tpu.memref_slice %arg14[%dma_wait3A_615, %dma_wait3A_616, %dma_wait3A_617] : memref<16x16x128xf32, #tpu.memory_space<vmem>> -> memref<1x16x128xf32, #tpu.memory_space<vmem>>
      %dma_wait3A_619 = tpu.memref_squeeze %dma_wait3A_618 : memref<1x16x128xf32, #tpu.memory_space<vmem>> -> memref<16x128xf32, #tpu.memory_space<vmem>>
      %dma_wait3A_620 = arith.constant 0 : i32
      %dma_wait3A_621 = arith.constant 0 : i32
      %dma_wait3A_622 = tpu.memref_slice %arg4[%dma_wait3A_620, %dma_wait3A_621] : memref<16x1000000xf32, #tpu.memory_space<hbm>> -> memref<16x128xf32, #tpu.memory_space<hbm>>
      %dma_wait3A_623 = arith.constant 0 : i32
      %dma_wait3A_624 = arith.constant 0 : i32
      %dma_wait3A_625 = tpu.memref_slice %arg14[%dma_wait3A_615, %dma_wait3A_623, %dma_wait3A_624] : memref<16x16x128xf32, #tpu.memory_space<vmem>> -> memref<1x16x128xf32, #tpu.memory_space<vmem>>
      %dma_wait3A_626 = tpu.memref_squeeze %dma_wait3A_625 : memref<1x16x128xf32, #tpu.memory_space<vmem>> -> memref<16x128xf32, #tpu.memory_space<vmem>>
      %dma_wait3A_627 = arith.constant 0 : i32
      %dma_wait3A_628 = arith.constant 0 : i32
      %dma_wait3A_629 = tpu.memref_slice %arg4[%dma_wait3A_627, %dma_wait3A_628] : memref<16x1000000xf32, #tpu.memory_space<hbm>> -> memref<16x128xf32, #tpu.memory_space<hbm>>
      tpu.wait_dma2 semaphore(%arg20 : memref<!tpu.dma_semaphore, #tpu.memory_space<semaphore_mem>>) src(%dma_wait3A_629 : memref<16x128xf32, #tpu.memory_space<hbm>>) dst(%dma_wait3A_626 : memref<16x128xf32, #tpu.memory_space<vmem>>)
      %dma_wait3A_630 = arith.constant 5 : i32
      %dma_wait3A_631 = arith.constant 0 : i32
      %dma_wait3A_632 = arith.constant 0 : i32
      %dma_wait3A_633 = tpu.memref_slice %arg14[%dma_wait3A_630, %dma_wait3A_631, %dma_wait3A_632] : memref<16x16x128xf32, #tpu.memory_space<vmem>> -> memref<1x16x128xf32, #tpu.memory_space<vmem>>
      %dma_wait3A_634 = tpu.memref_squeeze %dma_wait3A_633 : memref<1x16x128xf32, #tpu.memory_space<vmem>> -> memref<16x128xf32, #tpu.memory_space<vmem>>
      %dma_wait3A_635 = arith.constant 0 : i32
      %dma_wait3A_636 = arith.constant 0 : i32
      %dma_wait3A_637 = tpu.memref_slice %arg4[%dma_wait3A_635, %dma_wait3A_636] : memref<16x1000000xf32, #tpu.memory_space<hbm>> -> memref<16x128xf32, #tpu.memory_space<hbm>>
      %dma_wait3A_638 = arith.constant 0 : i32
      %dma_wait3A_639 = arith.constant 0 : i32
      %dma_wait3A_640 = tpu.memref_slice %arg14[%dma_wait3A_630, %dma_wait3A_638, %dma_wait3A_639] : memref<16x16x128xf32, #tpu.memory_space<vmem>> -> memref<1x16x128xf32, #tpu.memory_space<vmem>>
      %dma_wait3A_641 = tpu.memref_squeeze %dma_wait3A_640 : memref<1x16x128xf32, #tpu.memory_space<vmem>> -> memref<16x128xf32, #tpu.memory_space<vmem>>
      %dma_wait3A_642 = arith.constant 0 : i32
      %dma_wait3A_643 = arith.constant 0 : i32
      %dma_wait3A_644 = tpu.memref_slice %arg4[%dma_wait3A_642, %dma_wait3A_643] : memref<16x1000000xf32, #tpu.memory_space<hbm>> -> memref<16x128xf32, #tpu.memory_space<hbm>>
      tpu.wait_dma2 semaphore(%arg21 : memref<!tpu.dma_semaphore, #tpu.memory_space<semaphore_mem>>) src(%dma_wait3A_644 : memref<16x128xf32, #tpu.memory_space<hbm>>) dst(%dma_wait3A_641 : memref<16x128xf32, #tpu.memory_space<vmem>>)
      %dma_wait3A_645 = arith.constant 6 : i32
      %dma_wait3A_646 = arith.constant 0 : i32
      %dma_wait3A_647 = arith.constant 0 : i32
      %dma_wait3A_648 = tpu.memref_slice %arg14[%dma_wait3A_645, %dma_wait3A_646, %dma_wait3A_647] : memref<16x16x128xf32, #tpu.memory_space<vmem>> -> memref<1x16x128xf32, #tpu.memory_space<vmem>>
      %dma_wait3A_649 = tpu.memref_squeeze %dma_wait3A_648 : memref<1x16x128xf32, #tpu.memory_space<vmem>> -> memref<16x128xf32, #tpu.memory_space<vmem>>
      %dma_wait3A_650 = arith.constant 0 : i32
      %dma_wait3A_651 = arith.constant 0 : i32
      %dma_wait3A_652 = tpu.memref_slice %arg4[%dma_wait3A_650, %dma_wait3A_651] : memref<16x1000000xf32, #tpu.memory_space<hbm>> -> memref<16x128xf32, #tpu.memory_space<hbm>>
      %dma_wait3A_653 = arith.constant 0 : i32
      %dma_wait3A_654 = arith.constant 0 : i32
      %dma_wait3A_655 = tpu.memref_slice %arg14[%dma_wait3A_645, %dma_wait3A_653, %dma_wait3A_654] : memref<16x16x128xf32, #tpu.memory_space<vmem>> -> memref<1x16x128xf32, #tpu.memory_space<vmem>>
      %dma_wait3A_656 = tpu.memref_squeeze %dma_wait3A_655 : memref<1x16x128xf32, #tpu.memory_space<vmem>> -> memref<16x128xf32, #tpu.memory_space<vmem>>
      %dma_wait3A_657 = arith.constant 0 : i32
      %dma_wait3A_658 = arith.constant 0 : i32
      %dma_wait3A_659 = tpu.memref_slice %arg4[%dma_wait3A_657, %dma_wait3A_658] : memref<16x1000000xf32, #tpu.memory_space<hbm>> -> memref<16x128xf32, #tpu.memory_space<hbm>>
      tpu.wait_dma2 semaphore(%arg24 : memref<!tpu.dma_semaphore, #tpu.memory_space<semaphore_mem>>) src(%dma_wait3A_659 : memref<16x128xf32, #tpu.memory_space<hbm>>) dst(%dma_wait3A_656 : memref<16x128xf32, #tpu.memory_space<vmem>>)
      %dma_wait3A_660 = arith.constant 7 : i32
      %dma_wait3A_661 = arith.constant 0 : i32
      %dma_wait3A_662 = arith.constant 0 : i32
      %dma_wait3A_663 = tpu.memref_slice %arg14[%dma_wait3A_660, %dma_wait3A_661, %dma_wait3A_662] : memref<16x16x128xf32, #tpu.memory_space<vmem>> -> memref<1x16x128xf32, #tpu.memory_space<vmem>>
      %dma_wait3A_664 = tpu.memref_squeeze %dma_wait3A_663 : memref<1x16x128xf32, #tpu.memory_space<vmem>> -> memref<16x128xf32, #tpu.memory_space<vmem>>
      %dma_wait3A_665 = arith.constant 0 : i32
      %dma_wait3A_666 = arith.constant 0 : i32
      %dma_wait3A_667 = tpu.memref_slice %arg4[%dma_wait3A_665, %dma_wait3A_666] : memref<16x1000000xf32, #tpu.memory_space<hbm>> -> memref<16x128xf32, #tpu.memory_space<hbm>>
      %dma_wait3A_668 = arith.constant 0 : i32
      %dma_wait3A_669 = arith.constant 0 : i32
      %dma_wait3A_670 = tpu.memref_slice %arg14[%dma_wait3A_660, %dma_wait3A_668, %dma_wait3A_669] : memref<16x16x128xf32, #tpu.memory_space<vmem>> -> memref<1x16x128xf32, #tpu.memory_space<vmem>>
      %dma_wait3A_671 = tpu.memref_squeeze %dma_wait3A_670 : memref<1x16x128xf32, #tpu.memory_space<vmem>> -> memref<16x128xf32, #tpu.memory_space<vmem>>
      %dma_wait3A_672 = arith.constant 0 : i32
      %dma_wait3A_673 = arith.constant 0 : i32
      %dma_wait3A_674 = tpu.memref_slice %arg4[%dma_wait3A_672, %dma_wait3A_673] : memref<16x1000000xf32, #tpu.memory_space<hbm>> -> memref<16x128xf32, #tpu.memory_space<hbm>>
      tpu.wait_dma2 semaphore(%arg25 : memref<!tpu.dma_semaphore, #tpu.memory_space<semaphore_mem>>) src(%dma_wait3A_674 : memref<16x128xf32, #tpu.memory_space<hbm>>) dst(%dma_wait3A_671 : memref<16x128xf32, #tpu.memory_space<vmem>>)
      %dma_wait3A_675 = arith.constant 8 : i32
      %dma_wait3A_676 = arith.constant 0 : i32
      %dma_wait3A_677 = arith.constant 0 : i32
      %dma_wait3A_678 = tpu.memref_slice %arg14[%dma_wait3A_675, %dma_wait3A_676, %dma_wait3A_677] : memref<16x16x128xf32, #tpu.memory_space<vmem>> -> memref<1x16x128xf32, #tpu.memory_space<vmem>>
      %dma_wait3A_679 = tpu.memref_squeeze %dma_wait3A_678 : memref<1x16x128xf32, #tpu.memory_space<vmem>> -> memref<16x128xf32, #tpu.memory_space<vmem>>
      %dma_wait3A_680 = arith.constant 0 : i32
      %dma_wait3A_681 = arith.constant 0 : i32
      %dma_wait3A_682 = tpu.memref_slice %arg4[%dma_wait3A_680, %dma_wait3A_681] : memref<16x1000000xf32, #tpu.memory_space<hbm>> -> memref<16x128xf32, #tpu.memory_space<hbm>>
      %dma_wait3A_683 = arith.constant 0 : i32
      %dma_wait3A_684 = arith.constant 0 : i32
      %dma_wait3A_685 = tpu.memref_slice %arg14[%dma_wait3A_675, %dma_wait3A_683, %dma_wait3A_684] : memref<16x16x128xf32, #tpu.memory_space<vmem>> -> memref<1x16x128xf32, #tpu.memory_space<vmem>>
      %dma_wait3A_686 = tpu.memref_squeeze %dma_wait3A_685 : memref<1x16x128xf32, #tpu.memory_space<vmem>> -> memref<16x128xf32, #tpu.memory_space<vmem>>
      %dma_wait3A_687 = arith.constant 0 : i32
      %dma_wait3A_688 = arith.constant 0 : i32
      %dma_wait3A_689 = tpu.memref_slice %arg4[%dma_wait3A_687, %dma_wait3A_688] : memref<16x1000000xf32, #tpu.memory_space<hbm>> -> memref<16x128xf32, #tpu.memory_space<hbm>>
      tpu.wait_dma2 semaphore(%arg20 : memref<!tpu.dma_semaphore, #tpu.memory_space<semaphore_mem>>) src(%dma_wait3A_689 : memref<16x128xf32, #tpu.memory_space<hbm>>) dst(%dma_wait3A_686 : memref<16x128xf32, #tpu.memory_space<vmem>>)
      %dma_wait3A_690 = arith.constant 9 : i32
      %dma_wait3A_691 = arith.constant 0 : i32
      %dma_wait3A_692 = arith.constant 0 : i32
      %dma_wait3A_693 = tpu.memref_slice %arg14[%dma_wait3A_690, %dma_wait3A_691, %dma_wait3A_692] : memref<16x16x128xf32, #tpu.memory_space<vmem>> -> memref<1x16x128xf32, #tpu.memory_space<vmem>>
      %dma_wait3A_694 = tpu.memref_squeeze %dma_wait3A_693 : memref<1x16x128xf32, #tpu.memory_space<vmem>> -> memref<16x128xf32, #tpu.memory_space<vmem>>
      %dma_wait3A_695 = arith.constant 0 : i32
      %dma_wait3A_696 = arith.constant 0 : i32
      %dma_wait3A_697 = tpu.memref_slice %arg4[%dma_wait3A_695, %dma_wait3A_696] : memref<16x1000000xf32, #tpu.memory_space<hbm>> -> memref<16x128xf32, #tpu.memory_space<hbm>>
      %dma_wait3A_698 = arith.constant 0 : i32
      %dma_wait3A_699 = arith.constant 0 : i32
      %dma_wait3A_700 = tpu.memref_slice %arg14[%dma_wait3A_690, %dma_wait3A_698, %dma_wait3A_699] : memref<16x16x128xf32, #tpu.memory_space<vmem>> -> memref<1x16x128xf32, #tpu.memory_space<vmem>>
      %dma_wait3A_701 = tpu.memref_squeeze %dma_wait3A_700 : memref<1x16x128xf32, #tpu.memory_space<vmem>> -> memref<16x128xf32, #tpu.memory_space<vmem>>
      %dma_wait3A_702 = arith.constant 0 : i32
      %dma_wait3A_703 = arith.constant 0 : i32
      %dma_wait3A_704 = tpu.memref_slice %arg4[%dma_wait3A_702, %dma_wait3A_703] : memref<16x1000000xf32, #tpu.memory_space<hbm>> -> memref<16x128xf32, #tpu.memory_space<hbm>>
      tpu.wait_dma2 semaphore(%arg21 : memref<!tpu.dma_semaphore, #tpu.memory_space<semaphore_mem>>) src(%dma_wait3A_704 : memref<16x128xf32, #tpu.memory_space<hbm>>) dst(%dma_wait3A_701 : memref<16x128xf32, #tpu.memory_space<vmem>>)
      %dma_wait3A_705 = arith.constant 10 : i32
      %dma_wait3A_706 = arith.constant 0 : i32
      %dma_wait3A_707 = arith.constant 0 : i32
      %dma_wait3A_708 = tpu.memref_slice %arg14[%dma_wait3A_705, %dma_wait3A_706, %dma_wait3A_707] : memref<16x16x128xf32, #tpu.memory_space<vmem>> -> memref<1x16x128xf32, #tpu.memory_space<vmem>>
      %dma_wait3A_709 = tpu.memref_squeeze %dma_wait3A_708 : memref<1x16x128xf32, #tpu.memory_space<vmem>> -> memref<16x128xf32, #tpu.memory_space<vmem>>
      %dma_wait3A_710 = arith.constant 0 : i32
      %dma_wait3A_711 = arith.constant 0 : i32
      %dma_wait3A_712 = tpu.memref_slice %arg4[%dma_wait3A_710, %dma_wait3A_711] : memref<16x1000000xf32, #tpu.memory_space<hbm>> -> memref<16x128xf32, #tpu.memory_space<hbm>>
      %dma_wait3A_713 = arith.constant 0 : i32
      %dma_wait3A_714 = arith.constant 0 : i32
      %dma_wait3A_715 = tpu.memref_slice %arg14[%dma_wait3A_705, %dma_wait3A_713, %dma_wait3A_714] : memref<16x16x128xf32, #tpu.memory_space<vmem>> -> memref<1x16x128xf32, #tpu.memory_space<vmem>>
      %dma_wait3A_716 = tpu.memref_squeeze %dma_wait3A_715 : memref<1x16x128xf32, #tpu.memory_space<vmem>> -> memref<16x128xf32, #tpu.memory_space<vmem>>
      %dma_wait3A_717 = arith.constant 0 : i32
      %dma_wait3A_718 = arith.constant 0 : i32
      %dma_wait3A_719 = tpu.memref_slice %arg4[%dma_wait3A_717, %dma_wait3A_718] : memref<16x1000000xf32, #tpu.memory_space<hbm>> -> memref<16x128xf32, #tpu.memory_space<hbm>>
      tpu.wait_dma2 semaphore(%arg24 : memref<!tpu.dma_semaphore, #tpu.memory_space<semaphore_mem>>) src(%dma_wait3A_719 : memref<16x128xf32, #tpu.memory_space<hbm>>) dst(%dma_wait3A_716 : memref<16x128xf32, #tpu.memory_space<vmem>>)
      %dma_wait3A_720 = arith.constant 11 : i32
      %dma_wait3A_721 = arith.constant 0 : i32
      %dma_wait3A_722 = arith.constant 0 : i32
      %dma_wait3A_723 = tpu.memref_slice %arg14[%dma_wait3A_720, %dma_wait3A_721, %dma_wait3A_722] : memref<16x16x128xf32, #tpu.memory_space<vmem>> -> memref<1x16x128xf32, #tpu.memory_space<vmem>>
      %dma_wait3A_724 = tpu.memref_squeeze %dma_wait3A_723 : memref<1x16x128xf32, #tpu.memory_space<vmem>> -> memref<16x128xf32, #tpu.memory_space<vmem>>
      %dma_wait3A_725 = arith.constant 0 : i32
      %dma_wait3A_726 = arith.constant 0 : i32
      %dma_wait3A_727 = tpu.memref_slice %arg4[%dma_wait3A_725, %dma_wait3A_726] : memref<16x1000000xf32, #tpu.memory_space<hbm>> -> memref<16x128xf32, #tpu.memory_space<hbm>>
      %dma_wait3A_728 = arith.constant 0 : i32
      %dma_wait3A_729 = arith.constant 0 : i32
      %dma_wait3A_730 = tpu.memref_slice %arg14[%dma_wait3A_720, %dma_wait3A_728, %dma_wait3A_729] : memref<16x16x128xf32, #tpu.memory_space<vmem>> -> memref<1x16x128xf32, #tpu.memory_space<vmem>>
      %dma_wait3A_731 = tpu.memref_squeeze %dma_wait3A_730 : memref<1x16x128xf32, #tpu.memory_space<vmem>> -> memref<16x128xf32, #tpu.memory_space<vmem>>
      %dma_wait3A_732 = arith.constant 0 : i32
      %dma_wait3A_733 = arith.constant 0 : i32
      %dma_wait3A_734 = tpu.memref_slice %arg4[%dma_wait3A_732, %dma_wait3A_733] : memref<16x1000000xf32, #tpu.memory_space<hbm>> -> memref<16x128xf32, #tpu.memory_space<hbm>>
      tpu.wait_dma2 semaphore(%arg25 : memref<!tpu.dma_semaphore, #tpu.memory_space<semaphore_mem>>) src(%dma_wait3A_734 : memref<16x128xf32, #tpu.memory_space<hbm>>) dst(%dma_wait3A_731 : memref<16x128xf32, #tpu.memory_space<vmem>>)
      %dma_wait3A_735 = arith.constant 12 : i32
      %dma_wait3A_736 = arith.constant 0 : i32
      %dma_wait3A_737 = arith.constant 0 : i32
      %dma_wait3A_738 = tpu.memref_slice %arg14[%dma_wait3A_735, %dma_wait3A_736, %dma_wait3A_737] : memref<16x16x128xf32, #tpu.memory_space<vmem>> -> memref<1x16x128xf32, #tpu.memory_space<vmem>>
      %dma_wait3A_739 = tpu.memref_squeeze %dma_wait3A_738 : memref<1x16x128xf32, #tpu.memory_space<vmem>> -> memref<16x128xf32, #tpu.memory_space<vmem>>
      %dma_wait3A_740 = arith.constant 0 : i32
      %dma_wait3A_741 = arith.constant 0 : i32
      %dma_wait3A_742 = tpu.memref_slice %arg4[%dma_wait3A_740, %dma_wait3A_741] : memref<16x1000000xf32, #tpu.memory_space<hbm>> -> memref<16x128xf32, #tpu.memory_space<hbm>>
      %dma_wait3A_743 = arith.constant 0 : i32
      %dma_wait3A_744 = arith.constant 0 : i32
      %dma_wait3A_745 = tpu.memref_slice %arg14[%dma_wait3A_735, %dma_wait3A_743, %dma_wait3A_744] : memref<16x16x128xf32, #tpu.memory_space<vmem>> -> memref<1x16x128xf32, #tpu.memory_space<vmem>>
      %dma_wait3A_746 = tpu.memref_squeeze %dma_wait3A_745 : memref<1x16x128xf32, #tpu.memory_space<vmem>> -> memref<16x128xf32, #tpu.memory_space<vmem>>
      %dma_wait3A_747 = arith.constant 0 : i32
      %dma_wait3A_748 = arith.constant 0 : i32
      %dma_wait3A_749 = tpu.memref_slice %arg4[%dma_wait3A_747, %dma_wait3A_748] : memref<16x1000000xf32, #tpu.memory_space<hbm>> -> memref<16x128xf32, #tpu.memory_space<hbm>>
      tpu.wait_dma2 semaphore(%arg20 : memref<!tpu.dma_semaphore, #tpu.memory_space<semaphore_mem>>) src(%dma_wait3A_749 : memref<16x128xf32, #tpu.memory_space<hbm>>) dst(%dma_wait3A_746 : memref<16x128xf32, #tpu.memory_space<vmem>>)
      %dma_wait3A_750 = arith.constant 13 : i32
      %dma_wait3A_751 = arith.constant 0 : i32
      %dma_wait3A_752 = arith.constant 0 : i32
      %dma_wait3A_753 = tpu.memref_slice %arg14[%dma_wait3A_750, %dma_wait3A_751, %dma_wait3A_752] : memref<16x16x128xf32, #tpu.memory_space<vmem>> -> memref<1x16x128xf32, #tpu.memory_space<vmem>>
      %dma_wait3A_754 = tpu.memref_squeeze %dma_wait3A_753 : memref<1x16x128xf32, #tpu.memory_space<vmem>> -> memref<16x128xf32, #tpu.memory_space<vmem>>
      %dma_wait3A_755 = arith.constant 0 : i32
      %dma_wait3A_756 = arith.constant 0 : i32
      %dma_wait3A_757 = tpu.memref_slice %arg4[%dma_wait3A_755, %dma_wait3A_756] : memref<16x1000000xf32, #tpu.memory_space<hbm>> -> memref<16x128xf32, #tpu.memory_space<hbm>>
      %dma_wait3A_758 = arith.constant 0 : i32
      %dma_wait3A_759 = arith.constant 0 : i32
      %dma_wait3A_760 = tpu.memref_slice %arg14[%dma_wait3A_750, %dma_wait3A_758, %dma_wait3A_759] : memref<16x16x128xf32, #tpu.memory_space<vmem>> -> memref<1x16x128xf32, #tpu.memory_space<vmem>>
      %dma_wait3A_761 = tpu.memref_squeeze %dma_wait3A_760 : memref<1x16x128xf32, #tpu.memory_space<vmem>> -> memref<16x128xf32, #tpu.memory_space<vmem>>
      %dma_wait3A_762 = arith.constant 0 : i32
      %dma_wait3A_763 = arith.constant 0 : i32
      %dma_wait3A_764 = tpu.memref_slice %arg4[%dma_wait3A_762, %dma_wait3A_763] : memref<16x1000000xf32, #tpu.memory_space<hbm>> -> memref<16x128xf32, #tpu.memory_space<hbm>>
      tpu.wait_dma2 semaphore(%arg21 : memref<!tpu.dma_semaphore, #tpu.memory_space<semaphore_mem>>) src(%dma_wait3A_764 : memref<16x128xf32, #tpu.memory_space<hbm>>) dst(%dma_wait3A_761 : memref<16x128xf32, #tpu.memory_space<vmem>>)
      %dma_wait3A_765 = arith.constant 14 : i32
      %dma_wait3A_766 = arith.constant 0 : i32
      %dma_wait3A_767 = arith.constant 0 : i32
      %dma_wait3A_768 = tpu.memref_slice %arg14[%dma_wait3A_765, %dma_wait3A_766, %dma_wait3A_767] : memref<16x16x128xf32, #tpu.memory_space<vmem>> -> memref<1x16x128xf32, #tpu.memory_space<vmem>>
      %dma_wait3A_769 = tpu.memref_squeeze %dma_wait3A_768 : memref<1x16x128xf32, #tpu.memory_space<vmem>> -> memref<16x128xf32, #tpu.memory_space<vmem>>
      %dma_wait3A_770 = arith.constant 0 : i32
      %dma_wait3A_771 = arith.constant 0 : i32
      %dma_wait3A_772 = tpu.memref_slice %arg4[%dma_wait3A_770, %dma_wait3A_771] : memref<16x1000000xf32, #tpu.memory_space<hbm>> -> memref<16x128xf32, #tpu.memory_space<hbm>>
      %dma_wait3A_773 = arith.constant 0 : i32
      %dma_wait3A_774 = arith.constant 0 : i32
      %dma_wait3A_775 = tpu.memref_slice %arg14[%dma_wait3A_765, %dma_wait3A_773, %dma_wait3A_774] : memref<16x16x128xf32, #tpu.memory_space<vmem>> -> memref<1x16x128xf32, #tpu.memory_space<vmem>>
      %dma_wait3A_776 = tpu.memref_squeeze %dma_wait3A_775 : memref<1x16x128xf32, #tpu.memory_space<vmem>> -> memref<16x128xf32, #tpu.memory_space<vmem>>
      %dma_wait3A_777 = arith.constant 0 : i32
      %dma_wait3A_778 = arith.constant 0 : i32
      %dma_wait3A_779 = tpu.memref_slice %arg4[%dma_wait3A_777, %dma_wait3A_778] : memref<16x1000000xf32, #tpu.memory_space<hbm>> -> memref<16x128xf32, #tpu.memory_space<hbm>>
      tpu.wait_dma2 semaphore(%arg24 : memref<!tpu.dma_semaphore, #tpu.memory_space<semaphore_mem>>) src(%dma_wait3A_779 : memref<16x128xf32, #tpu.memory_space<hbm>>) dst(%dma_wait3A_776 : memref<16x128xf32, #tpu.memory_space<vmem>>)
      %dma_wait3A_780 = arith.constant 15 : i32
      %dma_wait3A_781 = arith.constant 0 : i32
      %dma_wait3A_782 = arith.constant 0 : i32
      %dma_wait3A_783 = tpu.memref_slice %arg14[%dma_wait3A_780, %dma_wait3A_781, %dma_wait3A_782] : memref<16x16x128xf32, #tpu.memory_space<vmem>> -> memref<1x16x128xf32, #tpu.memory_space<vmem>>
      %dma_wait3A_784 = tpu.memref_squeeze %dma_wait3A_783 : memref<1x16x128xf32, #tpu.memory_space<vmem>> -> memref<16x128xf32, #tpu.memory_space<vmem>>
      %dma_wait3A_785 = arith.constant 0 : i32
      %dma_wait3A_786 = arith.constant 0 : i32
      %dma_wait3A_787 = tpu.memref_slice %arg4[%dma_wait3A_785, %dma_wait3A_786] : memref<16x1000000xf32, #tpu.memory_space<hbm>> -> memref<16x128xf32, #tpu.memory_space<hbm>>
      %dma_wait3A_788 = arith.constant 0 : i32
      %dma_wait3A_789 = arith.constant 0 : i32
      %dma_wait3A_790 = tpu.memref_slice %arg14[%dma_wait3A_780, %dma_wait3A_788, %dma_wait3A_789] : memref<16x16x128xf32, #tpu.memory_space<vmem>> -> memref<1x16x128xf32, #tpu.memory_space<vmem>>
      %dma_wait3A_791 = tpu.memref_squeeze %dma_wait3A_790 : memref<1x16x128xf32, #tpu.memory_space<vmem>> -> memref<16x128xf32, #tpu.memory_space<vmem>>
      %dma_wait3A_792 = arith.constant 0 : i32
      %dma_wait3A_793 = arith.constant 0 : i32
      %dma_wait3A_794 = tpu.memref_slice %arg4[%dma_wait3A_792, %dma_wait3A_793] : memref<16x1000000xf32, #tpu.memory_space<hbm>> -> memref<16x128xf32, #tpu.memory_space<hbm>>
      tpu.wait_dma2 semaphore(%arg25 : memref<!tpu.dma_semaphore, #tpu.memory_space<semaphore_mem>>) src(%dma_wait3A_794 : memref<16x128xf32, #tpu.memory_space<hbm>>) dst(%dma_wait3A_791 : memref<16x128xf32, #tpu.memory_space<vmem>>)
      %mul3A_795 = arith.constant 16 : i32
      %mul3A_796 = arith.muli %scan3A_282, %mul3A_795 : i32
      %get3A_797 = arith.index_cast %mul3A_796 : i32 to index
      %get3A_798 = tpu.vector_load %arg12[%get3A_797] {strides = array<i32>} : memref<512xi32, #tpu.memory_space<vmem>>, vector<16xi32>,
      %and3A = arith.constant 127 : i32
      %and3A_799 = vector.broadcast %and3A : i32 to vector<16xi32>
      %and3A_800 = arith.andi %get3A_798, %and3A_799 : vector<16xi32>
      %broadcast_in_dim3A = arith.constant 0 : i32
      %broadcast_in_dim3A_801 = vector.broadcast %broadcast_in_dim3A : i32 to vector<16xi32>
      %gather3A = tpu.vector_load_idx %arg14[%iota3A, %broadcast_in_dim3A_801, %and3A_800] : memref<16x16x128xf32, #tpu.memory_space<vmem>>[vector<16xi32>, vector<16xi32>, vector<16xi32>], vector<16xf32>,
      tpu.vector_store_idx %arg16[%iota3A, %broadcast_in_dim3A_801], %gather3A : memref<16x16xf32, #tpu.memory_space<vmem>>[vector<16xi32>, vector<16xi32>], vector<16xf32>,
      %broadcast_in_dim3A_802 = arith.constant 1 : i32
      %broadcast_in_dim3A_803 = vector.broadcast %broadcast_in_dim3A_802 : i32 to vector<16xi32>
      %gather3A_804 = tpu.vector_load_idx %arg14[%iota3A, %broadcast_in_dim3A_803, %and3A_800] : memref<16x16x128xf32, #tpu.memory_space<vmem>>[vector<16xi32>, vector<16xi32>, vector<16xi32>], vector<16xf32>,
      tpu.vector_store_idx %arg16[%iota3A, %broadcast_in_dim3A_803], %gather3A_804 : memref<16x16xf32, #tpu.memory_space<vmem>>[vector<16xi32>, vector<16xi32>], vector<16xf32>,
      %broadcast_in_dim3A_805 = arith.constant 2 : i32
      %broadcast_in_dim3A_806 = vector.broadcast %broadcast_in_dim3A_805 : i32 to vector<16xi32>
      %gather3A_807 = tpu.vector_load_idx %arg14[%iota3A, %broadcast_in_dim3A_806, %and3A_800] : memref<16x16x128xf32, #tpu.memory_space<vmem>>[vector<16xi32>, vector<16xi32>, vector<16xi32>], vector<16xf32>,
      tpu.vector_store_idx %arg16[%iota3A, %broadcast_in_dim3A_806], %gather3A_807 : memref<16x16xf32, #tpu.memory_space<vmem>>[vector<16xi32>, vector<16xi32>], vector<16xf32>,
      %broadcast_in_dim3A_808 = arith.constant 3 : i32
      %broadcast_in_dim3A_809 = vector.broadcast %broadcast_in_dim3A_808 : i32 to vector<16xi32>
      %gather3A_810 = tpu.vector_load_idx %arg14[%iota3A, %broadcast_in_dim3A_809, %and3A_800] : memref<16x16x128xf32, #tpu.memory_space<vmem>>[vector<16xi32>, vector<16xi32>, vector<16xi32>], vector<16xf32>,
      tpu.vector_store_idx %arg16[%iota3A, %broadcast_in_dim3A_809], %gather3A_810 : memref<16x16xf32, #tpu.memory_space<vmem>>[vector<16xi32>, vector<16xi32>], vector<16xf32>,
      %broadcast_in_dim3A_811 = arith.constant 4 : i32
      %broadcast_in_dim3A_812 = vector.broadcast %broadcast_in_dim3A_811 : i32 to vector<16xi32>
      %gather3A_813 = tpu.vector_load_idx %arg14[%iota3A, %broadcast_in_dim3A_812, %and3A_800] : memref<16x16x128xf32, #tpu.memory_space<vmem>>[vector<16xi32>, vector<16xi32>, vector<16xi32>], vector<16xf32>,
      tpu.vector_store_idx %arg16[%iota3A, %broadcast_in_dim3A_812], %gather3A_813 : memref<16x16xf32, #tpu.memory_space<vmem>>[vector<16xi32>, vector<16xi32>], vector<16xf32>,
      %broadcast_in_dim3A_814 = arith.constant 5 : i32
      %broadcast_in_dim3A_815 = vector.broadcast %broadcast_in_dim3A_814 : i32 to vector<16xi32>
      %gather3A_816 = tpu.vector_load_idx %arg14[%iota3A, %broadcast_in_dim3A_815, %and3A_800] : memref<16x16x128xf32, #tpu.memory_space<vmem>>[vector<16xi32>, vector<16xi32>, vector<16xi32>], vector<16xf32>,
      tpu.vector_store_idx %arg16[%iota3A, %broadcast_in_dim3A_815], %gather3A_816 : memref<16x16xf32, #tpu.memory_space<vmem>>[vector<16xi32>, vector<16xi32>], vector<16xf32>,
      %broadcast_in_dim3A_817 = arith.constant 6 : i32
      %broadcast_in_dim3A_818 = vector.broadcast %broadcast_in_dim3A_817 : i32 to vector<16xi32>
      %gather3A_819 = tpu.vector_load_idx %arg14[%iota3A, %broadcast_in_dim3A_818, %and3A_800] : memref<16x16x128xf32, #tpu.memory_space<vmem>>[vector<16xi32>, vector<16xi32>, vector<16xi32>], vector<16xf32>,
      tpu.vector_store_idx %arg16[%iota3A, %broadcast_in_dim3A_818], %gather3A_819 : memref<16x16xf32, #tpu.memory_space<vmem>>[vector<16xi32>, vector<16xi32>], vector<16xf32>,
      %broadcast_in_dim3A_820 = arith.constant 7 : i32
      %broadcast_in_dim3A_821 = vector.broadcast %broadcast_in_dim3A_820 : i32 to vector<16xi32>
      %gather3A_822 = tpu.vector_load_idx %arg14[%iota3A, %broadcast_in_dim3A_821, %and3A_800] : memref<16x16x128xf32, #tpu.memory_space<vmem>>[vector<16xi32>, vector<16xi32>, vector<16xi32>], vector<16xf32>,
      tpu.vector_store_idx %arg16[%iota3A, %broadcast_in_dim3A_821], %gather3A_822 : memref<16x16xf32, #tpu.memory_space<vmem>>[vector<16xi32>, vector<16xi32>], vector<16xf32>,
      %broadcast_in_dim3A_823 = arith.constant 8 : i32
      %broadcast_in_dim3A_824 = vector.broadcast %broadcast_in_dim3A_823 : i32 to vector<16xi32>
      %gather3A_825 = tpu.vector_load_idx %arg14[%iota3A, %broadcast_in_dim3A_824, %and3A_800] : memref<16x16x128xf32, #tpu.memory_space<vmem>>[vector<16xi32>, vector<16xi32>, vector<16xi32>], vector<16xf32>,
      tpu.vector_store_idx %arg16[%iota3A, %broadcast_in_dim3A_824], %gather3A_825 : memref<16x16xf32, #tpu.memory_space<vmem>>[vector<16xi32>, vector<16xi32>], vector<16xf32>,
      %broadcast_in_dim3A_826 = arith.constant 9 : i32
      %broadcast_in_dim3A_827 = vector.broadcast %broadcast_in_dim3A_826 : i32 to vector<16xi32>
      %gather3A_828 = tpu.vector_load_idx %arg14[%iota3A, %broadcast_in_dim3A_827, %and3A_800] : memref<16x16x128xf32, #tpu.memory_space<vmem>>[vector<16xi32>, vector<16xi32>, vector<16xi32>], vector<16xf32>,
      tpu.vector_store_idx %arg16[%iota3A, %broadcast_in_dim3A_827], %gather3A_828 : memref<16x16xf32, #tpu.memory_space<vmem>>[vector<16xi32>, vector<16xi32>], vector<16xf32>,
      %broadcast_in_dim3A_829 = arith.constant 10 : i32
      %broadcast_in_dim3A_830 = vector.broadcast %broadcast_in_dim3A_829 : i32 to vector<16xi32>
      %gather3A_831 = tpu.vector_load_idx %arg14[%iota3A, %broadcast_in_dim3A_830, %and3A_800] : memref<16x16x128xf32, #tpu.memory_space<vmem>>[vector<16xi32>, vector<16xi32>, vector<16xi32>], vector<16xf32>,
      tpu.vector_store_idx %arg16[%iota3A, %broadcast_in_dim3A_830], %gather3A_831 : memref<16x16xf32, #tpu.memory_space<vmem>>[vector<16xi32>, vector<16xi32>], vector<16xf32>,
      %broadcast_in_dim3A_832 = arith.constant 11 : i32
      %broadcast_in_dim3A_833 = vector.broadcast %broadcast_in_dim3A_832 : i32 to vector<16xi32>
      %gather3A_834 = tpu.vector_load_idx %arg14[%iota3A, %broadcast_in_dim3A_833, %and3A_800] : memref<16x16x128xf32, #tpu.memory_space<vmem>>[vector<16xi32>, vector<16xi32>, vector<16xi32>], vector<16xf32>,
      tpu.vector_store_idx %arg16[%iota3A, %broadcast_in_dim3A_833], %gather3A_834 : memref<16x16xf32, #tpu.memory_space<vmem>>[vector<16xi32>, vector<16xi32>], vector<16xf32>,
      %broadcast_in_dim3A_835 = arith.constant 12 : i32
      %broadcast_in_dim3A_836 = vector.broadcast %broadcast_in_dim3A_835 : i32 to vector<16xi32>
      %gather3A_837 = tpu.vector_load_idx %arg14[%iota3A, %broadcast_in_dim3A_836, %and3A_800] : memref<16x16x128xf32, #tpu.memory_space<vmem>>[vector<16xi32>, vector<16xi32>, vector<16xi32>], vector<16xf32>,
      tpu.vector_store_idx %arg16[%iota3A, %broadcast_in_dim3A_836], %gather3A_837 : memref<16x16xf32, #tpu.memory_space<vmem>>[vector<16xi32>, vector<16xi32>], vector<16xf32>,
      %broadcast_in_dim3A_838 = arith.constant 13 : i32
      %broadcast_in_dim3A_839 = vector.broadcast %broadcast_in_dim3A_838 : i32 to vector<16xi32>
      %gather3A_840 = tpu.vector_load_idx %arg14[%iota3A, %broadcast_in_dim3A_839, %and3A_800] : memref<16x16x128xf32, #tpu.memory_space<vmem>>[vector<16xi32>, vector<16xi32>, vector<16xi32>], vector<16xf32>,
      tpu.vector_store_idx %arg16[%iota3A, %broadcast_in_dim3A_839], %gather3A_840 : memref<16x16xf32, #tpu.memory_space<vmem>>[vector<16xi32>, vector<16xi32>], vector<16xf32>,
      %broadcast_in_dim3A_841 = arith.constant 14 : i32
      %broadcast_in_dim3A_842 = vector.broadcast %broadcast_in_dim3A_841 : i32 to vector<16xi32>
      %gather3A_843 = tpu.vector_load_idx %arg14[%iota3A, %broadcast_in_dim3A_842, %and3A_800] : memref<16x16x128xf32, #tpu.memory_space<vmem>>[vector<16xi32>, vector<16xi32>, vector<16xi32>], vector<16xf32>,
      tpu.vector_store_idx %arg16[%iota3A, %broadcast_in_dim3A_842], %gather3A_843 : memref<16x16xf32, #tpu.memory_space<vmem>>[vector<16xi32>, vector<16xi32>], vector<16xf32>,
      %broadcast_in_dim3A_844 = arith.constant 15 : i32
      %broadcast_in_dim3A_845 = vector.broadcast %broadcast_in_dim3A_844 : i32 to vector<16xi32>
      %gather3A_846 = tpu.vector_load_idx %arg14[%iota3A, %broadcast_in_dim3A_845, %and3A_800] : memref<16x16x128xf32, #tpu.memory_space<vmem>>[vector<16xi32>, vector<16xi32>, vector<16xi32>], vector<16xf32>,
      tpu.vector_store_idx %arg16[%iota3A, %broadcast_in_dim3A_845], %gather3A_846 : memref<16x16xf32, #tpu.memory_space<vmem>>[vector<16xi32>, vector<16xi32>], vector<16xf32>,
      %mul3A_847 = arith.constant 16 : i32
      %mul3A_848 = arith.muli %scan3A_282, %mul3A_847 : i32
      %get3A_849 = arith.index_cast %mul3A_848 : i32 to index
      %get3A_850 = tpu.vector_load %arg13[%get3A_849] {strides = array<i32>} : memref<512xi32, #tpu.memory_space<vmem>>, vector<16xi32>,
      %shift_right_logical3A_851 = arith.constant 7 : i32
      %shift_right_logical3A_852 = vector.broadcast %shift_right_logical3A_851 : i32 to vector<16xi32>
      %shift_right_logical3A_853 = arith.shrui %get3A_850, %shift_right_logical3A_852 : vector<16xi32>
      %shift_left3A_854 = arith.constant 7 : i32
      %shift_left3A_855 = vector.broadcast %shift_left3A_854 : i32 to vector<16xi32>
      %shift_left3A_856 = arith.shli %shift_right_logical3A_853, %shift_left3A_855 : vector<16xi32>
      %slice3A_857 = vector.extract_strided_slice %shift_left3A_856 {offsets = [0], sizes = [1], strides = [1]} : vector<16xi32> to vector<1xi32>
      %squeeze3A_858 = vector.extract %slice3A_857[0] : i32 from vector<1xi32>
      %multiple_of3A_859 = tpu.assume_multiple %squeeze3A_858, 128 : i32
      %dma_start3A_860 = arith.constant 0 : i32
      %dma_start3A_861 = arith.constant 0 : i32
      %dma_start3A_862 = arith.constant 0 : i32
      %dma_start3A_863 = tpu.memref_slice %arg14[%dma_start3A_860, %dma_start3A_861, %dma_start3A_862] : memref<16x16x128xf32, #tpu.memory_space<vmem>> -> memref<1x16x128xf32, #tpu.memory_space<vmem>>
      %dma_start3A_864 = tpu.memref_squeeze %dma_start3A_863 : memref<1x16x128xf32, #tpu.memory_space<vmem>> -> memref<16x128xf32, #tpu.memory_space<vmem>>
      %dma_start3A_865 = arith.constant 0 : i32
      %dma_start3A_866 = tpu.memref_slice %arg5[%dma_start3A_865, %multiple_of3A_859] : memref<16x1000000xf32, #tpu.memory_space<hbm>> -> memref<16x128xf32, #tpu.memory_space<hbm>>
      %dma_start3A_867 = arith.constant 0 : i32
      %dma_start3A_868 = arith.constant 0 : i32
      %dma_start3A_869 = tpu.memref_slice %arg14[%dma_start3A_860, %dma_start3A_867, %dma_start3A_868] : memref<16x16x128xf32, #tpu.memory_space<vmem>> -> memref<1x16x128xf32, #tpu.memory_space<vmem>>
      %dma_start3A_870 = tpu.memref_squeeze %dma_start3A_869 : memref<1x16x128xf32, #tpu.memory_space<vmem>> -> memref<16x128xf32, #tpu.memory_space<vmem>>
      %dma_start3A_871 = arith.constant 0 : i32
      %dma_start3A_872 = tpu.memref_slice %arg5[%dma_start3A_871, %multiple_of3A_859] : memref<16x1000000xf32, #tpu.memory_space<hbm>> -> memref<16x128xf32, #tpu.memory_space<hbm>>
      tpu.enqueue_dma source(%dma_start3A_872 : memref<16x128xf32, #tpu.memory_space<hbm>>) target(%dma_start3A_870 : memref<16x128xf32, #tpu.memory_space<vmem>>) target_semaphore(%arg20 : memref<!tpu.dma_semaphore, #tpu.memory_space<semaphore_mem>>)
      %slice3A_873 = vector.extract_strided_slice %shift_left3A_856 {offsets = [1], sizes = [1], strides = [1]} : vector<16xi32> to vector<1xi32>
      %squeeze3A_874 = vector.extract %slice3A_873[0] : i32 from vector<1xi32>
      %multiple_of3A_875 = tpu.assume_multiple %squeeze3A_874, 128 : i32
      %dma_start3A_876 = arith.constant 1 : i32
      %dma_start3A_877 = arith.constant 0 : i32
      %dma_start3A_878 = arith.constant 0 : i32
      %dma_start3A_879 = tpu.memref_slice %arg14[%dma_start3A_876, %dma_start3A_877, %dma_start3A_878] : memref<16x16x128xf32, #tpu.memory_space<vmem>> -> memref<1x16x128xf32, #tpu.memory_space<vmem>>
      %dma_start3A_880 = tpu.memref_squeeze %dma_start3A_879 : memref<1x16x128xf32, #tpu.memory_space<vmem>> -> memref<16x128xf32, #tpu.memory_space<vmem>>
      %dma_start3A_881 = arith.constant 0 : i32
      %dma_start3A_882 = tpu.memref_slice %arg5[%dma_start3A_881, %multiple_of3A_875] : memref<16x1000000xf32, #tpu.memory_space<hbm>> -> memref<16x128xf32, #tpu.memory_space<hbm>>
      %dma_start3A_883 = arith.constant 0 : i32
      %dma_start3A_884 = arith.constant 0 : i32
      %dma_start3A_885 = tpu.memref_slice %arg14[%dma_start3A_876, %dma_start3A_883, %dma_start3A_884] : memref<16x16x128xf32, #tpu.memory_space<vmem>> -> memref<1x16x128xf32, #tpu.memory_space<vmem>>
      %dma_start3A_886 = tpu.memref_squeeze %dma_start3A_885 : memref<1x16x128xf32, #tpu.memory_space<vmem>> -> memref<16x128xf32, #tpu.memory_space<vmem>>
      %dma_start3A_887 = arith.constant 0 : i32
      %dma_start3A_888 = tpu.memref_slice %arg5[%dma_start3A_887, %multiple_of3A_875] : memref<16x1000000xf32, #tpu.memory_space<hbm>> -> memref<16x128xf32, #tpu.memory_space<hbm>>
      tpu.enqueue_dma source(%dma_start3A_888 : memref<16x128xf32, #tpu.memory_space<hbm>>) target(%dma_start3A_886 : memref<16x128xf32, #tpu.memory_space<vmem>>) target_semaphore(%arg21 : memref<!tpu.dma_semaphore, #tpu.memory_space<semaphore_mem>>)
      %slice3A_889 = vector.extract_strided_slice %shift_left3A_856 {offsets = [2], sizes = [1], strides = [1]} : vector<16xi32> to vector<1xi32>
      %squeeze3A_890 = vector.extract %slice3A_889[0] : i32 from vector<1xi32>
      %multiple_of3A_891 = tpu.assume_multiple %squeeze3A_890, 128 : i32
      %dma_start3A_892 = arith.constant 2 : i32
      %dma_start3A_893 = arith.constant 0 : i32
      %dma_start3A_894 = arith.constant 0 : i32
      %dma_start3A_895 = tpu.memref_slice %arg14[%dma_start3A_892, %dma_start3A_893, %dma_start3A_894] : memref<16x16x128xf32, #tpu.memory_space<vmem>> -> memref<1x16x128xf32, #tpu.memory_space<vmem>>
      %dma_start3A_896 = tpu.memref_squeeze %dma_start3A_895 : memref<1x16x128xf32, #tpu.memory_space<vmem>> -> memref<16x128xf32, #tpu.memory_space<vmem>>
      %dma_start3A_897 = arith.constant 0 : i32
      %dma_start3A_898 = tpu.memref_slice %arg5[%dma_start3A_897, %multiple_of3A_891] : memref<16x1000000xf32, #tpu.memory_space<hbm>> -> memref<16x128xf32, #tpu.memory_space<hbm>>
      %dma_start3A_899 = arith.constant 0 : i32
      %dma_start3A_900 = arith.constant 0 : i32
      %dma_start3A_901 = tpu.memref_slice %arg14[%dma_start3A_892, %dma_start3A_899, %dma_start3A_900] : memref<16x16x128xf32, #tpu.memory_space<vmem>> -> memref<1x16x128xf32, #tpu.memory_space<vmem>>
      %dma_start3A_902 = tpu.memref_squeeze %dma_start3A_901 : memref<1x16x128xf32, #tpu.memory_space<vmem>> -> memref<16x128xf32, #tpu.memory_space<vmem>>
      %dma_start3A_903 = arith.constant 0 : i32
      %dma_start3A_904 = tpu.memref_slice %arg5[%dma_start3A_903, %multiple_of3A_891] : memref<16x1000000xf32, #tpu.memory_space<hbm>> -> memref<16x128xf32, #tpu.memory_space<hbm>>
      tpu.enqueue_dma source(%dma_start3A_904 : memref<16x128xf32, #tpu.memory_space<hbm>>) target(%dma_start3A_902 : memref<16x128xf32, #tpu.memory_space<vmem>>) target_semaphore(%arg24 : memref<!tpu.dma_semaphore, #tpu.memory_space<semaphore_mem>>)
      %slice3A_905 = vector.extract_strided_slice %shift_left3A_856 {offsets = [3], sizes = [1], strides = [1]} : vector<16xi32> to vector<1xi32>
      %squeeze3A_906 = vector.extract %slice3A_905[0] : i32 from vector<1xi32>
      %multiple_of3A_907 = tpu.assume_multiple %squeeze3A_906, 128 : i32
      %dma_start3A_908 = arith.constant 3 : i32
      %dma_start3A_909 = arith.constant 0 : i32
      %dma_start3A_910 = arith.constant 0 : i32
      %dma_start3A_911 = tpu.memref_slice %arg14[%dma_start3A_908, %dma_start3A_909, %dma_start3A_910] : memref<16x16x128xf32, #tpu.memory_space<vmem>> -> memref<1x16x128xf32, #tpu.memory_space<vmem>>
      %dma_start3A_912 = tpu.memref_squeeze %dma_start3A_911 : memref<1x16x128xf32, #tpu.memory_space<vmem>> -> memref<16x128xf32, #tpu.memory_space<vmem>>
      %dma_start3A_913 = arith.constant 0 : i32
      %dma_start3A_914 = tpu.memref_slice %arg5[%dma_start3A_913, %multiple_of3A_907] : memref<16x1000000xf32, #tpu.memory_space<hbm>> -> memref<16x128xf32, #tpu.memory_space<hbm>>
      %dma_start3A_915 = arith.constant 0 : i32
      %dma_start3A_916 = arith.constant 0 : i32
      %dma_start3A_917 = tpu.memref_slice %arg14[%dma_start3A_908, %dma_start3A_915, %dma_start3A_916] : memref<16x16x128xf32, #tpu.memory_space<vmem>> -> memref<1x16x128xf32, #tpu.memory_space<vmem>>
      %dma_start3A_918 = tpu.memref_squeeze %dma_start3A_917 : memref<1x16x128xf32, #tpu.memory_space<vmem>> -> memref<16x128xf32, #tpu.memory_space<vmem>>
      %dma_start3A_919 = arith.constant 0 : i32
      %dma_start3A_920 = tpu.memref_slice %arg5[%dma_start3A_919, %multiple_of3A_907] : memref<16x1000000xf32, #tpu.memory_space<hbm>> -> memref<16x128xf32, #tpu.memory_space<hbm>>
      tpu.enqueue_dma source(%dma_start3A_920 : memref<16x128xf32, #tpu.memory_space<hbm>>) target(%dma_start3A_918 : memref<16x128xf32, #tpu.memory_space<vmem>>) target_semaphore(%arg25 : memref<!tpu.dma_semaphore, #tpu.memory_space<semaphore_mem>>)
      %slice3A_921 = vector.extract_strided_slice %shift_left3A_856 {offsets = [4], sizes = [1], strides = [1]} : vector<16xi32> to vector<1xi32>
      %squeeze3A_922 = vector.extract %slice3A_921[0] : i32 from vector<1xi32>
      %multiple_of3A_923 = tpu.assume_multiple %squeeze3A_922, 128 : i32
      %dma_start3A_924 = arith.constant 4 : i32
      %dma_start3A_925 = arith.constant 0 : i32
      %dma_start3A_926 = arith.constant 0 : i32
      %dma_start3A_927 = tpu.memref_slice %arg14[%dma_start3A_924, %dma_start3A_925, %dma_start3A_926] : memref<16x16x128xf32, #tpu.memory_space<vmem>> -> memref<1x16x128xf32, #tpu.memory_space<vmem>>
      %dma_start3A_928 = tpu.memref_squeeze %dma_start3A_927 : memref<1x16x128xf32, #tpu.memory_space<vmem>> -> memref<16x128xf32, #tpu.memory_space<vmem>>
      %dma_start3A_929 = arith.constant 0 : i32
      %dma_start3A_930 = tpu.memref_slice %arg5[%dma_start3A_929, %multiple_of3A_923] : memref<16x1000000xf32, #tpu.memory_space<hbm>> -> memref<16x128xf32, #tpu.memory_space<hbm>>
      %dma_start3A_931 = arith.constant 0 : i32
      %dma_start3A_932 = arith.constant 0 : i32
      %dma_start3A_933 = tpu.memref_slice %arg14[%dma_start3A_924, %dma_start3A_931, %dma_start3A_932] : memref<16x16x128xf32, #tpu.memory_space<vmem>> -> memref<1x16x128xf32, #tpu.memory_space<vmem>>
      %dma_start3A_934 = tpu.memref_squeeze %dma_start3A_933 : memref<1x16x128xf32, #tpu.memory_space<vmem>> -> memref<16x128xf32, #tpu.memory_space<vmem>>
      %dma_start3A_935 = arith.constant 0 : i32
      %dma_start3A_936 = tpu.memref_slice %arg5[%dma_start3A_935, %multiple_of3A_923] : memref<16x1000000xf32, #tpu.memory_space<hbm>> -> memref<16x128xf32, #tpu.memory_space<hbm>>
      tpu.enqueue_dma source(%dma_start3A_936 : memref<16x128xf32, #tpu.memory_space<hbm>>) target(%dma_start3A_934 : memref<16x128xf32, #tpu.memory_space<vmem>>) target_semaphore(%arg20 : memref<!tpu.dma_semaphore, #tpu.memory_space<semaphore_mem>>)
      %slice3A_937 = vector.extract_strided_slice %shift_left3A_856 {offsets = [5], sizes = [1], strides = [1]} : vector<16xi32> to vector<1xi32>
      %squeeze3A_938 = vector.extract %slice3A_937[0] : i32 from vector<1xi32>
      %multiple_of3A_939 = tpu.assume_multiple %squeeze3A_938, 128 : i32
      %dma_start3A_940 = arith.constant 5 : i32
      %dma_start3A_941 = arith.constant 0 : i32
      %dma_start3A_942 = arith.constant 0 : i32
      %dma_start3A_943 = tpu.memref_slice %arg14[%dma_start3A_940, %dma_start3A_941, %dma_start3A_942] : memref<16x16x128xf32, #tpu.memory_space<vmem>> -> memref<1x16x128xf32, #tpu.memory_space<vmem>>
      %dma_start3A_944 = tpu.memref_squeeze %dma_start3A_943 : memref<1x16x128xf32, #tpu.memory_space<vmem>> -> memref<16x128xf32, #tpu.memory_space<vmem>>
      %dma_start3A_945 = arith.constant 0 : i32
      %dma_start3A_946 = tpu.memref_slice %arg5[%dma_start3A_945, %multiple_of3A_939] : memref<16x1000000xf32, #tpu.memory_space<hbm>> -> memref<16x128xf32, #tpu.memory_space<hbm>>
      %dma_start3A_947 = arith.constant 0 : i32
      %dma_start3A_948 = arith.constant 0 : i32
      %dma_start3A_949 = tpu.memref_slice %arg14[%dma_start3A_940, %dma_start3A_947, %dma_start3A_948] : memref<16x16x128xf32, #tpu.memory_space<vmem>> -> memref<1x16x128xf32, #tpu.memory_space<vmem>>
      %dma_start3A_950 = tpu.memref_squeeze %dma_start3A_949 : memref<1x16x128xf32, #tpu.memory_space<vmem>> -> memref<16x128xf32, #tpu.memory_space<vmem>>
      %dma_start3A_951 = arith.constant 0 : i32
      %dma_start3A_952 = tpu.memref_slice %arg5[%dma_start3A_951, %multiple_of3A_939] : memref<16x1000000xf32, #tpu.memory_space<hbm>> -> memref<16x128xf32, #tpu.memory_space<hbm>>
      tpu.enqueue_dma source(%dma_start3A_952 : memref<16x128xf32, #tpu.memory_space<hbm>>) target(%dma_start3A_950 : memref<16x128xf32, #tpu.memory_space<vmem>>) target_semaphore(%arg21 : memref<!tpu.dma_semaphore, #tpu.memory_space<semaphore_mem>>)
      %slice3A_953 = vector.extract_strided_slice %shift_left3A_856 {offsets = [6], sizes = [1], strides = [1]} : vector<16xi32> to vector<1xi32>
      %squeeze3A_954 = vector.extract %slice3A_953[0] : i32 from vector<1xi32>
      %multiple_of3A_955 = tpu.assume_multiple %squeeze3A_954, 128 : i32
      %dma_start3A_956 = arith.constant 6 : i32
      %dma_start3A_957 = arith.constant 0 : i32
      %dma_start3A_958 = arith.constant 0 : i32
      %dma_start3A_959 = tpu.memref_slice %arg14[%dma_start3A_956, %dma_start3A_957, %dma_start3A_958] : memref<16x16x128xf32, #tpu.memory_space<vmem>> -> memref<1x16x128xf32, #tpu.memory_space<vmem>>
      %dma_start3A_960 = tpu.memref_squeeze %dma_start3A_959 : memref<1x16x128xf32, #tpu.memory_space<vmem>> -> memref<16x128xf32, #tpu.memory_space<vmem>>
      %dma_start3A_961 = arith.constant 0 : i32
      %dma_start3A_962 = tpu.memref_slice %arg5[%dma_start3A_961, %multiple_of3A_955] : memref<16x1000000xf32, #tpu.memory_space<hbm>> -> memref<16x128xf32, #tpu.memory_space<hbm>>
      %dma_start3A_963 = arith.constant 0 : i32
      %dma_start3A_964 = arith.constant 0 : i32
      %dma_start3A_965 = tpu.memref_slice %arg14[%dma_start3A_956, %dma_start3A_963, %dma_start3A_964] : memref<16x16x128xf32, #tpu.memory_space<vmem>> -> memref<1x16x128xf32, #tpu.memory_space<vmem>>
      %dma_start3A_966 = tpu.memref_squeeze %dma_start3A_965 : memref<1x16x128xf32, #tpu.memory_space<vmem>> -> memref<16x128xf32, #tpu.memory_space<vmem>>
      %dma_start3A_967 = arith.constant 0 : i32
      %dma_start3A_968 = tpu.memref_slice %arg5[%dma_start3A_967, %multiple_of3A_955] : memref<16x1000000xf32, #tpu.memory_space<hbm>> -> memref<16x128xf32, #tpu.memory_space<hbm>>
      tpu.enqueue_dma source(%dma_start3A_968 : memref<16x128xf32, #tpu.memory_space<hbm>>) target(%dma_start3A_966 : memref<16x128xf32, #tpu.memory_space<vmem>>) target_semaphore(%arg24 : memref<!tpu.dma_semaphore, #tpu.memory_space<semaphore_mem>>)
      %slice3A_969 = vector.extract_strided_slice %shift_left3A_856 {offsets = [7], sizes = [1], strides = [1]} : vector<16xi32> to vector<1xi32>
      %squeeze3A_970 = vector.extract %slice3A_969[0] : i32 from vector<1xi32>
      %multiple_of3A_971 = tpu.assume_multiple %squeeze3A_970, 128 : i32
      %dma_start3A_972 = arith.constant 7 : i32
      %dma_start3A_973 = arith.constant 0 : i32
      %dma_start3A_974 = arith.constant 0 : i32
      %dma_start3A_975 = tpu.memref_slice %arg14[%dma_start3A_972, %dma_start3A_973, %dma_start3A_974] : memref<16x16x128xf32, #tpu.memory_space<vmem>> -> memref<1x16x128xf32, #tpu.memory_space<vmem>>
      %dma_start3A_976 = tpu.memref_squeeze %dma_start3A_975 : memref<1x16x128xf32, #tpu.memory_space<vmem>> -> memref<16x128xf32, #tpu.memory_space<vmem>>
      %dma_start3A_977 = arith.constant 0 : i32
      %dma_start3A_978 = tpu.memref_slice %arg5[%dma_start3A_977, %multiple_of3A_971] : memref<16x1000000xf32, #tpu.memory_space<hbm>> -> memref<16x128xf32, #tpu.memory_space<hbm>>
      %dma_start3A_979 = arith.constant 0 : i32
      %dma_start3A_980 = arith.constant 0 : i32
      %dma_start3A_981 = tpu.memref_slice %arg14[%dma_start3A_972, %dma_start3A_979, %dma_start3A_980] : memref<16x16x128xf32, #tpu.memory_space<vmem>> -> memref<1x16x128xf32, #tpu.memory_space<vmem>>
      %dma_start3A_982 = tpu.memref_squeeze %dma_start3A_981 : memref<1x16x128xf32, #tpu.memory_space<vmem>> -> memref<16x128xf32, #tpu.memory_space<vmem>>
      %dma_start3A_983 = arith.constant 0 : i32
      %dma_start3A_984 = tpu.memref_slice %arg5[%dma_start3A_983, %multiple_of3A_971] : memref<16x1000000xf32, #tpu.memory_space<hbm>> -> memref<16x128xf32, #tpu.memory_space<hbm>>
      tpu.enqueue_dma source(%dma_start3A_984 : memref<16x128xf32, #tpu.memory_space<hbm>>) target(%dma_start3A_982 : memref<16x128xf32, #tpu.memory_space<vmem>>) target_semaphore(%arg25 : memref<!tpu.dma_semaphore, #tpu.memory_space<semaphore_mem>>)
      %slice3A_985 = vector.extract_strided_slice %shift_left3A_856 {offsets = [8], sizes = [1], strides = [1]} : vector<16xi32> to vector<1xi32>
      %squeeze3A_986 = vector.extract %slice3A_985[0] : i32 from vector<1xi32>
      %multiple_of3A_987 = tpu.assume_multiple %squeeze3A_986, 128 : i32
      %dma_start3A_988 = arith.constant 8 : i32
      %dma_start3A_989 = arith.constant 0 : i32
      %dma_start3A_990 = arith.constant 0 : i32
      %dma_start3A_991 = tpu.memref_slice %arg14[%dma_start3A_988, %dma_start3A_989, %dma_start3A_990] : memref<16x16x128xf32, #tpu.memory_space<vmem>> -> memref<1x16x128xf32, #tpu.memory_space<vmem>>
      %dma_start3A_992 = tpu.memref_squeeze %dma_start3A_991 : memref<1x16x128xf32, #tpu.memory_space<vmem>> -> memref<16x128xf32, #tpu.memory_space<vmem>>
      %dma_start3A_993 = arith.constant 0 : i32
      %dma_start3A_994 = tpu.memref_slice %arg5[%dma_start3A_993, %multiple_of3A_987] : memref<16x1000000xf32, #tpu.memory_space<hbm>> -> memref<16x128xf32, #tpu.memory_space<hbm>>
      %dma_start3A_995 = arith.constant 0 : i32
      %dma_start3A_996 = arith.constant 0 : i32
      %dma_start3A_997 = tpu.memref_slice %arg14[%dma_start3A_988, %dma_start3A_995, %dma_start3A_996] : memref<16x16x128xf32, #tpu.memory_space<vmem>> -> memref<1x16x128xf32, #tpu.memory_space<vmem>>
      %dma_start3A_998 = tpu.memref_squeeze %dma_start3A_997 : memref<1x16x128xf32, #tpu.memory_space<vmem>> -> memref<16x128xf32, #tpu.memory_space<vmem>>
      %dma_start3A_999 = arith.constant 0 : i32
      %dma_start3A_1000 = tpu.memref_slice %arg5[%dma_start3A_999, %multiple_of3A_987] : memref<16x1000000xf32, #tpu.memory_space<hbm>> -> memref<16x128xf32, #tpu.memory_space<hbm>>
      tpu.enqueue_dma source(%dma_start3A_1000 : memref<16x128xf32, #tpu.memory_space<hbm>>) target(%dma_start3A_998 : memref<16x128xf32, #tpu.memory_space<vmem>>) target_semaphore(%arg20 : memref<!tpu.dma_semaphore, #tpu.memory_space<semaphore_mem>>)
      %slice3A_1001 = vector.extract_strided_slice %shift_left3A_856 {offsets = [9], sizes = [1], strides = [1]} : vector<16xi32> to vector<1xi32>
      %squeeze3A_1002 = vector.extract %slice3A_1001[0] : i32 from vector<1xi32>
      %multiple_of3A_1003 = tpu.assume_multiple %squeeze3A_1002, 128 : i32
      %dma_start3A_1004 = arith.constant 9 : i32
      %dma_start3A_1005 = arith.constant 0 : i32
      %dma_start3A_1006 = arith.constant 0 : i32
      %dma_start3A_1007 = tpu.memref_slice %arg14[%dma_start3A_1004, %dma_start3A_1005, %dma_start3A_1006] : memref<16x16x128xf32, #tpu.memory_space<vmem>> -> memref<1x16x128xf32, #tpu.memory_space<vmem>>
      %dma_start3A_1008 = tpu.memref_squeeze %dma_start3A_1007 : memref<1x16x128xf32, #tpu.memory_space<vmem>> -> memref<16x128xf32, #tpu.memory_space<vmem>>
      %dma_start3A_1009 = arith.constant 0 : i32
      %dma_start3A_1010 = tpu.memref_slice %arg5[%dma_start3A_1009, %multiple_of3A_1003] : memref<16x1000000xf32, #tpu.memory_space<hbm>> -> memref<16x128xf32, #tpu.memory_space<hbm>>
      %dma_start3A_1011 = arith.constant 0 : i32
      %dma_start3A_1012 = arith.constant 0 : i32
      %dma_start3A_1013 = tpu.memref_slice %arg14[%dma_start3A_1004, %dma_start3A_1011, %dma_start3A_1012] : memref<16x16x128xf32, #tpu.memory_space<vmem>> -> memref<1x16x128xf32, #tpu.memory_space<vmem>>
      %dma_start3A_1014 = tpu.memref_squeeze %dma_start3A_1013 : memref<1x16x128xf32, #tpu.memory_space<vmem>> -> memref<16x128xf32, #tpu.memory_space<vmem>>
      %dma_start3A_1015 = arith.constant 0 : i32
      %dma_start3A_1016 = tpu.memref_slice %arg5[%dma_start3A_1015, %multiple_of3A_1003] : memref<16x1000000xf32, #tpu.memory_space<hbm>> -> memref<16x128xf32, #tpu.memory_space<hbm>>
      tpu.enqueue_dma source(%dma_start3A_1016 : memref<16x128xf32, #tpu.memory_space<hbm>>) target(%dma_start3A_1014 : memref<16x128xf32, #tpu.memory_space<vmem>>) target_semaphore(%arg21 : memref<!tpu.dma_semaphore, #tpu.memory_space<semaphore_mem>>)
      %slice3A_1017 = vector.extract_strided_slice %shift_left3A_856 {offsets = [10], sizes = [1], strides = [1]} : vector<16xi32> to vector<1xi32>
      %squeeze3A_1018 = vector.extract %slice3A_1017[0] : i32 from vector<1xi32>
      %multiple_of3A_1019 = tpu.assume_multiple %squeeze3A_1018, 128 : i32
      %dma_start3A_1020 = arith.constant 10 : i32
      %dma_start3A_1021 = arith.constant 0 : i32
      %dma_start3A_1022 = arith.constant 0 : i32
      %dma_start3A_1023 = tpu.memref_slice %arg14[%dma_start3A_1020, %dma_start3A_1021, %dma_start3A_1022] : memref<16x16x128xf32, #tpu.memory_space<vmem>> -> memref<1x16x128xf32, #tpu.memory_space<vmem>>
      %dma_start3A_1024 = tpu.memref_squeeze %dma_start3A_1023 : memref<1x16x128xf32, #tpu.memory_space<vmem>> -> memref<16x128xf32, #tpu.memory_space<vmem>>
      %dma_start3A_1025 = arith.constant 0 : i32
      %dma_start3A_1026 = tpu.memref_slice %arg5[%dma_start3A_1025, %multiple_of3A_1019] : memref<16x1000000xf32, #tpu.memory_space<hbm>> -> memref<16x128xf32, #tpu.memory_space<hbm>>
      %dma_start3A_1027 = arith.constant 0 : i32
      %dma_start3A_1028 = arith.constant 0 : i32
      %dma_start3A_1029 = tpu.memref_slice %arg14[%dma_start3A_1020, %dma_start3A_1027, %dma_start3A_1028] : memref<16x16x128xf32, #tpu.memory_space<vmem>> -> memref<1x16x128xf32, #tpu.memory_space<vmem>>
      %dma_start3A_1030 = tpu.memref_squeeze %dma_start3A_1029 : memref<1x16x128xf32, #tpu.memory_space<vmem>> -> memref<16x128xf32, #tpu.memory_space<vmem>>
      %dma_start3A_1031 = arith.constant 0 : i32
      %dma_start3A_1032 = tpu.memref_slice %arg5[%dma_start3A_1031, %multiple_of3A_1019] : memref<16x1000000xf32, #tpu.memory_space<hbm>> -> memref<16x128xf32, #tpu.memory_space<hbm>>
      tpu.enqueue_dma source(%dma_start3A_1032 : memref<16x128xf32, #tpu.memory_space<hbm>>) target(%dma_start3A_1030 : memref<16x128xf32, #tpu.memory_space<vmem>>) target_semaphore(%arg24 : memref<!tpu.dma_semaphore, #tpu.memory_space<semaphore_mem>>)
      %slice3A_1033 = vector.extract_strided_slice %shift_left3A_856 {offsets = [11], sizes = [1], strides = [1]} : vector<16xi32> to vector<1xi32>
      %squeeze3A_1034 = vector.extract %slice3A_1033[0] : i32 from vector<1xi32>
      %multiple_of3A_1035 = tpu.assume_multiple %squeeze3A_1034, 128 : i32
      %dma_start3A_1036 = arith.constant 11 : i32
      %dma_start3A_1037 = arith.constant 0 : i32
      %dma_start3A_1038 = arith.constant 0 : i32
      %dma_start3A_1039 = tpu.memref_slice %arg14[%dma_start3A_1036, %dma_start3A_1037, %dma_start3A_1038] : memref<16x16x128xf32, #tpu.memory_space<vmem>> -> memref<1x16x128xf32, #tpu.memory_space<vmem>>
      %dma_start3A_1040 = tpu.memref_squeeze %dma_start3A_1039 : memref<1x16x128xf32, #tpu.memory_space<vmem>> -> memref<16x128xf32, #tpu.memory_space<vmem>>
      %dma_start3A_1041 = arith.constant 0 : i32
      %dma_start3A_1042 = tpu.memref_slice %arg5[%dma_start3A_1041, %multiple_of3A_1035] : memref<16x1000000xf32, #tpu.memory_space<hbm>> -> memref<16x128xf32, #tpu.memory_space<hbm>>
      %dma_start3A_1043 = arith.constant 0 : i32
      %dma_start3A_1044 = arith.constant 0 : i32
      %dma_start3A_1045 = tpu.memref_slice %arg14[%dma_start3A_1036, %dma_start3A_1043, %dma_start3A_1044] : memref<16x16x128xf32, #tpu.memory_space<vmem>> -> memref<1x16x128xf32, #tpu.memory_space<vmem>>
      %dma_start3A_1046 = tpu.memref_squeeze %dma_start3A_1045 : memref<1x16x128xf32, #tpu.memory_space<vmem>> -> memref<16x128xf32, #tpu.memory_space<vmem>>
      %dma_start3A_1047 = arith.constant 0 : i32
      %dma_start3A_1048 = tpu.memref_slice %arg5[%dma_start3A_1047, %multiple_of3A_1035] : memref<16x1000000xf32, #tpu.memory_space<hbm>> -> memref<16x128xf32, #tpu.memory_space<hbm>>
      tpu.enqueue_dma source(%dma_start3A_1048 : memref<16x128xf32, #tpu.memory_space<hbm>>) target(%dma_start3A_1046 : memref<16x128xf32, #tpu.memory_space<vmem>>) target_semaphore(%arg25 : memref<!tpu.dma_semaphore, #tpu.memory_space<semaphore_mem>>)
      %slice3A_1049 = vector.extract_strided_slice %shift_left3A_856 {offsets = [12], sizes = [1], strides = [1]} : vector<16xi32> to vector<1xi32>
      %squeeze3A_1050 = vector.extract %slice3A_1049[0] : i32 from vector<1xi32>
      %multiple_of3A_1051 = tpu.assume_multiple %squeeze3A_1050, 128 : i32
      %dma_start3A_1052 = arith.constant 12 : i32
      %dma_start3A_1053 = arith.constant 0 : i32
      %dma_start3A_1054 = arith.constant 0 : i32
      %dma_start3A_1055 = tpu.memref_slice %arg14[%dma_start3A_1052, %dma_start3A_1053, %dma_start3A_1054] : memref<16x16x128xf32, #tpu.memory_space<vmem>> -> memref<1x16x128xf32, #tpu.memory_space<vmem>>
      %dma_start3A_1056 = tpu.memref_squeeze %dma_start3A_1055 : memref<1x16x128xf32, #tpu.memory_space<vmem>> -> memref<16x128xf32, #tpu.memory_space<vmem>>
      %dma_start3A_1057 = arith.constant 0 : i32
      %dma_start3A_1058 = tpu.memref_slice %arg5[%dma_start3A_1057, %multiple_of3A_1051] : memref<16x1000000xf32, #tpu.memory_space<hbm>> -> memref<16x128xf32, #tpu.memory_space<hbm>>
      %dma_start3A_1059 = arith.constant 0 : i32
      %dma_start3A_1060 = arith.constant 0 : i32
      %dma_start3A_1061 = tpu.memref_slice %arg14[%dma_start3A_1052, %dma_start3A_1059, %dma_start3A_1060] : memref<16x16x128xf32, #tpu.memory_space<vmem>> -> memref<1x16x128xf32, #tpu.memory_space<vmem>>
      %dma_start3A_1062 = tpu.memref_squeeze %dma_start3A_1061 : memref<1x16x128xf32, #tpu.memory_space<vmem>> -> memref<16x128xf32, #tpu.memory_space<vmem>>
      %dma_start3A_1063 = arith.constant 0 : i32
      %dma_start3A_1064 = tpu.memref_slice %arg5[%dma_start3A_1063, %multiple_of3A_1051] : memref<16x1000000xf32, #tpu.memory_space<hbm>> -> memref<16x128xf32, #tpu.memory_space<hbm>>
      tpu.enqueue_dma source(%dma_start3A_1064 : memref<16x128xf32, #tpu.memory_space<hbm>>) target(%dma_start3A_1062 : memref<16x128xf32, #tpu.memory_space<vmem>>) target_semaphore(%arg20 : memref<!tpu.dma_semaphore, #tpu.memory_space<semaphore_mem>>)
      %slice3A_1065 = vector.extract_strided_slice %shift_left3A_856 {offsets = [13], sizes = [1], strides = [1]} : vector<16xi32> to vector<1xi32>
      %squeeze3A_1066 = vector.extract %slice3A_1065[0] : i32 from vector<1xi32>
      %multiple_of3A_1067 = tpu.assume_multiple %squeeze3A_1066, 128 : i32
      %dma_start3A_1068 = arith.constant 13 : i32
      %dma_start3A_1069 = arith.constant 0 : i32
      %dma_start3A_1070 = arith.constant 0 : i32
      %dma_start3A_1071 = tpu.memref_slice %arg14[%dma_start3A_1068, %dma_start3A_1069, %dma_start3A_1070] : memref<16x16x128xf32, #tpu.memory_space<vmem>> -> memref<1x16x128xf32, #tpu.memory_space<vmem>>
      %dma_start3A_1072 = tpu.memref_squeeze %dma_start3A_1071 : memref<1x16x128xf32, #tpu.memory_space<vmem>> -> memref<16x128xf32, #tpu.memory_space<vmem>>
      %dma_start3A_1073 = arith.constant 0 : i32
      %dma_start3A_1074 = tpu.memref_slice %arg5[%dma_start3A_1073, %multiple_of3A_1067] : memref<16x1000000xf32, #tpu.memory_space<hbm>> -> memref<16x128xf32, #tpu.memory_space<hbm>>
      %dma_start3A_1075 = arith.constant 0 : i32
      %dma_start3A_1076 = arith.constant 0 : i32
      %dma_start3A_1077 = tpu.memref_slice %arg14[%dma_start3A_1068, %dma_start3A_1075, %dma_start3A_1076] : memref<16x16x128xf32, #tpu.memory_space<vmem>> -> memref<1x16x128xf32, #tpu.memory_space<vmem>>
      %dma_start3A_1078 = tpu.memref_squeeze %dma_start3A_1077 : memref<1x16x128xf32, #tpu.memory_space<vmem>> -> memref<16x128xf32, #tpu.memory_space<vmem>>
      %dma_start3A_1079 = arith.constant 0 : i32
      %dma_start3A_1080 = tpu.memref_slice %arg5[%dma_start3A_1079, %multiple_of3A_1067] : memref<16x1000000xf32, #tpu.memory_space<hbm>> -> memref<16x128xf32, #tpu.memory_space<hbm>>
      tpu.enqueue_dma source(%dma_start3A_1080 : memref<16x128xf32, #tpu.memory_space<hbm>>) target(%dma_start3A_1078 : memref<16x128xf32, #tpu.memory_space<vmem>>) target_semaphore(%arg21 : memref<!tpu.dma_semaphore, #tpu.memory_space<semaphore_mem>>)
      %slice3A_1081 = vector.extract_strided_slice %shift_left3A_856 {offsets = [14], sizes = [1], strides = [1]} : vector<16xi32> to vector<1xi32>
      %squeeze3A_1082 = vector.extract %slice3A_1081[0] : i32 from vector<1xi32>
      %multiple_of3A_1083 = tpu.assume_multiple %squeeze3A_1082, 128 : i32
      %dma_start3A_1084 = arith.constant 14 : i32
      %dma_start3A_1085 = arith.constant 0 : i32
      %dma_start3A_1086 = arith.constant 0 : i32
      %dma_start3A_1087 = tpu.memref_slice %arg14[%dma_start3A_1084, %dma_start3A_1085, %dma_start3A_1086] : memref<16x16x128xf32, #tpu.memory_space<vmem>> -> memref<1x16x128xf32, #tpu.memory_space<vmem>>
      %dma_start3A_1088 = tpu.memref_squeeze %dma_start3A_1087 : memref<1x16x128xf32, #tpu.memory_space<vmem>> -> memref<16x128xf32, #tpu.memory_space<vmem>>
      %dma_start3A_1089 = arith.constant 0 : i32
      %dma_start3A_1090 = tpu.memref_slice %arg5[%dma_start3A_1089, %multiple_of3A_1083] : memref<16x1000000xf32, #tpu.memory_space<hbm>> -> memref<16x128xf32, #tpu.memory_space<hbm>>
      %dma_start3A_1091 = arith.constant 0 : i32
      %dma_start3A_1092 = arith.constant 0 : i32
      %dma_start3A_1093 = tpu.memref_slice %arg14[%dma_start3A_1084, %dma_start3A_1091, %dma_start3A_1092] : memref<16x16x128xf32, #tpu.memory_space<vmem>> -> memref<1x16x128xf32, #tpu.memory_space<vmem>>
      %dma_start3A_1094 = tpu.memref_squeeze %dma_start3A_1093 : memref<1x16x128xf32, #tpu.memory_space<vmem>> -> memref<16x128xf32, #tpu.memory_space<vmem>>
      %dma_start3A_1095 = arith.constant 0 : i32
      %dma_start3A_1096 = tpu.memref_slice %arg5[%dma_start3A_1095, %multiple_of3A_1083] : memref<16x1000000xf32, #tpu.memory_space<hbm>> -> memref<16x128xf32, #tpu.memory_space<hbm>>
      tpu.enqueue_dma source(%dma_start3A_1096 : memref<16x128xf32, #tpu.memory_space<hbm>>) target(%dma_start3A_1094 : memref<16x128xf32, #tpu.memory_space<vmem>>) target_semaphore(%arg24 : memref<!tpu.dma_semaphore, #tpu.memory_space<semaphore_mem>>)
      %slice3A_1097 = vector.extract_strided_slice %shift_left3A_856 {offsets = [15], sizes = [1], strides = [1]} : vector<16xi32> to vector<1xi32>
      %squeeze3A_1098 = vector.extract %slice3A_1097[0] : i32 from vector<1xi32>
      %multiple_of3A_1099 = tpu.assume_multiple %squeeze3A_1098, 128 : i32
      %dma_start3A_1100 = arith.constant 15 : i32
      %dma_start3A_1101 = arith.constant 0 : i32
      %dma_start3A_1102 = arith.constant 0 : i32
      %dma_start3A_1103 = tpu.memref_slice %arg14[%dma_start3A_1100, %dma_start3A_1101, %dma_start3A_1102] : memref<16x16x128xf32, #tpu.memory_space<vmem>> -> memref<1x16x128xf32, #tpu.memory_space<vmem>>
      %dma_start3A_1104 = tpu.memref_squeeze %dma_start3A_1103 : memref<1x16x128xf32, #tpu.memory_space<vmem>> -> memref<16x128xf32, #tpu.memory_space<vmem>>
      %dma_start3A_1105 = arith.constant 0 : i32
      %dma_start3A_1106 = tpu.memref_slice %arg5[%dma_start3A_1105, %multiple_of3A_1099] : memref<16x1000000xf32, #tpu.memory_space<hbm>> -> memref<16x128xf32, #tpu.memory_space<hbm>>
      %dma_start3A_1107 = arith.constant 0 : i32
      %dma_start3A_1108 = arith.constant 0 : i32
      %dma_start3A_1109 = tpu.memref_slice %arg14[%dma_start3A_1100, %dma_start3A_1107, %dma_start3A_1108] : memref<16x16x128xf32, #tpu.memory_space<vmem>> -> memref<1x16x128xf32, #tpu.memory_space<vmem>>
      %dma_start3A_1110 = tpu.memref_squeeze %dma_start3A_1109 : memref<1x16x128xf32, #tpu.memory_space<vmem>> -> memref<16x128xf32, #tpu.memory_space<vmem>>
      %dma_start3A_1111 = arith.constant 0 : i32
      %dma_start3A_1112 = tpu.memref_slice %arg5[%dma_start3A_1111, %multiple_of3A_1099] : memref<16x1000000xf32, #tpu.memory_space<hbm>> -> memref<16x128xf32, #tpu.memory_space<hbm>>
      tpu.enqueue_dma source(%dma_start3A_1112 : memref<16x128xf32, #tpu.memory_space<hbm>>) target(%dma_start3A_1110 : memref<16x128xf32, #tpu.memory_space<vmem>>) target_semaphore(%arg25 : memref<!tpu.dma_semaphore, #tpu.memory_space<semaphore_mem>>)
      %dma_wait3A_1113 = arith.constant 0 : i32
      %dma_wait3A_1114 = arith.constant 0 : i32
      %dma_wait3A_1115 = arith.constant 0 : i32
      %dma_wait3A_1116 = tpu.memref_slice %arg15[%dma_wait3A_1113, %dma_wait3A_1114, %dma_wait3A_1115] : memref<16x16x128xf32, #tpu.memory_space<vmem>> -> memref<1x16x128xf32, #tpu.memory_space<vmem>>
      %dma_wait3A_1117 = tpu.memref_squeeze %dma_wait3A_1116 : memref<1x16x128xf32, #tpu.memory_space<vmem>> -> memref<16x128xf32, #tpu.memory_space<vmem>>
      %dma_wait3A_1118 = arith.constant 0 : i32
      %dma_wait3A_1119 = arith.constant 0 : i32
      %dma_wait3A_1120 = tpu.memref_slice %arg4[%dma_wait3A_1118, %dma_wait3A_1119] : memref<16x1000000xf32, #tpu.memory_space<hbm>> -> memref<16x128xf32, #tpu.memory_space<hbm>>
      %dma_wait3A_1121 = arith.constant 0 : i32
      %dma_wait3A_1122 = arith.constant 0 : i32
      %dma_wait3A_1123 = tpu.memref_slice %arg15[%dma_wait3A_1113, %dma_wait3A_1121, %dma_wait3A_1122] : memref<16x16x128xf32, #tpu.memory_space<vmem>> -> memref<1x16x128xf32, #tpu.memory_space<vmem>>
      %dma_wait3A_1124 = tpu.memref_squeeze %dma_wait3A_1123 : memref<1x16x128xf32, #tpu.memory_space<vmem>> -> memref<16x128xf32, #tpu.memory_space<vmem>>
      %dma_wait3A_1125 = arith.constant 0 : i32
      %dma_wait3A_1126 = arith.constant 0 : i32
      %dma_wait3A_1127 = tpu.memref_slice %arg4[%dma_wait3A_1125, %dma_wait3A_1126] : memref<16x1000000xf32, #tpu.memory_space<hbm>> -> memref<16x128xf32, #tpu.memory_space<hbm>>
      tpu.wait_dma2 semaphore(%arg22 : memref<!tpu.dma_semaphore, #tpu.memory_space<semaphore_mem>>) src(%dma_wait3A_1127 : memref<16x128xf32, #tpu.memory_space<hbm>>) dst(%dma_wait3A_1124 : memref<16x128xf32, #tpu.memory_space<vmem>>)
      %dma_wait3A_1128 = arith.constant 1 : i32
      %dma_wait3A_1129 = arith.constant 0 : i32
      %dma_wait3A_1130 = arith.constant 0 : i32
      %dma_wait3A_1131 = tpu.memref_slice %arg15[%dma_wait3A_1128, %dma_wait3A_1129, %dma_wait3A_1130] : memref<16x16x128xf32, #tpu.memory_space<vmem>> -> memref<1x16x128xf32, #tpu.memory_space<vmem>>
      %dma_wait3A_1132 = tpu.memref_squeeze %dma_wait3A_1131 : memref<1x16x128xf32, #tpu.memory_space<vmem>> -> memref<16x128xf32, #tpu.memory_space<vmem>>
      %dma_wait3A_1133 = arith.constant 0 : i32
      %dma_wait3A_1134 = arith.constant 0 : i32
      %dma_wait3A_1135 = tpu.memref_slice %arg4[%dma_wait3A_1133, %dma_wait3A_1134] : memref<16x1000000xf32, #tpu.memory_space<hbm>> -> memref<16x128xf32, #tpu.memory_space<hbm>>
      %dma_wait3A_1136 = arith.constant 0 : i32
      %dma_wait3A_1137 = arith.constant 0 : i32
      %dma_wait3A_1138 = tpu.memref_slice %arg15[%dma_wait3A_1128, %dma_wait3A_1136, %dma_wait3A_1137] : memref<16x16x128xf32, #tpu.memory_space<vmem>> -> memref<1x16x128xf32, #tpu.memory_space<vmem>>
      %dma_wait3A_1139 = tpu.memref_squeeze %dma_wait3A_1138 : memref<1x16x128xf32, #tpu.memory_space<vmem>> -> memref<16x128xf32, #tpu.memory_space<vmem>>
      %dma_wait3A_1140 = arith.constant 0 : i32
      %dma_wait3A_1141 = arith.constant 0 : i32
      %dma_wait3A_1142 = tpu.memref_slice %arg4[%dma_wait3A_1140, %dma_wait3A_1141] : memref<16x1000000xf32, #tpu.memory_space<hbm>> -> memref<16x128xf32, #tpu.memory_space<hbm>>
      tpu.wait_dma2 semaphore(%arg23 : memref<!tpu.dma_semaphore, #tpu.memory_space<semaphore_mem>>) src(%dma_wait3A_1142 : memref<16x128xf32, #tpu.memory_space<hbm>>) dst(%dma_wait3A_1139 : memref<16x128xf32, #tpu.memory_space<vmem>>)
      %dma_wait3A_1143 = arith.constant 2 : i32
      %dma_wait3A_1144 = arith.constant 0 : i32
      %dma_wait3A_1145 = arith.constant 0 : i32
      %dma_wait3A_1146 = tpu.memref_slice %arg15[%dma_wait3A_1143, %dma_wait3A_1144, %dma_wait3A_1145] : memref<16x16x128xf32, #tpu.memory_space<vmem>> -> memref<1x16x128xf32, #tpu.memory_space<vmem>>
      %dma_wait3A_1147 = tpu.memref_squeeze %dma_wait3A_1146 : memref<1x16x128xf32, #tpu.memory_space<vmem>> -> memref<16x128xf32, #tpu.memory_space<vmem>>
      %dma_wait3A_1148 = arith.constant 0 : i32
      %dma_wait3A_1149 = arith.constant 0 : i32
      %dma_wait3A_1150 = tpu.memref_slice %arg4[%dma_wait3A_1148, %dma_wait3A_1149] : memref<16x1000000xf32, #tpu.memory_space<hbm>> -> memref<16x128xf32, #tpu.memory_space<hbm>>
      %dma_wait3A_1151 = arith.constant 0 : i32
      %dma_wait3A_1152 = arith.constant 0 : i32
      %dma_wait3A_1153 = tpu.memref_slice %arg15[%dma_wait3A_1143, %dma_wait3A_1151, %dma_wait3A_1152] : memref<16x16x128xf32, #tpu.memory_space<vmem>> -> memref<1x16x128xf32, #tpu.memory_space<vmem>>
      %dma_wait3A_1154 = tpu.memref_squeeze %dma_wait3A_1153 : memref<1x16x128xf32, #tpu.memory_space<vmem>> -> memref<16x128xf32, #tpu.memory_space<vmem>>
      %dma_wait3A_1155 = arith.constant 0 : i32
      %dma_wait3A_1156 = arith.constant 0 : i32
      %dma_wait3A_1157 = tpu.memref_slice %arg4[%dma_wait3A_1155, %dma_wait3A_1156] : memref<16x1000000xf32, #tpu.memory_space<hbm>> -> memref<16x128xf32, #tpu.memory_space<hbm>>
      tpu.wait_dma2 semaphore(%arg26 : memref<!tpu.dma_semaphore, #tpu.memory_space<semaphore_mem>>) src(%dma_wait3A_1157 : memref<16x128xf32, #tpu.memory_space<hbm>>) dst(%dma_wait3A_1154 : memref<16x128xf32, #tpu.memory_space<vmem>>)
      %dma_wait3A_1158 = arith.constant 3 : i32
      %dma_wait3A_1159 = arith.constant 0 : i32
      %dma_wait3A_1160 = arith.constant 0 : i32
      %dma_wait3A_1161 = tpu.memref_slice %arg15[%dma_wait3A_1158, %dma_wait3A_1159, %dma_wait3A_1160] : memref<16x16x128xf32, #tpu.memory_space<vmem>> -> memref<1x16x128xf32, #tpu.memory_space<vmem>>
      %dma_wait3A_1162 = tpu.memref_squeeze %dma_wait3A_1161 : memref<1x16x128xf32, #tpu.memory_space<vmem>> -> memref<16x128xf32, #tpu.memory_space<vmem>>
      %dma_wait3A_1163 = arith.constant 0 : i32
      %dma_wait3A_1164 = arith.constant 0 : i32
      %dma_wait3A_1165 = tpu.memref_slice %arg4[%dma_wait3A_1163, %dma_wait3A_1164] : memref<16x1000000xf32, #tpu.memory_space<hbm>> -> memref<16x128xf32, #tpu.memory_space<hbm>>
      %dma_wait3A_1166 = arith.constant 0 : i32
      %dma_wait3A_1167 = arith.constant 0 : i32
      %dma_wait3A_1168 = tpu.memref_slice %arg15[%dma_wait3A_1158, %dma_wait3A_1166, %dma_wait3A_1167] : memref<16x16x128xf32, #tpu.memory_space<vmem>> -> memref<1x16x128xf32, #tpu.memory_space<vmem>>
      %dma_wait3A_1169 = tpu.memref_squeeze %dma_wait3A_1168 : memref<1x16x128xf32, #tpu.memory_space<vmem>> -> memref<16x128xf32, #tpu.memory_space<vmem>>
      %dma_wait3A_1170 = arith.constant 0 : i32
      %dma_wait3A_1171 = arith.constant 0 : i32
      %dma_wait3A_1172 = tpu.memref_slice %arg4[%dma_wait3A_1170, %dma_wait3A_1171] : memref<16x1000000xf32, #tpu.memory_space<hbm>> -> memref<16x128xf32, #tpu.memory_space<hbm>>
      tpu.wait_dma2 semaphore(%arg27 : memref<!tpu.dma_semaphore, #tpu.memory_space<semaphore_mem>>) src(%dma_wait3A_1172 : memref<16x128xf32, #tpu.memory_space<hbm>>) dst(%dma_wait3A_1169 : memref<16x128xf32, #tpu.memory_space<vmem>>)
      %dma_wait3A_1173 = arith.constant 4 : i32
      %dma_wait3A_1174 = arith.constant 0 : i32
      %dma_wait3A_1175 = arith.constant 0 : i32
      %dma_wait3A_1176 = tpu.memref_slice %arg15[%dma_wait3A_1173, %dma_wait3A_1174, %dma_wait3A_1175] : memref<16x16x128xf32, #tpu.memory_space<vmem>> -> memref<1x16x128xf32, #tpu.memory_space<vmem>>
      %dma_wait3A_1177 = tpu.memref_squeeze %dma_wait3A_1176 : memref<1x16x128xf32, #tpu.memory_space<vmem>> -> memref<16x128xf32, #tpu.memory_space<vmem>>
      %dma_wait3A_1178 = arith.constant 0 : i32
      %dma_wait3A_1179 = arith.constant 0 : i32
      %dma_wait3A_1180 = tpu.memref_slice %arg4[%dma_wait3A_1178, %dma_wait3A_1179] : memref<16x1000000xf32, #tpu.memory_space<hbm>> -> memref<16x128xf32, #tpu.memory_space<hbm>>
      %dma_wait3A_1181 = arith.constant 0 : i32
      %dma_wait3A_1182 = arith.constant 0 : i32
      %dma_wait3A_1183 = tpu.memref_slice %arg15[%dma_wait3A_1173, %dma_wait3A_1181, %dma_wait3A_1182] : memref<16x16x128xf32, #tpu.memory_space<vmem>> -> memref<1x16x128xf32, #tpu.memory_space<vmem>>
      %dma_wait3A_1184 = tpu.memref_squeeze %dma_wait3A_1183 : memref<1x16x128xf32, #tpu.memory_space<vmem>> -> memref<16x128xf32, #tpu.memory_space<vmem>>
      %dma_wait3A_1185 = arith.constant 0 : i32
      %dma_wait3A_1186 = arith.constant 0 : i32
      %dma_wait3A_1187 = tpu.memref_slice %arg4[%dma_wait3A_1185, %dma_wait3A_1186] : memref<16x1000000xf32, #tpu.memory_space<hbm>> -> memref<16x128xf32, #tpu.memory_space<hbm>>
      tpu.wait_dma2 semaphore(%arg22 : memref<!tpu.dma_semaphore, #tpu.memory_space<semaphore_mem>>) src(%dma_wait3A_1187 : memref<16x128xf32, #tpu.memory_space<hbm>>) dst(%dma_wait3A_1184 : memref<16x128xf32, #tpu.memory_space<vmem>>)
      %dma_wait3A_1188 = arith.constant 5 : i32
      %dma_wait3A_1189 = arith.constant 0 : i32
      %dma_wait3A_1190 = arith.constant 0 : i32
      %dma_wait3A_1191 = tpu.memref_slice %arg15[%dma_wait3A_1188, %dma_wait3A_1189, %dma_wait3A_1190] : memref<16x16x128xf32, #tpu.memory_space<vmem>> -> memref<1x16x128xf32, #tpu.memory_space<vmem>>
      %dma_wait3A_1192 = tpu.memref_squeeze %dma_wait3A_1191 : memref<1x16x128xf32, #tpu.memory_space<vmem>> -> memref<16x128xf32, #tpu.memory_space<vmem>>
      %dma_wait3A_1193 = arith.constant 0 : i32
      %dma_wait3A_1194 = arith.constant 0 : i32
      %dma_wait3A_1195 = tpu.memref_slice %arg4[%dma_wait3A_1193, %dma_wait3A_1194] : memref<16x1000000xf32, #tpu.memory_space<hbm>> -> memref<16x128xf32, #tpu.memory_space<hbm>>
      %dma_wait3A_1196 = arith.constant 0 : i32
      %dma_wait3A_1197 = arith.constant 0 : i32
      %dma_wait3A_1198 = tpu.memref_slice %arg15[%dma_wait3A_1188, %dma_wait3A_1196, %dma_wait3A_1197] : memref<16x16x128xf32, #tpu.memory_space<vmem>> -> memref<1x16x128xf32, #tpu.memory_space<vmem>>
      %dma_wait3A_1199 = tpu.memref_squeeze %dma_wait3A_1198 : memref<1x16x128xf32, #tpu.memory_space<vmem>> -> memref<16x128xf32, #tpu.memory_space<vmem>>
      %dma_wait3A_1200 = arith.constant 0 : i32
      %dma_wait3A_1201 = arith.constant 0 : i32
      %dma_wait3A_1202 = tpu.memref_slice %arg4[%dma_wait3A_1200, %dma_wait3A_1201] : memref<16x1000000xf32, #tpu.memory_space<hbm>> -> memref<16x128xf32, #tpu.memory_space<hbm>>
      tpu.wait_dma2 semaphore(%arg23 : memref<!tpu.dma_semaphore, #tpu.memory_space<semaphore_mem>>) src(%dma_wait3A_1202 : memref<16x128xf32, #tpu.memory_space<hbm>>) dst(%dma_wait3A_1199 : memref<16x128xf32, #tpu.memory_space<vmem>>)
      %dma_wait3A_1203 = arith.constant 6 : i32
      %dma_wait3A_1204 = arith.constant 0 : i32
      %dma_wait3A_1205 = arith.constant 0 : i32
      %dma_wait3A_1206 = tpu.memref_slice %arg15[%dma_wait3A_1203, %dma_wait3A_1204, %dma_wait3A_1205] : memref<16x16x128xf32, #tpu.memory_space<vmem>> -> memref<1x16x128xf32, #tpu.memory_space<vmem>>
      %dma_wait3A_1207 = tpu.memref_squeeze %dma_wait3A_1206 : memref<1x16x128xf32, #tpu.memory_space<vmem>> -> memref<16x128xf32, #tpu.memory_space<vmem>>
      %dma_wait3A_1208 = arith.constant 0 : i32
      %dma_wait3A_1209 = arith.constant 0 : i32
      %dma_wait3A_1210 = tpu.memref_slice %arg4[%dma_wait3A_1208, %dma_wait3A_1209] : memref<16x1000000xf32, #tpu.memory_space<hbm>> -> memref<16x128xf32, #tpu.memory_space<hbm>>
      %dma_wait3A_1211 = arith.constant 0 : i32
      %dma_wait3A_1212 = arith.constant 0 : i32
      %dma_wait3A_1213 = tpu.memref_slice %arg15[%dma_wait3A_1203, %dma_wait3A_1211, %dma_wait3A_1212] : memref<16x16x128xf32, #tpu.memory_space<vmem>> -> memref<1x16x128xf32, #tpu.memory_space<vmem>>
      %dma_wait3A_1214 = tpu.memref_squeeze %dma_wait3A_1213 : memref<1x16x128xf32, #tpu.memory_space<vmem>> -> memref<16x128xf32, #tpu.memory_space<vmem>>
      %dma_wait3A_1215 = arith.constant 0 : i32
      %dma_wait3A_1216 = arith.constant 0 : i32
      %dma_wait3A_1217 = tpu.memref_slice %arg4[%dma_wait3A_1215, %dma_wait3A_1216] : memref<16x1000000xf32, #tpu.memory_space<hbm>> -> memref<16x128xf32, #tpu.memory_space<hbm>>
      tpu.wait_dma2 semaphore(%arg26 : memref<!tpu.dma_semaphore, #tpu.memory_space<semaphore_mem>>) src(%dma_wait3A_1217 : memref<16x128xf32, #tpu.memory_space<hbm>>) dst(%dma_wait3A_1214 : memref<16x128xf32, #tpu.memory_space<vmem>>)
      %dma_wait3A_1218 = arith.constant 7 : i32
      %dma_wait3A_1219 = arith.constant 0 : i32
      %dma_wait3A_1220 = arith.constant 0 : i32
      %dma_wait3A_1221 = tpu.memref_slice %arg15[%dma_wait3A_1218, %dma_wait3A_1219, %dma_wait3A_1220] : memref<16x16x128xf32, #tpu.memory_space<vmem>> -> memref<1x16x128xf32, #tpu.memory_space<vmem>>
      %dma_wait3A_1222 = tpu.memref_squeeze %dma_wait3A_1221 : memref<1x16x128xf32, #tpu.memory_space<vmem>> -> memref<16x128xf32, #tpu.memory_space<vmem>>
      %dma_wait3A_1223 = arith.constant 0 : i32
      %dma_wait3A_1224 = arith.constant 0 : i32
      %dma_wait3A_1225 = tpu.memref_slice %arg4[%dma_wait3A_1223, %dma_wait3A_1224] : memref<16x1000000xf32, #tpu.memory_space<hbm>> -> memref<16x128xf32, #tpu.memory_space<hbm>>
      %dma_wait3A_1226 = arith.constant 0 : i32
      %dma_wait3A_1227 = arith.constant 0 : i32
      %dma_wait3A_1228 = tpu.memref_slice %arg15[%dma_wait3A_1218, %dma_wait3A_1226, %dma_wait3A_1227] : memref<16x16x128xf32, #tpu.memory_space<vmem>> -> memref<1x16x128xf32, #tpu.memory_space<vmem>>
      %dma_wait3A_1229 = tpu.memref_squeeze %dma_wait3A_1228 : memref<1x16x128xf32, #tpu.memory_space<vmem>> -> memref<16x128xf32, #tpu.memory_space<vmem>>
      %dma_wait3A_1230 = arith.constant 0 : i32
      %dma_wait3A_1231 = arith.constant 0 : i32
      %dma_wait3A_1232 = tpu.memref_slice %arg4[%dma_wait3A_1230, %dma_wait3A_1231] : memref<16x1000000xf32, #tpu.memory_space<hbm>> -> memref<16x128xf32, #tpu.memory_space<hbm>>
      tpu.wait_dma2 semaphore(%arg27 : memref<!tpu.dma_semaphore, #tpu.memory_space<semaphore_mem>>) src(%dma_wait3A_1232 : memref<16x128xf32, #tpu.memory_space<hbm>>) dst(%dma_wait3A_1229 : memref<16x128xf32, #tpu.memory_space<vmem>>)
      %dma_wait3A_1233 = arith.constant 8 : i32
      %dma_wait3A_1234 = arith.constant 0 : i32
      %dma_wait3A_1235 = arith.constant 0 : i32
      %dma_wait3A_1236 = tpu.memref_slice %arg15[%dma_wait3A_1233, %dma_wait3A_1234, %dma_wait3A_1235] : memref<16x16x128xf32, #tpu.memory_space<vmem>> -> memref<1x16x128xf32, #tpu.memory_space<vmem>>
      %dma_wait3A_1237 = tpu.memref_squeeze %dma_wait3A_1236 : memref<1x16x128xf32, #tpu.memory_space<vmem>> -> memref<16x128xf32, #tpu.memory_space<vmem>>
      %dma_wait3A_1238 = arith.constant 0 : i32
      %dma_wait3A_1239 = arith.constant 0 : i32
      %dma_wait3A_1240 = tpu.memref_slice %arg4[%dma_wait3A_1238, %dma_wait3A_1239] : memref<16x1000000xf32, #tpu.memory_space<hbm>> -> memref<16x128xf32, #tpu.memory_space<hbm>>
      %dma_wait3A_1241 = arith.constant 0 : i32
      %dma_wait3A_1242 = arith.constant 0 : i32
      %dma_wait3A_1243 = tpu.memref_slice %arg15[%dma_wait3A_1233, %dma_wait3A_1241, %dma_wait3A_1242] : memref<16x16x128xf32, #tpu.memory_space<vmem>> -> memref<1x16x128xf32, #tpu.memory_space<vmem>>
      %dma_wait3A_1244 = tpu.memref_squeeze %dma_wait3A_1243 : memref<1x16x128xf32, #tpu.memory_space<vmem>> -> memref<16x128xf32, #tpu.memory_space<vmem>>
      %dma_wait3A_1245 = arith.constant 0 : i32
      %dma_wait3A_1246 = arith.constant 0 : i32
      %dma_wait3A_1247 = tpu.memref_slice %arg4[%dma_wait3A_1245, %dma_wait3A_1246] : memref<16x1000000xf32, #tpu.memory_space<hbm>> -> memref<16x128xf32, #tpu.memory_space<hbm>>
      tpu.wait_dma2 semaphore(%arg22 : memref<!tpu.dma_semaphore, #tpu.memory_space<semaphore_mem>>) src(%dma_wait3A_1247 : memref<16x128xf32, #tpu.memory_space<hbm>>) dst(%dma_wait3A_1244 : memref<16x128xf32, #tpu.memory_space<vmem>>)
      %dma_wait3A_1248 = arith.constant 9 : i32
      %dma_wait3A_1249 = arith.constant 0 : i32
      %dma_wait3A_1250 = arith.constant 0 : i32
      %dma_wait3A_1251 = tpu.memref_slice %arg15[%dma_wait3A_1248, %dma_wait3A_1249, %dma_wait3A_1250] : memref<16x16x128xf32, #tpu.memory_space<vmem>> -> memref<1x16x128xf32, #tpu.memory_space<vmem>>
      %dma_wait3A_1252 = tpu.memref_squeeze %dma_wait3A_1251 : memref<1x16x128xf32, #tpu.memory_space<vmem>> -> memref<16x128xf32, #tpu.memory_space<vmem>>
      %dma_wait3A_1253 = arith.constant 0 : i32
      %dma_wait3A_1254 = arith.constant 0 : i32
      %dma_wait3A_1255 = tpu.memref_slice %arg4[%dma_wait3A_1253, %dma_wait3A_1254] : memref<16x1000000xf32, #tpu.memory_space<hbm>> -> memref<16x128xf32, #tpu.memory_space<hbm>>
      %dma_wait3A_1256 = arith.constant 0 : i32
      %dma_wait3A_1257 = arith.constant 0 : i32
      %dma_wait3A_1258 = tpu.memref_slice %arg15[%dma_wait3A_1248, %dma_wait3A_1256, %dma_wait3A_1257] : memref<16x16x128xf32, #tpu.memory_space<vmem>> -> memref<1x16x128xf32, #tpu.memory_space<vmem>>
      %dma_wait3A_1259 = tpu.memref_squeeze %dma_wait3A_1258 : memref<1x16x128xf32, #tpu.memory_space<vmem>> -> memref<16x128xf32, #tpu.memory_space<vmem>>
      %dma_wait3A_1260 = arith.constant 0 : i32
      %dma_wait3A_1261 = arith.constant 0 : i32
      %dma_wait3A_1262 = tpu.memref_slice %arg4[%dma_wait3A_1260, %dma_wait3A_1261] : memref<16x1000000xf32, #tpu.memory_space<hbm>> -> memref<16x128xf32, #tpu.memory_space<hbm>>
      tpu.wait_dma2 semaphore(%arg23 : memref<!tpu.dma_semaphore, #tpu.memory_space<semaphore_mem>>) src(%dma_wait3A_1262 : memref<16x128xf32, #tpu.memory_space<hbm>>) dst(%dma_wait3A_1259 : memref<16x128xf32, #tpu.memory_space<vmem>>)
      %dma_wait3A_1263 = arith.constant 10 : i32
      %dma_wait3A_1264 = arith.constant 0 : i32
      %dma_wait3A_1265 = arith.constant 0 : i32
      %dma_wait3A_1266 = tpu.memref_slice %arg15[%dma_wait3A_1263, %dma_wait3A_1264, %dma_wait3A_1265] : memref<16x16x128xf32, #tpu.memory_space<vmem>> -> memref<1x16x128xf32, #tpu.memory_space<vmem>>
      %dma_wait3A_1267 = tpu.memref_squeeze %dma_wait3A_1266 : memref<1x16x128xf32, #tpu.memory_space<vmem>> -> memref<16x128xf32, #tpu.memory_space<vmem>>
      %dma_wait3A_1268 = arith.constant 0 : i32
      %dma_wait3A_1269 = arith.constant 0 : i32
      %dma_wait3A_1270 = tpu.memref_slice %arg4[%dma_wait3A_1268, %dma_wait3A_1269] : memref<16x1000000xf32, #tpu.memory_space<hbm>> -> memref<16x128xf32, #tpu.memory_space<hbm>>
      %dma_wait3A_1271 = arith.constant 0 : i32
      %dma_wait3A_1272 = arith.constant 0 : i32
      %dma_wait3A_1273 = tpu.memref_slice %arg15[%dma_wait3A_1263, %dma_wait3A_1271, %dma_wait3A_1272] : memref<16x16x128xf32, #tpu.memory_space<vmem>> -> memref<1x16x128xf32, #tpu.memory_space<vmem>>
      %dma_wait3A_1274 = tpu.memref_squeeze %dma_wait3A_1273 : memref<1x16x128xf32, #tpu.memory_space<vmem>> -> memref<16x128xf32, #tpu.memory_space<vmem>>
      %dma_wait3A_1275 = arith.constant 0 : i32
      %dma_wait3A_1276 = arith.constant 0 : i32
      %dma_wait3A_1277 = tpu.memref_slice %arg4[%dma_wait3A_1275, %dma_wait3A_1276] : memref<16x1000000xf32, #tpu.memory_space<hbm>> -> memref<16x128xf32, #tpu.memory_space<hbm>>
      tpu.wait_dma2 semaphore(%arg26 : memref<!tpu.dma_semaphore, #tpu.memory_space<semaphore_mem>>) src(%dma_wait3A_1277 : memref<16x128xf32, #tpu.memory_space<hbm>>) dst(%dma_wait3A_1274 : memref<16x128xf32, #tpu.memory_space<vmem>>)
      %dma_wait3A_1278 = arith.constant 11 : i32
      %dma_wait3A_1279 = arith.constant 0 : i32
      %dma_wait3A_1280 = arith.constant 0 : i32
      %dma_wait3A_1281 = tpu.memref_slice %arg15[%dma_wait3A_1278, %dma_wait3A_1279, %dma_wait3A_1280] : memref<16x16x128xf32, #tpu.memory_space<vmem>> -> memref<1x16x128xf32, #tpu.memory_space<vmem>>
      %dma_wait3A_1282 = tpu.memref_squeeze %dma_wait3A_1281 : memref<1x16x128xf32, #tpu.memory_space<vmem>> -> memref<16x128xf32, #tpu.memory_space<vmem>>
      %dma_wait3A_1283 = arith.constant 0 : i32
      %dma_wait3A_1284 = arith.constant 0 : i32
      %dma_wait3A_1285 = tpu.memref_slice %arg4[%dma_wait3A_1283, %dma_wait3A_1284] : memref<16x1000000xf32, #tpu.memory_space<hbm>> -> memref<16x128xf32, #tpu.memory_space<hbm>>
      %dma_wait3A_1286 = arith.constant 0 : i32
      %dma_wait3A_1287 = arith.constant 0 : i32
      %dma_wait3A_1288 = tpu.memref_slice %arg15[%dma_wait3A_1278, %dma_wait3A_1286, %dma_wait3A_1287] : memref<16x16x128xf32, #tpu.memory_space<vmem>> -> memref<1x16x128xf32, #tpu.memory_space<vmem>>
      %dma_wait3A_1289 = tpu.memref_squeeze %dma_wait3A_1288 : memref<1x16x128xf32, #tpu.memory_space<vmem>> -> memref<16x128xf32, #tpu.memory_space<vmem>>
      %dma_wait3A_1290 = arith.constant 0 : i32
      %dma_wait3A_1291 = arith.constant 0 : i32
      %dma_wait3A_1292 = tpu.memref_slice %arg4[%dma_wait3A_1290, %dma_wait3A_1291] : memref<16x1000000xf32, #tpu.memory_space<hbm>> -> memref<16x128xf32, #tpu.memory_space<hbm>>
      tpu.wait_dma2 semaphore(%arg27 : memref<!tpu.dma_semaphore, #tpu.memory_space<semaphore_mem>>) src(%dma_wait3A_1292 : memref<16x128xf32, #tpu.memory_space<hbm>>) dst(%dma_wait3A_1289 : memref<16x128xf32, #tpu.memory_space<vmem>>)
      %dma_wait3A_1293 = arith.constant 12 : i32
      %dma_wait3A_1294 = arith.constant 0 : i32
      %dma_wait3A_1295 = arith.constant 0 : i32
      %dma_wait3A_1296 = tpu.memref_slice %arg15[%dma_wait3A_1293, %dma_wait3A_1294, %dma_wait3A_1295] : memref<16x16x128xf32, #tpu.memory_space<vmem>> -> memref<1x16x128xf32, #tpu.memory_space<vmem>>
      %dma_wait3A_1297 = tpu.memref_squeeze %dma_wait3A_1296 : memref<1x16x128xf32, #tpu.memory_space<vmem>> -> memref<16x128xf32, #tpu.memory_space<vmem>>
      %dma_wait3A_1298 = arith.constant 0 : i32
      %dma_wait3A_1299 = arith.constant 0 : i32
      %dma_wait3A_1300 = tpu.memref_slice %arg4[%dma_wait3A_1298, %dma_wait3A_1299] : memref<16x1000000xf32, #tpu.memory_space<hbm>> -> memref<16x128xf32, #tpu.memory_space<hbm>>
      %dma_wait3A_1301 = arith.constant 0 : i32
      %dma_wait3A_1302 = arith.constant 0 : i32
      %dma_wait3A_1303 = tpu.memref_slice %arg15[%dma_wait3A_1293, %dma_wait3A_1301, %dma_wait3A_1302] : memref<16x16x128xf32, #tpu.memory_space<vmem>> -> memref<1x16x128xf32, #tpu.memory_space<vmem>>
      %dma_wait3A_1304 = tpu.memref_squeeze %dma_wait3A_1303 : memref<1x16x128xf32, #tpu.memory_space<vmem>> -> memref<16x128xf32, #tpu.memory_space<vmem>>
      %dma_wait3A_1305 = arith.constant 0 : i32
      %dma_wait3A_1306 = arith.constant 0 : i32
      %dma_wait3A_1307 = tpu.memref_slice %arg4[%dma_wait3A_1305, %dma_wait3A_1306] : memref<16x1000000xf32, #tpu.memory_space<hbm>> -> memref<16x128xf32, #tpu.memory_space<hbm>>
      tpu.wait_dma2 semaphore(%arg22 : memref<!tpu.dma_semaphore, #tpu.memory_space<semaphore_mem>>) src(%dma_wait3A_1307 : memref<16x128xf32, #tpu.memory_space<hbm>>) dst(%dma_wait3A_1304 : memref<16x128xf32, #tpu.memory_space<vmem>>)
      %dma_wait3A_1308 = arith.constant 13 : i32
      %dma_wait3A_1309 = arith.constant 0 : i32
      %dma_wait3A_1310 = arith.constant 0 : i32
      %dma_wait3A_1311 = tpu.memref_slice %arg15[%dma_wait3A_1308, %dma_wait3A_1309, %dma_wait3A_1310] : memref<16x16x128xf32, #tpu.memory_space<vmem>> -> memref<1x16x128xf32, #tpu.memory_space<vmem>>
      %dma_wait3A_1312 = tpu.memref_squeeze %dma_wait3A_1311 : memref<1x16x128xf32, #tpu.memory_space<vmem>> -> memref<16x128xf32, #tpu.memory_space<vmem>>
      %dma_wait3A_1313 = arith.constant 0 : i32
      %dma_wait3A_1314 = arith.constant 0 : i32
      %dma_wait3A_1315 = tpu.memref_slice %arg4[%dma_wait3A_1313, %dma_wait3A_1314] : memref<16x1000000xf32, #tpu.memory_space<hbm>> -> memref<16x128xf32, #tpu.memory_space<hbm>>
      %dma_wait3A_1316 = arith.constant 0 : i32
      %dma_wait3A_1317 = arith.constant 0 : i32
      %dma_wait3A_1318 = tpu.memref_slice %arg15[%dma_wait3A_1308, %dma_wait3A_1316, %dma_wait3A_1317] : memref<16x16x128xf32, #tpu.memory_space<vmem>> -> memref<1x16x128xf32, #tpu.memory_space<vmem>>
      %dma_wait3A_1319 = tpu.memref_squeeze %dma_wait3A_1318 : memref<1x16x128xf32, #tpu.memory_space<vmem>> -> memref<16x128xf32, #tpu.memory_space<vmem>>
      %dma_wait3A_1320 = arith.constant 0 : i32
      %dma_wait3A_1321 = arith.constant 0 : i32
      %dma_wait3A_1322 = tpu.memref_slice %arg4[%dma_wait3A_1320, %dma_wait3A_1321] : memref<16x1000000xf32, #tpu.memory_space<hbm>> -> memref<16x128xf32, #tpu.memory_space<hbm>>
      tpu.wait_dma2 semaphore(%arg23 : memref<!tpu.dma_semaphore, #tpu.memory_space<semaphore_mem>>) src(%dma_wait3A_1322 : memref<16x128xf32, #tpu.memory_space<hbm>>) dst(%dma_wait3A_1319 : memref<16x128xf32, #tpu.memory_space<vmem>>)
      %dma_wait3A_1323 = arith.constant 14 : i32
      %dma_wait3A_1324 = arith.constant 0 : i32
      %dma_wait3A_1325 = arith.constant 0 : i32
      %dma_wait3A_1326 = tpu.memref_slice %arg15[%dma_wait3A_1323, %dma_wait3A_1324, %dma_wait3A_1325] : memref<16x16x128xf32, #tpu.memory_space<vmem>> -> memref<1x16x128xf32, #tpu.memory_space<vmem>>
      %dma_wait3A_1327 = tpu.memref_squeeze %dma_wait3A_1326 : memref<1x16x128xf32, #tpu.memory_space<vmem>> -> memref<16x128xf32, #tpu.memory_space<vmem>>
      %dma_wait3A_1328 = arith.constant 0 : i32
      %dma_wait3A_1329 = arith.constant 0 : i32
      %dma_wait3A_1330 = tpu.memref_slice %arg4[%dma_wait3A_1328, %dma_wait3A_1329] : memref<16x1000000xf32, #tpu.memory_space<hbm>> -> memref<16x128xf32, #tpu.memory_space<hbm>>
      %dma_wait3A_1331 = arith.constant 0 : i32
      %dma_wait3A_1332 = arith.constant 0 : i32
      %dma_wait3A_1333 = tpu.memref_slice %arg15[%dma_wait3A_1323, %dma_wait3A_1331, %dma_wait3A_1332] : memref<16x16x128xf32, #tpu.memory_space<vmem>> -> memref<1x16x128xf32, #tpu.memory_space<vmem>>
      %dma_wait3A_1334 = tpu.memref_squeeze %dma_wait3A_1333 : memref<1x16x128xf32, #tpu.memory_space<vmem>> -> memref<16x128xf32, #tpu.memory_space<vmem>>
      %dma_wait3A_1335 = arith.constant 0 : i32
      %dma_wait3A_1336 = arith.constant 0 : i32
      %dma_wait3A_1337 = tpu.memref_slice %arg4[%dma_wait3A_1335, %dma_wait3A_1336] : memref<16x1000000xf32, #tpu.memory_space<hbm>> -> memref<16x128xf32, #tpu.memory_space<hbm>>
      tpu.wait_dma2 semaphore(%arg26 : memref<!tpu.dma_semaphore, #tpu.memory_space<semaphore_mem>>) src(%dma_wait3A_1337 : memref<16x128xf32, #tpu.memory_space<hbm>>) dst(%dma_wait3A_1334 : memref<16x128xf32, #tpu.memory_space<vmem>>)
      %dma_wait3A_1338 = arith.constant 15 : i32
      %dma_wait3A_1339 = arith.constant 0 : i32
      %dma_wait3A_1340 = arith.constant 0 : i32
      %dma_wait3A_1341 = tpu.memref_slice %arg15[%dma_wait3A_1338, %dma_wait3A_1339, %dma_wait3A_1340] : memref<16x16x128xf32, #tpu.memory_space<vmem>> -> memref<1x16x128xf32, #tpu.memory_space<vmem>>
      %dma_wait3A_1342 = tpu.memref_squeeze %dma_wait3A_1341 : memref<1x16x128xf32, #tpu.memory_space<vmem>> -> memref<16x128xf32, #tpu.memory_space<vmem>>
      %dma_wait3A_1343 = arith.constant 0 : i32
      %dma_wait3A_1344 = arith.constant 0 : i32
      %dma_wait3A_1345 = tpu.memref_slice %arg4[%dma_wait3A_1343, %dma_wait3A_1344] : memref<16x1000000xf32, #tpu.memory_space<hbm>> -> memref<16x128xf32, #tpu.memory_space<hbm>>
      %dma_wait3A_1346 = arith.constant 0 : i32
      %dma_wait3A_1347 = arith.constant 0 : i32
      %dma_wait3A_1348 = tpu.memref_slice %arg15[%dma_wait3A_1338, %dma_wait3A_1346, %dma_wait3A_1347] : memref<16x16x128xf32, #tpu.memory_space<vmem>> -> memref<1x16x128xf32, #tpu.memory_space<vmem>>
      %dma_wait3A_1349 = tpu.memref_squeeze %dma_wait3A_1348 : memref<1x16x128xf32, #tpu.memory_space<vmem>> -> memref<16x128xf32, #tpu.memory_space<vmem>>
      %dma_wait3A_1350 = arith.constant 0 : i32
      %dma_wait3A_1351 = arith.constant 0 : i32
      %dma_wait3A_1352 = tpu.memref_slice %arg4[%dma_wait3A_1350, %dma_wait3A_1351] : memref<16x1000000xf32, #tpu.memory_space<hbm>> -> memref<16x128xf32, #tpu.memory_space<hbm>>
      tpu.wait_dma2 semaphore(%arg27 : memref<!tpu.dma_semaphore, #tpu.memory_space<semaphore_mem>>) src(%dma_wait3A_1352 : memref<16x128xf32, #tpu.memory_space<hbm>>) dst(%dma_wait3A_1349 : memref<16x128xf32, #tpu.memory_space<vmem>>)
      %mul3A_1353 = arith.constant 16 : i32
      %mul3A_1354 = arith.muli %scan3A_282, %mul3A_1353 : i32
      %get3A_1355 = arith.index_cast %mul3A_1354 : i32 to index
      %get3A_1356 = tpu.vector_load %arg12[%get3A_1355] {strides = array<i32>} : memref<512xi32, #tpu.memory_space<vmem>>, vector<16xi32>,
      %and3A_1357 = arith.constant 127 : i32
      %and3A_1358 = vector.broadcast %and3A_1357 : i32 to vector<16xi32>
      %and3A_1359 = arith.andi %get3A_1356, %and3A_1358 : vector<16xi32>
      %broadcast_in_dim3A_1360 = arith.constant 0 : i32
      %broadcast_in_dim3A_1361 = vector.broadcast %broadcast_in_dim3A_1360 : i32 to vector<16xi32>
      %gather3A_1362 = tpu.vector_load_idx %arg15[%iota3A, %broadcast_in_dim3A_1361, %and3A_1359] : memref<16x16x128xf32, #tpu.memory_space<vmem>>[vector<16xi32>, vector<16xi32>, vector<16xi32>], vector<16xf32>,
      tpu.vector_store_idx %arg18[%iota3A, %broadcast_in_dim3A_1361], %gather3A_1362 : memref<16x16xf32, #tpu.memory_space<vmem>>[vector<16xi32>, vector<16xi32>], vector<16xf32>,
      %broadcast_in_dim3A_1363 = arith.constant 1 : i32
      %broadcast_in_dim3A_1364 = vector.broadcast %broadcast_in_dim3A_1363 : i32 to vector<16xi32>
      %gather3A_1365 = tpu.vector_load_idx %arg15[%iota3A, %broadcast_in_dim3A_1364, %and3A_1359] : memref<16x16x128xf32, #tpu.memory_space<vmem>>[vector<16xi32>, vector<16xi32>, vector<16xi32>], vector<16xf32>,
      tpu.vector_store_idx %arg18[%iota3A, %broadcast_in_dim3A_1364], %gather3A_1365 : memref<16x16xf32, #tpu.memory_space<vmem>>[vector<16xi32>, vector<16xi32>], vector<16xf32>,
      %broadcast_in_dim3A_1366 = arith.constant 2 : i32
      %broadcast_in_dim3A_1367 = vector.broadcast %broadcast_in_dim3A_1366 : i32 to vector<16xi32>
      %gather3A_1368 = tpu.vector_load_idx %arg15[%iota3A, %broadcast_in_dim3A_1367, %and3A_1359] : memref<16x16x128xf32, #tpu.memory_space<vmem>>[vector<16xi32>, vector<16xi32>, vector<16xi32>], vector<16xf32>,
      tpu.vector_store_idx %arg18[%iota3A, %broadcast_in_dim3A_1367], %gather3A_1368 : memref<16x16xf32, #tpu.memory_space<vmem>>[vector<16xi32>, vector<16xi32>], vector<16xf32>,
      %broadcast_in_dim3A_1369 = arith.constant 3 : i32
      %broadcast_in_dim3A_1370 = vector.broadcast %broadcast_in_dim3A_1369 : i32 to vector<16xi32>
      %gather3A_1371 = tpu.vector_load_idx %arg15[%iota3A, %broadcast_in_dim3A_1370, %and3A_1359] : memref<16x16x128xf32, #tpu.memory_space<vmem>>[vector<16xi32>, vector<16xi32>, vector<16xi32>], vector<16xf32>,
      tpu.vector_store_idx %arg18[%iota3A, %broadcast_in_dim3A_1370], %gather3A_1371 : memref<16x16xf32, #tpu.memory_space<vmem>>[vector<16xi32>, vector<16xi32>], vector<16xf32>,
      %broadcast_in_dim3A_1372 = arith.constant 4 : i32
      %broadcast_in_dim3A_1373 = vector.broadcast %broadcast_in_dim3A_1372 : i32 to vector<16xi32>
      %gather3A_1374 = tpu.vector_load_idx %arg15[%iota3A, %broadcast_in_dim3A_1373, %and3A_1359] : memref<16x16x128xf32, #tpu.memory_space<vmem>>[vector<16xi32>, vector<16xi32>, vector<16xi32>], vector<16xf32>,
      tpu.vector_store_idx %arg18[%iota3A, %broadcast_in_dim3A_1373], %gather3A_1374 : memref<16x16xf32, #tpu.memory_space<vmem>>[vector<16xi32>, vector<16xi32>], vector<16xf32>,
      %broadcast_in_dim3A_1375 = arith.constant 5 : i32
      %broadcast_in_dim3A_1376 = vector.broadcast %broadcast_in_dim3A_1375 : i32 to vector<16xi32>
      %gather3A_1377 = tpu.vector_load_idx %arg15[%iota3A, %broadcast_in_dim3A_1376, %and3A_1359] : memref<16x16x128xf32, #tpu.memory_space<vmem>>[vector<16xi32>, vector<16xi32>, vector<16xi32>], vector<16xf32>,
      tpu.vector_store_idx %arg18[%iota3A, %broadcast_in_dim3A_1376], %gather3A_1377 : memref<16x16xf32, #tpu.memory_space<vmem>>[vector<16xi32>, vector<16xi32>], vector<16xf32>,
      %broadcast_in_dim3A_1378 = arith.constant 6 : i32
      %broadcast_in_dim3A_1379 = vector.broadcast %broadcast_in_dim3A_1378 : i32 to vector<16xi32>
      %gather3A_1380 = tpu.vector_load_idx %arg15[%iota3A, %broadcast_in_dim3A_1379, %and3A_1359] : memref<16x16x128xf32, #tpu.memory_space<vmem>>[vector<16xi32>, vector<16xi32>, vector<16xi32>], vector<16xf32>,
      tpu.vector_store_idx %arg18[%iota3A, %broadcast_in_dim3A_1379], %gather3A_1380 : memref<16x16xf32, #tpu.memory_space<vmem>>[vector<16xi32>, vector<16xi32>], vector<16xf32>,
      %broadcast_in_dim3A_1381 = arith.constant 7 : i32
      %broadcast_in_dim3A_1382 = vector.broadcast %broadcast_in_dim3A_1381 : i32 to vector<16xi32>
      %gather3A_1383 = tpu.vector_load_idx %arg15[%iota3A, %broadcast_in_dim3A_1382, %and3A_1359] : memref<16x16x128xf32, #tpu.memory_space<vmem>>[vector<16xi32>, vector<16xi32>, vector<16xi32>], vector<16xf32>,
      tpu.vector_store_idx %arg18[%iota3A, %broadcast_in_dim3A_1382], %gather3A_1383 : memref<16x16xf32, #tpu.memory_space<vmem>>[vector<16xi32>, vector<16xi32>], vector<16xf32>,
      %broadcast_in_dim3A_1384 = arith.constant 8 : i32
      %broadcast_in_dim3A_1385 = vector.broadcast %broadcast_in_dim3A_1384 : i32 to vector<16xi32>
      %gather3A_1386 = tpu.vector_load_idx %arg15[%iota3A, %broadcast_in_dim3A_1385, %and3A_1359] : memref<16x16x128xf32, #tpu.memory_space<vmem>>[vector<16xi32>, vector<16xi32>, vector<16xi32>], vector<16xf32>,
      tpu.vector_store_idx %arg18[%iota3A, %broadcast_in_dim3A_1385], %gather3A_1386 : memref<16x16xf32, #tpu.memory_space<vmem>>[vector<16xi32>, vector<16xi32>], vector<16xf32>,
      %broadcast_in_dim3A_1387 = arith.constant 9 : i32
      %broadcast_in_dim3A_1388 = vector.broadcast %broadcast_in_dim3A_1387 : i32 to vector<16xi32>
      %gather3A_1389 = tpu.vector_load_idx %arg15[%iota3A, %broadcast_in_dim3A_1388, %and3A_1359] : memref<16x16x128xf32, #tpu.memory_space<vmem>>[vector<16xi32>, vector<16xi32>, vector<16xi32>], vector<16xf32>,
      tpu.vector_store_idx %arg18[%iota3A, %broadcast_in_dim3A_1388], %gather3A_1389 : memref<16x16xf32, #tpu.memory_space<vmem>>[vector<16xi32>, vector<16xi32>], vector<16xf32>,
      %broadcast_in_dim3A_1390 = arith.constant 10 : i32
      %broadcast_in_dim3A_1391 = vector.broadcast %broadcast_in_dim3A_1390 : i32 to vector<16xi32>
      %gather3A_1392 = tpu.vector_load_idx %arg15[%iota3A, %broadcast_in_dim3A_1391, %and3A_1359] : memref<16x16x128xf32, #tpu.memory_space<vmem>>[vector<16xi32>, vector<16xi32>, vector<16xi32>], vector<16xf32>,
      tpu.vector_store_idx %arg18[%iota3A, %broadcast_in_dim3A_1391], %gather3A_1392 : memref<16x16xf32, #tpu.memory_space<vmem>>[vector<16xi32>, vector<16xi32>], vector<16xf32>,
      %broadcast_in_dim3A_1393 = arith.constant 11 : i32
      %broadcast_in_dim3A_1394 = vector.broadcast %broadcast_in_dim3A_1393 : i32 to vector<16xi32>
      %gather3A_1395 = tpu.vector_load_idx %arg15[%iota3A, %broadcast_in_dim3A_1394, %and3A_1359] : memref<16x16x128xf32, #tpu.memory_space<vmem>>[vector<16xi32>, vector<16xi32>, vector<16xi32>], vector<16xf32>,
      tpu.vector_store_idx %arg18[%iota3A, %broadcast_in_dim3A_1394], %gather3A_1395 : memref<16x16xf32, #tpu.memory_space<vmem>>[vector<16xi32>, vector<16xi32>], vector<16xf32>,
      %broadcast_in_dim3A_1396 = arith.constant 12 : i32
      %broadcast_in_dim3A_1397 = vector.broadcast %broadcast_in_dim3A_1396 : i32 to vector<16xi32>
      %gather3A_1398 = tpu.vector_load_idx %arg15[%iota3A, %broadcast_in_dim3A_1397, %and3A_1359] : memref<16x16x128xf32, #tpu.memory_space<vmem>>[vector<16xi32>, vector<16xi32>, vector<16xi32>], vector<16xf32>,
      tpu.vector_store_idx %arg18[%iota3A, %broadcast_in_dim3A_1397], %gather3A_1398 : memref<16x16xf32, #tpu.memory_space<vmem>>[vector<16xi32>, vector<16xi32>], vector<16xf32>,
      %broadcast_in_dim3A_1399 = arith.constant 13 : i32
      %broadcast_in_dim3A_1400 = vector.broadcast %broadcast_in_dim3A_1399 : i32 to vector<16xi32>
      %gather3A_1401 = tpu.vector_load_idx %arg15[%iota3A, %broadcast_in_dim3A_1400, %and3A_1359] : memref<16x16x128xf32, #tpu.memory_space<vmem>>[vector<16xi32>, vector<16xi32>, vector<16xi32>], vector<16xf32>,
      tpu.vector_store_idx %arg18[%iota3A, %broadcast_in_dim3A_1400], %gather3A_1401 : memref<16x16xf32, #tpu.memory_space<vmem>>[vector<16xi32>, vector<16xi32>], vector<16xf32>,
      %broadcast_in_dim3A_1402 = arith.constant 14 : i32
      %broadcast_in_dim3A_1403 = vector.broadcast %broadcast_in_dim3A_1402 : i32 to vector<16xi32>
      %gather3A_1404 = tpu.vector_load_idx %arg15[%iota3A, %broadcast_in_dim3A_1403, %and3A_1359] : memref<16x16x128xf32, #tpu.memory_space<vmem>>[vector<16xi32>, vector<16xi32>, vector<16xi32>], vector<16xf32>,
      tpu.vector_store_idx %arg18[%iota3A, %broadcast_in_dim3A_1403], %gather3A_1404 : memref<16x16xf32, #tpu.memory_space<vmem>>[vector<16xi32>, vector<16xi32>], vector<16xf32>,
      %broadcast_in_dim3A_1405 = arith.constant 15 : i32
      %broadcast_in_dim3A_1406 = vector.broadcast %broadcast_in_dim3A_1405 : i32 to vector<16xi32>
      %gather3A_1407 = tpu.vector_load_idx %arg15[%iota3A, %broadcast_in_dim3A_1406, %and3A_1359] : memref<16x16x128xf32, #tpu.memory_space<vmem>>[vector<16xi32>, vector<16xi32>, vector<16xi32>], vector<16xf32>,
      tpu.vector_store_idx %arg18[%iota3A, %broadcast_in_dim3A_1406], %gather3A_1407 : memref<16x16xf32, #tpu.memory_space<vmem>>[vector<16xi32>, vector<16xi32>], vector<16xf32>,
      %mul3A_1408 = arith.constant 16 : i32
      %mul3A_1409 = arith.muli %scan3A_282, %mul3A_1408 : i32
      %get3A_1410 = arith.index_cast %mul3A_1409 : i32 to index
      %get3A_1411 = tpu.vector_load %arg13[%get3A_1410] {strides = array<i32>} : memref<512xi32, #tpu.memory_space<vmem>>, vector<16xi32>,
      %shift_right_logical3A_1412 = arith.constant 7 : i32
      %shift_right_logical3A_1413 = vector.broadcast %shift_right_logical3A_1412 : i32 to vector<16xi32>
      %shift_right_logical3A_1414 = arith.shrui %get3A_1411, %shift_right_logical3A_1413 : vector<16xi32>
      %shift_left3A_1415 = arith.constant 7 : i32
      %shift_left3A_1416 = vector.broadcast %shift_left3A_1415 : i32 to vector<16xi32>
      %shift_left3A_1417 = arith.shli %shift_right_logical3A_1414, %shift_left3A_1416 : vector<16xi32>
      %slice3A_1418 = vector.extract_strided_slice %shift_left3A_1417 {offsets = [0], sizes = [1], strides = [1]} : vector<16xi32> to vector<1xi32>
      %squeeze3A_1419 = vector.extract %slice3A_1418[0] : i32 from vector<1xi32>
      %multiple_of3A_1420 = tpu.assume_multiple %squeeze3A_1419, 128 : i32
      %dma_start3A_1421 = arith.constant 0 : i32
      %dma_start3A_1422 = arith.constant 0 : i32
      %dma_start3A_1423 = arith.constant 0 : i32
      %dma_start3A_1424 = tpu.memref_slice %arg15[%dma_start3A_1421, %dma_start3A_1422, %dma_start3A_1423] : memref<16x16x128xf32, #tpu.memory_space<vmem>> -> memref<1x16x128xf32, #tpu.memory_space<vmem>>
      %dma_start3A_1425 = tpu.memref_squeeze %dma_start3A_1424 : memref<1x16x128xf32, #tpu.memory_space<vmem>> -> memref<16x128xf32, #tpu.memory_space<vmem>>
      %dma_start3A_1426 = arith.constant 0 : i32
      %dma_start3A_1427 = tpu.memref_slice %arg7[%dma_start3A_1426, %multiple_of3A_1420] : memref<16x1000000xf32, #tpu.memory_space<hbm>> -> memref<16x128xf32, #tpu.memory_space<hbm>>
      %dma_start3A_1428 = arith.constant 0 : i32
      %dma_start3A_1429 = arith.constant 0 : i32
      %dma_start3A_1430 = tpu.memref_slice %arg15[%dma_start3A_1421, %dma_start3A_1428, %dma_start3A_1429] : memref<16x16x128xf32, #tpu.memory_space<vmem>> -> memref<1x16x128xf32, #tpu.memory_space<vmem>>
      %dma_start3A_1431 = tpu.memref_squeeze %dma_start3A_1430 : memref<1x16x128xf32, #tpu.memory_space<vmem>> -> memref<16x128xf32, #tpu.memory_space<vmem>>
      %dma_start3A_1432 = arith.constant 0 : i32
      %dma_start3A_1433 = tpu.memref_slice %arg7[%dma_start3A_1432, %multiple_of3A_1420] : memref<16x1000000xf32, #tpu.memory_space<hbm>> -> memref<16x128xf32, #tpu.memory_space<hbm>>
      tpu.enqueue_dma source(%dma_start3A_1433 : memref<16x128xf32, #tpu.memory_space<hbm>>) target(%dma_start3A_1431 : memref<16x128xf32, #tpu.memory_space<vmem>>) target_semaphore(%arg22 : memref<!tpu.dma_semaphore, #tpu.memory_space<semaphore_mem>>)
      %slice3A_1434 = vector.extract_strided_slice %shift_left3A_1417 {offsets = [1], sizes = [1], strides = [1]} : vector<16xi32> to vector<1xi32>
      %squeeze3A_1435 = vector.extract %slice3A_1434[0] : i32 from vector<1xi32>
      %multiple_of3A_1436 = tpu.assume_multiple %squeeze3A_1435, 128 : i32
      %dma_start3A_1437 = arith.constant 1 : i32
      %dma_start3A_1438 = arith.constant 0 : i32
      %dma_start3A_1439 = arith.constant 0 : i32
      %dma_start3A_1440 = tpu.memref_slice %arg15[%dma_start3A_1437, %dma_start3A_1438, %dma_start3A_1439] : memref<16x16x128xf32, #tpu.memory_space<vmem>> -> memref<1x16x128xf32, #tpu.memory_space<vmem>>
      %dma_start3A_1441 = tpu.memref_squeeze %dma_start3A_1440 : memref<1x16x128xf32, #tpu.memory_space<vmem>> -> memref<16x128xf32, #tpu.memory_space<vmem>>
      %dma_start3A_1442 = arith.constant 0 : i32
      %dma_start3A_1443 = tpu.memref_slice %arg7[%dma_start3A_1442, %multiple_of3A_1436] : memref<16x1000000xf32, #tpu.memory_space<hbm>> -> memref<16x128xf32, #tpu.memory_space<hbm>>
      %dma_start3A_1444 = arith.constant 0 : i32
      %dma_start3A_1445 = arith.constant 0 : i32
      %dma_start3A_1446 = tpu.memref_slice %arg15[%dma_start3A_1437, %dma_start3A_1444, %dma_start3A_1445] : memref<16x16x128xf32, #tpu.memory_space<vmem>> -> memref<1x16x128xf32, #tpu.memory_space<vmem>>
      %dma_start3A_1447 = tpu.memref_squeeze %dma_start3A_1446 : memref<1x16x128xf32, #tpu.memory_space<vmem>> -> memref<16x128xf32, #tpu.memory_space<vmem>>
      %dma_start3A_1448 = arith.constant 0 : i32
      %dma_start3A_1449 = tpu.memref_slice %arg7[%dma_start3A_1448, %multiple_of3A_1436] : memref<16x1000000xf32, #tpu.memory_space<hbm>> -> memref<16x128xf32, #tpu.memory_space<hbm>>
      tpu.enqueue_dma source(%dma_start3A_1449 : memref<16x128xf32, #tpu.memory_space<hbm>>) target(%dma_start3A_1447 : memref<16x128xf32, #tpu.memory_space<vmem>>) target_semaphore(%arg23 : memref<!tpu.dma_semaphore, #tpu.memory_space<semaphore_mem>>)
      %slice3A_1450 = vector.extract_strided_slice %shift_left3A_1417 {offsets = [2], sizes = [1], strides = [1]} : vector<16xi32> to vector<1xi32>
      %squeeze3A_1451 = vector.extract %slice3A_1450[0] : i32 from vector<1xi32>
      %multiple_of3A_1452 = tpu.assume_multiple %squeeze3A_1451, 128 : i32
      %dma_start3A_1453 = arith.constant 2 : i32
      %dma_start3A_1454 = arith.constant 0 : i32
      %dma_start3A_1455 = arith.constant 0 : i32
      %dma_start3A_1456 = tpu.memref_slice %arg15[%dma_start3A_1453, %dma_start3A_1454, %dma_start3A_1455] : memref<16x16x128xf32, #tpu.memory_space<vmem>> -> memref<1x16x128xf32, #tpu.memory_space<vmem>>
      %dma_start3A_1457 = tpu.memref_squeeze %dma_start3A_1456 : memref<1x16x128xf32, #tpu.memory_space<vmem>> -> memref<16x128xf32, #tpu.memory_space<vmem>>
      %dma_start3A_1458 = arith.constant 0 : i32
      %dma_start3A_1459 = tpu.memref_slice %arg7[%dma_start3A_1458, %multiple_of3A_1452] : memref<16x1000000xf32, #tpu.memory_space<hbm>> -> memref<16x128xf32, #tpu.memory_space<hbm>>
      %dma_start3A_1460 = arith.constant 0 : i32
      %dma_start3A_1461 = arith.constant 0 : i32
      %dma_start3A_1462 = tpu.memref_slice %arg15[%dma_start3A_1453, %dma_start3A_1460, %dma_start3A_1461] : memref<16x16x128xf32, #tpu.memory_space<vmem>> -> memref<1x16x128xf32, #tpu.memory_space<vmem>>
      %dma_start3A_1463 = tpu.memref_squeeze %dma_start3A_1462 : memref<1x16x128xf32, #tpu.memory_space<vmem>> -> memref<16x128xf32, #tpu.memory_space<vmem>>
      %dma_start3A_1464 = arith.constant 0 : i32
      %dma_start3A_1465 = tpu.memref_slice %arg7[%dma_start3A_1464, %multiple_of3A_1452] : memref<16x1000000xf32, #tpu.memory_space<hbm>> -> memref<16x128xf32, #tpu.memory_space<hbm>>
      tpu.enqueue_dma source(%dma_start3A_1465 : memref<16x128xf32, #tpu.memory_space<hbm>>) target(%dma_start3A_1463 : memref<16x128xf32, #tpu.memory_space<vmem>>) target_semaphore(%arg26 : memref<!tpu.dma_semaphore, #tpu.memory_space<semaphore_mem>>)
      %slice3A_1466 = vector.extract_strided_slice %shift_left3A_1417 {offsets = [3], sizes = [1], strides = [1]} : vector<16xi32> to vector<1xi32>
      %squeeze3A_1467 = vector.extract %slice3A_1466[0] : i32 from vector<1xi32>
      %multiple_of3A_1468 = tpu.assume_multiple %squeeze3A_1467, 128 : i32
      %dma_start3A_1469 = arith.constant 3 : i32
      %dma_start3A_1470 = arith.constant 0 : i32
      %dma_start3A_1471 = arith.constant 0 : i32
      %dma_start3A_1472 = tpu.memref_slice %arg15[%dma_start3A_1469, %dma_start3A_1470, %dma_start3A_1471] : memref<16x16x128xf32, #tpu.memory_space<vmem>> -> memref<1x16x128xf32, #tpu.memory_space<vmem>>
      %dma_start3A_1473 = tpu.memref_squeeze %dma_start3A_1472 : memref<1x16x128xf32, #tpu.memory_space<vmem>> -> memref<16x128xf32, #tpu.memory_space<vmem>>
      %dma_start3A_1474 = arith.constant 0 : i32
      %dma_start3A_1475 = tpu.memref_slice %arg7[%dma_start3A_1474, %multiple_of3A_1468] : memref<16x1000000xf32, #tpu.memory_space<hbm>> -> memref<16x128xf32, #tpu.memory_space<hbm>>
      %dma_start3A_1476 = arith.constant 0 : i32
      %dma_start3A_1477 = arith.constant 0 : i32
      %dma_start3A_1478 = tpu.memref_slice %arg15[%dma_start3A_1469, %dma_start3A_1476, %dma_start3A_1477] : memref<16x16x128xf32, #tpu.memory_space<vmem>> -> memref<1x16x128xf32, #tpu.memory_space<vmem>>
      %dma_start3A_1479 = tpu.memref_squeeze %dma_start3A_1478 : memref<1x16x128xf32, #tpu.memory_space<vmem>> -> memref<16x128xf32, #tpu.memory_space<vmem>>
      %dma_start3A_1480 = arith.constant 0 : i32
      %dma_start3A_1481 = tpu.memref_slice %arg7[%dma_start3A_1480, %multiple_of3A_1468] : memref<16x1000000xf32, #tpu.memory_space<hbm>> -> memref<16x128xf32, #tpu.memory_space<hbm>>
      tpu.enqueue_dma source(%dma_start3A_1481 : memref<16x128xf32, #tpu.memory_space<hbm>>) target(%dma_start3A_1479 : memref<16x128xf32, #tpu.memory_space<vmem>>) target_semaphore(%arg27 : memref<!tpu.dma_semaphore, #tpu.memory_space<semaphore_mem>>)
      %slice3A_1482 = vector.extract_strided_slice %shift_left3A_1417 {offsets = [4], sizes = [1], strides = [1]} : vector<16xi32> to vector<1xi32>
      %squeeze3A_1483 = vector.extract %slice3A_1482[0] : i32 from vector<1xi32>
      %multiple_of3A_1484 = tpu.assume_multiple %squeeze3A_1483, 128 : i32
      %dma_start3A_1485 = arith.constant 4 : i32
      %dma_start3A_1486 = arith.constant 0 : i32
      %dma_start3A_1487 = arith.constant 0 : i32
      %dma_start3A_1488 = tpu.memref_slice %arg15[%dma_start3A_1485, %dma_start3A_1486, %dma_start3A_1487] : memref<16x16x128xf32, #tpu.memory_space<vmem>> -> memref<1x16x128xf32, #tpu.memory_space<vmem>>
      %dma_start3A_1489 = tpu.memref_squeeze %dma_start3A_1488 : memref<1x16x128xf32, #tpu.memory_space<vmem>> -> memref<16x128xf32, #tpu.memory_space<vmem>>
      %dma_start3A_1490 = arith.constant 0 : i32
      %dma_start3A_1491 = tpu.memref_slice %arg7[%dma_start3A_1490, %multiple_of3A_1484] : memref<16x1000000xf32, #tpu.memory_space<hbm>> -> memref<16x128xf32, #tpu.memory_space<hbm>>
      %dma_start3A_1492 = arith.constant 0 : i32
      %dma_start3A_1493 = arith.constant 0 : i32
      %dma_start3A_1494 = tpu.memref_slice %arg15[%dma_start3A_1485, %dma_start3A_1492, %dma_start3A_1493] : memref<16x16x128xf32, #tpu.memory_space<vmem>> -> memref<1x16x128xf32, #tpu.memory_space<vmem>>
      %dma_start3A_1495 = tpu.memref_squeeze %dma_start3A_1494 : memref<1x16x128xf32, #tpu.memory_space<vmem>> -> memref<16x128xf32, #tpu.memory_space<vmem>>
      %dma_start3A_1496 = arith.constant 0 : i32
      %dma_start3A_1497 = tpu.memref_slice %arg7[%dma_start3A_1496, %multiple_of3A_1484] : memref<16x1000000xf32, #tpu.memory_space<hbm>> -> memref<16x128xf32, #tpu.memory_space<hbm>>
      tpu.enqueue_dma source(%dma_start3A_1497 : memref<16x128xf32, #tpu.memory_space<hbm>>) target(%dma_start3A_1495 : memref<16x128xf32, #tpu.memory_space<vmem>>) target_semaphore(%arg22 : memref<!tpu.dma_semaphore, #tpu.memory_space<semaphore_mem>>)
      %slice3A_1498 = vector.extract_strided_slice %shift_left3A_1417 {offsets = [5], sizes = [1], strides = [1]} : vector<16xi32> to vector<1xi32>
      %squeeze3A_1499 = vector.extract %slice3A_1498[0] : i32 from vector<1xi32>
      %multiple_of3A_1500 = tpu.assume_multiple %squeeze3A_1499, 128 : i32
      %dma_start3A_1501 = arith.constant 5 : i32
      %dma_start3A_1502 = arith.constant 0 : i32
      %dma_start3A_1503 = arith.constant 0 : i32
      %dma_start3A_1504 = tpu.memref_slice %arg15[%dma_start3A_1501, %dma_start3A_1502, %dma_start3A_1503] : memref<16x16x128xf32, #tpu.memory_space<vmem>> -> memref<1x16x128xf32, #tpu.memory_space<vmem>>
      %dma_start3A_1505 = tpu.memref_squeeze %dma_start3A_1504 : memref<1x16x128xf32, #tpu.memory_space<vmem>> -> memref<16x128xf32, #tpu.memory_space<vmem>>
      %dma_start3A_1506 = arith.constant 0 : i32
      %dma_start3A_1507 = tpu.memref_slice %arg7[%dma_start3A_1506, %multiple_of3A_1500] : memref<16x1000000xf32, #tpu.memory_space<hbm>> -> memref<16x128xf32, #tpu.memory_space<hbm>>
      %dma_start3A_1508 = arith.constant 0 : i32
      %dma_start3A_1509 = arith.constant 0 : i32
      %dma_start3A_1510 = tpu.memref_slice %arg15[%dma_start3A_1501, %dma_start3A_1508, %dma_start3A_1509] : memref<16x16x128xf32, #tpu.memory_space<vmem>> -> memref<1x16x128xf32, #tpu.memory_space<vmem>>
      %dma_start3A_1511 = tpu.memref_squeeze %dma_start3A_1510 : memref<1x16x128xf32, #tpu.memory_space<vmem>> -> memref<16x128xf32, #tpu.memory_space<vmem>>
      %dma_start3A_1512 = arith.constant 0 : i32
      %dma_start3A_1513 = tpu.memref_slice %arg7[%dma_start3A_1512, %multiple_of3A_1500] : memref<16x1000000xf32, #tpu.memory_space<hbm>> -> memref<16x128xf32, #tpu.memory_space<hbm>>
      tpu.enqueue_dma source(%dma_start3A_1513 : memref<16x128xf32, #tpu.memory_space<hbm>>) target(%dma_start3A_1511 : memref<16x128xf32, #tpu.memory_space<vmem>>) target_semaphore(%arg23 : memref<!tpu.dma_semaphore, #tpu.memory_space<semaphore_mem>>)
      %slice3A_1514 = vector.extract_strided_slice %shift_left3A_1417 {offsets = [6], sizes = [1], strides = [1]} : vector<16xi32> to vector<1xi32>
      %squeeze3A_1515 = vector.extract %slice3A_1514[0] : i32 from vector<1xi32>
      %multiple_of3A_1516 = tpu.assume_multiple %squeeze3A_1515, 128 : i32
      %dma_start3A_1517 = arith.constant 6 : i32
      %dma_start3A_1518 = arith.constant 0 : i32
      %dma_start3A_1519 = arith.constant 0 : i32
      %dma_start3A_1520 = tpu.memref_slice %arg15[%dma_start3A_1517, %dma_start3A_1518, %dma_start3A_1519] : memref<16x16x128xf32, #tpu.memory_space<vmem>> -> memref<1x16x128xf32, #tpu.memory_space<vmem>>
      %dma_start3A_1521 = tpu.memref_squeeze %dma_start3A_1520 : memref<1x16x128xf32, #tpu.memory_space<vmem>> -> memref<16x128xf32, #tpu.memory_space<vmem>>
      %dma_start3A_1522 = arith.constant 0 : i32
      %dma_start3A_1523 = tpu.memref_slice %arg7[%dma_start3A_1522, %multiple_of3A_1516] : memref<16x1000000xf32, #tpu.memory_space<hbm>> -> memref<16x128xf32, #tpu.memory_space<hbm>>
      %dma_start3A_1524 = arith.constant 0 : i32
      %dma_start3A_1525 = arith.constant 0 : i32
      %dma_start3A_1526 = tpu.memref_slice %arg15[%dma_start3A_1517, %dma_start3A_1524, %dma_start3A_1525] : memref<16x16x128xf32, #tpu.memory_space<vmem>> -> memref<1x16x128xf32, #tpu.memory_space<vmem>>
      %dma_start3A_1527 = tpu.memref_squeeze %dma_start3A_1526 : memref<1x16x128xf32, #tpu.memory_space<vmem>> -> memref<16x128xf32, #tpu.memory_space<vmem>>
      %dma_start3A_1528 = arith.constant 0 : i32
      %dma_start3A_1529 = tpu.memref_slice %arg7[%dma_start3A_1528, %multiple_of3A_1516] : memref<16x1000000xf32, #tpu.memory_space<hbm>> -> memref<16x128xf32, #tpu.memory_space<hbm>>
      tpu.enqueue_dma source(%dma_start3A_1529 : memref<16x128xf32, #tpu.memory_space<hbm>>) target(%dma_start3A_1527 : memref<16x128xf32, #tpu.memory_space<vmem>>) target_semaphore(%arg26 : memref<!tpu.dma_semaphore, #tpu.memory_space<semaphore_mem>>)
      %slice3A_1530 = vector.extract_strided_slice %shift_left3A_1417 {offsets = [7], sizes = [1], strides = [1]} : vector<16xi32> to vector<1xi32>
      %squeeze3A_1531 = vector.extract %slice3A_1530[0] : i32 from vector<1xi32>
      %multiple_of3A_1532 = tpu.assume_multiple %squeeze3A_1531, 128 : i32
      %dma_start3A_1533 = arith.constant 7 : i32
      %dma_start3A_1534 = arith.constant 0 : i32
      %dma_start3A_1535 = arith.constant 0 : i32
      %dma_start3A_1536 = tpu.memref_slice %arg15[%dma_start3A_1533, %dma_start3A_1534, %dma_start3A_1535] : memref<16x16x128xf32, #tpu.memory_space<vmem>> -> memref<1x16x128xf32, #tpu.memory_space<vmem>>
      %dma_start3A_1537 = tpu.memref_squeeze %dma_start3A_1536 : memref<1x16x128xf32, #tpu.memory_space<vmem>> -> memref<16x128xf32, #tpu.memory_space<vmem>>
      %dma_start3A_1538 = arith.constant 0 : i32
      %dma_start3A_1539 = tpu.memref_slice %arg7[%dma_start3A_1538, %multiple_of3A_1532] : memref<16x1000000xf32, #tpu.memory_space<hbm>> -> memref<16x128xf32, #tpu.memory_space<hbm>>
      %dma_start3A_1540 = arith.constant 0 : i32
      %dma_start3A_1541 = arith.constant 0 : i32
      %dma_start3A_1542 = tpu.memref_slice %arg15[%dma_start3A_1533, %dma_start3A_1540, %dma_start3A_1541] : memref<16x16x128xf32, #tpu.memory_space<vmem>> -> memref<1x16x128xf32, #tpu.memory_space<vmem>>
      %dma_start3A_1543 = tpu.memref_squeeze %dma_start3A_1542 : memref<1x16x128xf32, #tpu.memory_space<vmem>> -> memref<16x128xf32, #tpu.memory_space<vmem>>
      %dma_start3A_1544 = arith.constant 0 : i32
      %dma_start3A_1545 = tpu.memref_slice %arg7[%dma_start3A_1544, %multiple_of3A_1532] : memref<16x1000000xf32, #tpu.memory_space<hbm>> -> memref<16x128xf32, #tpu.memory_space<hbm>>
      tpu.enqueue_dma source(%dma_start3A_1545 : memref<16x128xf32, #tpu.memory_space<hbm>>) target(%dma_start3A_1543 : memref<16x128xf32, #tpu.memory_space<vmem>>) target_semaphore(%arg27 : memref<!tpu.dma_semaphore, #tpu.memory_space<semaphore_mem>>)
      %slice3A_1546 = vector.extract_strided_slice %shift_left3A_1417 {offsets = [8], sizes = [1], strides = [1]} : vector<16xi32> to vector<1xi32>
      %squeeze3A_1547 = vector.extract %slice3A_1546[0] : i32 from vector<1xi32>
      %multiple_of3A_1548 = tpu.assume_multiple %squeeze3A_1547, 128 : i32
      %dma_start3A_1549 = arith.constant 8 : i32
      %dma_start3A_1550 = arith.constant 0 : i32
      %dma_start3A_1551 = arith.constant 0 : i32
      %dma_start3A_1552 = tpu.memref_slice %arg15[%dma_start3A_1549, %dma_start3A_1550, %dma_start3A_1551] : memref<16x16x128xf32, #tpu.memory_space<vmem>> -> memref<1x16x128xf32, #tpu.memory_space<vmem>>
      %dma_start3A_1553 = tpu.memref_squeeze %dma_start3A_1552 : memref<1x16x128xf32, #tpu.memory_space<vmem>> -> memref<16x128xf32, #tpu.memory_space<vmem>>
      %dma_start3A_1554 = arith.constant 0 : i32
      %dma_start3A_1555 = tpu.memref_slice %arg7[%dma_start3A_1554, %multiple_of3A_1548] : memref<16x1000000xf32, #tpu.memory_space<hbm>> -> memref<16x128xf32, #tpu.memory_space<hbm>>
      %dma_start3A_1556 = arith.constant 0 : i32
      %dma_start3A_1557 = arith.constant 0 : i32
      %dma_start3A_1558 = tpu.memref_slice %arg15[%dma_start3A_1549, %dma_start3A_1556, %dma_start3A_1557] : memref<16x16x128xf32, #tpu.memory_space<vmem>> -> memref<1x16x128xf32, #tpu.memory_space<vmem>>
      %dma_start3A_1559 = tpu.memref_squeeze %dma_start3A_1558 : memref<1x16x128xf32, #tpu.memory_space<vmem>> -> memref<16x128xf32, #tpu.memory_space<vmem>>
      %dma_start3A_1560 = arith.constant 0 : i32
      %dma_start3A_1561 = tpu.memref_slice %arg7[%dma_start3A_1560, %multiple_of3A_1548] : memref<16x1000000xf32, #tpu.memory_space<hbm>> -> memref<16x128xf32, #tpu.memory_space<hbm>>
      tpu.enqueue_dma source(%dma_start3A_1561 : memref<16x128xf32, #tpu.memory_space<hbm>>) target(%dma_start3A_1559 : memref<16x128xf32, #tpu.memory_space<vmem>>) target_semaphore(%arg22 : memref<!tpu.dma_semaphore, #tpu.memory_space<semaphore_mem>>)
      %slice3A_1562 = vector.extract_strided_slice %shift_left3A_1417 {offsets = [9], sizes = [1], strides = [1]} : vector<16xi32> to vector<1xi32>
      %squeeze3A_1563 = vector.extract %slice3A_1562[0] : i32 from vector<1xi32>
      %multiple_of3A_1564 = tpu.assume_multiple %squeeze3A_1563, 128 : i32
      %dma_start3A_1565 = arith.constant 9 : i32
      %dma_start3A_1566 = arith.constant 0 : i32
      %dma_start3A_1567 = arith.constant 0 : i32
      %dma_start3A_1568 = tpu.memref_slice %arg15[%dma_start3A_1565, %dma_start3A_1566, %dma_start3A_1567] : memref<16x16x128xf32, #tpu.memory_space<vmem>> -> memref<1x16x128xf32, #tpu.memory_space<vmem>>
      %dma_start3A_1569 = tpu.memref_squeeze %dma_start3A_1568 : memref<1x16x128xf32, #tpu.memory_space<vmem>> -> memref<16x128xf32, #tpu.memory_space<vmem>>
      %dma_start3A_1570 = arith.constant 0 : i32
      %dma_start3A_1571 = tpu.memref_slice %arg7[%dma_start3A_1570, %multiple_of3A_1564] : memref<16x1000000xf32, #tpu.memory_space<hbm>> -> memref<16x128xf32, #tpu.memory_space<hbm>>
      %dma_start3A_1572 = arith.constant 0 : i32
      %dma_start3A_1573 = arith.constant 0 : i32
      %dma_start3A_1574 = tpu.memref_slice %arg15[%dma_start3A_1565, %dma_start3A_1572, %dma_start3A_1573] : memref<16x16x128xf32, #tpu.memory_space<vmem>> -> memref<1x16x128xf32, #tpu.memory_space<vmem>>
      %dma_start3A_1575 = tpu.memref_squeeze %dma_start3A_1574 : memref<1x16x128xf32, #tpu.memory_space<vmem>> -> memref<16x128xf32, #tpu.memory_space<vmem>>
      %dma_start3A_1576 = arith.constant 0 : i32
      %dma_start3A_1577 = tpu.memref_slice %arg7[%dma_start3A_1576, %multiple_of3A_1564] : memref<16x1000000xf32, #tpu.memory_space<hbm>> -> memref<16x128xf32, #tpu.memory_space<hbm>>
      tpu.enqueue_dma source(%dma_start3A_1577 : memref<16x128xf32, #tpu.memory_space<hbm>>) target(%dma_start3A_1575 : memref<16x128xf32, #tpu.memory_space<vmem>>) target_semaphore(%arg23 : memref<!tpu.dma_semaphore, #tpu.memory_space<semaphore_mem>>)
      %slice3A_1578 = vector.extract_strided_slice %shift_left3A_1417 {offsets = [10], sizes = [1], strides = [1]} : vector<16xi32> to vector<1xi32>
      %squeeze3A_1579 = vector.extract %slice3A_1578[0] : i32 from vector<1xi32>
      %multiple_of3A_1580 = tpu.assume_multiple %squeeze3A_1579, 128 : i32
      %dma_start3A_1581 = arith.constant 10 : i32
      %dma_start3A_1582 = arith.constant 0 : i32
      %dma_start3A_1583 = arith.constant 0 : i32
      %dma_start3A_1584 = tpu.memref_slice %arg15[%dma_start3A_1581, %dma_start3A_1582, %dma_start3A_1583] : memref<16x16x128xf32, #tpu.memory_space<vmem>> -> memref<1x16x128xf32, #tpu.memory_space<vmem>>
      %dma_start3A_1585 = tpu.memref_squeeze %dma_start3A_1584 : memref<1x16x128xf32, #tpu.memory_space<vmem>> -> memref<16x128xf32, #tpu.memory_space<vmem>>
      %dma_start3A_1586 = arith.constant 0 : i32
      %dma_start3A_1587 = tpu.memref_slice %arg7[%dma_start3A_1586, %multiple_of3A_1580] : memref<16x1000000xf32, #tpu.memory_space<hbm>> -> memref<16x128xf32, #tpu.memory_space<hbm>>
      %dma_start3A_1588 = arith.constant 0 : i32
      %dma_start3A_1589 = arith.constant 0 : i32
      %dma_start3A_1590 = tpu.memref_slice %arg15[%dma_start3A_1581, %dma_start3A_1588, %dma_start3A_1589] : memref<16x16x128xf32, #tpu.memory_space<vmem>> -> memref<1x16x128xf32, #tpu.memory_space<vmem>>
      %dma_start3A_1591 = tpu.memref_squeeze %dma_start3A_1590 : memref<1x16x128xf32, #tpu.memory_space<vmem>> -> memref<16x128xf32, #tpu.memory_space<vmem>>
      %dma_start3A_1592 = arith.constant 0 : i32
      %dma_start3A_1593 = tpu.memref_slice %arg7[%dma_start3A_1592, %multiple_of3A_1580] : memref<16x1000000xf32, #tpu.memory_space<hbm>> -> memref<16x128xf32, #tpu.memory_space<hbm>>
      tpu.enqueue_dma source(%dma_start3A_1593 : memref<16x128xf32, #tpu.memory_space<hbm>>) target(%dma_start3A_1591 : memref<16x128xf32, #tpu.memory_space<vmem>>) target_semaphore(%arg26 : memref<!tpu.dma_semaphore, #tpu.memory_space<semaphore_mem>>)
      %slice3A_1594 = vector.extract_strided_slice %shift_left3A_1417 {offsets = [11], sizes = [1], strides = [1]} : vector<16xi32> to vector<1xi32>
      %squeeze3A_1595 = vector.extract %slice3A_1594[0] : i32 from vector<1xi32>
      %multiple_of3A_1596 = tpu.assume_multiple %squeeze3A_1595, 128 : i32
      %dma_start3A_1597 = arith.constant 11 : i32
      %dma_start3A_1598 = arith.constant 0 : i32
      %dma_start3A_1599 = arith.constant 0 : i32
      %dma_start3A_1600 = tpu.memref_slice %arg15[%dma_start3A_1597, %dma_start3A_1598, %dma_start3A_1599] : memref<16x16x128xf32, #tpu.memory_space<vmem>> -> memref<1x16x128xf32, #tpu.memory_space<vmem>>
      %dma_start3A_1601 = tpu.memref_squeeze %dma_start3A_1600 : memref<1x16x128xf32, #tpu.memory_space<vmem>> -> memref<16x128xf32, #tpu.memory_space<vmem>>
      %dma_start3A_1602 = arith.constant 0 : i32
      %dma_start3A_1603 = tpu.memref_slice %arg7[%dma_start3A_1602, %multiple_of3A_1596] : memref<16x1000000xf32, #tpu.memory_space<hbm>> -> memref<16x128xf32, #tpu.memory_space<hbm>>
      %dma_start3A_1604 = arith.constant 0 : i32
      %dma_start3A_1605 = arith.constant 0 : i32
      %dma_start3A_1606 = tpu.memref_slice %arg15[%dma_start3A_1597, %dma_start3A_1604, %dma_start3A_1605] : memref<16x16x128xf32, #tpu.memory_space<vmem>> -> memref<1x16x128xf32, #tpu.memory_space<vmem>>
      %dma_start3A_1607 = tpu.memref_squeeze %dma_start3A_1606 : memref<1x16x128xf32, #tpu.memory_space<vmem>> -> memref<16x128xf32, #tpu.memory_space<vmem>>
      %dma_start3A_1608 = arith.constant 0 : i32
      %dma_start3A_1609 = tpu.memref_slice %arg7[%dma_start3A_1608, %multiple_of3A_1596] : memref<16x1000000xf32, #tpu.memory_space<hbm>> -> memref<16x128xf32, #tpu.memory_space<hbm>>
      tpu.enqueue_dma source(%dma_start3A_1609 : memref<16x128xf32, #tpu.memory_space<hbm>>) target(%dma_start3A_1607 : memref<16x128xf32, #tpu.memory_space<vmem>>) target_semaphore(%arg27 : memref<!tpu.dma_semaphore, #tpu.memory_space<semaphore_mem>>)
      %slice3A_1610 = vector.extract_strided_slice %shift_left3A_1417 {offsets = [12], sizes = [1], strides = [1]} : vector<16xi32> to vector<1xi32>
      %squeeze3A_1611 = vector.extract %slice3A_1610[0] : i32 from vector<1xi32>
      %multiple_of3A_1612 = tpu.assume_multiple %squeeze3A_1611, 128 : i32
      %dma_start3A_1613 = arith.constant 12 : i32
      %dma_start3A_1614 = arith.constant 0 : i32
      %dma_start3A_1615 = arith.constant 0 : i32
      %dma_start3A_1616 = tpu.memref_slice %arg15[%dma_start3A_1613, %dma_start3A_1614, %dma_start3A_1615] : memref<16x16x128xf32, #tpu.memory_space<vmem>> -> memref<1x16x128xf32, #tpu.memory_space<vmem>>
      %dma_start3A_1617 = tpu.memref_squeeze %dma_start3A_1616 : memref<1x16x128xf32, #tpu.memory_space<vmem>> -> memref<16x128xf32, #tpu.memory_space<vmem>>
      %dma_start3A_1618 = arith.constant 0 : i32
      %dma_start3A_1619 = tpu.memref_slice %arg7[%dma_start3A_1618, %multiple_of3A_1612] : memref<16x1000000xf32, #tpu.memory_space<hbm>> -> memref<16x128xf32, #tpu.memory_space<hbm>>
      %dma_start3A_1620 = arith.constant 0 : i32
      %dma_start3A_1621 = arith.constant 0 : i32
      %dma_start3A_1622 = tpu.memref_slice %arg15[%dma_start3A_1613, %dma_start3A_1620, %dma_start3A_1621] : memref<16x16x128xf32, #tpu.memory_space<vmem>> -> memref<1x16x128xf32, #tpu.memory_space<vmem>>
      %dma_start3A_1623 = tpu.memref_squeeze %dma_start3A_1622 : memref<1x16x128xf32, #tpu.memory_space<vmem>> -> memref<16x128xf32, #tpu.memory_space<vmem>>
      %dma_start3A_1624 = arith.constant 0 : i32
      %dma_start3A_1625 = tpu.memref_slice %arg7[%dma_start3A_1624, %multiple_of3A_1612] : memref<16x1000000xf32, #tpu.memory_space<hbm>> -> memref<16x128xf32, #tpu.memory_space<hbm>>
      tpu.enqueue_dma source(%dma_start3A_1625 : memref<16x128xf32, #tpu.memory_space<hbm>>) target(%dma_start3A_1623 : memref<16x128xf32, #tpu.memory_space<vmem>>) target_semaphore(%arg22 : memref<!tpu.dma_semaphore, #tpu.memory_space<semaphore_mem>>)
      %slice3A_1626 = vector.extract_strided_slice %shift_left3A_1417 {offsets = [13], sizes = [1], strides = [1]} : vector<16xi32> to vector<1xi32>
      %squeeze3A_1627 = vector.extract %slice3A_1626[0] : i32 from vector<1xi32>
      %multiple_of3A_1628 = tpu.assume_multiple %squeeze3A_1627, 128 : i32
      %dma_start3A_1629 = arith.constant 13 : i32
      %dma_start3A_1630 = arith.constant 0 : i32
      %dma_start3A_1631 = arith.constant 0 : i32
      %dma_start3A_1632 = tpu.memref_slice %arg15[%dma_start3A_1629, %dma_start3A_1630, %dma_start3A_1631] : memref<16x16x128xf32, #tpu.memory_space<vmem>> -> memref<1x16x128xf32, #tpu.memory_space<vmem>>
      %dma_start3A_1633 = tpu.memref_squeeze %dma_start3A_1632 : memref<1x16x128xf32, #tpu.memory_space<vmem>> -> memref<16x128xf32, #tpu.memory_space<vmem>>
      %dma_start3A_1634 = arith.constant 0 : i32
      %dma_start3A_1635 = tpu.memref_slice %arg7[%dma_start3A_1634, %multiple_of3A_1628] : memref<16x1000000xf32, #tpu.memory_space<hbm>> -> memref<16x128xf32, #tpu.memory_space<hbm>>
      %dma_start3A_1636 = arith.constant 0 : i32
      %dma_start3A_1637 = arith.constant 0 : i32
      %dma_start3A_1638 = tpu.memref_slice %arg15[%dma_start3A_1629, %dma_start3A_1636, %dma_start3A_1637] : memref<16x16x128xf32, #tpu.memory_space<vmem>> -> memref<1x16x128xf32, #tpu.memory_space<vmem>>
      %dma_start3A_1639 = tpu.memref_squeeze %dma_start3A_1638 : memref<1x16x128xf32, #tpu.memory_space<vmem>> -> memref<16x128xf32, #tpu.memory_space<vmem>>
      %dma_start3A_1640 = arith.constant 0 : i32
      %dma_start3A_1641 = tpu.memref_slice %arg7[%dma_start3A_1640, %multiple_of3A_1628] : memref<16x1000000xf32, #tpu.memory_space<hbm>> -> memref<16x128xf32, #tpu.memory_space<hbm>>
      tpu.enqueue_dma source(%dma_start3A_1641 : memref<16x128xf32, #tpu.memory_space<hbm>>) target(%dma_start3A_1639 : memref<16x128xf32, #tpu.memory_space<vmem>>) target_semaphore(%arg23 : memref<!tpu.dma_semaphore, #tpu.memory_space<semaphore_mem>>)
      %slice3A_1642 = vector.extract_strided_slice %shift_left3A_1417 {offsets = [14], sizes = [1], strides = [1]} : vector<16xi32> to vector<1xi32>
      %squeeze3A_1643 = vector.extract %slice3A_1642[0] : i32 from vector<1xi32>
      %multiple_of3A_1644 = tpu.assume_multiple %squeeze3A_1643, 128 : i32
      %dma_start3A_1645 = arith.constant 14 : i32
      %dma_start3A_1646 = arith.constant 0 : i32
      %dma_start3A_1647 = arith.constant 0 : i32
      %dma_start3A_1648 = tpu.memref_slice %arg15[%dma_start3A_1645, %dma_start3A_1646, %dma_start3A_1647] : memref<16x16x128xf32, #tpu.memory_space<vmem>> -> memref<1x16x128xf32, #tpu.memory_space<vmem>>
      %dma_start3A_1649 = tpu.memref_squeeze %dma_start3A_1648 : memref<1x16x128xf32, #tpu.memory_space<vmem>> -> memref<16x128xf32, #tpu.memory_space<vmem>>
      %dma_start3A_1650 = arith.constant 0 : i32
      %dma_start3A_1651 = tpu.memref_slice %arg7[%dma_start3A_1650, %multiple_of3A_1644] : memref<16x1000000xf32, #tpu.memory_space<hbm>> -> memref<16x128xf32, #tpu.memory_space<hbm>>
      %dma_start3A_1652 = arith.constant 0 : i32
      %dma_start3A_1653 = arith.constant 0 : i32
      %dma_start3A_1654 = tpu.memref_slice %arg15[%dma_start3A_1645, %dma_start3A_1652, %dma_start3A_1653] : memref<16x16x128xf32, #tpu.memory_space<vmem>> -> memref<1x16x128xf32, #tpu.memory_space<vmem>>
      %dma_start3A_1655 = tpu.memref_squeeze %dma_start3A_1654 : memref<1x16x128xf32, #tpu.memory_space<vmem>> -> memref<16x128xf32, #tpu.memory_space<vmem>>
      %dma_start3A_1656 = arith.constant 0 : i32
      %dma_start3A_1657 = tpu.memref_slice %arg7[%dma_start3A_1656, %multiple_of3A_1644] : memref<16x1000000xf32, #tpu.memory_space<hbm>> -> memref<16x128xf32, #tpu.memory_space<hbm>>
      tpu.enqueue_dma source(%dma_start3A_1657 : memref<16x128xf32, #tpu.memory_space<hbm>>) target(%dma_start3A_1655 : memref<16x128xf32, #tpu.memory_space<vmem>>) target_semaphore(%arg26 : memref<!tpu.dma_semaphore, #tpu.memory_space<semaphore_mem>>)
      %slice3A_1658 = vector.extract_strided_slice %shift_left3A_1417 {offsets = [15], sizes = [1], strides = [1]} : vector<16xi32> to vector<1xi32>
      %squeeze3A_1659 = vector.extract %slice3A_1658[0] : i32 from vector<1xi32>
      %multiple_of3A_1660 = tpu.assume_multiple %squeeze3A_1659, 128 : i32
      %dma_start3A_1661 = arith.constant 15 : i32
      %dma_start3A_1662 = arith.constant 0 : i32
      %dma_start3A_1663 = arith.constant 0 : i32
      %dma_start3A_1664 = tpu.memref_slice %arg15[%dma_start3A_1661, %dma_start3A_1662, %dma_start3A_1663] : memref<16x16x128xf32, #tpu.memory_space<vmem>> -> memref<1x16x128xf32, #tpu.memory_space<vmem>>
      %dma_start3A_1665 = tpu.memref_squeeze %dma_start3A_1664 : memref<1x16x128xf32, #tpu.memory_space<vmem>> -> memref<16x128xf32, #tpu.memory_space<vmem>>
      %dma_start3A_1666 = arith.constant 0 : i32
      %dma_start3A_1667 = tpu.memref_slice %arg7[%dma_start3A_1666, %multiple_of3A_1660] : memref<16x1000000xf32, #tpu.memory_space<hbm>> -> memref<16x128xf32, #tpu.memory_space<hbm>>
      %dma_start3A_1668 = arith.constant 0 : i32
      %dma_start3A_1669 = arith.constant 0 : i32
      %dma_start3A_1670 = tpu.memref_slice %arg15[%dma_start3A_1661, %dma_start3A_1668, %dma_start3A_1669] : memref<16x16x128xf32, #tpu.memory_space<vmem>> -> memref<1x16x128xf32, #tpu.memory_space<vmem>>
      %dma_start3A_1671 = tpu.memref_squeeze %dma_start3A_1670 : memref<1x16x128xf32, #tpu.memory_space<vmem>> -> memref<16x128xf32, #tpu.memory_space<vmem>>
      %dma_start3A_1672 = arith.constant 0 : i32
      %dma_start3A_1673 = tpu.memref_slice %arg7[%dma_start3A_1672, %multiple_of3A_1660] : memref<16x1000000xf32, #tpu.memory_space<hbm>> -> memref<16x128xf32, #tpu.memory_space<hbm>>
      tpu.enqueue_dma source(%dma_start3A_1673 : memref<16x128xf32, #tpu.memory_space<hbm>>) target(%dma_start3A_1671 : memref<16x128xf32, #tpu.memory_space<vmem>>) target_semaphore(%arg27 : memref<!tpu.dma_semaphore, #tpu.memory_space<semaphore_mem>>)
      %dma_wait3A_1674 = arith.constant 0 : i32
      %dma_wait3A_1675 = arith.constant 0 : i32
      %dma_wait3A_1676 = arith.constant 0 : i32
      %dma_wait3A_1677 = tpu.memref_slice %arg14[%dma_wait3A_1674, %dma_wait3A_1675, %dma_wait3A_1676] : memref<16x16x128xf32, #tpu.memory_space<vmem>> -> memref<1x16x128xf32, #tpu.memory_space<vmem>>
      %dma_wait3A_1678 = tpu.memref_squeeze %dma_wait3A_1677 : memref<1x16x128xf32, #tpu.memory_space<vmem>> -> memref<16x128xf32, #tpu.memory_space<vmem>>
      %dma_wait3A_1679 = arith.constant 0 : i32
      %dma_wait3A_1680 = arith.constant 0 : i32
      %dma_wait3A_1681 = tpu.memref_slice %arg4[%dma_wait3A_1679, %dma_wait3A_1680] : memref<16x1000000xf32, #tpu.memory_space<hbm>> -> memref<16x128xf32, #tpu.memory_space<hbm>>
      %dma_wait3A_1682 = arith.constant 0 : i32
      %dma_wait3A_1683 = arith.constant 0 : i32
      %dma_wait3A_1684 = tpu.memref_slice %arg14[%dma_wait3A_1674, %dma_wait3A_1682, %dma_wait3A_1683] : memref<16x16x128xf32, #tpu.memory_space<vmem>> -> memref<1x16x128xf32, #tpu.memory_space<vmem>>
      %dma_wait3A_1685 = tpu.memref_squeeze %dma_wait3A_1684 : memref<1x16x128xf32, #tpu.memory_space<vmem>> -> memref<16x128xf32, #tpu.memory_space<vmem>>
      %dma_wait3A_1686 = arith.constant 0 : i32
      %dma_wait3A_1687 = arith.constant 0 : i32
      %dma_wait3A_1688 = tpu.memref_slice %arg4[%dma_wait3A_1686, %dma_wait3A_1687] : memref<16x1000000xf32, #tpu.memory_space<hbm>> -> memref<16x128xf32, #tpu.memory_space<hbm>>
      tpu.wait_dma2 semaphore(%arg20 : memref<!tpu.dma_semaphore, #tpu.memory_space<semaphore_mem>>) src(%dma_wait3A_1688 : memref<16x128xf32, #tpu.memory_space<hbm>>) dst(%dma_wait3A_1685 : memref<16x128xf32, #tpu.memory_space<vmem>>)
      %dma_wait3A_1689 = arith.constant 1 : i32
      %dma_wait3A_1690 = arith.constant 0 : i32
      %dma_wait3A_1691 = arith.constant 0 : i32
      %dma_wait3A_1692 = tpu.memref_slice %arg14[%dma_wait3A_1689, %dma_wait3A_1690, %dma_wait3A_1691] : memref<16x16x128xf32, #tpu.memory_space<vmem>> -> memref<1x16x128xf32, #tpu.memory_space<vmem>>
      %dma_wait3A_1693 = tpu.memref_squeeze %dma_wait3A_1692 : memref<1x16x128xf32, #tpu.memory_space<vmem>> -> memref<16x128xf32, #tpu.memory_space<vmem>>
      %dma_wait3A_1694 = arith.constant 0 : i32
      %dma_wait3A_1695 = arith.constant 0 : i32
      %dma_wait3A_1696 = tpu.memref_slice %arg4[%dma_wait3A_1694, %dma_wait3A_1695] : memref<16x1000000xf32, #tpu.memory_space<hbm>> -> memref<16x128xf32, #tpu.memory_space<hbm>>
      %dma_wait3A_1697 = arith.constant 0 : i32
      %dma_wait3A_1698 = arith.constant 0 : i32
      %dma_wait3A_1699 = tpu.memref_slice %arg14[%dma_wait3A_1689, %dma_wait3A_1697, %dma_wait3A_1698] : memref<16x16x128xf32, #tpu.memory_space<vmem>> -> memref<1x16x128xf32, #tpu.memory_space<vmem>>
      %dma_wait3A_1700 = tpu.memref_squeeze %dma_wait3A_1699 : memref<1x16x128xf32, #tpu.memory_space<vmem>> -> memref<16x128xf32, #tpu.memory_space<vmem>>
      %dma_wait3A_1701 = arith.constant 0 : i32
      %dma_wait3A_1702 = arith.constant 0 : i32
      %dma_wait3A_1703 = tpu.memref_slice %arg4[%dma_wait3A_1701, %dma_wait3A_1702] : memref<16x1000000xf32, #tpu.memory_space<hbm>> -> memref<16x128xf32, #tpu.memory_space<hbm>>
      tpu.wait_dma2 semaphore(%arg21 : memref<!tpu.dma_semaphore, #tpu.memory_space<semaphore_mem>>) src(%dma_wait3A_1703 : memref<16x128xf32, #tpu.memory_space<hbm>>) dst(%dma_wait3A_1700 : memref<16x128xf32, #tpu.memory_space<vmem>>)
      %dma_wait3A_1704 = arith.constant 2 : i32
      %dma_wait3A_1705 = arith.constant 0 : i32
      %dma_wait3A_1706 = arith.constant 0 : i32
      %dma_wait3A_1707 = tpu.memref_slice %arg14[%dma_wait3A_1704, %dma_wait3A_1705, %dma_wait3A_1706] : memref<16x16x128xf32, #tpu.memory_space<vmem>> -> memref<1x16x128xf32, #tpu.memory_space<vmem>>
      %dma_wait3A_1708 = tpu.memref_squeeze %dma_wait3A_1707 : memref<1x16x128xf32, #tpu.memory_space<vmem>> -> memref<16x128xf32, #tpu.memory_space<vmem>>
      %dma_wait3A_1709 = arith.constant 0 : i32
      %dma_wait3A_1710 = arith.constant 0 : i32
      %dma_wait3A_1711 = tpu.memref_slice %arg4[%dma_wait3A_1709, %dma_wait3A_1710] : memref<16x1000000xf32, #tpu.memory_space<hbm>> -> memref<16x128xf32, #tpu.memory_space<hbm>>
      %dma_wait3A_1712 = arith.constant 0 : i32
      %dma_wait3A_1713 = arith.constant 0 : i32
      %dma_wait3A_1714 = tpu.memref_slice %arg14[%dma_wait3A_1704, %dma_wait3A_1712, %dma_wait3A_1713] : memref<16x16x128xf32, #tpu.memory_space<vmem>> -> memref<1x16x128xf32, #tpu.memory_space<vmem>>
      %dma_wait3A_1715 = tpu.memref_squeeze %dma_wait3A_1714 : memref<1x16x128xf32, #tpu.memory_space<vmem>> -> memref<16x128xf32, #tpu.memory_space<vmem>>
      %dma_wait3A_1716 = arith.constant 0 : i32
      %dma_wait3A_1717 = arith.constant 0 : i32
      %dma_wait3A_1718 = tpu.memref_slice %arg4[%dma_wait3A_1716, %dma_wait3A_1717] : memref<16x1000000xf32, #tpu.memory_space<hbm>> -> memref<16x128xf32, #tpu.memory_space<hbm>>
      tpu.wait_dma2 semaphore(%arg24 : memref<!tpu.dma_semaphore, #tpu.memory_space<semaphore_mem>>) src(%dma_wait3A_1718 : memref<16x128xf32, #tpu.memory_space<hbm>>) dst(%dma_wait3A_1715 : memref<16x128xf32, #tpu.memory_space<vmem>>)
      %dma_wait3A_1719 = arith.constant 3 : i32
      %dma_wait3A_1720 = arith.constant 0 : i32
      %dma_wait3A_1721 = arith.constant 0 : i32
      %dma_wait3A_1722 = tpu.memref_slice %arg14[%dma_wait3A_1719, %dma_wait3A_1720, %dma_wait3A_1721] : memref<16x16x128xf32, #tpu.memory_space<vmem>> -> memref<1x16x128xf32, #tpu.memory_space<vmem>>
      %dma_wait3A_1723 = tpu.memref_squeeze %dma_wait3A_1722 : memref<1x16x128xf32, #tpu.memory_space<vmem>> -> memref<16x128xf32, #tpu.memory_space<vmem>>
      %dma_wait3A_1724 = arith.constant 0 : i32
      %dma_wait3A_1725 = arith.constant 0 : i32
      %dma_wait3A_1726 = tpu.memref_slice %arg4[%dma_wait3A_1724, %dma_wait3A_1725] : memref<16x1000000xf32, #tpu.memory_space<hbm>> -> memref<16x128xf32, #tpu.memory_space<hbm>>
      %dma_wait3A_1727 = arith.constant 0 : i32
      %dma_wait3A_1728 = arith.constant 0 : i32
      %dma_wait3A_1729 = tpu.memref_slice %arg14[%dma_wait3A_1719, %dma_wait3A_1727, %dma_wait3A_1728] : memref<16x16x128xf32, #tpu.memory_space<vmem>> -> memref<1x16x128xf32, #tpu.memory_space<vmem>>
      %dma_wait3A_1730 = tpu.memref_squeeze %dma_wait3A_1729 : memref<1x16x128xf32, #tpu.memory_space<vmem>> -> memref<16x128xf32, #tpu.memory_space<vmem>>
      %dma_wait3A_1731 = arith.constant 0 : i32
      %dma_wait3A_1732 = arith.constant 0 : i32
      %dma_wait3A_1733 = tpu.memref_slice %arg4[%dma_wait3A_1731, %dma_wait3A_1732] : memref<16x1000000xf32, #tpu.memory_space<hbm>> -> memref<16x128xf32, #tpu.memory_space<hbm>>
      tpu.wait_dma2 semaphore(%arg25 : memref<!tpu.dma_semaphore, #tpu.memory_space<semaphore_mem>>) src(%dma_wait3A_1733 : memref<16x128xf32, #tpu.memory_space<hbm>>) dst(%dma_wait3A_1730 : memref<16x128xf32, #tpu.memory_space<vmem>>)
      %dma_wait3A_1734 = arith.constant 4 : i32
      %dma_wait3A_1735 = arith.constant 0 : i32
      %dma_wait3A_1736 = arith.constant 0 : i32
      %dma_wait3A_1737 = tpu.memref_slice %arg14[%dma_wait3A_1734, %dma_wait3A_1735, %dma_wait3A_1736] : memref<16x16x128xf32, #tpu.memory_space<vmem>> -> memref<1x16x128xf32, #tpu.memory_space<vmem>>
      %dma_wait3A_1738 = tpu.memref_squeeze %dma_wait3A_1737 : memref<1x16x128xf32, #tpu.memory_space<vmem>> -> memref<16x128xf32, #tpu.memory_space<vmem>>
      %dma_wait3A_1739 = arith.constant 0 : i32
      %dma_wait3A_1740 = arith.constant 0 : i32
      %dma_wait3A_1741 = tpu.memref_slice %arg4[%dma_wait3A_1739, %dma_wait3A_1740] : memref<16x1000000xf32, #tpu.memory_space<hbm>> -> memref<16x128xf32, #tpu.memory_space<hbm>>
      %dma_wait3A_1742 = arith.constant 0 : i32
      %dma_wait3A_1743 = arith.constant 0 : i32
      %dma_wait3A_1744 = tpu.memref_slice %arg14[%dma_wait3A_1734, %dma_wait3A_1742, %dma_wait3A_1743] : memref<16x16x128xf32, #tpu.memory_space<vmem>> -> memref<1x16x128xf32, #tpu.memory_space<vmem>>
      %dma_wait3A_1745 = tpu.memref_squeeze %dma_wait3A_1744 : memref<1x16x128xf32, #tpu.memory_space<vmem>> -> memref<16x128xf32, #tpu.memory_space<vmem>>
      %dma_wait3A_1746 = arith.constant 0 : i32
      %dma_wait3A_1747 = arith.constant 0 : i32
      %dma_wait3A_1748 = tpu.memref_slice %arg4[%dma_wait3A_1746, %dma_wait3A_1747] : memref<16x1000000xf32, #tpu.memory_space<hbm>> -> memref<16x128xf32, #tpu.memory_space<hbm>>
      tpu.wait_dma2 semaphore(%arg20 : memref<!tpu.dma_semaphore, #tpu.memory_space<semaphore_mem>>) src(%dma_wait3A_1748 : memref<16x128xf32, #tpu.memory_space<hbm>>) dst(%dma_wait3A_1745 : memref<16x128xf32, #tpu.memory_space<vmem>>)
      %dma_wait3A_1749 = arith.constant 5 : i32
      %dma_wait3A_1750 = arith.constant 0 : i32
      %dma_wait3A_1751 = arith.constant 0 : i32
      %dma_wait3A_1752 = tpu.memref_slice %arg14[%dma_wait3A_1749, %dma_wait3A_1750, %dma_wait3A_1751] : memref<16x16x128xf32, #tpu.memory_space<vmem>> -> memref<1x16x128xf32, #tpu.memory_space<vmem>>
      %dma_wait3A_1753 = tpu.memref_squeeze %dma_wait3A_1752 : memref<1x16x128xf32, #tpu.memory_space<vmem>> -> memref<16x128xf32, #tpu.memory_space<vmem>>
      %dma_wait3A_1754 = arith.constant 0 : i32
      %dma_wait3A_1755 = arith.constant 0 : i32
      %dma_wait3A_1756 = tpu.memref_slice %arg4[%dma_wait3A_1754, %dma_wait3A_1755] : memref<16x1000000xf32, #tpu.memory_space<hbm>> -> memref<16x128xf32, #tpu.memory_space<hbm>>
      %dma_wait3A_1757 = arith.constant 0 : i32
      %dma_wait3A_1758 = arith.constant 0 : i32
      %dma_wait3A_1759 = tpu.memref_slice %arg14[%dma_wait3A_1749, %dma_wait3A_1757, %dma_wait3A_1758] : memref<16x16x128xf32, #tpu.memory_space<vmem>> -> memref<1x16x128xf32, #tpu.memory_space<vmem>>
      %dma_wait3A_1760 = tpu.memref_squeeze %dma_wait3A_1759 : memref<1x16x128xf32, #tpu.memory_space<vmem>> -> memref<16x128xf32, #tpu.memory_space<vmem>>
      %dma_wait3A_1761 = arith.constant 0 : i32
      %dma_wait3A_1762 = arith.constant 0 : i32
      %dma_wait3A_1763 = tpu.memref_slice %arg4[%dma_wait3A_1761, %dma_wait3A_1762] : memref<16x1000000xf32, #tpu.memory_space<hbm>> -> memref<16x128xf32, #tpu.memory_space<hbm>>
      tpu.wait_dma2 semaphore(%arg21 : memref<!tpu.dma_semaphore, #tpu.memory_space<semaphore_mem>>) src(%dma_wait3A_1763 : memref<16x128xf32, #tpu.memory_space<hbm>>) dst(%dma_wait3A_1760 : memref<16x128xf32, #tpu.memory_space<vmem>>)
      %dma_wait3A_1764 = arith.constant 6 : i32
      %dma_wait3A_1765 = arith.constant 0 : i32
      %dma_wait3A_1766 = arith.constant 0 : i32
      %dma_wait3A_1767 = tpu.memref_slice %arg14[%dma_wait3A_1764, %dma_wait3A_1765, %dma_wait3A_1766] : memref<16x16x128xf32, #tpu.memory_space<vmem>> -> memref<1x16x128xf32, #tpu.memory_space<vmem>>
      %dma_wait3A_1768 = tpu.memref_squeeze %dma_wait3A_1767 : memref<1x16x128xf32, #tpu.memory_space<vmem>> -> memref<16x128xf32, #tpu.memory_space<vmem>>
      %dma_wait3A_1769 = arith.constant 0 : i32
      %dma_wait3A_1770 = arith.constant 0 : i32
      %dma_wait3A_1771 = tpu.memref_slice %arg4[%dma_wait3A_1769, %dma_wait3A_1770] : memref<16x1000000xf32, #tpu.memory_space<hbm>> -> memref<16x128xf32, #tpu.memory_space<hbm>>
      %dma_wait3A_1772 = arith.constant 0 : i32
      %dma_wait3A_1773 = arith.constant 0 : i32
      %dma_wait3A_1774 = tpu.memref_slice %arg14[%dma_wait3A_1764, %dma_wait3A_1772, %dma_wait3A_1773] : memref<16x16x128xf32, #tpu.memory_space<vmem>> -> memref<1x16x128xf32, #tpu.memory_space<vmem>>
      %dma_wait3A_1775 = tpu.memref_squeeze %dma_wait3A_1774 : memref<1x16x128xf32, #tpu.memory_space<vmem>> -> memref<16x128xf32, #tpu.memory_space<vmem>>
      %dma_wait3A_1776 = arith.constant 0 : i32
      %dma_wait3A_1777 = arith.constant 0 : i32
      %dma_wait3A_1778 = tpu.memref_slice %arg4[%dma_wait3A_1776, %dma_wait3A_1777] : memref<16x1000000xf32, #tpu.memory_space<hbm>> -> memref<16x128xf32, #tpu.memory_space<hbm>>
      tpu.wait_dma2 semaphore(%arg24 : memref<!tpu.dma_semaphore, #tpu.memory_space<semaphore_mem>>) src(%dma_wait3A_1778 : memref<16x128xf32, #tpu.memory_space<hbm>>) dst(%dma_wait3A_1775 : memref<16x128xf32, #tpu.memory_space<vmem>>)
      %dma_wait3A_1779 = arith.constant 7 : i32
      %dma_wait3A_1780 = arith.constant 0 : i32
      %dma_wait3A_1781 = arith.constant 0 : i32
      %dma_wait3A_1782 = tpu.memref_slice %arg14[%dma_wait3A_1779, %dma_wait3A_1780, %dma_wait3A_1781] : memref<16x16x128xf32, #tpu.memory_space<vmem>> -> memref<1x16x128xf32, #tpu.memory_space<vmem>>
      %dma_wait3A_1783 = tpu.memref_squeeze %dma_wait3A_1782 : memref<1x16x128xf32, #tpu.memory_space<vmem>> -> memref<16x128xf32, #tpu.memory_space<vmem>>
      %dma_wait3A_1784 = arith.constant 0 : i32
      %dma_wait3A_1785 = arith.constant 0 : i32
      %dma_wait3A_1786 = tpu.memref_slice %arg4[%dma_wait3A_1784, %dma_wait3A_1785] : memref<16x1000000xf32, #tpu.memory_space<hbm>> -> memref<16x128xf32, #tpu.memory_space<hbm>>
      %dma_wait3A_1787 = arith.constant 0 : i32
      %dma_wait3A_1788 = arith.constant 0 : i32
      %dma_wait3A_1789 = tpu.memref_slice %arg14[%dma_wait3A_1779, %dma_wait3A_1787, %dma_wait3A_1788] : memref<16x16x128xf32, #tpu.memory_space<vmem>> -> memref<1x16x128xf32, #tpu.memory_space<vmem>>
      %dma_wait3A_1790 = tpu.memref_squeeze %dma_wait3A_1789 : memref<1x16x128xf32, #tpu.memory_space<vmem>> -> memref<16x128xf32, #tpu.memory_space<vmem>>
      %dma_wait3A_1791 = arith.constant 0 : i32
      %dma_wait3A_1792 = arith.constant 0 : i32
      %dma_wait3A_1793 = tpu.memref_slice %arg4[%dma_wait3A_1791, %dma_wait3A_1792] : memref<16x1000000xf32, #tpu.memory_space<hbm>> -> memref<16x128xf32, #tpu.memory_space<hbm>>
      tpu.wait_dma2 semaphore(%arg25 : memref<!tpu.dma_semaphore, #tpu.memory_space<semaphore_mem>>) src(%dma_wait3A_1793 : memref<16x128xf32, #tpu.memory_space<hbm>>) dst(%dma_wait3A_1790 : memref<16x128xf32, #tpu.memory_space<vmem>>)
      %dma_wait3A_1794 = arith.constant 8 : i32
      %dma_wait3A_1795 = arith.constant 0 : i32
      %dma_wait3A_1796 = arith.constant 0 : i32
      %dma_wait3A_1797 = tpu.memref_slice %arg14[%dma_wait3A_1794, %dma_wait3A_1795, %dma_wait3A_1796] : memref<16x16x128xf32, #tpu.memory_space<vmem>> -> memref<1x16x128xf32, #tpu.memory_space<vmem>>
      %dma_wait3A_1798 = tpu.memref_squeeze %dma_wait3A_1797 : memref<1x16x128xf32, #tpu.memory_space<vmem>> -> memref<16x128xf32, #tpu.memory_space<vmem>>
      %dma_wait3A_1799 = arith.constant 0 : i32
      %dma_wait3A_1800 = arith.constant 0 : i32
      %dma_wait3A_1801 = tpu.memref_slice %arg4[%dma_wait3A_1799, %dma_wait3A_1800] : memref<16x1000000xf32, #tpu.memory_space<hbm>> -> memref<16x128xf32, #tpu.memory_space<hbm>>
      %dma_wait3A_1802 = arith.constant 0 : i32
      %dma_wait3A_1803 = arith.constant 0 : i32
      %dma_wait3A_1804 = tpu.memref_slice %arg14[%dma_wait3A_1794, %dma_wait3A_1802, %dma_wait3A_1803] : memref<16x16x128xf32, #tpu.memory_space<vmem>> -> memref<1x16x128xf32, #tpu.memory_space<vmem>>
      %dma_wait3A_1805 = tpu.memref_squeeze %dma_wait3A_1804 : memref<1x16x128xf32, #tpu.memory_space<vmem>> -> memref<16x128xf32, #tpu.memory_space<vmem>>
      %dma_wait3A_1806 = arith.constant 0 : i32
      %dma_wait3A_1807 = arith.constant 0 : i32
      %dma_wait3A_1808 = tpu.memref_slice %arg4[%dma_wait3A_1806, %dma_wait3A_1807] : memref<16x1000000xf32, #tpu.memory_space<hbm>> -> memref<16x128xf32, #tpu.memory_space<hbm>>
      tpu.wait_dma2 semaphore(%arg20 : memref<!tpu.dma_semaphore, #tpu.memory_space<semaphore_mem>>) src(%dma_wait3A_1808 : memref<16x128xf32, #tpu.memory_space<hbm>>) dst(%dma_wait3A_1805 : memref<16x128xf32, #tpu.memory_space<vmem>>)
      %dma_wait3A_1809 = arith.constant 9 : i32
      %dma_wait3A_1810 = arith.constant 0 : i32
      %dma_wait3A_1811 = arith.constant 0 : i32
      %dma_wait3A_1812 = tpu.memref_slice %arg14[%dma_wait3A_1809, %dma_wait3A_1810, %dma_wait3A_1811] : memref<16x16x128xf32, #tpu.memory_space<vmem>> -> memref<1x16x128xf32, #tpu.memory_space<vmem>>
      %dma_wait3A_1813 = tpu.memref_squeeze %dma_wait3A_1812 : memref<1x16x128xf32, #tpu.memory_space<vmem>> -> memref<16x128xf32, #tpu.memory_space<vmem>>
      %dma_wait3A_1814 = arith.constant 0 : i32
      %dma_wait3A_1815 = arith.constant 0 : i32
      %dma_wait3A_1816 = tpu.memref_slice %arg4[%dma_wait3A_1814, %dma_wait3A_1815] : memref<16x1000000xf32, #tpu.memory_space<hbm>> -> memref<16x128xf32, #tpu.memory_space<hbm>>
      %dma_wait3A_1817 = arith.constant 0 : i32
      %dma_wait3A_1818 = arith.constant 0 : i32
      %dma_wait3A_1819 = tpu.memref_slice %arg14[%dma_wait3A_1809, %dma_wait3A_1817, %dma_wait3A_1818] : memref<16x16x128xf32, #tpu.memory_space<vmem>> -> memref<1x16x128xf32, #tpu.memory_space<vmem>>
      %dma_wait3A_1820 = tpu.memref_squeeze %dma_wait3A_1819 : memref<1x16x128xf32, #tpu.memory_space<vmem>> -> memref<16x128xf32, #tpu.memory_space<vmem>>
      %dma_wait3A_1821 = arith.constant 0 : i32
      %dma_wait3A_1822 = arith.constant 0 : i32
      %dma_wait3A_1823 = tpu.memref_slice %arg4[%dma_wait3A_1821, %dma_wait3A_1822] : memref<16x1000000xf32, #tpu.memory_space<hbm>> -> memref<16x128xf32, #tpu.memory_space<hbm>>
      tpu.wait_dma2 semaphore(%arg21 : memref<!tpu.dma_semaphore, #tpu.memory_space<semaphore_mem>>) src(%dma_wait3A_1823 : memref<16x128xf32, #tpu.memory_space<hbm>>) dst(%dma_wait3A_1820 : memref<16x128xf32, #tpu.memory_space<vmem>>)
      %dma_wait3A_1824 = arith.constant 10 : i32
      %dma_wait3A_1825 = arith.constant 0 : i32
      %dma_wait3A_1826 = arith.constant 0 : i32
      %dma_wait3A_1827 = tpu.memref_slice %arg14[%dma_wait3A_1824, %dma_wait3A_1825, %dma_wait3A_1826] : memref<16x16x128xf32, #tpu.memory_space<vmem>> -> memref<1x16x128xf32, #tpu.memory_space<vmem>>
      %dma_wait3A_1828 = tpu.memref_squeeze %dma_wait3A_1827 : memref<1x16x128xf32, #tpu.memory_space<vmem>> -> memref<16x128xf32, #tpu.memory_space<vmem>>
      %dma_wait3A_1829 = arith.constant 0 : i32
      %dma_wait3A_1830 = arith.constant 0 : i32
      %dma_wait3A_1831 = tpu.memref_slice %arg4[%dma_wait3A_1829, %dma_wait3A_1830] : memref<16x1000000xf32, #tpu.memory_space<hbm>> -> memref<16x128xf32, #tpu.memory_space<hbm>>
      %dma_wait3A_1832 = arith.constant 0 : i32
      %dma_wait3A_1833 = arith.constant 0 : i32
      %dma_wait3A_1834 = tpu.memref_slice %arg14[%dma_wait3A_1824, %dma_wait3A_1832, %dma_wait3A_1833] : memref<16x16x128xf32, #tpu.memory_space<vmem>> -> memref<1x16x128xf32, #tpu.memory_space<vmem>>
      %dma_wait3A_1835 = tpu.memref_squeeze %dma_wait3A_1834 : memref<1x16x128xf32, #tpu.memory_space<vmem>> -> memref<16x128xf32, #tpu.memory_space<vmem>>
      %dma_wait3A_1836 = arith.constant 0 : i32
      %dma_wait3A_1837 = arith.constant 0 : i32
      %dma_wait3A_1838 = tpu.memref_slice %arg4[%dma_wait3A_1836, %dma_wait3A_1837] : memref<16x1000000xf32, #tpu.memory_space<hbm>> -> memref<16x128xf32, #tpu.memory_space<hbm>>
      tpu.wait_dma2 semaphore(%arg24 : memref<!tpu.dma_semaphore, #tpu.memory_space<semaphore_mem>>) src(%dma_wait3A_1838 : memref<16x128xf32, #tpu.memory_space<hbm>>) dst(%dma_wait3A_1835 : memref<16x128xf32, #tpu.memory_space<vmem>>)
      %dma_wait3A_1839 = arith.constant 11 : i32
      %dma_wait3A_1840 = arith.constant 0 : i32
      %dma_wait3A_1841 = arith.constant 0 : i32
      %dma_wait3A_1842 = tpu.memref_slice %arg14[%dma_wait3A_1839, %dma_wait3A_1840, %dma_wait3A_1841] : memref<16x16x128xf32, #tpu.memory_space<vmem>> -> memref<1x16x128xf32, #tpu.memory_space<vmem>>
      %dma_wait3A_1843 = tpu.memref_squeeze %dma_wait3A_1842 : memref<1x16x128xf32, #tpu.memory_space<vmem>> -> memref<16x128xf32, #tpu.memory_space<vmem>>
      %dma_wait3A_1844 = arith.constant 0 : i32
      %dma_wait3A_1845 = arith.constant 0 : i32
      %dma_wait3A_1846 = tpu.memref_slice %arg4[%dma_wait3A_1844, %dma_wait3A_1845] : memref<16x1000000xf32, #tpu.memory_space<hbm>> -> memref<16x128xf32, #tpu.memory_space<hbm>>
      %dma_wait3A_1847 = arith.constant 0 : i32
      %dma_wait3A_1848 = arith.constant 0 : i32
      %dma_wait3A_1849 = tpu.memref_slice %arg14[%dma_wait3A_1839, %dma_wait3A_1847, %dma_wait3A_1848] : memref<16x16x128xf32, #tpu.memory_space<vmem>> -> memref<1x16x128xf32, #tpu.memory_space<vmem>>
      %dma_wait3A_1850 = tpu.memref_squeeze %dma_wait3A_1849 : memref<1x16x128xf32, #tpu.memory_space<vmem>> -> memref<16x128xf32, #tpu.memory_space<vmem>>
      %dma_wait3A_1851 = arith.constant 0 : i32
      %dma_wait3A_1852 = arith.constant 0 : i32
      %dma_wait3A_1853 = tpu.memref_slice %arg4[%dma_wait3A_1851, %dma_wait3A_1852] : memref<16x1000000xf32, #tpu.memory_space<hbm>> -> memref<16x128xf32, #tpu.memory_space<hbm>>
      tpu.wait_dma2 semaphore(%arg25 : memref<!tpu.dma_semaphore, #tpu.memory_space<semaphore_mem>>) src(%dma_wait3A_1853 : memref<16x128xf32, #tpu.memory_space<hbm>>) dst(%dma_wait3A_1850 : memref<16x128xf32, #tpu.memory_space<vmem>>)
      %dma_wait3A_1854 = arith.constant 12 : i32
      %dma_wait3A_1855 = arith.constant 0 : i32
      %dma_wait3A_1856 = arith.constant 0 : i32
      %dma_wait3A_1857 = tpu.memref_slice %arg14[%dma_wait3A_1854, %dma_wait3A_1855, %dma_wait3A_1856] : memref<16x16x128xf32, #tpu.memory_space<vmem>> -> memref<1x16x128xf32, #tpu.memory_space<vmem>>
      %dma_wait3A_1858 = tpu.memref_squeeze %dma_wait3A_1857 : memref<1x16x128xf32, #tpu.memory_space<vmem>> -> memref<16x128xf32, #tpu.memory_space<vmem>>
      %dma_wait3A_1859 = arith.constant 0 : i32
      %dma_wait3A_1860 = arith.constant 0 : i32
      %dma_wait3A_1861 = tpu.memref_slice %arg4[%dma_wait3A_1859, %dma_wait3A_1860] : memref<16x1000000xf32, #tpu.memory_space<hbm>> -> memref<16x128xf32, #tpu.memory_space<hbm>>
      %dma_wait3A_1862 = arith.constant 0 : i32
      %dma_wait3A_1863 = arith.constant 0 : i32
      %dma_wait3A_1864 = tpu.memref_slice %arg14[%dma_wait3A_1854, %dma_wait3A_1862, %dma_wait3A_1863] : memref<16x16x128xf32, #tpu.memory_space<vmem>> -> memref<1x16x128xf32, #tpu.memory_space<vmem>>
      %dma_wait3A_1865 = tpu.memref_squeeze %dma_wait3A_1864 : memref<1x16x128xf32, #tpu.memory_space<vmem>> -> memref<16x128xf32, #tpu.memory_space<vmem>>
      %dma_wait3A_1866 = arith.constant 0 : i32
      %dma_wait3A_1867 = arith.constant 0 : i32
      %dma_wait3A_1868 = tpu.memref_slice %arg4[%dma_wait3A_1866, %dma_wait3A_1867] : memref<16x1000000xf32, #tpu.memory_space<hbm>> -> memref<16x128xf32, #tpu.memory_space<hbm>>
      tpu.wait_dma2 semaphore(%arg20 : memref<!tpu.dma_semaphore, #tpu.memory_space<semaphore_mem>>) src(%dma_wait3A_1868 : memref<16x128xf32, #tpu.memory_space<hbm>>) dst(%dma_wait3A_1865 : memref<16x128xf32, #tpu.memory_space<vmem>>)
      %dma_wait3A_1869 = arith.constant 13 : i32
      %dma_wait3A_1870 = arith.constant 0 : i32
      %dma_wait3A_1871 = arith.constant 0 : i32
      %dma_wait3A_1872 = tpu.memref_slice %arg14[%dma_wait3A_1869, %dma_wait3A_1870, %dma_wait3A_1871] : memref<16x16x128xf32, #tpu.memory_space<vmem>> -> memref<1x16x128xf32, #tpu.memory_space<vmem>>
      %dma_wait3A_1873 = tpu.memref_squeeze %dma_wait3A_1872 : memref<1x16x128xf32, #tpu.memory_space<vmem>> -> memref<16x128xf32, #tpu.memory_space<vmem>>
      %dma_wait3A_1874 = arith.constant 0 : i32
      %dma_wait3A_1875 = arith.constant 0 : i32
      %dma_wait3A_1876 = tpu.memref_slice %arg4[%dma_wait3A_1874, %dma_wait3A_1875] : memref<16x1000000xf32, #tpu.memory_space<hbm>> -> memref<16x128xf32, #tpu.memory_space<hbm>>
      %dma_wait3A_1877 = arith.constant 0 : i32
      %dma_wait3A_1878 = arith.constant 0 : i32
      %dma_wait3A_1879 = tpu.memref_slice %arg14[%dma_wait3A_1869, %dma_wait3A_1877, %dma_wait3A_1878] : memref<16x16x128xf32, #tpu.memory_space<vmem>> -> memref<1x16x128xf32, #tpu.memory_space<vmem>>
      %dma_wait3A_1880 = tpu.memref_squeeze %dma_wait3A_1879 : memref<1x16x128xf32, #tpu.memory_space<vmem>> -> memref<16x128xf32, #tpu.memory_space<vmem>>
      %dma_wait3A_1881 = arith.constant 0 : i32
      %dma_wait3A_1882 = arith.constant 0 : i32
      %dma_wait3A_1883 = tpu.memref_slice %arg4[%dma_wait3A_1881, %dma_wait3A_1882] : memref<16x1000000xf32, #tpu.memory_space<hbm>> -> memref<16x128xf32, #tpu.memory_space<hbm>>
      tpu.wait_dma2 semaphore(%arg21 : memref<!tpu.dma_semaphore, #tpu.memory_space<semaphore_mem>>) src(%dma_wait3A_1883 : memref<16x128xf32, #tpu.memory_space<hbm>>) dst(%dma_wait3A_1880 : memref<16x128xf32, #tpu.memory_space<vmem>>)
      %dma_wait3A_1884 = arith.constant 14 : i32
      %dma_wait3A_1885 = arith.constant 0 : i32
      %dma_wait3A_1886 = arith.constant 0 : i32
      %dma_wait3A_1887 = tpu.memref_slice %arg14[%dma_wait3A_1884, %dma_wait3A_1885, %dma_wait3A_1886] : memref<16x16x128xf32, #tpu.memory_space<vmem>> -> memref<1x16x128xf32, #tpu.memory_space<vmem>>
      %dma_wait3A_1888 = tpu.memref_squeeze %dma_wait3A_1887 : memref<1x16x128xf32, #tpu.memory_space<vmem>> -> memref<16x128xf32, #tpu.memory_space<vmem>>
      %dma_wait3A_1889 = arith.constant 0 : i32
      %dma_wait3A_1890 = arith.constant 0 : i32
      %dma_wait3A_1891 = tpu.memref_slice %arg4[%dma_wait3A_1889, %dma_wait3A_1890] : memref<16x1000000xf32, #tpu.memory_space<hbm>> -> memref<16x128xf32, #tpu.memory_space<hbm>>
      %dma_wait3A_1892 = arith.constant 0 : i32
      %dma_wait3A_1893 = arith.constant 0 : i32
      %dma_wait3A_1894 = tpu.memref_slice %arg14[%dma_wait3A_1884, %dma_wait3A_1892, %dma_wait3A_1893] : memref<16x16x128xf32, #tpu.memory_space<vmem>> -> memref<1x16x128xf32, #tpu.memory_space<vmem>>
      %dma_wait3A_1895 = tpu.memref_squeeze %dma_wait3A_1894 : memref<1x16x128xf32, #tpu.memory_space<vmem>> -> memref<16x128xf32, #tpu.memory_space<vmem>>
      %dma_wait3A_1896 = arith.constant 0 : i32
      %dma_wait3A_1897 = arith.constant 0 : i32
      %dma_wait3A_1898 = tpu.memref_slice %arg4[%dma_wait3A_1896, %dma_wait3A_1897] : memref<16x1000000xf32, #tpu.memory_space<hbm>> -> memref<16x128xf32, #tpu.memory_space<hbm>>
      tpu.wait_dma2 semaphore(%arg24 : memref<!tpu.dma_semaphore, #tpu.memory_space<semaphore_mem>>) src(%dma_wait3A_1898 : memref<16x128xf32, #tpu.memory_space<hbm>>) dst(%dma_wait3A_1895 : memref<16x128xf32, #tpu.memory_space<vmem>>)
      %dma_wait3A_1899 = arith.constant 15 : i32
      %dma_wait3A_1900 = arith.constant 0 : i32
      %dma_wait3A_1901 = arith.constant 0 : i32
      %dma_wait3A_1902 = tpu.memref_slice %arg14[%dma_wait3A_1899, %dma_wait3A_1900, %dma_wait3A_1901] : memref<16x16x128xf32, #tpu.memory_space<vmem>> -> memref<1x16x128xf32, #tpu.memory_space<vmem>>
      %dma_wait3A_1903 = tpu.memref_squeeze %dma_wait3A_1902 : memref<1x16x128xf32, #tpu.memory_space<vmem>> -> memref<16x128xf32, #tpu.memory_space<vmem>>
      %dma_wait3A_1904 = arith.constant 0 : i32
      %dma_wait3A_1905 = arith.constant 0 : i32
      %dma_wait3A_1906 = tpu.memref_slice %arg4[%dma_wait3A_1904, %dma_wait3A_1905] : memref<16x1000000xf32, #tpu.memory_space<hbm>> -> memref<16x128xf32, #tpu.memory_space<hbm>>
      %dma_wait3A_1907 = arith.constant 0 : i32
      %dma_wait3A_1908 = arith.constant 0 : i32
      %dma_wait3A_1909 = tpu.memref_slice %arg14[%dma_wait3A_1899, %dma_wait3A_1907, %dma_wait3A_1908] : memref<16x16x128xf32, #tpu.memory_space<vmem>> -> memref<1x16x128xf32, #tpu.memory_space<vmem>>
      %dma_wait3A_1910 = tpu.memref_squeeze %dma_wait3A_1909 : memref<1x16x128xf32, #tpu.memory_space<vmem>> -> memref<16x128xf32, #tpu.memory_space<vmem>>
      %dma_wait3A_1911 = arith.constant 0 : i32
      %dma_wait3A_1912 = arith.constant 0 : i32
      %dma_wait3A_1913 = tpu.memref_slice %arg4[%dma_wait3A_1911, %dma_wait3A_1912] : memref<16x1000000xf32, #tpu.memory_space<hbm>> -> memref<16x128xf32, #tpu.memory_space<hbm>>
      tpu.wait_dma2 semaphore(%arg25 : memref<!tpu.dma_semaphore, #tpu.memory_space<semaphore_mem>>) src(%dma_wait3A_1913 : memref<16x128xf32, #tpu.memory_space<hbm>>) dst(%dma_wait3A_1910 : memref<16x128xf32, #tpu.memory_space<vmem>>)
      %mul3A_1914 = arith.constant 16 : i32
      %mul3A_1915 = arith.muli %scan3A_282, %mul3A_1914 : i32
      %get3A_1916 = arith.index_cast %mul3A_1915 : i32 to index
      %get3A_1917 = tpu.vector_load %arg13[%get3A_1916] {strides = array<i32>} : memref<512xi32, #tpu.memory_space<vmem>>, vector<16xi32>,
      %and3A_1918 = arith.constant 127 : i32
      %and3A_1919 = vector.broadcast %and3A_1918 : i32 to vector<16xi32>
      %and3A_1920 = arith.andi %get3A_1917, %and3A_1919 : vector<16xi32>
      %broadcast_in_dim3A_1921 = arith.constant 0 : i32
      %broadcast_in_dim3A_1922 = vector.broadcast %broadcast_in_dim3A_1921 : i32 to vector<16xi32>
      %gather3A_1923 = tpu.vector_load_idx %arg14[%iota3A, %broadcast_in_dim3A_1922, %and3A_1920] : memref<16x16x128xf32, #tpu.memory_space<vmem>>[vector<16xi32>, vector<16xi32>, vector<16xi32>], vector<16xf32>,
      tpu.vector_store_idx %arg17[%iota3A, %broadcast_in_dim3A_1922], %gather3A_1923 : memref<16x16xf32, #tpu.memory_space<vmem>>[vector<16xi32>, vector<16xi32>], vector<16xf32>,
      %broadcast_in_dim3A_1924 = arith.constant 1 : i32
      %broadcast_in_dim3A_1925 = vector.broadcast %broadcast_in_dim3A_1924 : i32 to vector<16xi32>
      %gather3A_1926 = tpu.vector_load_idx %arg14[%iota3A, %broadcast_in_dim3A_1925, %and3A_1920] : memref<16x16x128xf32, #tpu.memory_space<vmem>>[vector<16xi32>, vector<16xi32>, vector<16xi32>], vector<16xf32>,
      tpu.vector_store_idx %arg17[%iota3A, %broadcast_in_dim3A_1925], %gather3A_1926 : memref<16x16xf32, #tpu.memory_space<vmem>>[vector<16xi32>, vector<16xi32>], vector<16xf32>,
      %broadcast_in_dim3A_1927 = arith.constant 2 : i32
      %broadcast_in_dim3A_1928 = vector.broadcast %broadcast_in_dim3A_1927 : i32 to vector<16xi32>
      %gather3A_1929 = tpu.vector_load_idx %arg14[%iota3A, %broadcast_in_dim3A_1928, %and3A_1920] : memref<16x16x128xf32, #tpu.memory_space<vmem>>[vector<16xi32>, vector<16xi32>, vector<16xi32>], vector<16xf32>,
      tpu.vector_store_idx %arg17[%iota3A, %broadcast_in_dim3A_1928], %gather3A_1929 : memref<16x16xf32, #tpu.memory_space<vmem>>[vector<16xi32>, vector<16xi32>], vector<16xf32>,
      %broadcast_in_dim3A_1930 = arith.constant 3 : i32
      %broadcast_in_dim3A_1931 = vector.broadcast %broadcast_in_dim3A_1930 : i32 to vector<16xi32>
      %gather3A_1932 = tpu.vector_load_idx %arg14[%iota3A, %broadcast_in_dim3A_1931, %and3A_1920] : memref<16x16x128xf32, #tpu.memory_space<vmem>>[vector<16xi32>, vector<16xi32>, vector<16xi32>], vector<16xf32>,
      tpu.vector_store_idx %arg17[%iota3A, %broadcast_in_dim3A_1931], %gather3A_1932 : memref<16x16xf32, #tpu.memory_space<vmem>>[vector<16xi32>, vector<16xi32>], vector<16xf32>,
      %broadcast_in_dim3A_1933 = arith.constant 4 : i32
      %broadcast_in_dim3A_1934 = vector.broadcast %broadcast_in_dim3A_1933 : i32 to vector<16xi32>
      %gather3A_1935 = tpu.vector_load_idx %arg14[%iota3A, %broadcast_in_dim3A_1934, %and3A_1920] : memref<16x16x128xf32, #tpu.memory_space<vmem>>[vector<16xi32>, vector<16xi32>, vector<16xi32>], vector<16xf32>,
      tpu.vector_store_idx %arg17[%iota3A, %broadcast_in_dim3A_1934], %gather3A_1935 : memref<16x16xf32, #tpu.memory_space<vmem>>[vector<16xi32>, vector<16xi32>], vector<16xf32>,
      %broadcast_in_dim3A_1936 = arith.constant 5 : i32
      %broadcast_in_dim3A_1937 = vector.broadcast %broadcast_in_dim3A_1936 : i32 to vector<16xi32>
      %gather3A_1938 = tpu.vector_load_idx %arg14[%iota3A, %broadcast_in_dim3A_1937, %and3A_1920] : memref<16x16x128xf32, #tpu.memory_space<vmem>>[vector<16xi32>, vector<16xi32>, vector<16xi32>], vector<16xf32>,
      tpu.vector_store_idx %arg17[%iota3A, %broadcast_in_dim3A_1937], %gather3A_1938 : memref<16x16xf32, #tpu.memory_space<vmem>>[vector<16xi32>, vector<16xi32>], vector<16xf32>,
      %broadcast_in_dim3A_1939 = arith.constant 6 : i32
      %broadcast_in_dim3A_1940 = vector.broadcast %broadcast_in_dim3A_1939 : i32 to vector<16xi32>
      %gather3A_1941 = tpu.vector_load_idx %arg14[%iota3A, %broadcast_in_dim3A_1940, %and3A_1920] : memref<16x16x128xf32, #tpu.memory_space<vmem>>[vector<16xi32>, vector<16xi32>, vector<16xi32>], vector<16xf32>,
      tpu.vector_store_idx %arg17[%iota3A, %broadcast_in_dim3A_1940], %gather3A_1941 : memref<16x16xf32, #tpu.memory_space<vmem>>[vector<16xi32>, vector<16xi32>], vector<16xf32>,
      %broadcast_in_dim3A_1942 = arith.constant 7 : i32
      %broadcast_in_dim3A_1943 = vector.broadcast %broadcast_in_dim3A_1942 : i32 to vector<16xi32>
      %gather3A_1944 = tpu.vector_load_idx %arg14[%iota3A, %broadcast_in_dim3A_1943, %and3A_1920] : memref<16x16x128xf32, #tpu.memory_space<vmem>>[vector<16xi32>, vector<16xi32>, vector<16xi32>], vector<16xf32>,
      tpu.vector_store_idx %arg17[%iota3A, %broadcast_in_dim3A_1943], %gather3A_1944 : memref<16x16xf32, #tpu.memory_space<vmem>>[vector<16xi32>, vector<16xi32>], vector<16xf32>,
      %broadcast_in_dim3A_1945 = arith.constant 8 : i32
      %broadcast_in_dim3A_1946 = vector.broadcast %broadcast_in_dim3A_1945 : i32 to vector<16xi32>
      %gather3A_1947 = tpu.vector_load_idx %arg14[%iota3A, %broadcast_in_dim3A_1946, %and3A_1920] : memref<16x16x128xf32, #tpu.memory_space<vmem>>[vector<16xi32>, vector<16xi32>, vector<16xi32>], vector<16xf32>,
      tpu.vector_store_idx %arg17[%iota3A, %broadcast_in_dim3A_1946], %gather3A_1947 : memref<16x16xf32, #tpu.memory_space<vmem>>[vector<16xi32>, vector<16xi32>], vector<16xf32>,
      %broadcast_in_dim3A_1948 = arith.constant 9 : i32
      %broadcast_in_dim3A_1949 = vector.broadcast %broadcast_in_dim3A_1948 : i32 to vector<16xi32>
      %gather3A_1950 = tpu.vector_load_idx %arg14[%iota3A, %broadcast_in_dim3A_1949, %and3A_1920] : memref<16x16x128xf32, #tpu.memory_space<vmem>>[vector<16xi32>, vector<16xi32>, vector<16xi32>], vector<16xf32>,
      tpu.vector_store_idx %arg17[%iota3A, %broadcast_in_dim3A_1949], %gather3A_1950 : memref<16x16xf32, #tpu.memory_space<vmem>>[vector<16xi32>, vector<16xi32>], vector<16xf32>,
      %broadcast_in_dim3A_1951 = arith.constant 10 : i32
      %broadcast_in_dim3A_1952 = vector.broadcast %broadcast_in_dim3A_1951 : i32 to vector<16xi32>
      %gather3A_1953 = tpu.vector_load_idx %arg14[%iota3A, %broadcast_in_dim3A_1952, %and3A_1920] : memref<16x16x128xf32, #tpu.memory_space<vmem>>[vector<16xi32>, vector<16xi32>, vector<16xi32>], vector<16xf32>,
      tpu.vector_store_idx %arg17[%iota3A, %broadcast_in_dim3A_1952], %gather3A_1953 : memref<16x16xf32, #tpu.memory_space<vmem>>[vector<16xi32>, vector<16xi32>], vector<16xf32>,
      %broadcast_in_dim3A_1954 = arith.constant 11 : i32
      %broadcast_in_dim3A_1955 = vector.broadcast %broadcast_in_dim3A_1954 : i32 to vector<16xi32>
      %gather3A_1956 = tpu.vector_load_idx %arg14[%iota3A, %broadcast_in_dim3A_1955, %and3A_1920] : memref<16x16x128xf32, #tpu.memory_space<vmem>>[vector<16xi32>, vector<16xi32>, vector<16xi32>], vector<16xf32>,
      tpu.vector_store_idx %arg17[%iota3A, %broadcast_in_dim3A_1955], %gather3A_1956 : memref<16x16xf32, #tpu.memory_space<vmem>>[vector<16xi32>, vector<16xi32>], vector<16xf32>,
      %broadcast_in_dim3A_1957 = arith.constant 12 : i32
      %broadcast_in_dim3A_1958 = vector.broadcast %broadcast_in_dim3A_1957 : i32 to vector<16xi32>
      %gather3A_1959 = tpu.vector_load_idx %arg14[%iota3A, %broadcast_in_dim3A_1958, %and3A_1920] : memref<16x16x128xf32, #tpu.memory_space<vmem>>[vector<16xi32>, vector<16xi32>, vector<16xi32>], vector<16xf32>,
      tpu.vector_store_idx %arg17[%iota3A, %broadcast_in_dim3A_1958], %gather3A_1959 : memref<16x16xf32, #tpu.memory_space<vmem>>[vector<16xi32>, vector<16xi32>], vector<16xf32>,
      %broadcast_in_dim3A_1960 = arith.constant 13 : i32
      %broadcast_in_dim3A_1961 = vector.broadcast %broadcast_in_dim3A_1960 : i32 to vector<16xi32>
      %gather3A_1962 = tpu.vector_load_idx %arg14[%iota3A, %broadcast_in_dim3A_1961, %and3A_1920] : memref<16x16x128xf32, #tpu.memory_space<vmem>>[vector<16xi32>, vector<16xi32>, vector<16xi32>], vector<16xf32>,
      tpu.vector_store_idx %arg17[%iota3A, %broadcast_in_dim3A_1961], %gather3A_1962 : memref<16x16xf32, #tpu.memory_space<vmem>>[vector<16xi32>, vector<16xi32>], vector<16xf32>,
      %broadcast_in_dim3A_1963 = arith.constant 14 : i32
      %broadcast_in_dim3A_1964 = vector.broadcast %broadcast_in_dim3A_1963 : i32 to vector<16xi32>
      %gather3A_1965 = tpu.vector_load_idx %arg14[%iota3A, %broadcast_in_dim3A_1964, %and3A_1920] : memref<16x16x128xf32, #tpu.memory_space<vmem>>[vector<16xi32>, vector<16xi32>, vector<16xi32>], vector<16xf32>,
      tpu.vector_store_idx %arg17[%iota3A, %broadcast_in_dim3A_1964], %gather3A_1965 : memref<16x16xf32, #tpu.memory_space<vmem>>[vector<16xi32>, vector<16xi32>], vector<16xf32>,
      %broadcast_in_dim3A_1966 = arith.constant 15 : i32
      %broadcast_in_dim3A_1967 = vector.broadcast %broadcast_in_dim3A_1966 : i32 to vector<16xi32>
      %gather3A_1968 = tpu.vector_load_idx %arg14[%iota3A, %broadcast_in_dim3A_1967, %and3A_1920] : memref<16x16x128xf32, #tpu.memory_space<vmem>>[vector<16xi32>, vector<16xi32>, vector<16xi32>], vector<16xf32>,
      tpu.vector_store_idx %arg17[%iota3A, %broadcast_in_dim3A_1967], %gather3A_1968 : memref<16x16xf32, #tpu.memory_space<vmem>>[vector<16xi32>, vector<16xi32>], vector<16xf32>,
      %lt3A = arith.constant 31 : i32
      %lt3A_1969 = arith.cmpi slt, %scan3A_282, %lt3A : i32
      %convert_element_type3A_1970 = arith.extui %lt3A_1969 : i1 to i32
      %cond3A_1971 = arith.constant 0 : i32
      %cond3A_1972 = arith.cmpi ne, %convert_element_type3A_1970, %cond3A_1971 : i32
      scf.if %cond3A_1972 {
        %add3A_2287 = arith.constant 1 : i32
        %add3A_2288 = arith.addi %scan3A_282, %add3A_2287 : i32
        %mul3A_2289 = arith.constant 16 : i32
        %mul3A_2290 = arith.muli %add3A_2288, %mul3A_2289 : i32
        %get3A_2291 = arith.index_cast %mul3A_2290 : i32 to index
        %get3A_2292 = tpu.vector_load %arg12[%get3A_2291] {strides = array<i32>} : memref<512xi32, #tpu.memory_space<vmem>>, vector<16xi32>,
        %shift_right_logical3A_2293 = arith.constant 7 : i32
        %shift_right_logical3A_2294 = vector.broadcast %shift_right_logical3A_2293 : i32 to vector<16xi32>
        %shift_right_logical3A_2295 = arith.shrui %get3A_2292, %shift_right_logical3A_2294 : vector<16xi32>
        %shift_left3A_2296 = arith.constant 7 : i32
        %shift_left3A_2297 = vector.broadcast %shift_left3A_2296 : i32 to vector<16xi32>
        %shift_left3A_2298 = arith.shli %shift_right_logical3A_2295, %shift_left3A_2297 : vector<16xi32>
        %slice3A_2299 = vector.extract_strided_slice %shift_left3A_2298 {offsets = [0], sizes = [1], strides = [1]} : vector<16xi32> to vector<1xi32>
        %squeeze3A_2300 = vector.extract %slice3A_2299[0] : i32 from vector<1xi32>
        %multiple_of3A_2301 = tpu.assume_multiple %squeeze3A_2300, 128 : i32
        %dma_start3A_2302 = arith.constant 0 : i32
        %dma_start3A_2303 = arith.constant 0 : i32
        %dma_start3A_2304 = arith.constant 0 : i32
        %dma_start3A_2305 = tpu.memref_slice %arg14[%dma_start3A_2302, %dma_start3A_2303, %dma_start3A_2304] : memref<16x16x128xf32, #tpu.memory_space<vmem>> -> memref<1x16x128xf32, #tpu.memory_space<vmem>>
        %dma_start3A_2306 = tpu.memref_squeeze %dma_start3A_2305 : memref<1x16x128xf32, #tpu.memory_space<vmem>> -> memref<16x128xf32, #tpu.memory_space<vmem>>
        %dma_start3A_2307 = arith.constant 0 : i32
        %dma_start3A_2308 = tpu.memref_slice %arg4[%dma_start3A_2307, %multiple_of3A_2301] : memref<16x1000000xf32, #tpu.memory_space<hbm>> -> memref<16x128xf32, #tpu.memory_space<hbm>>
        %dma_start3A_2309 = arith.constant 0 : i32
        %dma_start3A_2310 = arith.constant 0 : i32
        %dma_start3A_2311 = tpu.memref_slice %arg14[%dma_start3A_2302, %dma_start3A_2309, %dma_start3A_2310] : memref<16x16x128xf32, #tpu.memory_space<vmem>> -> memref<1x16x128xf32, #tpu.memory_space<vmem>>
        %dma_start3A_2312 = tpu.memref_squeeze %dma_start3A_2311 : memref<1x16x128xf32, #tpu.memory_space<vmem>> -> memref<16x128xf32, #tpu.memory_space<vmem>>
        %dma_start3A_2313 = arith.constant 0 : i32
        %dma_start3A_2314 = tpu.memref_slice %arg4[%dma_start3A_2313, %multiple_of3A_2301] : memref<16x1000000xf32, #tpu.memory_space<hbm>> -> memref<16x128xf32, #tpu.memory_space<hbm>>
        tpu.enqueue_dma source(%dma_start3A_2314 : memref<16x128xf32, #tpu.memory_space<hbm>>) target(%dma_start3A_2312 : memref<16x128xf32, #tpu.memory_space<vmem>>) target_semaphore(%arg20 : memref<!tpu.dma_semaphore, #tpu.memory_space<semaphore_mem>>)
        %slice3A_2315 = vector.extract_strided_slice %shift_left3A_2298 {offsets = [1], sizes = [1], strides = [1]} : vector<16xi32> to vector<1xi32>
        %squeeze3A_2316 = vector.extract %slice3A_2315[0] : i32 from vector<1xi32>
        %multiple_of3A_2317 = tpu.assume_multiple %squeeze3A_2316, 128 : i32
        %dma_start3A_2318 = arith.constant 1 : i32
        %dma_start3A_2319 = arith.constant 0 : i32
        %dma_start3A_2320 = arith.constant 0 : i32
        %dma_start3A_2321 = tpu.memref_slice %arg14[%dma_start3A_2318, %dma_start3A_2319, %dma_start3A_2320] : memref<16x16x128xf32, #tpu.memory_space<vmem>> -> memref<1x16x128xf32, #tpu.memory_space<vmem>>
        %dma_start3A_2322 = tpu.memref_squeeze %dma_start3A_2321 : memref<1x16x128xf32, #tpu.memory_space<vmem>> -> memref<16x128xf32, #tpu.memory_space<vmem>>
        %dma_start3A_2323 = arith.constant 0 : i32
        %dma_start3A_2324 = tpu.memref_slice %arg4[%dma_start3A_2323, %multiple_of3A_2317] : memref<16x1000000xf32, #tpu.memory_space<hbm>> -> memref<16x128xf32, #tpu.memory_space<hbm>>
        %dma_start3A_2325 = arith.constant 0 : i32
        %dma_start3A_2326 = arith.constant 0 : i32
        %dma_start3A_2327 = tpu.memref_slice %arg14[%dma_start3A_2318, %dma_start3A_2325, %dma_start3A_2326] : memref<16x16x128xf32, #tpu.memory_space<vmem>> -> memref<1x16x128xf32, #tpu.memory_space<vmem>>
        %dma_start3A_2328 = tpu.memref_squeeze %dma_start3A_2327 : memref<1x16x128xf32, #tpu.memory_space<vmem>> -> memref<16x128xf32, #tpu.memory_space<vmem>>
        %dma_start3A_2329 = arith.constant 0 : i32
        %dma_start3A_2330 = tpu.memref_slice %arg4[%dma_start3A_2329, %multiple_of3A_2317] : memref<16x1000000xf32, #tpu.memory_space<hbm>> -> memref<16x128xf32, #tpu.memory_space<hbm>>
        tpu.enqueue_dma source(%dma_start3A_2330 : memref<16x128xf32, #tpu.memory_space<hbm>>) target(%dma_start3A_2328 : memref<16x128xf32, #tpu.memory_space<vmem>>) target_semaphore(%arg21 : memref<!tpu.dma_semaphore, #tpu.memory_space<semaphore_mem>>)
        %slice3A_2331 = vector.extract_strided_slice %shift_left3A_2298 {offsets = [2], sizes = [1], strides = [1]} : vector<16xi32> to vector<1xi32>
        %squeeze3A_2332 = vector.extract %slice3A_2331[0] : i32 from vector<1xi32>
        %multiple_of3A_2333 = tpu.assume_multiple %squeeze3A_2332, 128 : i32
        %dma_start3A_2334 = arith.constant 2 : i32
        %dma_start3A_2335 = arith.constant 0 : i32
        %dma_start3A_2336 = arith.constant 0 : i32
        %dma_start3A_2337 = tpu.memref_slice %arg14[%dma_start3A_2334, %dma_start3A_2335, %dma_start3A_2336] : memref<16x16x128xf32, #tpu.memory_space<vmem>> -> memref<1x16x128xf32, #tpu.memory_space<vmem>>
        %dma_start3A_2338 = tpu.memref_squeeze %dma_start3A_2337 : memref<1x16x128xf32, #tpu.memory_space<vmem>> -> memref<16x128xf32, #tpu.memory_space<vmem>>
        %dma_start3A_2339 = arith.constant 0 : i32
        %dma_start3A_2340 = tpu.memref_slice %arg4[%dma_start3A_2339, %multiple_of3A_2333] : memref<16x1000000xf32, #tpu.memory_space<hbm>> -> memref<16x128xf32, #tpu.memory_space<hbm>>
        %dma_start3A_2341 = arith.constant 0 : i32
        %dma_start3A_2342 = arith.constant 0 : i32
        %dma_start3A_2343 = tpu.memref_slice %arg14[%dma_start3A_2334, %dma_start3A_2341, %dma_start3A_2342] : memref<16x16x128xf32, #tpu.memory_space<vmem>> -> memref<1x16x128xf32, #tpu.memory_space<vmem>>
        %dma_start3A_2344 = tpu.memref_squeeze %dma_start3A_2343 : memref<1x16x128xf32, #tpu.memory_space<vmem>> -> memref<16x128xf32, #tpu.memory_space<vmem>>
        %dma_start3A_2345 = arith.constant 0 : i32
        %dma_start3A_2346 = tpu.memref_slice %arg4[%dma_start3A_2345, %multiple_of3A_2333] : memref<16x1000000xf32, #tpu.memory_space<hbm>> -> memref<16x128xf32, #tpu.memory_space<hbm>>
        tpu.enqueue_dma source(%dma_start3A_2346 : memref<16x128xf32, #tpu.memory_space<hbm>>) target(%dma_start3A_2344 : memref<16x128xf32, #tpu.memory_space<vmem>>) target_semaphore(%arg24 : memref<!tpu.dma_semaphore, #tpu.memory_space<semaphore_mem>>)
        %slice3A_2347 = vector.extract_strided_slice %shift_left3A_2298 {offsets = [3], sizes = [1], strides = [1]} : vector<16xi32> to vector<1xi32>
        %squeeze3A_2348 = vector.extract %slice3A_2347[0] : i32 from vector<1xi32>
        %multiple_of3A_2349 = tpu.assume_multiple %squeeze3A_2348, 128 : i32
        %dma_start3A_2350 = arith.constant 3 : i32
        %dma_start3A_2351 = arith.constant 0 : i32
        %dma_start3A_2352 = arith.constant 0 : i32
        %dma_start3A_2353 = tpu.memref_slice %arg14[%dma_start3A_2350, %dma_start3A_2351, %dma_start3A_2352] : memref<16x16x128xf32, #tpu.memory_space<vmem>> -> memref<1x16x128xf32, #tpu.memory_space<vmem>>
        %dma_start3A_2354 = tpu.memref_squeeze %dma_start3A_2353 : memref<1x16x128xf32, #tpu.memory_space<vmem>> -> memref<16x128xf32, #tpu.memory_space<vmem>>
        %dma_start3A_2355 = arith.constant 0 : i32
        %dma_start3A_2356 = tpu.memref_slice %arg4[%dma_start3A_2355, %multiple_of3A_2349] : memref<16x1000000xf32, #tpu.memory_space<hbm>> -> memref<16x128xf32, #tpu.memory_space<hbm>>
        %dma_start3A_2357 = arith.constant 0 : i32
        %dma_start3A_2358 = arith.constant 0 : i32
        %dma_start3A_2359 = tpu.memref_slice %arg14[%dma_start3A_2350, %dma_start3A_2357, %dma_start3A_2358] : memref<16x16x128xf32, #tpu.memory_space<vmem>> -> memref<1x16x128xf32, #tpu.memory_space<vmem>>
        %dma_start3A_2360 = tpu.memref_squeeze %dma_start3A_2359 : memref<1x16x128xf32, #tpu.memory_space<vmem>> -> memref<16x128xf32, #tpu.memory_space<vmem>>
        %dma_start3A_2361 = arith.constant 0 : i32
        %dma_start3A_2362 = tpu.memref_slice %arg4[%dma_start3A_2361, %multiple_of3A_2349] : memref<16x1000000xf32, #tpu.memory_space<hbm>> -> memref<16x128xf32, #tpu.memory_space<hbm>>
        tpu.enqueue_dma source(%dma_start3A_2362 : memref<16x128xf32, #tpu.memory_space<hbm>>) target(%dma_start3A_2360 : memref<16x128xf32, #tpu.memory_space<vmem>>) target_semaphore(%arg25 : memref<!tpu.dma_semaphore, #tpu.memory_space<semaphore_mem>>)
        %slice3A_2363 = vector.extract_strided_slice %shift_left3A_2298 {offsets = [4], sizes = [1], strides = [1]} : vector<16xi32> to vector<1xi32>
        %squeeze3A_2364 = vector.extract %slice3A_2363[0] : i32 from vector<1xi32>
        %multiple_of3A_2365 = tpu.assume_multiple %squeeze3A_2364, 128 : i32
        %dma_start3A_2366 = arith.constant 4 : i32
        %dma_start3A_2367 = arith.constant 0 : i32
        %dma_start3A_2368 = arith.constant 0 : i32
        %dma_start3A_2369 = tpu.memref_slice %arg14[%dma_start3A_2366, %dma_start3A_2367, %dma_start3A_2368] : memref<16x16x128xf32, #tpu.memory_space<vmem>> -> memref<1x16x128xf32, #tpu.memory_space<vmem>>
        %dma_start3A_2370 = tpu.memref_squeeze %dma_start3A_2369 : memref<1x16x128xf32, #tpu.memory_space<vmem>> -> memref<16x128xf32, #tpu.memory_space<vmem>>
        %dma_start3A_2371 = arith.constant 0 : i32
        %dma_start3A_2372 = tpu.memref_slice %arg4[%dma_start3A_2371, %multiple_of3A_2365] : memref<16x1000000xf32, #tpu.memory_space<hbm>> -> memref<16x128xf32, #tpu.memory_space<hbm>>
        %dma_start3A_2373 = arith.constant 0 : i32
        %dma_start3A_2374 = arith.constant 0 : i32
        %dma_start3A_2375 = tpu.memref_slice %arg14[%dma_start3A_2366, %dma_start3A_2373, %dma_start3A_2374] : memref<16x16x128xf32, #tpu.memory_space<vmem>> -> memref<1x16x128xf32, #tpu.memory_space<vmem>>
        %dma_start3A_2376 = tpu.memref_squeeze %dma_start3A_2375 : memref<1x16x128xf32, #tpu.memory_space<vmem>> -> memref<16x128xf32, #tpu.memory_space<vmem>>
        %dma_start3A_2377 = arith.constant 0 : i32
        %dma_start3A_2378 = tpu.memref_slice %arg4[%dma_start3A_2377, %multiple_of3A_2365] : memref<16x1000000xf32, #tpu.memory_space<hbm>> -> memref<16x128xf32, #tpu.memory_space<hbm>>
        tpu.enqueue_dma source(%dma_start3A_2378 : memref<16x128xf32, #tpu.memory_space<hbm>>) target(%dma_start3A_2376 : memref<16x128xf32, #tpu.memory_space<vmem>>) target_semaphore(%arg20 : memref<!tpu.dma_semaphore, #tpu.memory_space<semaphore_mem>>)
        %slice3A_2379 = vector.extract_strided_slice %shift_left3A_2298 {offsets = [5], sizes = [1], strides = [1]} : vector<16xi32> to vector<1xi32>
        %squeeze3A_2380 = vector.extract %slice3A_2379[0] : i32 from vector<1xi32>
        %multiple_of3A_2381 = tpu.assume_multiple %squeeze3A_2380, 128 : i32
        %dma_start3A_2382 = arith.constant 5 : i32
        %dma_start3A_2383 = arith.constant 0 : i32
        %dma_start3A_2384 = arith.constant 0 : i32
        %dma_start3A_2385 = tpu.memref_slice %arg14[%dma_start3A_2382, %dma_start3A_2383, %dma_start3A_2384] : memref<16x16x128xf32, #tpu.memory_space<vmem>> -> memref<1x16x128xf32, #tpu.memory_space<vmem>>
        %dma_start3A_2386 = tpu.memref_squeeze %dma_start3A_2385 : memref<1x16x128xf32, #tpu.memory_space<vmem>> -> memref<16x128xf32, #tpu.memory_space<vmem>>
        %dma_start3A_2387 = arith.constant 0 : i32
        %dma_start3A_2388 = tpu.memref_slice %arg4[%dma_start3A_2387, %multiple_of3A_2381] : memref<16x1000000xf32, #tpu.memory_space<hbm>> -> memref<16x128xf32, #tpu.memory_space<hbm>>
        %dma_start3A_2389 = arith.constant 0 : i32
        %dma_start3A_2390 = arith.constant 0 : i32
        %dma_start3A_2391 = tpu.memref_slice %arg14[%dma_start3A_2382, %dma_start3A_2389, %dma_start3A_2390] : memref<16x16x128xf32, #tpu.memory_space<vmem>> -> memref<1x16x128xf32, #tpu.memory_space<vmem>>
        %dma_start3A_2392 = tpu.memref_squeeze %dma_start3A_2391 : memref<1x16x128xf32, #tpu.memory_space<vmem>> -> memref<16x128xf32, #tpu.memory_space<vmem>>
        %dma_start3A_2393 = arith.constant 0 : i32
        %dma_start3A_2394 = tpu.memref_slice %arg4[%dma_start3A_2393, %multiple_of3A_2381] : memref<16x1000000xf32, #tpu.memory_space<hbm>> -> memref<16x128xf32, #tpu.memory_space<hbm>>
        tpu.enqueue_dma source(%dma_start3A_2394 : memref<16x128xf32, #tpu.memory_space<hbm>>) target(%dma_start3A_2392 : memref<16x128xf32, #tpu.memory_space<vmem>>) target_semaphore(%arg21 : memref<!tpu.dma_semaphore, #tpu.memory_space<semaphore_mem>>)
        %slice3A_2395 = vector.extract_strided_slice %shift_left3A_2298 {offsets = [6], sizes = [1], strides = [1]} : vector<16xi32> to vector<1xi32>
        %squeeze3A_2396 = vector.extract %slice3A_2395[0] : i32 from vector<1xi32>
        %multiple_of3A_2397 = tpu.assume_multiple %squeeze3A_2396, 128 : i32
        %dma_start3A_2398 = arith.constant 6 : i32
        %dma_start3A_2399 = arith.constant 0 : i32
        %dma_start3A_2400 = arith.constant 0 : i32
        %dma_start3A_2401 = tpu.memref_slice %arg14[%dma_start3A_2398, %dma_start3A_2399, %dma_start3A_2400] : memref<16x16x128xf32, #tpu.memory_space<vmem>> -> memref<1x16x128xf32, #tpu.memory_space<vmem>>
        %dma_start3A_2402 = tpu.memref_squeeze %dma_start3A_2401 : memref<1x16x128xf32, #tpu.memory_space<vmem>> -> memref<16x128xf32, #tpu.memory_space<vmem>>
        %dma_start3A_2403 = arith.constant 0 : i32
        %dma_start3A_2404 = tpu.memref_slice %arg4[%dma_start3A_2403, %multiple_of3A_2397] : memref<16x1000000xf32, #tpu.memory_space<hbm>> -> memref<16x128xf32, #tpu.memory_space<hbm>>
        %dma_start3A_2405 = arith.constant 0 : i32
        %dma_start3A_2406 = arith.constant 0 : i32
        %dma_start3A_2407 = tpu.memref_slice %arg14[%dma_start3A_2398, %dma_start3A_2405, %dma_start3A_2406] : memref<16x16x128xf32, #tpu.memory_space<vmem>> -> memref<1x16x128xf32, #tpu.memory_space<vmem>>
        %dma_start3A_2408 = tpu.memref_squeeze %dma_start3A_2407 : memref<1x16x128xf32, #tpu.memory_space<vmem>> -> memref<16x128xf32, #tpu.memory_space<vmem>>
        %dma_start3A_2409 = arith.constant 0 : i32
        %dma_start3A_2410 = tpu.memref_slice %arg4[%dma_start3A_2409, %multiple_of3A_2397] : memref<16x1000000xf32, #tpu.memory_space<hbm>> -> memref<16x128xf32, #tpu.memory_space<hbm>>
        tpu.enqueue_dma source(%dma_start3A_2410 : memref<16x128xf32, #tpu.memory_space<hbm>>) target(%dma_start3A_2408 : memref<16x128xf32, #tpu.memory_space<vmem>>) target_semaphore(%arg24 : memref<!tpu.dma_semaphore, #tpu.memory_space<semaphore_mem>>)
        %slice3A_2411 = vector.extract_strided_slice %shift_left3A_2298 {offsets = [7], sizes = [1], strides = [1]} : vector<16xi32> to vector<1xi32>
        %squeeze3A_2412 = vector.extract %slice3A_2411[0] : i32 from vector<1xi32>
        %multiple_of3A_2413 = tpu.assume_multiple %squeeze3A_2412, 128 : i32
        %dma_start3A_2414 = arith.constant 7 : i32
        %dma_start3A_2415 = arith.constant 0 : i32
        %dma_start3A_2416 = arith.constant 0 : i32
        %dma_start3A_2417 = tpu.memref_slice %arg14[%dma_start3A_2414, %dma_start3A_2415, %dma_start3A_2416] : memref<16x16x128xf32, #tpu.memory_space<vmem>> -> memref<1x16x128xf32, #tpu.memory_space<vmem>>
        %dma_start3A_2418 = tpu.memref_squeeze %dma_start3A_2417 : memref<1x16x128xf32, #tpu.memory_space<vmem>> -> memref<16x128xf32, #tpu.memory_space<vmem>>
        %dma_start3A_2419 = arith.constant 0 : i32
        %dma_start3A_2420 = tpu.memref_slice %arg4[%dma_start3A_2419, %multiple_of3A_2413] : memref<16x1000000xf32, #tpu.memory_space<hbm>> -> memref<16x128xf32, #tpu.memory_space<hbm>>
        %dma_start3A_2421 = arith.constant 0 : i32
        %dma_start3A_2422 = arith.constant 0 : i32
        %dma_start3A_2423 = tpu.memref_slice %arg14[%dma_start3A_2414, %dma_start3A_2421, %dma_start3A_2422] : memref<16x16x128xf32, #tpu.memory_space<vmem>> -> memref<1x16x128xf32, #tpu.memory_space<vmem>>
        %dma_start3A_2424 = tpu.memref_squeeze %dma_start3A_2423 : memref<1x16x128xf32, #tpu.memory_space<vmem>> -> memref<16x128xf32, #tpu.memory_space<vmem>>
        %dma_start3A_2425 = arith.constant 0 : i32
        %dma_start3A_2426 = tpu.memref_slice %arg4[%dma_start3A_2425, %multiple_of3A_2413] : memref<16x1000000xf32, #tpu.memory_space<hbm>> -> memref<16x128xf32, #tpu.memory_space<hbm>>
        tpu.enqueue_dma source(%dma_start3A_2426 : memref<16x128xf32, #tpu.memory_space<hbm>>) target(%dma_start3A_2424 : memref<16x128xf32, #tpu.memory_space<vmem>>) target_semaphore(%arg25 : memref<!tpu.dma_semaphore, #tpu.memory_space<semaphore_mem>>)
        %slice3A_2427 = vector.extract_strided_slice %shift_left3A_2298 {offsets = [8], sizes = [1], strides = [1]} : vector<16xi32> to vector<1xi32>
        %squeeze3A_2428 = vector.extract %slice3A_2427[0] : i32 from vector<1xi32>
        %multiple_of3A_2429 = tpu.assume_multiple %squeeze3A_2428, 128 : i32
        %dma_start3A_2430 = arith.constant 8 : i32
        %dma_start3A_2431 = arith.constant 0 : i32
        %dma_start3A_2432 = arith.constant 0 : i32
        %dma_start3A_2433 = tpu.memref_slice %arg14[%dma_start3A_2430, %dma_start3A_2431, %dma_start3A_2432] : memref<16x16x128xf32, #tpu.memory_space<vmem>> -> memref<1x16x128xf32, #tpu.memory_space<vmem>>
        %dma_start3A_2434 = tpu.memref_squeeze %dma_start3A_2433 : memref<1x16x128xf32, #tpu.memory_space<vmem>> -> memref<16x128xf32, #tpu.memory_space<vmem>>
        %dma_start3A_2435 = arith.constant 0 : i32
        %dma_start3A_2436 = tpu.memref_slice %arg4[%dma_start3A_2435, %multiple_of3A_2429] : memref<16x1000000xf32, #tpu.memory_space<hbm>> -> memref<16x128xf32, #tpu.memory_space<hbm>>
        %dma_start3A_2437 = arith.constant 0 : i32
        %dma_start3A_2438 = arith.constant 0 : i32
        %dma_start3A_2439 = tpu.memref_slice %arg14[%dma_start3A_2430, %dma_start3A_2437, %dma_start3A_2438] : memref<16x16x128xf32, #tpu.memory_space<vmem>> -> memref<1x16x128xf32, #tpu.memory_space<vmem>>
        %dma_start3A_2440 = tpu.memref_squeeze %dma_start3A_2439 : memref<1x16x128xf32, #tpu.memory_space<vmem>> -> memref<16x128xf32, #tpu.memory_space<vmem>>
        %dma_start3A_2441 = arith.constant 0 : i32
        %dma_start3A_2442 = tpu.memref_slice %arg4[%dma_start3A_2441, %multiple_of3A_2429] : memref<16x1000000xf32, #tpu.memory_space<hbm>> -> memref<16x128xf32, #tpu.memory_space<hbm>>
        tpu.enqueue_dma source(%dma_start3A_2442 : memref<16x128xf32, #tpu.memory_space<hbm>>) target(%dma_start3A_2440 : memref<16x128xf32, #tpu.memory_space<vmem>>) target_semaphore(%arg20 : memref<!tpu.dma_semaphore, #tpu.memory_space<semaphore_mem>>)
        %slice3A_2443 = vector.extract_strided_slice %shift_left3A_2298 {offsets = [9], sizes = [1], strides = [1]} : vector<16xi32> to vector<1xi32>
        %squeeze3A_2444 = vector.extract %slice3A_2443[0] : i32 from vector<1xi32>
        %multiple_of3A_2445 = tpu.assume_multiple %squeeze3A_2444, 128 : i32
        %dma_start3A_2446 = arith.constant 9 : i32
        %dma_start3A_2447 = arith.constant 0 : i32
        %dma_start3A_2448 = arith.constant 0 : i32
        %dma_start3A_2449 = tpu.memref_slice %arg14[%dma_start3A_2446, %dma_start3A_2447, %dma_start3A_2448] : memref<16x16x128xf32, #tpu.memory_space<vmem>> -> memref<1x16x128xf32, #tpu.memory_space<vmem>>
        %dma_start3A_2450 = tpu.memref_squeeze %dma_start3A_2449 : memref<1x16x128xf32, #tpu.memory_space<vmem>> -> memref<16x128xf32, #tpu.memory_space<vmem>>
        %dma_start3A_2451 = arith.constant 0 : i32
        %dma_start3A_2452 = tpu.memref_slice %arg4[%dma_start3A_2451, %multiple_of3A_2445] : memref<16x1000000xf32, #tpu.memory_space<hbm>> -> memref<16x128xf32, #tpu.memory_space<hbm>>
        %dma_start3A_2453 = arith.constant 0 : i32
        %dma_start3A_2454 = arith.constant 0 : i32
        %dma_start3A_2455 = tpu.memref_slice %arg14[%dma_start3A_2446, %dma_start3A_2453, %dma_start3A_2454] : memref<16x16x128xf32, #tpu.memory_space<vmem>> -> memref<1x16x128xf32, #tpu.memory_space<vmem>>
        %dma_start3A_2456 = tpu.memref_squeeze %dma_start3A_2455 : memref<1x16x128xf32, #tpu.memory_space<vmem>> -> memref<16x128xf32, #tpu.memory_space<vmem>>
        %dma_start3A_2457 = arith.constant 0 : i32
        %dma_start3A_2458 = tpu.memref_slice %arg4[%dma_start3A_2457, %multiple_of3A_2445] : memref<16x1000000xf32, #tpu.memory_space<hbm>> -> memref<16x128xf32, #tpu.memory_space<hbm>>
        tpu.enqueue_dma source(%dma_start3A_2458 : memref<16x128xf32, #tpu.memory_space<hbm>>) target(%dma_start3A_2456 : memref<16x128xf32, #tpu.memory_space<vmem>>) target_semaphore(%arg21 : memref<!tpu.dma_semaphore, #tpu.memory_space<semaphore_mem>>)
        %slice3A_2459 = vector.extract_strided_slice %shift_left3A_2298 {offsets = [10], sizes = [1], strides = [1]} : vector<16xi32> to vector<1xi32>
        %squeeze3A_2460 = vector.extract %slice3A_2459[0] : i32 from vector<1xi32>
        %multiple_of3A_2461 = tpu.assume_multiple %squeeze3A_2460, 128 : i32
        %dma_start3A_2462 = arith.constant 10 : i32
        %dma_start3A_2463 = arith.constant 0 : i32
        %dma_start3A_2464 = arith.constant 0 : i32
        %dma_start3A_2465 = tpu.memref_slice %arg14[%dma_start3A_2462, %dma_start3A_2463, %dma_start3A_2464] : memref<16x16x128xf32, #tpu.memory_space<vmem>> -> memref<1x16x128xf32, #tpu.memory_space<vmem>>
        %dma_start3A_2466 = tpu.memref_squeeze %dma_start3A_2465 : memref<1x16x128xf32, #tpu.memory_space<vmem>> -> memref<16x128xf32, #tpu.memory_space<vmem>>
        %dma_start3A_2467 = arith.constant 0 : i32
        %dma_start3A_2468 = tpu.memref_slice %arg4[%dma_start3A_2467, %multiple_of3A_2461] : memref<16x1000000xf32, #tpu.memory_space<hbm>> -> memref<16x128xf32, #tpu.memory_space<hbm>>
        %dma_start3A_2469 = arith.constant 0 : i32
        %dma_start3A_2470 = arith.constant 0 : i32
        %dma_start3A_2471 = tpu.memref_slice %arg14[%dma_start3A_2462, %dma_start3A_2469, %dma_start3A_2470] : memref<16x16x128xf32, #tpu.memory_space<vmem>> -> memref<1x16x128xf32, #tpu.memory_space<vmem>>
        %dma_start3A_2472 = tpu.memref_squeeze %dma_start3A_2471 : memref<1x16x128xf32, #tpu.memory_space<vmem>> -> memref<16x128xf32, #tpu.memory_space<vmem>>
        %dma_start3A_2473 = arith.constant 0 : i32
        %dma_start3A_2474 = tpu.memref_slice %arg4[%dma_start3A_2473, %multiple_of3A_2461] : memref<16x1000000xf32, #tpu.memory_space<hbm>> -> memref<16x128xf32, #tpu.memory_space<hbm>>
        tpu.enqueue_dma source(%dma_start3A_2474 : memref<16x128xf32, #tpu.memory_space<hbm>>) target(%dma_start3A_2472 : memref<16x128xf32, #tpu.memory_space<vmem>>) target_semaphore(%arg24 : memref<!tpu.dma_semaphore, #tpu.memory_space<semaphore_mem>>)
        %slice3A_2475 = vector.extract_strided_slice %shift_left3A_2298 {offsets = [11], sizes = [1], strides = [1]} : vector<16xi32> to vector<1xi32>
        %squeeze3A_2476 = vector.extract %slice3A_2475[0] : i32 from vector<1xi32>
        %multiple_of3A_2477 = tpu.assume_multiple %squeeze3A_2476, 128 : i32
        %dma_start3A_2478 = arith.constant 11 : i32
        %dma_start3A_2479 = arith.constant 0 : i32
        %dma_start3A_2480 = arith.constant 0 : i32
        %dma_start3A_2481 = tpu.memref_slice %arg14[%dma_start3A_2478, %dma_start3A_2479, %dma_start3A_2480] : memref<16x16x128xf32, #tpu.memory_space<vmem>> -> memref<1x16x128xf32, #tpu.memory_space<vmem>>
        %dma_start3A_2482 = tpu.memref_squeeze %dma_start3A_2481 : memref<1x16x128xf32, #tpu.memory_space<vmem>> -> memref<16x128xf32, #tpu.memory_space<vmem>>
        %dma_start3A_2483 = arith.constant 0 : i32
        %dma_start3A_2484 = tpu.memref_slice %arg4[%dma_start3A_2483, %multiple_of3A_2477] : memref<16x1000000xf32, #tpu.memory_space<hbm>> -> memref<16x128xf32, #tpu.memory_space<hbm>>
        %dma_start3A_2485 = arith.constant 0 : i32
        %dma_start3A_2486 = arith.constant 0 : i32
        %dma_start3A_2487 = tpu.memref_slice %arg14[%dma_start3A_2478, %dma_start3A_2485, %dma_start3A_2486] : memref<16x16x128xf32, #tpu.memory_space<vmem>> -> memref<1x16x128xf32, #tpu.memory_space<vmem>>
        %dma_start3A_2488 = tpu.memref_squeeze %dma_start3A_2487 : memref<1x16x128xf32, #tpu.memory_space<vmem>> -> memref<16x128xf32, #tpu.memory_space<vmem>>
        %dma_start3A_2489 = arith.constant 0 : i32
        %dma_start3A_2490 = tpu.memref_slice %arg4[%dma_start3A_2489, %multiple_of3A_2477] : memref<16x1000000xf32, #tpu.memory_space<hbm>> -> memref<16x128xf32, #tpu.memory_space<hbm>>
        tpu.enqueue_dma source(%dma_start3A_2490 : memref<16x128xf32, #tpu.memory_space<hbm>>) target(%dma_start3A_2488 : memref<16x128xf32, #tpu.memory_space<vmem>>) target_semaphore(%arg25 : memref<!tpu.dma_semaphore, #tpu.memory_space<semaphore_mem>>)
        %slice3A_2491 = vector.extract_strided_slice %shift_left3A_2298 {offsets = [12], sizes = [1], strides = [1]} : vector<16xi32> to vector<1xi32>
        %squeeze3A_2492 = vector.extract %slice3A_2491[0] : i32 from vector<1xi32>
        %multiple_of3A_2493 = tpu.assume_multiple %squeeze3A_2492, 128 : i32
        %dma_start3A_2494 = arith.constant 12 : i32
        %dma_start3A_2495 = arith.constant 0 : i32
        %dma_start3A_2496 = arith.constant 0 : i32
        %dma_start3A_2497 = tpu.memref_slice %arg14[%dma_start3A_2494, %dma_start3A_2495, %dma_start3A_2496] : memref<16x16x128xf32, #tpu.memory_space<vmem>> -> memref<1x16x128xf32, #tpu.memory_space<vmem>>
        %dma_start3A_2498 = tpu.memref_squeeze %dma_start3A_2497 : memref<1x16x128xf32, #tpu.memory_space<vmem>> -> memref<16x128xf32, #tpu.memory_space<vmem>>
        %dma_start3A_2499 = arith.constant 0 : i32
        %dma_start3A_2500 = tpu.memref_slice %arg4[%dma_start3A_2499, %multiple_of3A_2493] : memref<16x1000000xf32, #tpu.memory_space<hbm>> -> memref<16x128xf32, #tpu.memory_space<hbm>>
        %dma_start3A_2501 = arith.constant 0 : i32
        %dma_start3A_2502 = arith.constant 0 : i32
        %dma_start3A_2503 = tpu.memref_slice %arg14[%dma_start3A_2494, %dma_start3A_2501, %dma_start3A_2502] : memref<16x16x128xf32, #tpu.memory_space<vmem>> -> memref<1x16x128xf32, #tpu.memory_space<vmem>>
        %dma_start3A_2504 = tpu.memref_squeeze %dma_start3A_2503 : memref<1x16x128xf32, #tpu.memory_space<vmem>> -> memref<16x128xf32, #tpu.memory_space<vmem>>
        %dma_start3A_2505 = arith.constant 0 : i32
        %dma_start3A_2506 = tpu.memref_slice %arg4[%dma_start3A_2505, %multiple_of3A_2493] : memref<16x1000000xf32, #tpu.memory_space<hbm>> -> memref<16x128xf32, #tpu.memory_space<hbm>>
        tpu.enqueue_dma source(%dma_start3A_2506 : memref<16x128xf32, #tpu.memory_space<hbm>>) target(%dma_start3A_2504 : memref<16x128xf32, #tpu.memory_space<vmem>>) target_semaphore(%arg20 : memref<!tpu.dma_semaphore, #tpu.memory_space<semaphore_mem>>)
        %slice3A_2507 = vector.extract_strided_slice %shift_left3A_2298 {offsets = [13], sizes = [1], strides = [1]} : vector<16xi32> to vector<1xi32>
        %squeeze3A_2508 = vector.extract %slice3A_2507[0] : i32 from vector<1xi32>
        %multiple_of3A_2509 = tpu.assume_multiple %squeeze3A_2508, 128 : i32
        %dma_start3A_2510 = arith.constant 13 : i32
        %dma_start3A_2511 = arith.constant 0 : i32
        %dma_start3A_2512 = arith.constant 0 : i32
        %dma_start3A_2513 = tpu.memref_slice %arg14[%dma_start3A_2510, %dma_start3A_2511, %dma_start3A_2512] : memref<16x16x128xf32, #tpu.memory_space<vmem>> -> memref<1x16x128xf32, #tpu.memory_space<vmem>>
        %dma_start3A_2514 = tpu.memref_squeeze %dma_start3A_2513 : memref<1x16x128xf32, #tpu.memory_space<vmem>> -> memref<16x128xf32, #tpu.memory_space<vmem>>
        %dma_start3A_2515 = arith.constant 0 : i32
        %dma_start3A_2516 = tpu.memref_slice %arg4[%dma_start3A_2515, %multiple_of3A_2509] : memref<16x1000000xf32, #tpu.memory_space<hbm>> -> memref<16x128xf32, #tpu.memory_space<hbm>>
        %dma_start3A_2517 = arith.constant 0 : i32
        %dma_start3A_2518 = arith.constant 0 : i32
        %dma_start3A_2519 = tpu.memref_slice %arg14[%dma_start3A_2510, %dma_start3A_2517, %dma_start3A_2518] : memref<16x16x128xf32, #tpu.memory_space<vmem>> -> memref<1x16x128xf32, #tpu.memory_space<vmem>>
        %dma_start3A_2520 = tpu.memref_squeeze %dma_start3A_2519 : memref<1x16x128xf32, #tpu.memory_space<vmem>> -> memref<16x128xf32, #tpu.memory_space<vmem>>
        %dma_start3A_2521 = arith.constant 0 : i32
        %dma_start3A_2522 = tpu.memref_slice %arg4[%dma_start3A_2521, %multiple_of3A_2509] : memref<16x1000000xf32, #tpu.memory_space<hbm>> -> memref<16x128xf32, #tpu.memory_space<hbm>>
        tpu.enqueue_dma source(%dma_start3A_2522 : memref<16x128xf32, #tpu.memory_space<hbm>>) target(%dma_start3A_2520 : memref<16x128xf32, #tpu.memory_space<vmem>>) target_semaphore(%arg21 : memref<!tpu.dma_semaphore, #tpu.memory_space<semaphore_mem>>)
        %slice3A_2523 = vector.extract_strided_slice %shift_left3A_2298 {offsets = [14], sizes = [1], strides = [1]} : vector<16xi32> to vector<1xi32>
        %squeeze3A_2524 = vector.extract %slice3A_2523[0] : i32 from vector<1xi32>
        %multiple_of3A_2525 = tpu.assume_multiple %squeeze3A_2524, 128 : i32
        %dma_start3A_2526 = arith.constant 14 : i32
        %dma_start3A_2527 = arith.constant 0 : i32
        %dma_start3A_2528 = arith.constant 0 : i32
        %dma_start3A_2529 = tpu.memref_slice %arg14[%dma_start3A_2526, %dma_start3A_2527, %dma_start3A_2528] : memref<16x16x128xf32, #tpu.memory_space<vmem>> -> memref<1x16x128xf32, #tpu.memory_space<vmem>>
        %dma_start3A_2530 = tpu.memref_squeeze %dma_start3A_2529 : memref<1x16x128xf32, #tpu.memory_space<vmem>> -> memref<16x128xf32, #tpu.memory_space<vmem>>
        %dma_start3A_2531 = arith.constant 0 : i32
        %dma_start3A_2532 = tpu.memref_slice %arg4[%dma_start3A_2531, %multiple_of3A_2525] : memref<16x1000000xf32, #tpu.memory_space<hbm>> -> memref<16x128xf32, #tpu.memory_space<hbm>>
        %dma_start3A_2533 = arith.constant 0 : i32
        %dma_start3A_2534 = arith.constant 0 : i32
        %dma_start3A_2535 = tpu.memref_slice %arg14[%dma_start3A_2526, %dma_start3A_2533, %dma_start3A_2534] : memref<16x16x128xf32, #tpu.memory_space<vmem>> -> memref<1x16x128xf32, #tpu.memory_space<vmem>>
        %dma_start3A_2536 = tpu.memref_squeeze %dma_start3A_2535 : memref<1x16x128xf32, #tpu.memory_space<vmem>> -> memref<16x128xf32, #tpu.memory_space<vmem>>
        %dma_start3A_2537 = arith.constant 0 : i32
        %dma_start3A_2538 = tpu.memref_slice %arg4[%dma_start3A_2537, %multiple_of3A_2525] : memref<16x1000000xf32, #tpu.memory_space<hbm>> -> memref<16x128xf32, #tpu.memory_space<hbm>>
        tpu.enqueue_dma source(%dma_start3A_2538 : memref<16x128xf32, #tpu.memory_space<hbm>>) target(%dma_start3A_2536 : memref<16x128xf32, #tpu.memory_space<vmem>>) target_semaphore(%arg24 : memref<!tpu.dma_semaphore, #tpu.memory_space<semaphore_mem>>)
        %slice3A_2539 = vector.extract_strided_slice %shift_left3A_2298 {offsets = [15], sizes = [1], strides = [1]} : vector<16xi32> to vector<1xi32>
        %squeeze3A_2540 = vector.extract %slice3A_2539[0] : i32 from vector<1xi32>
        %multiple_of3A_2541 = tpu.assume_multiple %squeeze3A_2540, 128 : i32
        %dma_start3A_2542 = arith.constant 15 : i32
        %dma_start3A_2543 = arith.constant 0 : i32
        %dma_start3A_2544 = arith.constant 0 : i32
        %dma_start3A_2545 = tpu.memref_slice %arg14[%dma_start3A_2542, %dma_start3A_2543, %dma_start3A_2544] : memref<16x16x128xf32, #tpu.memory_space<vmem>> -> memref<1x16x128xf32, #tpu.memory_space<vmem>>
        %dma_start3A_2546 = tpu.memref_squeeze %dma_start3A_2545 : memref<1x16x128xf32, #tpu.memory_space<vmem>> -> memref<16x128xf32, #tpu.memory_space<vmem>>
        %dma_start3A_2547 = arith.constant 0 : i32
        %dma_start3A_2548 = tpu.memref_slice %arg4[%dma_start3A_2547, %multiple_of3A_2541] : memref<16x1000000xf32, #tpu.memory_space<hbm>> -> memref<16x128xf32, #tpu.memory_space<hbm>>
        %dma_start3A_2549 = arith.constant 0 : i32
        %dma_start3A_2550 = arith.constant 0 : i32
        %dma_start3A_2551 = tpu.memref_slice %arg14[%dma_start3A_2542, %dma_start3A_2549, %dma_start3A_2550] : memref<16x16x128xf32, #tpu.memory_space<vmem>> -> memref<1x16x128xf32, #tpu.memory_space<vmem>>
        %dma_start3A_2552 = tpu.memref_squeeze %dma_start3A_2551 : memref<1x16x128xf32, #tpu.memory_space<vmem>> -> memref<16x128xf32, #tpu.memory_space<vmem>>
        %dma_start3A_2553 = arith.constant 0 : i32
        %dma_start3A_2554 = tpu.memref_slice %arg4[%dma_start3A_2553, %multiple_of3A_2541] : memref<16x1000000xf32, #tpu.memory_space<hbm>> -> memref<16x128xf32, #tpu.memory_space<hbm>>
        tpu.enqueue_dma source(%dma_start3A_2554 : memref<16x128xf32, #tpu.memory_space<hbm>>) target(%dma_start3A_2552 : memref<16x128xf32, #tpu.memory_space<vmem>>) target_semaphore(%arg25 : memref<!tpu.dma_semaphore, #tpu.memory_space<semaphore_mem>>)
      } else {
      }
      %dma_wait3A_1973 = arith.constant 0 : i32
      %dma_wait3A_1974 = arith.constant 0 : i32
      %dma_wait3A_1975 = arith.constant 0 : i32
      %dma_wait3A_1976 = tpu.memref_slice %arg15[%dma_wait3A_1973, %dma_wait3A_1974, %dma_wait3A_1975] : memref<16x16x128xf32, #tpu.memory_space<vmem>> -> memref<1x16x128xf32, #tpu.memory_space<vmem>>
      %dma_wait3A_1977 = tpu.memref_squeeze %dma_wait3A_1976 : memref<1x16x128xf32, #tpu.memory_space<vmem>> -> memref<16x128xf32, #tpu.memory_space<vmem>>
      %dma_wait3A_1978 = arith.constant 0 : i32
      %dma_wait3A_1979 = arith.constant 0 : i32
      %dma_wait3A_1980 = tpu.memref_slice %arg4[%dma_wait3A_1978, %dma_wait3A_1979] : memref<16x1000000xf32, #tpu.memory_space<hbm>> -> memref<16x128xf32, #tpu.memory_space<hbm>>
      %dma_wait3A_1981 = arith.constant 0 : i32
      %dma_wait3A_1982 = arith.constant 0 : i32
      %dma_wait3A_1983 = tpu.memref_slice %arg15[%dma_wait3A_1973, %dma_wait3A_1981, %dma_wait3A_1982] : memref<16x16x128xf32, #tpu.memory_space<vmem>> -> memref<1x16x128xf32, #tpu.memory_space<vmem>>
      %dma_wait3A_1984 = tpu.memref_squeeze %dma_wait3A_1983 : memref<1x16x128xf32, #tpu.memory_space<vmem>> -> memref<16x128xf32, #tpu.memory_space<vmem>>
      %dma_wait3A_1985 = arith.constant 0 : i32
      %dma_wait3A_1986 = arith.constant 0 : i32
      %dma_wait3A_1987 = tpu.memref_slice %arg4[%dma_wait3A_1985, %dma_wait3A_1986] : memref<16x1000000xf32, #tpu.memory_space<hbm>> -> memref<16x128xf32, #tpu.memory_space<hbm>>
      tpu.wait_dma2 semaphore(%arg22 : memref<!tpu.dma_semaphore, #tpu.memory_space<semaphore_mem>>) src(%dma_wait3A_1987 : memref<16x128xf32, #tpu.memory_space<hbm>>) dst(%dma_wait3A_1984 : memref<16x128xf32, #tpu.memory_space<vmem>>)
      %dma_wait3A_1988 = arith.constant 1 : i32
      %dma_wait3A_1989 = arith.constant 0 : i32
      %dma_wait3A_1990 = arith.constant 0 : i32
      %dma_wait3A_1991 = tpu.memref_slice %arg15[%dma_wait3A_1988, %dma_wait3A_1989, %dma_wait3A_1990] : memref<16x16x128xf32, #tpu.memory_space<vmem>> -> memref<1x16x128xf32, #tpu.memory_space<vmem>>
      %dma_wait3A_1992 = tpu.memref_squeeze %dma_wait3A_1991 : memref<1x16x128xf32, #tpu.memory_space<vmem>> -> memref<16x128xf32, #tpu.memory_space<vmem>>
      %dma_wait3A_1993 = arith.constant 0 : i32
      %dma_wait3A_1994 = arith.constant 0 : i32
      %dma_wait3A_1995 = tpu.memref_slice %arg4[%dma_wait3A_1993, %dma_wait3A_1994] : memref<16x1000000xf32, #tpu.memory_space<hbm>> -> memref<16x128xf32, #tpu.memory_space<hbm>>
      %dma_wait3A_1996 = arith.constant 0 : i32
      %dma_wait3A_1997 = arith.constant 0 : i32
      %dma_wait3A_1998 = tpu.memref_slice %arg15[%dma_wait3A_1988, %dma_wait3A_1996, %dma_wait3A_1997] : memref<16x16x128xf32, #tpu.memory_space<vmem>> -> memref<1x16x128xf32, #tpu.memory_space<vmem>>
      %dma_wait3A_1999 = tpu.memref_squeeze %dma_wait3A_1998 : memref<1x16x128xf32, #tpu.memory_space<vmem>> -> memref<16x128xf32, #tpu.memory_space<vmem>>
      %dma_wait3A_2000 = arith.constant 0 : i32
      %dma_wait3A_2001 = arith.constant 0 : i32
      %dma_wait3A_2002 = tpu.memref_slice %arg4[%dma_wait3A_2000, %dma_wait3A_2001] : memref<16x1000000xf32, #tpu.memory_space<hbm>> -> memref<16x128xf32, #tpu.memory_space<hbm>>
      tpu.wait_dma2 semaphore(%arg23 : memref<!tpu.dma_semaphore, #tpu.memory_space<semaphore_mem>>) src(%dma_wait3A_2002 : memref<16x128xf32, #tpu.memory_space<hbm>>) dst(%dma_wait3A_1999 : memref<16x128xf32, #tpu.memory_space<vmem>>)
      %dma_wait3A_2003 = arith.constant 2 : i32
      %dma_wait3A_2004 = arith.constant 0 : i32
      %dma_wait3A_2005 = arith.constant 0 : i32
      %dma_wait3A_2006 = tpu.memref_slice %arg15[%dma_wait3A_2003, %dma_wait3A_2004, %dma_wait3A_2005] : memref<16x16x128xf32, #tpu.memory_space<vmem>> -> memref<1x16x128xf32, #tpu.memory_space<vmem>>
      %dma_wait3A_2007 = tpu.memref_squeeze %dma_wait3A_2006 : memref<1x16x128xf32, #tpu.memory_space<vmem>> -> memref<16x128xf32, #tpu.memory_space<vmem>>
      %dma_wait3A_2008 = arith.constant 0 : i32
      %dma_wait3A_2009 = arith.constant 0 : i32
      %dma_wait3A_2010 = tpu.memref_slice %arg4[%dma_wait3A_2008, %dma_wait3A_2009] : memref<16x1000000xf32, #tpu.memory_space<hbm>> -> memref<16x128xf32, #tpu.memory_space<hbm>>
      %dma_wait3A_2011 = arith.constant 0 : i32
      %dma_wait3A_2012 = arith.constant 0 : i32
      %dma_wait3A_2013 = tpu.memref_slice %arg15[%dma_wait3A_2003, %dma_wait3A_2011, %dma_wait3A_2012] : memref<16x16x128xf32, #tpu.memory_space<vmem>> -> memref<1x16x128xf32, #tpu.memory_space<vmem>>
      %dma_wait3A_2014 = tpu.memref_squeeze %dma_wait3A_2013 : memref<1x16x128xf32, #tpu.memory_space<vmem>> -> memref<16x128xf32, #tpu.memory_space<vmem>>
      %dma_wait3A_2015 = arith.constant 0 : i32
      %dma_wait3A_2016 = arith.constant 0 : i32
      %dma_wait3A_2017 = tpu.memref_slice %arg4[%dma_wait3A_2015, %dma_wait3A_2016] : memref<16x1000000xf32, #tpu.memory_space<hbm>> -> memref<16x128xf32, #tpu.memory_space<hbm>>
      tpu.wait_dma2 semaphore(%arg26 : memref<!tpu.dma_semaphore, #tpu.memory_space<semaphore_mem>>) src(%dma_wait3A_2017 : memref<16x128xf32, #tpu.memory_space<hbm>>) dst(%dma_wait3A_2014 : memref<16x128xf32, #tpu.memory_space<vmem>>)
      %dma_wait3A_2018 = arith.constant 3 : i32
      %dma_wait3A_2019 = arith.constant 0 : i32
      %dma_wait3A_2020 = arith.constant 0 : i32
      %dma_wait3A_2021 = tpu.memref_slice %arg15[%dma_wait3A_2018, %dma_wait3A_2019, %dma_wait3A_2020] : memref<16x16x128xf32, #tpu.memory_space<vmem>> -> memref<1x16x128xf32, #tpu.memory_space<vmem>>
      %dma_wait3A_2022 = tpu.memref_squeeze %dma_wait3A_2021 : memref<1x16x128xf32, #tpu.memory_space<vmem>> -> memref<16x128xf32, #tpu.memory_space<vmem>>
      %dma_wait3A_2023 = arith.constant 0 : i32
      %dma_wait3A_2024 = arith.constant 0 : i32
      %dma_wait3A_2025 = tpu.memref_slice %arg4[%dma_wait3A_2023, %dma_wait3A_2024] : memref<16x1000000xf32, #tpu.memory_space<hbm>> -> memref<16x128xf32, #tpu.memory_space<hbm>>
      %dma_wait3A_2026 = arith.constant 0 : i32
      %dma_wait3A_2027 = arith.constant 0 : i32
      %dma_wait3A_2028 = tpu.memref_slice %arg15[%dma_wait3A_2018, %dma_wait3A_2026, %dma_wait3A_2027] : memref<16x16x128xf32, #tpu.memory_space<vmem>> -> memref<1x16x128xf32, #tpu.memory_space<vmem>>
      %dma_wait3A_2029 = tpu.memref_squeeze %dma_wait3A_2028 : memref<1x16x128xf32, #tpu.memory_space<vmem>> -> memref<16x128xf32, #tpu.memory_space<vmem>>
      %dma_wait3A_2030 = arith.constant 0 : i32
      %dma_wait3A_2031 = arith.constant 0 : i32
      %dma_wait3A_2032 = tpu.memref_slice %arg4[%dma_wait3A_2030, %dma_wait3A_2031] : memref<16x1000000xf32, #tpu.memory_space<hbm>> -> memref<16x128xf32, #tpu.memory_space<hbm>>
      tpu.wait_dma2 semaphore(%arg27 : memref<!tpu.dma_semaphore, #tpu.memory_space<semaphore_mem>>) src(%dma_wait3A_2032 : memref<16x128xf32, #tpu.memory_space<hbm>>) dst(%dma_wait3A_2029 : memref<16x128xf32, #tpu.memory_space<vmem>>)
      %dma_wait3A_2033 = arith.constant 4 : i32
      %dma_wait3A_2034 = arith.constant 0 : i32
      %dma_wait3A_2035 = arith.constant 0 : i32
      %dma_wait3A_2036 = tpu.memref_slice %arg15[%dma_wait3A_2033, %dma_wait3A_2034, %dma_wait3A_2035] : memref<16x16x128xf32, #tpu.memory_space<vmem>> -> memref<1x16x128xf32, #tpu.memory_space<vmem>>
      %dma_wait3A_2037 = tpu.memref_squeeze %dma_wait3A_2036 : memref<1x16x128xf32, #tpu.memory_space<vmem>> -> memref<16x128xf32, #tpu.memory_space<vmem>>
      %dma_wait3A_2038 = arith.constant 0 : i32
      %dma_wait3A_2039 = arith.constant 0 : i32
      %dma_wait3A_2040 = tpu.memref_slice %arg4[%dma_wait3A_2038, %dma_wait3A_2039] : memref<16x1000000xf32, #tpu.memory_space<hbm>> -> memref<16x128xf32, #tpu.memory_space<hbm>>
      %dma_wait3A_2041 = arith.constant 0 : i32
      %dma_wait3A_2042 = arith.constant 0 : i32
      %dma_wait3A_2043 = tpu.memref_slice %arg15[%dma_wait3A_2033, %dma_wait3A_2041, %dma_wait3A_2042] : memref<16x16x128xf32, #tpu.memory_space<vmem>> -> memref<1x16x128xf32, #tpu.memory_space<vmem>>
      %dma_wait3A_2044 = tpu.memref_squeeze %dma_wait3A_2043 : memref<1x16x128xf32, #tpu.memory_space<vmem>> -> memref<16x128xf32, #tpu.memory_space<vmem>>
      %dma_wait3A_2045 = arith.constant 0 : i32
      %dma_wait3A_2046 = arith.constant 0 : i32
      %dma_wait3A_2047 = tpu.memref_slice %arg4[%dma_wait3A_2045, %dma_wait3A_2046] : memref<16x1000000xf32, #tpu.memory_space<hbm>> -> memref<16x128xf32, #tpu.memory_space<hbm>>
      tpu.wait_dma2 semaphore(%arg22 : memref<!tpu.dma_semaphore, #tpu.memory_space<semaphore_mem>>) src(%dma_wait3A_2047 : memref<16x128xf32, #tpu.memory_space<hbm>>) dst(%dma_wait3A_2044 : memref<16x128xf32, #tpu.memory_space<vmem>>)
      %dma_wait3A_2048 = arith.constant 5 : i32
      %dma_wait3A_2049 = arith.constant 0 : i32
      %dma_wait3A_2050 = arith.constant 0 : i32
      %dma_wait3A_2051 = tpu.memref_slice %arg15[%dma_wait3A_2048, %dma_wait3A_2049, %dma_wait3A_2050] : memref<16x16x128xf32, #tpu.memory_space<vmem>> -> memref<1x16x128xf32, #tpu.memory_space<vmem>>
      %dma_wait3A_2052 = tpu.memref_squeeze %dma_wait3A_2051 : memref<1x16x128xf32, #tpu.memory_space<vmem>> -> memref<16x128xf32, #tpu.memory_space<vmem>>
      %dma_wait3A_2053 = arith.constant 0 : i32
      %dma_wait3A_2054 = arith.constant 0 : i32
      %dma_wait3A_2055 = tpu.memref_slice %arg4[%dma_wait3A_2053, %dma_wait3A_2054] : memref<16x1000000xf32, #tpu.memory_space<hbm>> -> memref<16x128xf32, #tpu.memory_space<hbm>>
      %dma_wait3A_2056 = arith.constant 0 : i32
      %dma_wait3A_2057 = arith.constant 0 : i32
      %dma_wait3A_2058 = tpu.memref_slice %arg15[%dma_wait3A_2048, %dma_wait3A_2056, %dma_wait3A_2057] : memref<16x16x128xf32, #tpu.memory_space<vmem>> -> memref<1x16x128xf32, #tpu.memory_space<vmem>>
      %dma_wait3A_2059 = tpu.memref_squeeze %dma_wait3A_2058 : memref<1x16x128xf32, #tpu.memory_space<vmem>> -> memref<16x128xf32, #tpu.memory_space<vmem>>
      %dma_wait3A_2060 = arith.constant 0 : i32
      %dma_wait3A_2061 = arith.constant 0 : i32
      %dma_wait3A_2062 = tpu.memref_slice %arg4[%dma_wait3A_2060, %dma_wait3A_2061] : memref<16x1000000xf32, #tpu.memory_space<hbm>> -> memref<16x128xf32, #tpu.memory_space<hbm>>
      tpu.wait_dma2 semaphore(%arg23 : memref<!tpu.dma_semaphore, #tpu.memory_space<semaphore_mem>>) src(%dma_wait3A_2062 : memref<16x128xf32, #tpu.memory_space<hbm>>) dst(%dma_wait3A_2059 : memref<16x128xf32, #tpu.memory_space<vmem>>)
      %dma_wait3A_2063 = arith.constant 6 : i32
      %dma_wait3A_2064 = arith.constant 0 : i32
      %dma_wait3A_2065 = arith.constant 0 : i32
      %dma_wait3A_2066 = tpu.memref_slice %arg15[%dma_wait3A_2063, %dma_wait3A_2064, %dma_wait3A_2065] : memref<16x16x128xf32, #tpu.memory_space<vmem>> -> memref<1x16x128xf32, #tpu.memory_space<vmem>>
      %dma_wait3A_2067 = tpu.memref_squeeze %dma_wait3A_2066 : memref<1x16x128xf32, #tpu.memory_space<vmem>> -> memref<16x128xf32, #tpu.memory_space<vmem>>
      %dma_wait3A_2068 = arith.constant 0 : i32
      %dma_wait3A_2069 = arith.constant 0 : i32
      %dma_wait3A_2070 = tpu.memref_slice %arg4[%dma_wait3A_2068, %dma_wait3A_2069] : memref<16x1000000xf32, #tpu.memory_space<hbm>> -> memref<16x128xf32, #tpu.memory_space<hbm>>
      %dma_wait3A_2071 = arith.constant 0 : i32
      %dma_wait3A_2072 = arith.constant 0 : i32
      %dma_wait3A_2073 = tpu.memref_slice %arg15[%dma_wait3A_2063, %dma_wait3A_2071, %dma_wait3A_2072] : memref<16x16x128xf32, #tpu.memory_space<vmem>> -> memref<1x16x128xf32, #tpu.memory_space<vmem>>
      %dma_wait3A_2074 = tpu.memref_squeeze %dma_wait3A_2073 : memref<1x16x128xf32, #tpu.memory_space<vmem>> -> memref<16x128xf32, #tpu.memory_space<vmem>>
      %dma_wait3A_2075 = arith.constant 0 : i32
      %dma_wait3A_2076 = arith.constant 0 : i32
      %dma_wait3A_2077 = tpu.memref_slice %arg4[%dma_wait3A_2075, %dma_wait3A_2076] : memref<16x1000000xf32, #tpu.memory_space<hbm>> -> memref<16x128xf32, #tpu.memory_space<hbm>>
      tpu.wait_dma2 semaphore(%arg26 : memref<!tpu.dma_semaphore, #tpu.memory_space<semaphore_mem>>) src(%dma_wait3A_2077 : memref<16x128xf32, #tpu.memory_space<hbm>>) dst(%dma_wait3A_2074 : memref<16x128xf32, #tpu.memory_space<vmem>>)
      %dma_wait3A_2078 = arith.constant 7 : i32
      %dma_wait3A_2079 = arith.constant 0 : i32
      %dma_wait3A_2080 = arith.constant 0 : i32
      %dma_wait3A_2081 = tpu.memref_slice %arg15[%dma_wait3A_2078, %dma_wait3A_2079, %dma_wait3A_2080] : memref<16x16x128xf32, #tpu.memory_space<vmem>> -> memref<1x16x128xf32, #tpu.memory_space<vmem>>
      %dma_wait3A_2082 = tpu.memref_squeeze %dma_wait3A_2081 : memref<1x16x128xf32, #tpu.memory_space<vmem>> -> memref<16x128xf32, #tpu.memory_space<vmem>>
      %dma_wait3A_2083 = arith.constant 0 : i32
      %dma_wait3A_2084 = arith.constant 0 : i32
      %dma_wait3A_2085 = tpu.memref_slice %arg4[%dma_wait3A_2083, %dma_wait3A_2084] : memref<16x1000000xf32, #tpu.memory_space<hbm>> -> memref<16x128xf32, #tpu.memory_space<hbm>>
      %dma_wait3A_2086 = arith.constant 0 : i32
      %dma_wait3A_2087 = arith.constant 0 : i32
      %dma_wait3A_2088 = tpu.memref_slice %arg15[%dma_wait3A_2078, %dma_wait3A_2086, %dma_wait3A_2087] : memref<16x16x128xf32, #tpu.memory_space<vmem>> -> memref<1x16x128xf32, #tpu.memory_space<vmem>>
      %dma_wait3A_2089 = tpu.memref_squeeze %dma_wait3A_2088 : memref<1x16x128xf32, #tpu.memory_space<vmem>> -> memref<16x128xf32, #tpu.memory_space<vmem>>
      %dma_wait3A_2090 = arith.constant 0 : i32
      %dma_wait3A_2091 = arith.constant 0 : i32
      %dma_wait3A_2092 = tpu.memref_slice %arg4[%dma_wait3A_2090, %dma_wait3A_2091] : memref<16x1000000xf32, #tpu.memory_space<hbm>> -> memref<16x128xf32, #tpu.memory_space<hbm>>
      tpu.wait_dma2 semaphore(%arg27 : memref<!tpu.dma_semaphore, #tpu.memory_space<semaphore_mem>>) src(%dma_wait3A_2092 : memref<16x128xf32, #tpu.memory_space<hbm>>) dst(%dma_wait3A_2089 : memref<16x128xf32, #tpu.memory_space<vmem>>)
      %dma_wait3A_2093 = arith.constant 8 : i32
      %dma_wait3A_2094 = arith.constant 0 : i32
      %dma_wait3A_2095 = arith.constant 0 : i32
      %dma_wait3A_2096 = tpu.memref_slice %arg15[%dma_wait3A_2093, %dma_wait3A_2094, %dma_wait3A_2095] : memref<16x16x128xf32, #tpu.memory_space<vmem>> -> memref<1x16x128xf32, #tpu.memory_space<vmem>>
      %dma_wait3A_2097 = tpu.memref_squeeze %dma_wait3A_2096 : memref<1x16x128xf32, #tpu.memory_space<vmem>> -> memref<16x128xf32, #tpu.memory_space<vmem>>
      %dma_wait3A_2098 = arith.constant 0 : i32
      %dma_wait3A_2099 = arith.constant 0 : i32
      %dma_wait3A_2100 = tpu.memref_slice %arg4[%dma_wait3A_2098, %dma_wait3A_2099] : memref<16x1000000xf32, #tpu.memory_space<hbm>> -> memref<16x128xf32, #tpu.memory_space<hbm>>
      %dma_wait3A_2101 = arith.constant 0 : i32
      %dma_wait3A_2102 = arith.constant 0 : i32
      %dma_wait3A_2103 = tpu.memref_slice %arg15[%dma_wait3A_2093, %dma_wait3A_2101, %dma_wait3A_2102] : memref<16x16x128xf32, #tpu.memory_space<vmem>> -> memref<1x16x128xf32, #tpu.memory_space<vmem>>
      %dma_wait3A_2104 = tpu.memref_squeeze %dma_wait3A_2103 : memref<1x16x128xf32, #tpu.memory_space<vmem>> -> memref<16x128xf32, #tpu.memory_space<vmem>>
      %dma_wait3A_2105 = arith.constant 0 : i32
      %dma_wait3A_2106 = arith.constant 0 : i32
      %dma_wait3A_2107 = tpu.memref_slice %arg4[%dma_wait3A_2105, %dma_wait3A_2106] : memref<16x1000000xf32, #tpu.memory_space<hbm>> -> memref<16x128xf32, #tpu.memory_space<hbm>>
      tpu.wait_dma2 semaphore(%arg22 : memref<!tpu.dma_semaphore, #tpu.memory_space<semaphore_mem>>) src(%dma_wait3A_2107 : memref<16x128xf32, #tpu.memory_space<hbm>>) dst(%dma_wait3A_2104 : memref<16x128xf32, #tpu.memory_space<vmem>>)
      %dma_wait3A_2108 = arith.constant 9 : i32
      %dma_wait3A_2109 = arith.constant 0 : i32
      %dma_wait3A_2110 = arith.constant 0 : i32
      %dma_wait3A_2111 = tpu.memref_slice %arg15[%dma_wait3A_2108, %dma_wait3A_2109, %dma_wait3A_2110] : memref<16x16x128xf32, #tpu.memory_space<vmem>> -> memref<1x16x128xf32, #tpu.memory_space<vmem>>
      %dma_wait3A_2112 = tpu.memref_squeeze %dma_wait3A_2111 : memref<1x16x128xf32, #tpu.memory_space<vmem>> -> memref<16x128xf32, #tpu.memory_space<vmem>>
      %dma_wait3A_2113 = arith.constant 0 : i32
      %dma_wait3A_2114 = arith.constant 0 : i32
      %dma_wait3A_2115 = tpu.memref_slice %arg4[%dma_wait3A_2113, %dma_wait3A_2114] : memref<16x1000000xf32, #tpu.memory_space<hbm>> -> memref<16x128xf32, #tpu.memory_space<hbm>>
      %dma_wait3A_2116 = arith.constant 0 : i32
      %dma_wait3A_2117 = arith.constant 0 : i32
      %dma_wait3A_2118 = tpu.memref_slice %arg15[%dma_wait3A_2108, %dma_wait3A_2116, %dma_wait3A_2117] : memref<16x16x128xf32, #tpu.memory_space<vmem>> -> memref<1x16x128xf32, #tpu.memory_space<vmem>>
      %dma_wait3A_2119 = tpu.memref_squeeze %dma_wait3A_2118 : memref<1x16x128xf32, #tpu.memory_space<vmem>> -> memref<16x128xf32, #tpu.memory_space<vmem>>
      %dma_wait3A_2120 = arith.constant 0 : i32
      %dma_wait3A_2121 = arith.constant 0 : i32
      %dma_wait3A_2122 = tpu.memref_slice %arg4[%dma_wait3A_2120, %dma_wait3A_2121] : memref<16x1000000xf32, #tpu.memory_space<hbm>> -> memref<16x128xf32, #tpu.memory_space<hbm>>
      tpu.wait_dma2 semaphore(%arg23 : memref<!tpu.dma_semaphore, #tpu.memory_space<semaphore_mem>>) src(%dma_wait3A_2122 : memref<16x128xf32, #tpu.memory_space<hbm>>) dst(%dma_wait3A_2119 : memref<16x128xf32, #tpu.memory_space<vmem>>)
      %dma_wait3A_2123 = arith.constant 10 : i32
      %dma_wait3A_2124 = arith.constant 0 : i32
      %dma_wait3A_2125 = arith.constant 0 : i32
      %dma_wait3A_2126 = tpu.memref_slice %arg15[%dma_wait3A_2123, %dma_wait3A_2124, %dma_wait3A_2125] : memref<16x16x128xf32, #tpu.memory_space<vmem>> -> memref<1x16x128xf32, #tpu.memory_space<vmem>>
      %dma_wait3A_2127 = tpu.memref_squeeze %dma_wait3A_2126 : memref<1x16x128xf32, #tpu.memory_space<vmem>> -> memref<16x128xf32, #tpu.memory_space<vmem>>
      %dma_wait3A_2128 = arith.constant 0 : i32
      %dma_wait3A_2129 = arith.constant 0 : i32
      %dma_wait3A_2130 = tpu.memref_slice %arg4[%dma_wait3A_2128, %dma_wait3A_2129] : memref<16x1000000xf32, #tpu.memory_space<hbm>> -> memref<16x128xf32, #tpu.memory_space<hbm>>
      %dma_wait3A_2131 = arith.constant 0 : i32
      %dma_wait3A_2132 = arith.constant 0 : i32
      %dma_wait3A_2133 = tpu.memref_slice %arg15[%dma_wait3A_2123, %dma_wait3A_2131, %dma_wait3A_2132] : memref<16x16x128xf32, #tpu.memory_space<vmem>> -> memref<1x16x128xf32, #tpu.memory_space<vmem>>
      %dma_wait3A_2134 = tpu.memref_squeeze %dma_wait3A_2133 : memref<1x16x128xf32, #tpu.memory_space<vmem>> -> memref<16x128xf32, #tpu.memory_space<vmem>>
      %dma_wait3A_2135 = arith.constant 0 : i32
      %dma_wait3A_2136 = arith.constant 0 : i32
      %dma_wait3A_2137 = tpu.memref_slice %arg4[%dma_wait3A_2135, %dma_wait3A_2136] : memref<16x1000000xf32, #tpu.memory_space<hbm>> -> memref<16x128xf32, #tpu.memory_space<hbm>>
      tpu.wait_dma2 semaphore(%arg26 : memref<!tpu.dma_semaphore, #tpu.memory_space<semaphore_mem>>) src(%dma_wait3A_2137 : memref<16x128xf32, #tpu.memory_space<hbm>>) dst(%dma_wait3A_2134 : memref<16x128xf32, #tpu.memory_space<vmem>>)
      %dma_wait3A_2138 = arith.constant 11 : i32
      %dma_wait3A_2139 = arith.constant 0 : i32
      %dma_wait3A_2140 = arith.constant 0 : i32
      %dma_wait3A_2141 = tpu.memref_slice %arg15[%dma_wait3A_2138, %dma_wait3A_2139, %dma_wait3A_2140] : memref<16x16x128xf32, #tpu.memory_space<vmem>> -> memref<1x16x128xf32, #tpu.memory_space<vmem>>
      %dma_wait3A_2142 = tpu.memref_squeeze %dma_wait3A_2141 : memref<1x16x128xf32, #tpu.memory_space<vmem>> -> memref<16x128xf32, #tpu.memory_space<vmem>>
      %dma_wait3A_2143 = arith.constant 0 : i32
      %dma_wait3A_2144 = arith.constant 0 : i32
      %dma_wait3A_2145 = tpu.memref_slice %arg4[%dma_wait3A_2143, %dma_wait3A_2144] : memref<16x1000000xf32, #tpu.memory_space<hbm>> -> memref<16x128xf32, #tpu.memory_space<hbm>>
      %dma_wait3A_2146 = arith.constant 0 : i32
      %dma_wait3A_2147 = arith.constant 0 : i32
      %dma_wait3A_2148 = tpu.memref_slice %arg15[%dma_wait3A_2138, %dma_wait3A_2146, %dma_wait3A_2147] : memref<16x16x128xf32, #tpu.memory_space<vmem>> -> memref<1x16x128xf32, #tpu.memory_space<vmem>>
      %dma_wait3A_2149 = tpu.memref_squeeze %dma_wait3A_2148 : memref<1x16x128xf32, #tpu.memory_space<vmem>> -> memref<16x128xf32, #tpu.memory_space<vmem>>
      %dma_wait3A_2150 = arith.constant 0 : i32
      %dma_wait3A_2151 = arith.constant 0 : i32
      %dma_wait3A_2152 = tpu.memref_slice %arg4[%dma_wait3A_2150, %dma_wait3A_2151] : memref<16x1000000xf32, #tpu.memory_space<hbm>> -> memref<16x128xf32, #tpu.memory_space<hbm>>
      tpu.wait_dma2 semaphore(%arg27 : memref<!tpu.dma_semaphore, #tpu.memory_space<semaphore_mem>>) src(%dma_wait3A_2152 : memref<16x128xf32, #tpu.memory_space<hbm>>) dst(%dma_wait3A_2149 : memref<16x128xf32, #tpu.memory_space<vmem>>)
      %dma_wait3A_2153 = arith.constant 12 : i32
      %dma_wait3A_2154 = arith.constant 0 : i32
      %dma_wait3A_2155 = arith.constant 0 : i32
      %dma_wait3A_2156 = tpu.memref_slice %arg15[%dma_wait3A_2153, %dma_wait3A_2154, %dma_wait3A_2155] : memref<16x16x128xf32, #tpu.memory_space<vmem>> -> memref<1x16x128xf32, #tpu.memory_space<vmem>>
      %dma_wait3A_2157 = tpu.memref_squeeze %dma_wait3A_2156 : memref<1x16x128xf32, #tpu.memory_space<vmem>> -> memref<16x128xf32, #tpu.memory_space<vmem>>
      %dma_wait3A_2158 = arith.constant 0 : i32
      %dma_wait3A_2159 = arith.constant 0 : i32
      %dma_wait3A_2160 = tpu.memref_slice %arg4[%dma_wait3A_2158, %dma_wait3A_2159] : memref<16x1000000xf32, #tpu.memory_space<hbm>> -> memref<16x128xf32, #tpu.memory_space<hbm>>
      %dma_wait3A_2161 = arith.constant 0 : i32
      %dma_wait3A_2162 = arith.constant 0 : i32
      %dma_wait3A_2163 = tpu.memref_slice %arg15[%dma_wait3A_2153, %dma_wait3A_2161, %dma_wait3A_2162] : memref<16x16x128xf32, #tpu.memory_space<vmem>> -> memref<1x16x128xf32, #tpu.memory_space<vmem>>
      %dma_wait3A_2164 = tpu.memref_squeeze %dma_wait3A_2163 : memref<1x16x128xf32, #tpu.memory_space<vmem>> -> memref<16x128xf32, #tpu.memory_space<vmem>>
      %dma_wait3A_2165 = arith.constant 0 : i32
      %dma_wait3A_2166 = arith.constant 0 : i32
      %dma_wait3A_2167 = tpu.memref_slice %arg4[%dma_wait3A_2165, %dma_wait3A_2166] : memref<16x1000000xf32, #tpu.memory_space<hbm>> -> memref<16x128xf32, #tpu.memory_space<hbm>>
      tpu.wait_dma2 semaphore(%arg22 : memref<!tpu.dma_semaphore, #tpu.memory_space<semaphore_mem>>) src(%dma_wait3A_2167 : memref<16x128xf32, #tpu.memory_space<hbm>>) dst(%dma_wait3A_2164 : memref<16x128xf32, #tpu.memory_space<vmem>>)
      %dma_wait3A_2168 = arith.constant 13 : i32
      %dma_wait3A_2169 = arith.constant 0 : i32
      %dma_wait3A_2170 = arith.constant 0 : i32
      %dma_wait3A_2171 = tpu.memref_slice %arg15[%dma_wait3A_2168, %dma_wait3A_2169, %dma_wait3A_2170] : memref<16x16x128xf32, #tpu.memory_space<vmem>> -> memref<1x16x128xf32, #tpu.memory_space<vmem>>
      %dma_wait3A_2172 = tpu.memref_squeeze %dma_wait3A_2171 : memref<1x16x128xf32, #tpu.memory_space<vmem>> -> memref<16x128xf32, #tpu.memory_space<vmem>>
      %dma_wait3A_2173 = arith.constant 0 : i32
      %dma_wait3A_2174 = arith.constant 0 : i32
      %dma_wait3A_2175 = tpu.memref_slice %arg4[%dma_wait3A_2173, %dma_wait3A_2174] : memref<16x1000000xf32, #tpu.memory_space<hbm>> -> memref<16x128xf32, #tpu.memory_space<hbm>>
      %dma_wait3A_2176 = arith.constant 0 : i32
      %dma_wait3A_2177 = arith.constant 0 : i32
      %dma_wait3A_2178 = tpu.memref_slice %arg15[%dma_wait3A_2168, %dma_wait3A_2176, %dma_wait3A_2177] : memref<16x16x128xf32, #tpu.memory_space<vmem>> -> memref<1x16x128xf32, #tpu.memory_space<vmem>>
      %dma_wait3A_2179 = tpu.memref_squeeze %dma_wait3A_2178 : memref<1x16x128xf32, #tpu.memory_space<vmem>> -> memref<16x128xf32, #tpu.memory_space<vmem>>
      %dma_wait3A_2180 = arith.constant 0 : i32
      %dma_wait3A_2181 = arith.constant 0 : i32
      %dma_wait3A_2182 = tpu.memref_slice %arg4[%dma_wait3A_2180, %dma_wait3A_2181] : memref<16x1000000xf32, #tpu.memory_space<hbm>> -> memref<16x128xf32, #tpu.memory_space<hbm>>
      tpu.wait_dma2 semaphore(%arg23 : memref<!tpu.dma_semaphore, #tpu.memory_space<semaphore_mem>>) src(%dma_wait3A_2182 : memref<16x128xf32, #tpu.memory_space<hbm>>) dst(%dma_wait3A_2179 : memref<16x128xf32, #tpu.memory_space<vmem>>)
      %dma_wait3A_2183 = arith.constant 14 : i32
      %dma_wait3A_2184 = arith.constant 0 : i32
      %dma_wait3A_2185 = arith.constant 0 : i32
      %dma_wait3A_2186 = tpu.memref_slice %arg15[%dma_wait3A_2183, %dma_wait3A_2184, %dma_wait3A_2185] : memref<16x16x128xf32, #tpu.memory_space<vmem>> -> memref<1x16x128xf32, #tpu.memory_space<vmem>>
      %dma_wait3A_2187 = tpu.memref_squeeze %dma_wait3A_2186 : memref<1x16x128xf32, #tpu.memory_space<vmem>> -> memref<16x128xf32, #tpu.memory_space<vmem>>
      %dma_wait3A_2188 = arith.constant 0 : i32
      %dma_wait3A_2189 = arith.constant 0 : i32
      %dma_wait3A_2190 = tpu.memref_slice %arg4[%dma_wait3A_2188, %dma_wait3A_2189] : memref<16x1000000xf32, #tpu.memory_space<hbm>> -> memref<16x128xf32, #tpu.memory_space<hbm>>
      %dma_wait3A_2191 = arith.constant 0 : i32
      %dma_wait3A_2192 = arith.constant 0 : i32
      %dma_wait3A_2193 = tpu.memref_slice %arg15[%dma_wait3A_2183, %dma_wait3A_2191, %dma_wait3A_2192] : memref<16x16x128xf32, #tpu.memory_space<vmem>> -> memref<1x16x128xf32, #tpu.memory_space<vmem>>
      %dma_wait3A_2194 = tpu.memref_squeeze %dma_wait3A_2193 : memref<1x16x128xf32, #tpu.memory_space<vmem>> -> memref<16x128xf32, #tpu.memory_space<vmem>>
      %dma_wait3A_2195 = arith.constant 0 : i32
      %dma_wait3A_2196 = arith.constant 0 : i32
      %dma_wait3A_2197 = tpu.memref_slice %arg4[%dma_wait3A_2195, %dma_wait3A_2196] : memref<16x1000000xf32, #tpu.memory_space<hbm>> -> memref<16x128xf32, #tpu.memory_space<hbm>>
      tpu.wait_dma2 semaphore(%arg26 : memref<!tpu.dma_semaphore, #tpu.memory_space<semaphore_mem>>) src(%dma_wait3A_2197 : memref<16x128xf32, #tpu.memory_space<hbm>>) dst(%dma_wait3A_2194 : memref<16x128xf32, #tpu.memory_space<vmem>>)
      %dma_wait3A_2198 = arith.constant 15 : i32
      %dma_wait3A_2199 = arith.constant 0 : i32
      %dma_wait3A_2200 = arith.constant 0 : i32
      %dma_wait3A_2201 = tpu.memref_slice %arg15[%dma_wait3A_2198, %dma_wait3A_2199, %dma_wait3A_2200] : memref<16x16x128xf32, #tpu.memory_space<vmem>> -> memref<1x16x128xf32, #tpu.memory_space<vmem>>
      %dma_wait3A_2202 = tpu.memref_squeeze %dma_wait3A_2201 : memref<1x16x128xf32, #tpu.memory_space<vmem>> -> memref<16x128xf32, #tpu.memory_space<vmem>>
      %dma_wait3A_2203 = arith.constant 0 : i32
      %dma_wait3A_2204 = arith.constant 0 : i32
      %dma_wait3A_2205 = tpu.memref_slice %arg4[%dma_wait3A_2203, %dma_wait3A_2204] : memref<16x1000000xf32, #tpu.memory_space<hbm>> -> memref<16x128xf32, #tpu.memory_space<hbm>>
      %dma_wait3A_2206 = arith.constant 0 : i32
      %dma_wait3A_2207 = arith.constant 0 : i32
      %dma_wait3A_2208 = tpu.memref_slice %arg15[%dma_wait3A_2198, %dma_wait3A_2206, %dma_wait3A_2207] : memref<16x16x128xf32, #tpu.memory_space<vmem>> -> memref<1x16x128xf32, #tpu.memory_space<vmem>>
      %dma_wait3A_2209 = tpu.memref_squeeze %dma_wait3A_2208 : memref<1x16x128xf32, #tpu.memory_space<vmem>> -> memref<16x128xf32, #tpu.memory_space<vmem>>
      %dma_wait3A_2210 = arith.constant 0 : i32
      %dma_wait3A_2211 = arith.constant 0 : i32
      %dma_wait3A_2212 = tpu.memref_slice %arg4[%dma_wait3A_2210, %dma_wait3A_2211] : memref<16x1000000xf32, #tpu.memory_space<hbm>> -> memref<16x128xf32, #tpu.memory_space<hbm>>
      tpu.wait_dma2 semaphore(%arg27 : memref<!tpu.dma_semaphore, #tpu.memory_space<semaphore_mem>>) src(%dma_wait3A_2212 : memref<16x128xf32, #tpu.memory_space<hbm>>) dst(%dma_wait3A_2209 : memref<16x128xf32, #tpu.memory_space<vmem>>)
      %mul3A_2213 = arith.constant 16 : i32
      %mul3A_2214 = arith.muli %scan3A_282, %mul3A_2213 : i32
      %get3A_2215 = arith.index_cast %mul3A_2214 : i32 to index
      %get3A_2216 = tpu.vector_load %arg13[%get3A_2215] {strides = array<i32>} : memref<512xi32, #tpu.memory_space<vmem>>, vector<16xi32>,
      %and3A_2217 = arith.constant 127 : i32
      %and3A_2218 = vector.broadcast %and3A_2217 : i32 to vector<16xi32>
      %and3A_2219 = arith.andi %get3A_2216, %and3A_2218 : vector<16xi32>
      %broadcast_in_dim3A_2220 = arith.constant 0 : i32
      %broadcast_in_dim3A_2221 = vector.broadcast %broadcast_in_dim3A_2220 : i32 to vector<16xi32>
      %gather3A_2222 = tpu.vector_load_idx %arg15[%iota3A, %broadcast_in_dim3A_2221, %and3A_2219] : memref<16x16x128xf32, #tpu.memory_space<vmem>>[vector<16xi32>, vector<16xi32>, vector<16xi32>], vector<16xf32>,
      tpu.vector_store_idx %arg19[%iota3A, %broadcast_in_dim3A_2221], %gather3A_2222 : memref<16x16xf32, #tpu.memory_space<vmem>>[vector<16xi32>, vector<16xi32>], vector<16xf32>,
      %broadcast_in_dim3A_2223 = arith.constant 1 : i32
      %broadcast_in_dim3A_2224 = vector.broadcast %broadcast_in_dim3A_2223 : i32 to vector<16xi32>
      %gather3A_2225 = tpu.vector_load_idx %arg15[%iota3A, %broadcast_in_dim3A_2224, %and3A_2219] : memref<16x16x128xf32, #tpu.memory_space<vmem>>[vector<16xi32>, vector<16xi32>, vector<16xi32>], vector<16xf32>,
      tpu.vector_store_idx %arg19[%iota3A, %broadcast_in_dim3A_2224], %gather3A_2225 : memref<16x16xf32, #tpu.memory_space<vmem>>[vector<16xi32>, vector<16xi32>], vector<16xf32>,
      %broadcast_in_dim3A_2226 = arith.constant 2 : i32
      %broadcast_in_dim3A_2227 = vector.broadcast %broadcast_in_dim3A_2226 : i32 to vector<16xi32>
      %gather3A_2228 = tpu.vector_load_idx %arg15[%iota3A, %broadcast_in_dim3A_2227, %and3A_2219] : memref<16x16x128xf32, #tpu.memory_space<vmem>>[vector<16xi32>, vector<16xi32>, vector<16xi32>], vector<16xf32>,
      tpu.vector_store_idx %arg19[%iota3A, %broadcast_in_dim3A_2227], %gather3A_2228 : memref<16x16xf32, #tpu.memory_space<vmem>>[vector<16xi32>, vector<16xi32>], vector<16xf32>,
      %broadcast_in_dim3A_2229 = arith.constant 3 : i32
      %broadcast_in_dim3A_2230 = vector.broadcast %broadcast_in_dim3A_2229 : i32 to vector<16xi32>
      %gather3A_2231 = tpu.vector_load_idx %arg15[%iota3A, %broadcast_in_dim3A_2230, %and3A_2219] : memref<16x16x128xf32, #tpu.memory_space<vmem>>[vector<16xi32>, vector<16xi32>, vector<16xi32>], vector<16xf32>,
      tpu.vector_store_idx %arg19[%iota3A, %broadcast_in_dim3A_2230], %gather3A_2231 : memref<16x16xf32, #tpu.memory_space<vmem>>[vector<16xi32>, vector<16xi32>], vector<16xf32>,
      %broadcast_in_dim3A_2232 = arith.constant 4 : i32
      %broadcast_in_dim3A_2233 = vector.broadcast %broadcast_in_dim3A_2232 : i32 to vector<16xi32>
      %gather3A_2234 = tpu.vector_load_idx %arg15[%iota3A, %broadcast_in_dim3A_2233, %and3A_2219] : memref<16x16x128xf32, #tpu.memory_space<vmem>>[vector<16xi32>, vector<16xi32>, vector<16xi32>], vector<16xf32>,
      tpu.vector_store_idx %arg19[%iota3A, %broadcast_in_dim3A_2233], %gather3A_2234 : memref<16x16xf32, #tpu.memory_space<vmem>>[vector<16xi32>, vector<16xi32>], vector<16xf32>,
      %broadcast_in_dim3A_2235 = arith.constant 5 : i32
      %broadcast_in_dim3A_2236 = vector.broadcast %broadcast_in_dim3A_2235 : i32 to vector<16xi32>
      %gather3A_2237 = tpu.vector_load_idx %arg15[%iota3A, %broadcast_in_dim3A_2236, %and3A_2219] : memref<16x16x128xf32, #tpu.memory_space<vmem>>[vector<16xi32>, vector<16xi32>, vector<16xi32>], vector<16xf32>,
      tpu.vector_store_idx %arg19[%iota3A, %broadcast_in_dim3A_2236], %gather3A_2237 : memref<16x16xf32, #tpu.memory_space<vmem>>[vector<16xi32>, vector<16xi32>], vector<16xf32>,
      %broadcast_in_dim3A_2238 = arith.constant 6 : i32
      %broadcast_in_dim3A_2239 = vector.broadcast %broadcast_in_dim3A_2238 : i32 to vector<16xi32>
      %gather3A_2240 = tpu.vector_load_idx %arg15[%iota3A, %broadcast_in_dim3A_2239, %and3A_2219] : memref<16x16x128xf32, #tpu.memory_space<vmem>>[vector<16xi32>, vector<16xi32>, vector<16xi32>], vector<16xf32>,
      tpu.vector_store_idx %arg19[%iota3A, %broadcast_in_dim3A_2239], %gather3A_2240 : memref<16x16xf32, #tpu.memory_space<vmem>>[vector<16xi32>, vector<16xi32>], vector<16xf32>,
      %broadcast_in_dim3A_2241 = arith.constant 7 : i32
      %broadcast_in_dim3A_2242 = vector.broadcast %broadcast_in_dim3A_2241 : i32 to vector<16xi32>
      %gather3A_2243 = tpu.vector_load_idx %arg15[%iota3A, %broadcast_in_dim3A_2242, %and3A_2219] : memref<16x16x128xf32, #tpu.memory_space<vmem>>[vector<16xi32>, vector<16xi32>, vector<16xi32>], vector<16xf32>,
      tpu.vector_store_idx %arg19[%iota3A, %broadcast_in_dim3A_2242], %gather3A_2243 : memref<16x16xf32, #tpu.memory_space<vmem>>[vector<16xi32>, vector<16xi32>], vector<16xf32>,
      %broadcast_in_dim3A_2244 = arith.constant 8 : i32
      %broadcast_in_dim3A_2245 = vector.broadcast %broadcast_in_dim3A_2244 : i32 to vector<16xi32>
      %gather3A_2246 = tpu.vector_load_idx %arg15[%iota3A, %broadcast_in_dim3A_2245, %and3A_2219] : memref<16x16x128xf32, #tpu.memory_space<vmem>>[vector<16xi32>, vector<16xi32>, vector<16xi32>], vector<16xf32>,
      tpu.vector_store_idx %arg19[%iota3A, %broadcast_in_dim3A_2245], %gather3A_2246 : memref<16x16xf32, #tpu.memory_space<vmem>>[vector<16xi32>, vector<16xi32>], vector<16xf32>,
      %broadcast_in_dim3A_2247 = arith.constant 9 : i32
      %broadcast_in_dim3A_2248 = vector.broadcast %broadcast_in_dim3A_2247 : i32 to vector<16xi32>
      %gather3A_2249 = tpu.vector_load_idx %arg15[%iota3A, %broadcast_in_dim3A_2248, %and3A_2219] : memref<16x16x128xf32, #tpu.memory_space<vmem>>[vector<16xi32>, vector<16xi32>, vector<16xi32>], vector<16xf32>,
      tpu.vector_store_idx %arg19[%iota3A, %broadcast_in_dim3A_2248], %gather3A_2249 : memref<16x16xf32, #tpu.memory_space<vmem>>[vector<16xi32>, vector<16xi32>], vector<16xf32>,
      %broadcast_in_dim3A_2250 = arith.constant 10 : i32
      %broadcast_in_dim3A_2251 = vector.broadcast %broadcast_in_dim3A_2250 : i32 to vector<16xi32>
      %gather3A_2252 = tpu.vector_load_idx %arg15[%iota3A, %broadcast_in_dim3A_2251, %and3A_2219] : memref<16x16x128xf32, #tpu.memory_space<vmem>>[vector<16xi32>, vector<16xi32>, vector<16xi32>], vector<16xf32>,
      tpu.vector_store_idx %arg19[%iota3A, %broadcast_in_dim3A_2251], %gather3A_2252 : memref<16x16xf32, #tpu.memory_space<vmem>>[vector<16xi32>, vector<16xi32>], vector<16xf32>,
      %broadcast_in_dim3A_2253 = arith.constant 11 : i32
      %broadcast_in_dim3A_2254 = vector.broadcast %broadcast_in_dim3A_2253 : i32 to vector<16xi32>
      %gather3A_2255 = tpu.vector_load_idx %arg15[%iota3A, %broadcast_in_dim3A_2254, %and3A_2219] : memref<16x16x128xf32, #tpu.memory_space<vmem>>[vector<16xi32>, vector<16xi32>, vector<16xi32>], vector<16xf32>,
      tpu.vector_store_idx %arg19[%iota3A, %broadcast_in_dim3A_2254], %gather3A_2255 : memref<16x16xf32, #tpu.memory_space<vmem>>[vector<16xi32>, vector<16xi32>], vector<16xf32>,
      %broadcast_in_dim3A_2256 = arith.constant 12 : i32
      %broadcast_in_dim3A_2257 = vector.broadcast %broadcast_in_dim3A_2256 : i32 to vector<16xi32>
      %gather3A_2258 = tpu.vector_load_idx %arg15[%iota3A, %broadcast_in_dim3A_2257, %and3A_2219] : memref<16x16x128xf32, #tpu.memory_space<vmem>>[vector<16xi32>, vector<16xi32>, vector<16xi32>], vector<16xf32>,
      tpu.vector_store_idx %arg19[%iota3A, %broadcast_in_dim3A_2257], %gather3A_2258 : memref<16x16xf32, #tpu.memory_space<vmem>>[vector<16xi32>, vector<16xi32>], vector<16xf32>,
      %broadcast_in_dim3A_2259 = arith.constant 13 : i32
      %broadcast_in_dim3A_2260 = vector.broadcast %broadcast_in_dim3A_2259 : i32 to vector<16xi32>
      %gather3A_2261 = tpu.vector_load_idx %arg15[%iota3A, %broadcast_in_dim3A_2260, %and3A_2219] : memref<16x16x128xf32, #tpu.memory_space<vmem>>[vector<16xi32>, vector<16xi32>, vector<16xi32>], vector<16xf32>,
      tpu.vector_store_idx %arg19[%iota3A, %broadcast_in_dim3A_2260], %gather3A_2261 : memref<16x16xf32, #tpu.memory_space<vmem>>[vector<16xi32>, vector<16xi32>], vector<16xf32>,
      %broadcast_in_dim3A_2262 = arith.constant 14 : i32
      %broadcast_in_dim3A_2263 = vector.broadcast %broadcast_in_dim3A_2262 : i32 to vector<16xi32>
      %gather3A_2264 = tpu.vector_load_idx %arg15[%iota3A, %broadcast_in_dim3A_2263, %and3A_2219] : memref<16x16x128xf32, #tpu.memory_space<vmem>>[vector<16xi32>, vector<16xi32>, vector<16xi32>], vector<16xf32>,
      tpu.vector_store_idx %arg19[%iota3A, %broadcast_in_dim3A_2263], %gather3A_2264 : memref<16x16xf32, #tpu.memory_space<vmem>>[vector<16xi32>, vector<16xi32>], vector<16xf32>,
      %broadcast_in_dim3A_2265 = arith.constant 15 : i32
      %broadcast_in_dim3A_2266 = vector.broadcast %broadcast_in_dim3A_2265 : i32 to vector<16xi32>
      %gather3A_2267 = tpu.vector_load_idx %arg15[%iota3A, %broadcast_in_dim3A_2266, %and3A_2219] : memref<16x16x128xf32, #tpu.memory_space<vmem>>[vector<16xi32>, vector<16xi32>, vector<16xi32>], vector<16xf32>,
      tpu.vector_store_idx %arg19[%iota3A, %broadcast_in_dim3A_2266], %gather3A_2267 : memref<16x16xf32, #tpu.memory_space<vmem>>[vector<16xi32>, vector<16xi32>], vector<16xf32>,
      %mul3A_2268 = arith.constant 16 : i32
      %mul3A_2269 = arith.muli %scan3A_282, %mul3A_2268 : i32
      %add3A_2270 = arith.addi %mul3A_2, %mul3A_2269 : i32
      %dma_start3A_2271 = arith.constant 0 : i32
      %dma_start3A_2272 = tpu.memref_slice %arg8[%add3A_2270, %dma_start3A_2271] : memref<16384x16xf32, #tpu.memory_space<hbm>> -> memref<16x16xf32, #tpu.memory_space<hbm>>
      %dma_start3A_2273 = arith.constant 0 : i32
      %dma_start3A_2274 = tpu.memref_slice %arg8[%add3A_2270, %dma_start3A_2273] : memref<16384x16xf32, #tpu.memory_space<hbm>> -> memref<16x16xf32, #tpu.memory_space<hbm>>
      tpu.enqueue_dma source(%arg16 : memref<16x16xf32, #tpu.memory_space<vmem>>) target(%dma_start3A_2274 : memref<16x16xf32, #tpu.memory_space<hbm>>) target_semaphore(%arg28 : memref<!tpu.dma_semaphore, #tpu.memory_space<semaphore_mem>>)
      %dma_start3A_2275 = arith.constant 0 : i32
      %dma_start3A_2276 = tpu.memref_slice %arg9[%add3A_2270, %dma_start3A_2275] : memref<16384x16xf32, #tpu.memory_space<hbm>> -> memref<16x16xf32, #tpu.memory_space<hbm>>
      %dma_start3A_2277 = arith.constant 0 : i32
      %dma_start3A_2278 = tpu.memref_slice %arg9[%add3A_2270, %dma_start3A_2277] : memref<16384x16xf32, #tpu.memory_space<hbm>> -> memref<16x16xf32, #tpu.memory_space<hbm>>
      tpu.enqueue_dma source(%arg17 : memref<16x16xf32, #tpu.memory_space<vmem>>) target(%dma_start3A_2278 : memref<16x16xf32, #tpu.memory_space<hbm>>) target_semaphore(%arg28 : memref<!tpu.dma_semaphore, #tpu.memory_space<semaphore_mem>>)
      %dma_start3A_2279 = arith.constant 0 : i32
      %dma_start3A_2280 = tpu.memref_slice %arg10[%add3A_2270, %dma_start3A_2279] : memref<16384x16xf32, #tpu.memory_space<hbm>> -> memref<16x16xf32, #tpu.memory_space<hbm>>
      %dma_start3A_2281 = arith.constant 0 : i32
      %dma_start3A_2282 = tpu.memref_slice %arg10[%add3A_2270, %dma_start3A_2281] : memref<16384x16xf32, #tpu.memory_space<hbm>> -> memref<16x16xf32, #tpu.memory_space<hbm>>
      tpu.enqueue_dma source(%arg18 : memref<16x16xf32, #tpu.memory_space<vmem>>) target(%dma_start3A_2282 : memref<16x16xf32, #tpu.memory_space<hbm>>) target_semaphore(%arg28 : memref<!tpu.dma_semaphore, #tpu.memory_space<semaphore_mem>>)
      %dma_start3A_2283 = arith.constant 0 : i32
      %dma_start3A_2284 = tpu.memref_slice %arg11[%add3A_2270, %dma_start3A_2283] : memref<16384x16xf32, #tpu.memory_space<hbm>> -> memref<16x16xf32, #tpu.memory_space<hbm>>
      %dma_start3A_2285 = arith.constant 0 : i32
      %dma_start3A_2286 = tpu.memref_slice %arg11[%add3A_2270, %dma_start3A_2285] : memref<16384x16xf32, #tpu.memory_space<hbm>> -> memref<16x16xf32, #tpu.memory_space<hbm>>
      tpu.enqueue_dma source(%arg19 : memref<16x16xf32, #tpu.memory_space<vmem>>) target(%dma_start3A_2286 : memref<16x16xf32, #tpu.memory_space<hbm>>) target_semaphore(%arg28 : memref<!tpu.dma_semaphore, #tpu.memory_space<semaphore_mem>>)
    }
    %scan3A_264 = arith.constant 32 : i32
    %add3A_265 = arith.constant 496 : i32
    %add3A_266 = arith.addi %mul3A_2, %add3A_265 : i32
    %dma_wait3A = arith.constant 0 : i32
    %dma_wait3A_267 = tpu.memref_slice %arg8[%add3A_266, %dma_wait3A] : memref<16384x16xf32, #tpu.memory_space<hbm>> -> memref<16x16xf32, #tpu.memory_space<hbm>>
    %dma_wait3A_268 = arith.constant 0 : i32
    %dma_wait3A_269 = tpu.memref_slice %arg8[%add3A_266, %dma_wait3A_268] : memref<16384x16xf32, #tpu.memory_space<hbm>> -> memref<16x16xf32, #tpu.memory_space<hbm>>
    tpu.wait_dma2 semaphore(%arg28 : memref<!tpu.dma_semaphore, #tpu.memory_space<semaphore_mem>>) src(%arg16 : memref<16x16xf32, #tpu.memory_space<vmem>>) dst(%dma_wait3A_269 : memref<16x16xf32, #tpu.memory_space<hbm>>)
    %dma_wait3A_270 = arith.constant 0 : i32
    %dma_wait3A_271 = tpu.memref_slice %arg9[%add3A_266, %dma_wait3A_270] : memref<16384x16xf32, #tpu.memory_space<hbm>> -> memref<16x16xf32, #tpu.memory_space<hbm>>
    %dma_wait3A_272 = arith.constant 0 : i32
    %dma_wait3A_273 = tpu.memref_slice %arg9[%add3A_266, %dma_wait3A_272] : memref<16384x16xf32, #tpu.memory_space<hbm>> -> memref<16x16xf32, #tpu.memory_space<hbm>>
    tpu.wait_dma2 semaphore(%arg28 : memref<!tpu.dma_semaphore, #tpu.memory_space<semaphore_mem>>) src(%arg17 : memref<16x16xf32, #tpu.memory_space<vmem>>) dst(%dma_wait3A_273 : memref<16x16xf32, #tpu.memory_space<hbm>>)
    %dma_wait3A_274 = arith.constant 0 : i32
    %dma_wait3A_275 = tpu.memref_slice %arg10[%add3A_266, %dma_wait3A_274] : memref<16384x16xf32, #tpu.memory_space<hbm>> -> memref<16x16xf32, #tpu.memory_space<hbm>>
    %dma_wait3A_276 = arith.constant 0 : i32
    %dma_wait3A_277 = tpu.memref_slice %arg10[%add3A_266, %dma_wait3A_276] : memref<16384x16xf32, #tpu.memory_space<hbm>> -> memref<16x16xf32, #tpu.memory_space<hbm>>
    tpu.wait_dma2 semaphore(%arg28 : memref<!tpu.dma_semaphore, #tpu.memory_space<semaphore_mem>>) src(%arg18 : memref<16x16xf32, #tpu.memory_space<vmem>>) dst(%dma_wait3A_277 : memref<16x16xf32, #tpu.memory_space<hbm>>)
    %dma_wait3A_278 = arith.constant 0 : i32
    %dma_wait3A_279 = tpu.memref_slice %arg11[%add3A_266, %dma_wait3A_278] : memref<16384x16xf32, #tpu.memory_space<hbm>> -> memref<16x16xf32, #tpu.memory_space<hbm>>
    %dma_wait3A_280 = arith.constant 0 : i32
    %dma_wait3A_281 = tpu.memref_slice %arg11[%add3A_266, %dma_wait3A_280] : memref<16384x16xf32, #tpu.memory_space<hbm>> -> memref<16x16xf32, #tpu.memory_space<hbm>>
    tpu.wait_dma2 semaphore(%arg28 : memref<!tpu.dma_semaphore, #tpu.memory_space<semaphore_mem>>) src(%arg19 : memref<16x16xf32, #tpu.memory_space<vmem>>) dst(%dma_wait3A_281 : memref<16x16xf32, #tpu.memory_space<hbm>>)
    return
  }
}

</mosaic_0001>

<sc_bundles>
// kernel: _sc_gather.3.cloned.1.call-start
scs
__scs_entry_jumppad:
0x0: {  	(pc) =	sbr.rel $0x88, $3  }
0x1: {  	(tag) =	ssettag $0x0;
	lr =	simm.s32 $0x1  }
0x2: {  	[smem:$0x3F9B] =	sst lr;
	_ =	strace $0xD0000000  }
0x3: {  	_ = 	snop  }
0x4: {  	_ = 	snop  }
0x5: {  	_ = 	snop  }
0x6: {  	_ = 	snop  }
0x7: {  	_ = 	snop  }
__scs_overlays_trampoline_lowered:
0x8: {  	[smem:$0x3FAA] =	sst s0  }
0x9: {  	[smem:$0x3FAB] =	sst s1  }
0xa: {  	[smem:$0x3FAC] =	sst s2  }
0xb: {  	[smem:$0x3FAD] =	sst s3  }
0xc: {  	[smem:$0x3FAE] =	sst s4  }
0xd: {  	[smem:$0x3FAF] =	sst s5  }
0xe: {  	[smem:$0x3FB0] =	sst s6  }
0xf: {  	[smem:$0x3FB1] =	sst s7  }
0x10: {  	[smem:$0x3FB2] =	sst s8  }
0x11: {  	[smem:$0x3FB3] =	sst s9;
	s0 =	simm.s32 @!p0 $0x0  }
0x12: {  	s1 =	sld [smem:$0x3F99];
	s0 =	simm.s32 @p0 $0x1  }
0x13: {  	[smem:$0x3FB4] =	sst s0;
	s0 =	simm.s32 @!p1 $0x0  }
0x14: {  	s2 =	sld [smem:$0x3F98];
	s0 =	simm.s32 @p1 $0x1  }
0x15: {  	[smem:$0x3FB5] =	sst s0;
	s0 =	simm.s32 @!p2 $0x0  }
0x16: {  	s3 =	sld [smem:$0x3FDB];
	s0 =	simm.s32 @p2 $0x1  }
0x17: {  	s4 =	simm.s32 $0x1BF5;
	[smem:$0x3FB7] =	sst s0  }
0x18: {  	s0 =	sld [smem:$0x3F9A];
	_ =	swait.ge [sflag:s4], $0x0  }
0x19: {  	s7 =	sld [smem:$0x3F9B]  }
0x1a: {  	s8 =	sadd.s32 $0xFFFFE003, lr  }
0x1b: {  	s9 =	sadd.s32 $0xFFFFFEF7, lr;
	s5 =	simm.s32 $0xFFFFFFFF;
	p2 =	slt.u32 s8, $0xFFFFF086  }
0x1c: {  	p1 =	slt.u32 s9, $0xF7A;
	s5 =	simm.s32 @!p2 $0x0  }
0x1d: {  	s5 =	simm.s32 @p1 $0x1;
	p0 =	seq.s32 s7, s2  }
0x1e: {  	s7 =	smul.u32 @!p0 $0xF7A, s2;
	p2 =	seq.s32 @!p0 s5, $0x0  }
0x1f: {  	s9 =	smul.u32 $0xF7A, s1;
	s8 =	simm.s32 @!p0 $0x1BF5;
	p2 =	por !p2, p0  }
0x20: {  	[sflag:s8] =	ssyncset.s32 @!p0 $0xFFFFF086;
	s6 =	sadd.s32 @!p0 s3, s7;
	s7 =	simm.s32 @!p0 $0x108  }
0x21: {  	s3 =	sadd.s32 s3, s9;
	s6 =	sadd.s32 @!p0 $0x88, s6;
	s7 =	simm.s32 @p2 $0x1082  }
0x22: {  	[simem:s7], [sflag:s8] =	dma.local @!p0 [hbm:s6], $0xF7A  }
0x23: {  	s9 =	sor.u32 $0xD0000000, s2;
	s6 =	simm.s32 $0x108;
	_ =	swait.ge @!p0 [sflag:s8], $0x0  }
0x24: {  	s3 =	sadd.s32 $0x88, s3;
	s6 =	simm.s32 @!p1 $0x1082;
	[sflag:s4] =	ssyncset.s32 $0xFFFFF086  }
0x25: {  	[simem:s6], [sflag:s4] =	dma.local [hbm:s3], $0xF7A  }
0x26: {  	[smem:$0x3F9B] =	sst s1;
	(tag) =	ssettag s2;
	_ =	strace s9  }
0x27: {  	s1 =	sld [smem:$0x3FAB]  }
0x28: {  	s2 =	sld [smem:$0x3FAC]  }
0x29: {  	s4 =	sld [smem:$0x3FAE]  }
0x2a: {  	p0 =	seq.s32 s5, $0x0;
	s5 =	sld [smem:$0x3FAF]  }
0x2b: {  	s6 =	sld [smem:$0x3FB0]  }
0x2c: {  	s7 =	sld [smem:$0x3FB1]  }
0x2d: {  	s3 =	simm.s32 $0x108;
	s8 =	sld [smem:$0x3FB2]  }
0x2e: {  	s3 =	simm.s32 @!p0 $0x1082;
	s9 =	sld [smem:$0x3FB3]  }
0x2f: {  	lr =	sadd.s32 s0, s3;
	s0 =	sld [smem:$0x3FAA]  }
0x30: {  	s3 =	sld [smem:$0x3FAD]  }
0x31: {  	[smem:$0x3FB6] =	sst s10  }
0x32: {  	s10 =	sld [smem:$0x3FB4];
	_ =	sdelay $0x3  }
0x33: {  	p0 =	seq.s32 s10, $0x1;
	s10 =	sld [smem:$0x3FB6];
	_ =	sdelay $0x3  }
0x34: {  	[smem:$0x3FB6] =	sst s10  }
0x35: {  	s10 =	sld [smem:$0x3FB5];
	_ =	sdelay $0x3  }
0x36: {  	p1 =	seq.s32 s10, $0x1;
	s10 =	sld [smem:$0x3FB6];
	_ =	sdelay $0x3  }
0x37: {  	[smem:$0x3FB6] =	sst s10  }
0x38: {  	s10 =	sld [smem:$0x3FB7]  }
0x39: {  	_ = 	snop;
	(pc) =	sbr.ind lr, $3  }
0x3a: {  	_ = 	snop  }
0x3b: {  	_ = 	snop  }
0x3c: {  	p2 =	seq.s32 s10, $0x1;
	s10 =	sld [smem:$0x3FB6]  }
0x3d: {  	_ =	shalt  }
0x3e: {  	_ =	shalt  }
0x3f: {  	_ =	shalt  }
0x40: {  	_ =	shalt  }
0x41: {  	_ =	shalt  }
0x42: {  	_ =	shalt  }
0x43: {  	_ =	shalt  }
0x44: {  	_ =	shalt  }
0x45: {  	_ =	shalt  }
0x46: {  	_ =	shalt  }
0x47: {  	_ =	shalt  }
0x48: {  	_ =	shalt  }
0x49: {  	_ =	shalt  }
0x4a: {  	_ =	shalt  }
0x4b: {  	_ =	shalt  }
0x4c: {  	_ =	shalt  }
0x4d: {  	_ =	shalt  }
0x4e: {  	_ =	shalt  }
0x4f: {  	_ =	shalt  }
0x50: {  	_ =	shalt  }
0x51: {  	_ =	shalt  }
0x52: {  	_ =	shalt  }
0x53: {  	_ =	shalt  }
0x54: {  	_ =	shalt  }
0x55: {  	_ =	shalt  }
0x56: {  	_ =	shalt  }
0x57: {  	_ =	shalt  }
0x58: {  	_ =	shalt  }
0x59: {  	_ =	shalt  }
0x5a: {  	_ =	shalt  }
0x5b: {  	_ =	shalt  }
0x5c: {  	_ =	shalt  }
0x5d: {  	_ =	shalt  }
0x5e: {  	_ =	shalt  }
0x5f: {  	_ =	shalt  }
0x60: {  	_ =	shalt  }
0x61: {  	_ =	shalt  }
0x62: {  	_ =	shalt  }
0x63: {  	_ =	shalt  }
0x64: {  	_ =	shalt  }
0x65: {  	_ =	shalt  }
0x66: {  	_ =	shalt  }
0x67: {  	_ =	shalt  }
0x68: {  	_ =	shalt  }
0x69: {  	_ =	shalt  }
0x6a: {  	_ =	shalt  }
0x6b: {  	_ =	shalt  }
0x6c: {  	_ =	shalt  }
0x6d: {  	_ =	shalt  }
0x6e: {  	_ =	shalt  }
0x6f: {  	_ =	shalt  }
0x70: {  	_ =	shalt  }
0x71: {  	_ =	shalt  }
0x72: {  	_ =	shalt  }
0x73: {  	_ =	shalt  }
0x74: {  	_ =	shalt  }
0x75: {  	_ =	shalt  }
0x76: {  	_ =	shalt  }
0x77: {  	_ =	shalt  }
0x78: {  	_ =	shalt  }
0x79: {  	_ =	shalt  }
0x7a: {  	_ =	shalt  }
0x7b: {  	_ =	shalt  }
0x7c: {  	_ =	shalt  }
0x7d: {  	_ =	shalt  }
0x7e: {  	_ =	shalt  }
0x7f: {  	_ =	shalt  }
0x80: {  	_ =	shalt  }
0x81: {  	_ =	shalt  }
0x82: {  	_ =	shalt  }
0x83: {  	_ =	shalt  }
0x84: {  	_ =	shalt  }
0x85: {  	_ =	shalt  }
0x86: {  	_ =	shalt  }
0x87: {  	_ =	shalt  }
.Lfunc_end0:
.L_simem_size_0:
called_computation_lowered:
.L_overlay_start_0:
0x88: {  	s2 =	sld [smem:$0x3FD9]  }
0x89: {  	s3 =	sld [smem:$0x3FFE];
	_ =	sdelay $0x1  }
0x8a: {  	s1 =	srdreg.scid  }
0x8b: {  	s0 =	sand.u32 $0x1, s1  }
0x8c: {  	s17 =	sshll.u32 s0, $0xA;
	s2 =	sadd.s32 s3, s2  }
0x8d: {  	s2 =	sadd.s32 s2, s17  }
0x8e: {  	[smem:$0x3FC2] =	sst s2  }
0x8f: {  	_ = 	snop  }
0x90: {  	s2 =	sld [smem:$0x3FC9]  }
0x91: {  	s18 =	sld [smem:$0x3FC8]  }
0x92: {  	s4 =	sld [smem:$0x3FC7]  }
0x93: {  	s5 =	sld [smem:$0x3FC6]  }
0x94: {  	s6 =	sld [smem:$0x3FC5]  }
0x95: {  	s7 =	sld [smem:$0x3FC4];
	(tm) =	ssettm $0x1  }
0x96: {  	s8 =	sld [smem:$0x3FFB];
	_ =	sdelay $0x3  }
0x97: {  	_ =	strace s8  }
0x98: {  	s8 =	sld [smem:$0x3FFC];
	_ =	sdelay $0x3  }
0x99: {  	_ =	strace s8  }
0x9a: {  	s8 =	sld [smem:$0x3FFD];
	_ =	sdelay $0x3  }
0x9b: {  	_ =	strace s8  }
0x9c: {  	_ =	strace $0x8FFFFFFF  }
0x9d: {  	s19 =	sld [smem:$0x3FDB];
	_ =	sdelay $0x1  }
0x9e: {  	s9 =	simm.s32 $_scs_section_size  }
0x9f: {  	s10 =	simm.s32 $_size__tile_overlayer_lowered;
	s11 =	simm.s32 $_tile_overlayer_lowered  }
0xa0: {  	s22 =	simm.s32 $0x1BFF;
	s21 =	sshll.u32 s11, $0x1;
	s8 =	sadd.s32 s9, s19  }
0xa1: {  	s12 =	simm.s32 $0x0;
	s20 =	sshll.u32 s10, $0x1;
	s10 =	sadd.s32 s21, s8  }
0xa2: {  	[timem:s12], [sflag:s22] =	dma.local [hbm:s10], s20  }
0xa3: {  	_ =	swait.ge [sflag:s22], s20  }
0xa4: {  	s9 =	ssub.s32 $0x0, s20;
	[sflag:s22] =	ssyncset.done $0x0  }
0xa5: {  	[sflag:s22] =	ssyncadd.s32 s9;
	_ =	sdelay $0x1  }
0xa6: {  	s23 =	simm.s32 $0x1B8B  }
0xa7: {  	_ =	swait.ge [sflag:s23], $0x1  }
0xa8: {  	[sflag:s23] =	ssyncset.done $0x0  }
0xa9: {  	s25 =	simm.s32 $0x1B8E;
	s24 =	sld [smem:$0x3FFE];
	[sflag:s23] =	ssyncadd.s32 $0xFFFFFFFF  }
0xaa: {  	s26 =	simm.s32 $execute0_lowered;
	[smem:$0x3FD2] =	sst s25  }
0xab: {  	s10 =	sshll.u32 s26, $0x1;
	_ =	strace $0x80000046;
	[dreg:$0x1] =	wrdreg $0xFFFFFFFF  }
0xac: {  	s28 =	simm.s32 $_size_execute0_lowered;
	s8 =	sadd.s32 s8, s10;
	[dreg:$0x0] =	wrdreg $0x0  }
0xad: {  	s10 =	sshll.u32 s28, $0x1;
	[dreg:$0x2] =	wrdreg s8  }
0xae: {  	[dreg:$0x3] =	wrdreg s10  }
0xaf: {  	[dreg:$0x4] =	wrdreg $0xC0  }
0xb0: {  	_ =	task [dreg:s12], $0x5FFFF  }
0xb1: {  	[dreg:$0x1] =	wrdreg $0xFFFFFFFF  }
0xb2: {  	[dreg:$0x0] =	wrdreg $0x60  }
0xb3: {  	[dreg:$0x2] =	wrdreg s2  }
0xb4: {  	[dreg:$0x3] =	wrdreg s18  }
0xb5: {  	[dreg:$0x4] =	wrdreg s4  }
0xb6: {  	[dreg:$0x5] =	wrdreg s5  }
0xb7: {  	[dreg:$0x6] =	wrdreg s6  }
0xb8: {  	[dreg:$0x7] =	wrdreg s7  }
0xb9: {  	[dreg:$0x8] =	wrdreg s24  }
0xba: {  	[dreg:$0x9] =	wrdreg $0x9  }
0xbb: {  	_ =	task.clear_ibuf [dreg:s12], $0xAFFFF;
	_ =	strace $0x90000046  }
0xbc: {  	s29 =	simm.s32 $0x9;
	_ =	strace $0x80000048  }
0xbd: {  	_ =	swait.ge [sflag:s29], $0x1  }
0xbe: {  	[sflag:s29] =	ssyncadd.s32 $0xFFFFFFFF  }
0xbf: {  	_ =	strace $0x90000048  }
0xc0: {  	_ =	sfence  }
0xc1: {  	s30 =	sld [smem:$0x0];
	_ =	sdelay $0x2  }
0xc2: {  	s31 =	sshll.u32 s1, $0xD;
	s1 =	sshrl.u32 s1, $0x2  }
0xc3: {  	s3 =	sand.u32 $0x4000, s31;
	s1 =	sadd.s32 s1, s30  }
0xc4: {  	s0 =	sor.u32 s3, s0;
	s1 =	sshll.u32 s1, $0x11  }
0xc5: {  	s0 =	sor.u32 s1, s0  }
0xc6: {  	s0 =	sadd.s32 $0x8F2B, s0  }
0xc7: {  	[sflag:s0] =	ssyncadd.remote.s32 $0x1  }
0xc8: {  	_ =	sfence.sel $0xFFFF  }
0xc9: {  	[dreg:$0x0] =	wrdreg $0xFFFFFFFF;
	(pc) =	sbr.abs _section_cstart, $3  }
0xca: {  	[dreg:$0x1] =	wrdreg $0xFFFFFFFF  }
0xcb: {  	_ =	task.clear_ibuf [dreg:s12], $0x2FFFF;
	_ =	strace $0x9FFFFFFF  }
0xcc: {  	(tm) =	ssettm $0x7FFFFFFF  }
0xcd: {  	_ =	shalt  }
tec
execute0_lowered:
.L_overlay_start_1:
0x0: {  	(tag) =	ssettag $0x1  }
0x1: {  	s0 =	rddreg [dreg:$0x0]  }
0x2: {  	s1 =	rddreg [dreg:$0x1]  }
0x3: {  	s2 =	rddreg [dreg:$0x6];
	s3 =	simm.s32 $0x0  }
0x4: {  	s19 =	srdreg.scid;
	s5 =	stileid.u32;
	s15 =	simm.s32 $0x7A1400  }
0x5: {  	s16 =	simm.s32 $0x400;
	s28 =	simm.s32 $0x6;
	s29 =	simm.s32 $0x10400  }
0x6: {  	s30 =	simm.s32 $0x3;
	s31 =	simm.s32 $0x4;
	s10 =	simm.s32 $0x8  }
0x7: {  	s11 =	simm.s32 $0x11400;
	s12 =	simm.s32 $0x10C00;
	s13 =	simm.s32 $0x11C00  }
0x8: {  	s17 =	simm.s32 $0xA400;
	s18 =	simm.s32 $0xAC00;
	s6 =	simm.s32 $0xDC00  }
0x9: {  	[smem:$0x7FF] =	sst s3;
	s3 =	sand.u32 $0x1, s19;
	s4 =	sshll.u32 s5, $0xE  }
0xa: {  	v1 =	vlaneseq.u32;
	s5 =	sshll.u32 s5, $0xA;
	s19 =	simm.s32 $0xB400;
	_ =	strace $0x80000047  }
0xb: {  	v0 =	vmul.u32 $0x800, v1;
	v1 =	vmul.u32 $0x80, v1;
	s7 =	sshll.u32 s3, $0x9;
	s2 =	sadd.s32 s4, s2;
	s20 =	ssub.s32 $0x2, s3  }
0xc: {  	s3 =	sshll.u32 s3, $0xD;
	s5 =	sor.u32 s7, s5;
	s21 =	sshrl.u32 s20, $0x1  }
0xd: {  	s22 =	sadd.s32 s3, s2;
	v2 =	vor.u32 $0x80, v0;
	v3 =	vor.u32 $0x1, v1;
	v4 =	vor.u32 $0x100, v0;
	s2 =	simm.s32 $0x0;
	s3 =	simm.s32 $0x9400  }
0xe: {  	v5 =	vor.u32 $0x2, v1;
	v6 =	vor.u32 $0x180, v0;
	v7 =	vor.u32 $0x3, v1;
	s5 =	sshrl.u32 s5, $0x3;
	s4 =	ssub.s32 s20, s21;
	s24 =	sadd.s32 $0x800, s22  }
0xf: {  	v8 =	vor.u32 $0x200, v0;
	v9 =	vor.u32 $0x4, v1;
	v10 =	vor.u32 $0x280, v0;
	s25 =	sadd.s32 $0x40800, s22;
	s26 =	sadd.s32 $0x80800, s22;
	s20 =	simm.s32 $0xBC00  }
0x10: {  	v11 =	vor.u32 $0x5, v1;
	v12 =	vor.u32 $0x300, v0;
	v13 =	vor.u32 $0x6, v1;
	s21 =	simm.s32 $0xC400;
	s0 =	sadd.s32 s0, s5;
	[dreg:$0xb] =	wrdreg s24  }
0x11: {  	v14 =	vor.u32 $0x380, v0;
	v15 =	vor.u32 $0x7, v1;
	v16 =	vor.u32 $0x400, v0;
	s1 =	sadd.s32 s1, s5;
	s23 =	smax.u32 s4, $0x1;
	[dreg:$0xc] =	wrdreg s25  }
.Ltmp0:
0x12: {  	v17 =	vor.u32 $0x8, v1;
	v18 =	vor.u32 $0x480, v0;
	v19 =	vor.u32 $0x9, v1;
	[dreg:$0xd] =	wrdreg s26;
	s5 =	simm.s32 $0x8400;
	(pc) =	sbr.rel .LBB2_1-.Ltmp0, $4  }
0x13: {  	v20 =	vor.u32 $0x500, v0;
	v21 =	vor.u32 $0xA, v1;
	v22 =	vor.u32 $0x580, v0;
	s24 =	simm.s32 $0x1;
	s25 =	simm.s32 $0x2;
	[dreg:$0x8] =	wrdreg s0  }
0x14: {  	v23 =	vor.u32 $0xB, v1;
	v24 =	vor.u32 $0x600, v0;
	v25 =	vor.u32 $0xC, v1;
	s26 =	simm.s32 $0x5;
	s4 =	simm.s32 $0x9C00;
	[dreg:$0x9] =	wrdreg s1  }
0x15: {  	v26 =	vor.u32 $0x680, v0;
	v27 =	vor.u32 $0xD, v1;
	v28 =	vor.u32 $0x700, v0;
	[dreg:$0xa] =	wrdreg s23;
	s0 =	sadd.s32 $0xC0800, s22;
	s22 =	simm.s32 $0xCC00  }
0x16: {  	v29 =	vor.u32 $0xE, v1;
	v30 =	vor.u32 $0x780, v0;
	v31 =	vor.u32 $0xF, v1;
	s23 =	simm.s32 $0xD400;
	[dreg:$0xe] =	wrdreg s0;
	s0 =	simm.s32 $0x7  }
.LBB2_5:
0x17: {  	s1 =	simm.s32 $0x9  }
0x18: {  	_ =	swait.ge [sflag:s1], $0x800  }
0x19: {  	[sflag:s1] =	ssyncset.done $0x0  }
0x1a: {  	[sflag:s1] =	ssyncadd.s32 $0xFFFFF800  }
0x1b: {  	_ =	swait.ge [sflag:s1], $0x800  }
0x1c: {  	[sflag:s1] =	ssyncset.done $0x0  }
0x1d: {  	[sflag:s1] =	ssyncadd.s32 $0xFFFFF800  }
0x1e: {  	_ =	swait.ge [sflag:s1], $0x800  }
0x1f: {  	[sflag:s1] =	ssyncset.done $0x0  }
0x20: {  	[sflag:s1] =	ssyncadd.s32 $0xFFFFF800  }
0x21: {  	_ =	swait.ge [sflag:s1], $0x800  }
0x22: {  	s2 =	rddreg [dreg:$0xf]  }
0x23: {  	s7 =	rddreg [dreg:$0xa];
	s2 =	sadd.s32 $0x1, s2  }
0x24: {  	p0 =	sne.s32 s2, s7  }
.Ltmp1:
0x25: {  	_ = 	snop;
	(pc) =	sbr.rel @!p0 .LBB2_6-.Ltmp1, $3  }
0x26: {  	_ =	sdelay $0x1  }
0x27: {  	[sflag:s1] =	ssyncset.done $0x0  }
0x28: {  	[sflag:s1] =	ssyncadd.s32 $0xFFFFF800  }
.LBB2_1:
0x29: {  	[dreg:$0xf] =	wrdreg s2  }
0x2a: {  	s7 =	rddreg [dreg:$0x8];
	s1 =	simm.s32 $0x0;
	s9 =	simm.s32 $0xA  }
0x2b: {  	[tilespmem:s1], [sflag:$0xA] =	stream.linear.gather [hbm4b:s7+s1], $0x200, $0x38;
	[tilespmem:$0x12400] =	vst v63  }
0x2c: {  	_ =	swait.ge [sflag:s9], $0x200  }
0x2d: {  	[sflag:s9] =	ssyncset.done $0x0  }
0x2e: {  	s7 =	simm.s32 $0x200;
	s8 =	rddreg [dreg:$0x9];
	[sflag:s9] =	ssyncadd.s32 $0xFFFFFE00  }
0x2f: {  	[tilespmem:s7], [sflag:$0xA] =	stream.linear.gather [hbm4b:s8+s1], $0x200, $0x38;
	[tilespmem:$0x12400] =	vst v63  }
0x30: {  	_ =	swait.ge [sflag:s9], $0x200  }
0x31: {  	[sflag:s9] =	ssyncset.done $0x0  }
0x32: {  	[sflag:s9] =	ssyncadd.s32 $0xFFFFFE00  }
0x33: {  	v32 =	vld [tilespmem:$0x0];
	_ =	sdelay $0x4  }
0x34: {  	s1 =	rddreg [dreg:$0x2];
	v32 =	vand.u32 $0xFFFFFF80, v32  }
0x35: {  	v32 =	vadd.s32 s1, v32  }
0x36: {  	(v2sf) =	vpush v32, $0x0;
	_ =	sdelay $0x1  }
0x37: {  	(v2sf) =	vpush v32, $0x1;
	_ =	sdelay $0x1  }
0x38: {  	(v2sf) =	vpush v32, $0x2;
	_ =	sdelay $0x1  }
0x39: {  	(v2sf) =	vpush v32, $0x3;
	_ =	sdelay $0x1  }
0x3a: {  	(v2sf) =	vpush v32, $0x4;
	_ =	sdelay $0x1  }
0x3b: {  	(v2sf) =	vpush v32, $0x5;
	_ =	sdelay $0x1  }
0x3c: {  	(v2sf) =	vpush v32, $0x6;
	_ =	sdelay $0x1  }
0x3d: {  	(v2sf) =	vpush v32, $0x7  }
0x3e: {  	s2 =	spop (v2sf)  }
0x3f: {  	(v2sf) =	vpush v32, $0x8;
	[tilespmem:s16], [sflag:$0x1] =	stream.strided.gather [hbm4b:s2+s16], $0x800, s15, s16, $0x38;
	[tilespmem:$0x12400] =	vst v63  }
0x40: {  	s14 =	simm.s32 $0xC00;
	s9 =	spop (v2sf)  }
0x41: {  	(v2sf) =	vpush v32, $0x9;
	[tilespmem:s14], [sflag:$0x2] =	stream.strided.gather [hbm4b:s9+s16], $0x800, s15, s16, $0x38;
	[tilespmem:$0x12400] =	vst v63  }
0x42: {  	s2 =	simm.s32 $0x1400;
	s1 =	spop (v2sf)  }
0x43: {  	(v2sf) =	vpush v32, $0xA;
	[tilespmem:s2], [sflag:$0x5] =	stream.strided.gather [hbm4b:s1+s16], $0x800, s15, s16, $0x38;
	[tilespmem:$0x12400] =	vst v63  }
0x44: {  	s9 =	spop (v2sf);
	s14 =	simm.s32 $0x1C00  }
0x45: {  	(v2sf) =	vpush v32, $0xB;
	[tilespmem:s14], [sflag:$0x6] =	stream.strided.gather [hbm4b:s9+s16], $0x800, s15, s16, $0x38;
	[tilespmem:$0x12400] =	vst v63  }
0x46: {  	s1 =	spop (v2sf);
	s2 =	simm.s32 $0x2400  }
0x47: {  	(v2sf) =	vpush v32, $0xC;
	[tilespmem:s2], [sflag:$0x1] =	stream.strided.gather [hbm4b:s1+s16], $0x800, s15, s16, $0x38;
	[tilespmem:$0x12400] =	vst v63  }
0x48: {  	s9 =	spop (v2sf);
	s14 =	simm.s32 $0x2C00  }
0x49: {  	(v2sf) =	vpush v32, $0xD;
	[tilespmem:s14], [sflag:$0x2] =	stream.strided.gather [hbm4b:s9+s16], $0x800, s15, s16, $0x38;
	[tilespmem:$0x12400] =	vst v63  }
0x4a: {  	s1 =	spop (v2sf);
	s2 =	simm.s32 $0x3400  }
0x4b: {  	(v2sf) =	vpush v32, $0xE;
	[tilespmem:s2], [sflag:$0x5] =	stream.strided.gather [hbm4b:s1+s16], $0x800, s15, s16, $0x38;
	[tilespmem:$0x12400] =	vst v63  }
0x4c: {  	s9 =	spop (v2sf);
	s14 =	simm.s32 $0x3C00  }
0x4d: {  	(v2sf) =	vpush v32, $0xF;
	[tilespmem:s14], [sflag:$0x6] =	stream.strided.gather [hbm4b:s9+s16], $0x800, s15, s16, $0x38;
	[tilespmem:$0x12400] =	vst v63  }
0x4e: {  	s2 =	simm.s32 $0x4400;
	s1 =	spop (v2sf)  }
0x4f: {  	[tilespmem:s2], [sflag:$0x1] =	stream.strided.gather [hbm4b:s1+s16], $0x800, s15, s16, $0x38;
	[tilespmem:$0x12400] =	vst v63  }
0x50: {  	s14 =	simm.s32 $0x4C00;
	s9 =	spop (v2sf)  }
0x51: {  	[tilespmem:s14], [sflag:$0x2] =	stream.strided.gather [hbm4b:s9+s16], $0x800, s15, s16, $0x38;
	[tilespmem:$0x12400] =	vst v63  }
0x52: {  	s1 =	spop (v2sf);
	s2 =	simm.s32 $0x5400  }
0x53: {  	[tilespmem:s2], [sflag:$0x5] =	stream.strided.gather [hbm4b:s1+s16], $0x800, s15, s16, $0x38;
	[tilespmem:$0x12400] =	vst v63  }
0x54: {  	s9 =	spop (v2sf);
	s14 =	simm.s32 $0x5C00  }
0x55: {  	[tilespmem:s14], [sflag:$0x6] =	stream.strided.gather [hbm4b:s9+s16], $0x800, s15, s16, $0x38;
	[tilespmem:$0x12400] =	vst v63  }
0x56: {  	s1 =	spop (v2sf);
	s2 =	simm.s32 $0x6400  }
0x57: {  	[tilespmem:s2], [sflag:$0x1] =	stream.strided.gather [hbm4b:s1+s16], $0x800, s15, s16, $0x38;
	[tilespmem:$0x12400] =	vst v63  }
0x58: {  	s9 =	spop (v2sf);
	s14 =	simm.s32 $0x6C00  }
0x59: {  	[tilespmem:s14], [sflag:$0x2] =	stream.strided.gather [hbm4b:s9+s16], $0x800, s15, s16, $0x38;
	[tilespmem:$0x12400] =	vst v63  }
.Ltmp2:
0x5a: {  	s1 =	spop (v2sf);
	s2 =	simm.s32 $0x7400;
	(pc) =	sbr.rel .LBB2_2-.Ltmp2, $4  }
0x5b: {  	[tilespmem:s2], [sflag:$0x5] =	stream.strided.gather [hbm4b:s1+s16], $0x800, s15, s16, $0x38;
	[tilespmem:$0x12400] =	vst v63  }
0x5c: {  	s9 =	spop (v2sf);
	s14 =	simm.s32 $0x7C00  }
0x5d: {  	[tilespmem:s14], [sflag:$0x6] =	stream.strided.gather [hbm4b:s9+s16], $0x800, s15, s16, $0x38;
	[tilespmem:$0x12400] =	vst v63  }
0x5e: {  	s8 =	simm.s32 $0x0;
	s9 =	simm.s32 $0x0  }
.LBB2_4:
0x5f: {  	_ =	swait.ge [sflag:s30], $0x800  }
0x60: {  	[sflag:s30] =	ssyncset.done $0x0  }
0x61: {  	[sflag:s30] =	ssyncadd.s32 $0xFFFFF800  }
0x62: {  	_ =	swait.ge [sflag:s31], $0x800  }
0x63: {  	[sflag:s31] =	ssyncset.done $0x0  }
0x64: {  	[sflag:s31] =	ssyncadd.s32 $0xFFFFF800  }
0x65: {  	_ =	swait.ge [sflag:s0], $0x800  }
0x66: {  	[sflag:s0] =	ssyncset.done $0x0  }
0x67: {  	[sflag:s0] =	ssyncadd.s32 $0xFFFFF800  }
0x68: {  	_ =	swait.ge [sflag:s10], $0x800  }
0x69: {  	[sflag:s10] =	ssyncset.done $0x0  }
0x6a: {  	[sflag:s10] =	ssyncadd.s32 $0xFFFFF800  }
0x6b: {  	_ =	swait.ge [sflag:s30], $0x800  }
0x6c: {  	[sflag:s30] =	ssyncset.done $0x0  }
0x6d: {  	[sflag:s30] =	ssyncadd.s32 $0xFFFFF800  }
0x6e: {  	_ =	swait.ge [sflag:s31], $0x800  }
0x6f: {  	[sflag:s31] =	ssyncset.done $0x0  }
0x70: {  	[sflag:s31] =	ssyncadd.s32 $0xFFFFF800  }
0x71: {  	_ =	swait.ge [sflag:s0], $0x800  }
0x72: {  	[sflag:s0] =	ssyncset.done $0x0  }
0x73: {  	[sflag:s0] =	ssyncadd.s32 $0xFFFFF800  }
0x74: {  	_ =	swait.ge [sflag:s10], $0x800  }
0x75: {  	[sflag:s10] =	ssyncset.done $0x0  }
0x76: {  	[sflag:s10] =	ssyncadd.s32 $0xFFFFF800  }
0x77: {  	_ =	swait.ge [sflag:s30], $0x800  }
0x78: {  	[sflag:s30] =	ssyncset.done $0x0  }
0x79: {  	[sflag:s30] =	ssyncadd.s32 $0xFFFFF800  }
0x7a: {  	_ =	swait.ge [sflag:s31], $0x800  }
0x7b: {  	[sflag:s31] =	ssyncset.done $0x0  }
0x7c: {  	[sflag:s31] =	ssyncadd.s32 $0xFFFFF800  }
0x7d: {  	_ =	swait.ge [sflag:s0], $0x800  }
0x7e: {  	[sflag:s0] =	ssyncset.done $0x0  }
0x7f: {  	[sflag:s0] =	ssyncadd.s32 $0xFFFFF800  }
0x80: {  	_ =	swait.ge [sflag:s10], $0x800  }
0x81: {  	[sflag:s10] =	ssyncset.done $0x0  }
0x82: {  	[sflag:s10] =	ssyncadd.s32 $0xFFFFF800  }
0x83: {  	_ =	swait.ge [sflag:s30], $0x800  }
0x84: {  	[sflag:s30] =	ssyncset.done $0x0  }
0x85: {  	[sflag:s30] =	ssyncadd.s32 $0xFFFFF800  }
0x86: {  	_ =	swait.ge [sflag:s31], $0x800  }
0x87: {  	[sflag:s31] =	ssyncset.done $0x0  }
0x88: {  	[sflag:s31] =	ssyncadd.s32 $0xFFFFF800  }
0x89: {  	_ =	swait.ge [sflag:s0], $0x800  }
0x8a: {  	[sflag:s0] =	ssyncset.done $0x0  }
0x8b: {  	[sflag:s0] =	ssyncadd.s32 $0xFFFFF800  }
0x8c: {  	_ =	swait.ge [sflag:s10], $0x800  }
0x8d: {  	[sflag:s10] =	ssyncset.done $0x0  }
0x8e: {  	[sflag:s10] =	ssyncadd.s32 $0xFFFFF800  }
0x8f: {  	v32 =	vld [tilespmem:s7+$0x0];
	_ =	sdelay $0x4  }
0x90: {  	v32 =	vand.u32 $0x7F, v32  }
0x91: {  	v33 =	vor.u32 v0, v32;
	_ =	sdelay $0x4  }
0x92: {  	v33 =	vld.idx.msk [tilespmem:v33+s5+$0x0], $0xffff  }
0x93: {  	v34 =	vor.u32 v2, v32;
	_ =	sdelay $0x3  }
0x94: {  	[tilespmem:v1+s13+$0x0] =	vst.idx.msk $0xffff, v33  }
0x95: {  	v33 =	vld.idx.msk [tilespmem:v34+s5+$0x0], $0xffff  }
0x96: {  	v51 =	vor.u32 v4, v32;
	_ =	sdelay $0x3  }
0x97: {  	[tilespmem:v3+s13+$0x0] =	vst.idx.msk $0xffff, v33  }
0x98: {  	v33 =	vld.idx.msk [tilespmem:v51+s5+$0x0], $0xffff  }
0x99: {  	v52 =	vor.u32 v6, v32;
	_ =	sdelay $0x3  }
0x9a: {  	[tilespmem:v5+s13+$0x0] =	vst.idx.msk $0xffff, v33  }
0x9b: {  	v33 =	vld.idx.msk [tilespmem:v52+s5+$0x0], $0xffff  }
0x9c: {  	v53 =	vor.u32 v8, v32;
	_ =	sdelay $0x3  }
0x9d: {  	[tilespmem:v7+s13+$0x0] =	vst.idx.msk $0xffff, v33  }
0x9e: {  	v33 =	vld.idx.msk [tilespmem:v53+s5+$0x0], $0xffff  }
0x9f: {  	v54 =	vor.u32 v10, v32;
	_ =	sdelay $0x3  }
0xa0: {  	[tilespmem:v9+s13+$0x0] =	vst.idx.msk $0xffff, v33  }
0xa1: {  	v33 =	vld.idx.msk [tilespmem:v54+s5+$0x0], $0xffff  }
0xa2: {  	v55 =	vor.u32 v12, v32;
	_ =	sdelay $0x3  }
0xa3: {  	[tilespmem:v11+s13+$0x0] =	vst.idx.msk $0xffff, v33  }
0xa4: {  	v33 =	vld.idx.msk [tilespmem:v55+s5+$0x0], $0xffff  }
0xa5: {  	v56 =	vor.u32 v14, v32;
	_ =	sdelay $0x3  }
0xa6: {  	[tilespmem:v13+s13+$0x0] =	vst.idx.msk $0xffff, v33  }
0xa7: {  	v33 =	vld.idx.msk [tilespmem:v56+s5+$0x0], $0xffff  }
0xa8: {  	v57 =	vor.u32 v16, v32;
	_ =	sdelay $0x3  }
0xa9: {  	[tilespmem:v15+s13+$0x0] =	vst.idx.msk $0xffff, v33  }
0xaa: {  	v33 =	vld.idx.msk [tilespmem:v57+s5+$0x0], $0xffff  }
0xab: {  	v58 =	vor.u32 v18, v32;
	_ =	sdelay $0x3  }
0xac: {  	[tilespmem:v17+s13+$0x0] =	vst.idx.msk $0xffff, v33  }
0xad: {  	v33 =	vld.idx.msk [tilespmem:v58+s5+$0x0], $0xffff  }
0xae: {  	v59 =	vor.u32 v20, v32;
	_ =	sdelay $0x3  }
0xaf: {  	[tilespmem:v19+s13+$0x0] =	vst.idx.msk $0xffff, v33  }
0xb0: {  	v33 =	vld.idx.msk [tilespmem:v59+s5+$0x0], $0xffff  }
0xb1: {  	v60 =	vor.u32 v22, v32;
	_ =	sdelay $0x3  }
0xb2: {  	[tilespmem:v21+s13+$0x0] =	vst.idx.msk $0xffff, v33  }
0xb3: {  	v33 =	vld.idx.msk [tilespmem:v60+s5+$0x0], $0xffff  }
0xb4: {  	v61 =	vor.u32 v24, v32;
	_ =	sdelay $0x3  }
0xb5: {  	[tilespmem:v23+s13+$0x0] =	vst.idx.msk $0xffff, v33  }
0xb6: {  	v33 =	vld.idx.msk [tilespmem:v61+s5+$0x0], $0xffff  }
0xb7: {  	v62 =	vor.u32 v26, v32;
	_ =	sdelay $0x3  }
0xb8: {  	[tilespmem:v25+s13+$0x0] =	vst.idx.msk $0xffff, v33  }
0xb9: {  	v33 =	vld.idx.msk [tilespmem:v62+s5+$0x0], $0xffff  }
0xba: {  	v63 =	vor.u32 v28, v32;
	_ =	sdelay $0x3  }
0xbb: {  	[tilespmem:v27+s13+$0x0] =	vst.idx.msk $0xffff, v33  }
0xbc: {  	v33 =	vld.idx.msk [tilespmem:v63+s5+$0x0], $0xffff  }
0xbd: {  	v32 =	vor.u32 v30, v32;
	_ =	sdelay $0x3  }
0xbe: {  	[tilespmem:v29+s13+$0x0] =	vst.idx.msk $0xffff, v33  }
0xbf: {  	v32 =	vld.idx.msk [tilespmem:v32+s5+$0x0], $0xffff;
	_ =	sdelay $0x3  }
0xc0: {  	s14 =	rddreg [dreg:$0xb]  }
0xc1: {  	s1 =	simm.s32 $0x0;
	s2 =	rddreg [dreg:$0xc];
	s14 =	sadd.s32 s9, s14;
	[tilespmem:v31+s13+$0x0] =	vst.idx.msk $0xffff, v32  }
0xc2: {  	[hbm4b:s14+s1] =	stream.linear.scatter [tilespmem:s29], [sflag:$0x9], $0x800, $0x38;
	[tilespmem:$0x12400] =	vst v63  }
0xc3: {  	s14 =	sadd.s32 s9, s2;
	s2 =	rddreg [dreg:$0xd]  }
0xc4: {  	[hbm4b:s14+s1] =	stream.linear.scatter [tilespmem:s12], [sflag:$0x9], $0x800, $0x38;
	[tilespmem:$0x12400] =	vst v63  }
0xc5: {  	s14 =	sadd.s32 s9, s2;
	s2 =	rddreg [dreg:$0xe]  }
0xc6: {  	[hbm4b:s14+s1] =	stream.linear.scatter [tilespmem:s11], [sflag:$0x9], $0x800, $0x38;
	[tilespmem:$0x12400] =	vst v63  }
0xc7: {  	s14 =	sadd.s32 s9, s2;
	s9 =	sadd.s32 $0x100, s9  }
0xc8: {  	p0 =	sne.s32 s9, $0x2000  }
.Ltmp3:
0xc9: {  	_ = 	snop;
	(pc) =	sbr.rel @!p0 .LBB2_5-.Ltmp3, $3  }
0xca: {  	_ =	sdelay $0x1  }
0xcb: {  	s8 =	sadd.s32 $0x10, s8;
	s7 =	sadd.s32 $0x10, s7  }
0xcc: {  	[hbm4b:s14+s1] =	stream.linear.scatter [tilespmem:s13], [sflag:$0x9], $0x800, $0x38;
	[tilespmem:$0x12400] =	vst v63  }
.LBB2_2:
0xcd: {  	p0 =	seq.s32 s9, $0x0  }
0xce: {  	s14 =	simm.s32 @!p0 $0x9  }
0xcf: {  	_ =	swait.ge @!p0 [sflag:s14], $0x800  }
0xd0: {  	[sflag:s14] =	ssyncset.done @!p0 $0x0  }
0xd1: {  	[sflag:s14] =	ssyncadd.s32 @!p0 $0xFFFFF800  }
0xd2: {  	_ =	swait.ge @!p0 [sflag:s14], $0x800  }
0xd3: {  	[sflag:s14] =	ssyncset.done @!p0 $0x0  }
0xd4: {  	[sflag:s14] =	ssyncadd.s32 @!p0 $0xFFFFF800  }
0xd5: {  	_ =	swait.ge @!p0 [sflag:s14], $0x800  }
0xd6: {  	[sflag:s14] =	ssyncset.done @!p0 $0x0  }
0xd7: {  	[sflag:s14] =	ssyncadd.s32 @!p0 $0xFFFFF800  }
0xd8: {  	_ =	swait.ge @!p0 [sflag:s14], $0x800  }
0xd9: {  	[sflag:s14] =	ssyncset.done @!p0 $0x0  }
0xda: {  	[sflag:s14] =	ssyncadd.s32 @!p0 $0xFFFFF800  }
0xdb: {  	v32 =	vld [tilespmem:s8+$0x0];
	_ =	sdelay $0x4  }
0xdc: {  	s14 =	rddreg [dreg:$0x4];
	v32 =	vand.u32 $0xFFFFFF80, v32  }
0xdd: {  	v32 =	vadd.s32 s14, v32  }
0xde: {  	(v2sf) =	vpush v32, $0x0;
	_ =	sdelay $0x1  }
0xdf: {  	(v2sf) =	vpush v32, $0x1;
	_ =	sdelay $0x1  }
0xe0: {  	(v2sf) =	vpush v32, $0x2;
	_ =	sdelay $0x1  }
0xe1: {  	(v2sf) =	vpush v32, $0x3;
	_ =	sdelay $0x1  }
0xe2: {  	(v2sf) =	vpush v32, $0x4;
	_ =	sdelay $0x1  }
0xe3: {  	(v2sf) =	vpush v32, $0x5;
	_ =	sdelay $0x1  }
0xe4: {  	(v2sf) =	vpush v32, $0x6;
	_ =	sdelay $0x1  }
0xe5: {  	(v2sf) =	vpush v32, $0x7  }
0xe6: {  	s2 =	spop (v2sf)  }
0xe7: {  	(v2sf) =	vpush v32, $0x8;
	[tilespmem:s5], [sflag:$0x3] =	stream.strided.gather [hbm4b:s2+s16], $0x800, s15, s16, $0x38;
	[tilespmem:$0x12400] =	vst v63  }
0xe8: {  	s1 =	spop (v2sf);
	s2 =	simm.s32 $0x8C00  }
0xe9: {  	(v2sf) =	vpush v32, $0x9;
	[tilespmem:s2], [sflag:$0x4] =	stream.strided.gather [hbm4b:s1+s16], $0x800, s15, s16, $0x38;
	[tilespmem:$0x12400] =	vst v63  }
0xea: {  	s1 =	spop (v2sf)  }
0xeb: {  	(v2sf) =	vpush v32, $0xA;
	[tilespmem:s3], [sflag:$0x7] =	stream.strided.gather [hbm4b:s1+s16], $0x800, s15, s16, $0x38;
	[tilespmem:$0x12400] =	vst v63  }
0xec: {  	s1 =	spop (v2sf)  }
0xed: {  	(v2sf) =	vpush v32, $0xB;
	[tilespmem:s4], [sflag:$0x8] =	stream.strided.gather [hbm4b:s1+s16], $0x800, s15, s16, $0x38;
	[tilespmem:$0x12400] =	vst v63  }
0xee: {  	s1 =	spop (v2sf)  }
0xef: {  	(v2sf) =	vpush v32, $0xC;
	[tilespmem:s17], [sflag:$0x3] =	stream.strided.gather [hbm4b:s1+s16], $0x800, s15, s16, $0x38;
	[tilespmem:$0x12400] =	vst v63  }
0xf0: {  	s1 =	spop (v2sf)  }
0xf1: {  	(v2sf) =	vpush v32, $0xD;
	[tilespmem:s18], [sflag:$0x4] =	stream.strided.gather [hbm4b:s1+s16], $0x800, s15, s16, $0x38;
	[tilespmem:$0x12400] =	vst v63  }
0xf2: {  	s1 =	spop (v2sf)  }
0xf3: {  	(v2sf) =	vpush v32, $0xE;
	[tilespmem:s19], [sflag:$0x7] =	stream.strided.gather [hbm4b:s1+s16], $0x800, s15, s16, $0x38;
	[tilespmem:$0x12400] =	vst v63  }
0xf4: {  	s1 =	spop (v2sf)  }
0xf5: {  	(v2sf) =	vpush v32, $0xF;
	[tilespmem:s20], [sflag:$0x8] =	stream.strided.gather [hbm4b:s1+s16], $0x800, s15, s16, $0x38;
	[tilespmem:$0x12400] =	vst v63  }
0xf6: {  	s1 =	spop (v2sf)  }
0xf7: {  	[tilespmem:s21], [sflag:$0x3] =	stream.strided.gather [hbm4b:s1+s16], $0x800, s15, s16, $0x38;
	[tilespmem:$0x12400] =	vst v63  }
0xf8: {  	s1 =	spop (v2sf)  }
0xf9: {  	[tilespmem:s22], [sflag:$0x4] =	stream.strided.gather [hbm4b:s1+s16], $0x800, s15, s16, $0x38;
	[tilespmem:$0x12400] =	vst v63  }
0xfa: {  	s1 =	spop (v2sf)  }
0xfb: {  	[tilespmem:s23], [sflag:$0x7] =	stream.strided.gather [hbm4b:s1+s16], $0x800, s15, s16, $0x38;
	[tilespmem:$0x12400] =	vst v63  }
0xfc: {  	s1 =	spop (v2sf)  }
0xfd: {  	[tilespmem:s6], [sflag:$0x8] =	stream.strided.gather [hbm4b:s1+s16], $0x800, s15, s16, $0x38;
	[tilespmem:$0x12400] =	vst v63  }
0xfe: {  	s14 =	spop (v2sf);
	s1 =	simm.s32 $0xE400  }
0xff: {  	[tilespmem:s1], [sflag:$0x3] =	stream.strided.gather [hbm4b:s14+s16], $0x800, s15, s16, $0x38;
	[tilespmem:$0x12400] =	vst v63  }
0x100: {  	s14 =	spop (v2sf);
	s1 =	simm.s32 $0xEC00  }
0x101: {  	[tilespmem:s1], [sflag:$0x4] =	stream.strided.gather [hbm4b:s14+s16], $0x800, s15, s16, $0x38;
	[tilespmem:$0x12400] =	vst v63  }
0x102: {  	s14 =	spop (v2sf);
	s1 =	simm.s32 $0xF400  }
0x103: {  	[tilespmem:s1], [sflag:$0x7] =	stream.strided.gather [hbm4b:s14+s16], $0x800, s15, s16, $0x38;
	[tilespmem:$0x12400] =	vst v63  }
0x104: {  	s14 =	spop (v2sf);
	s1 =	simm.s32 $0xFC00  }
0x105: {  	[tilespmem:s1], [sflag:$0x8] =	stream.strided.gather [hbm4b:s14+s16], $0x800, s15, s16, $0x38;
	[tilespmem:$0x12400] =	vst v63  }
0x106: {  	_ =	swait.ge [sflag:s24], $0x800  }
0x107: {  	[sflag:s24] =	ssyncset.done $0x0  }
0x108: {  	[sflag:s24] =	ssyncadd.s32 $0xFFFFF800  }
0x109: {  	_ =	swait.ge [sflag:s25], $0x800  }
0x10a: {  	[sflag:s25] =	ssyncset.done $0x0  }
0x10b: {  	[sflag:s25] =	ssyncadd.s32 $0xFFFFF800  }
0x10c: {  	_ =	swait.ge [sflag:s26], $0x800  }
0x10d: {  	[sflag:s26] =	ssyncset.done $0x0  }
0x10e: {  	[sflag:s26] =	ssyncadd.s32 $0xFFFFF800  }
0x10f: {  	_ =	swait.ge [sflag:s28], $0x800  }
0x110: {  	[sflag:s28] =	ssyncset.done $0x0  }
0x111: {  	[sflag:s28] =	ssyncadd.s32 $0xFFFFF800  }
0x112: {  	_ =	swait.ge [sflag:s24], $0x800  }
0x113: {  	[sflag:s24] =	ssyncset.done $0x0  }
0x114: {  	[sflag:s24] =	ssyncadd.s32 $0xFFFFF800  }
0x115: {  	_ =	swait.ge [sflag:s25], $0x800  }
0x116: {  	[sflag:s25] =	ssyncset.done $0x0  }
0x117: {  	[sflag:s25] =	ssyncadd.s32 $0xFFFFF800  }
0x118: {  	_ =	swait.ge [sflag:s26], $0x800  }
0x119: {  	[sflag:s26] =	ssyncset.done $0x0  }
0x11a: {  	[sflag:s26] =	ssyncadd.s32 $0xFFFFF800  }
0x11b: {  	_ =	swait.ge [sflag:s28], $0x800  }
0x11c: {  	[sflag:s28] =	ssyncset.done $0x0  }
0x11d: {  	[sflag:s28] =	ssyncadd.s32 $0xFFFFF800  }
0x11e: {  	_ =	swait.ge [sflag:s24], $0x800  }
0x11f: {  	[sflag:s24] =	ssyncset.done $0x0  }
0x120: {  	[sflag:s24] =	ssyncadd.s32 $0xFFFFF800  }
0x121: {  	_ =	swait.ge [sflag:s25], $0x800  }
0x122: {  	[sflag:s25] =	ssyncset.done $0x0  }
0x123: {  	[sflag:s25] =	ssyncadd.s32 $0xFFFFF800  }
0x124: {  	_ =	swait.ge [sflag:s26], $0x800  }
0x125: {  	[sflag:s26] =	ssyncset.done $0x0  }
0x126: {  	[sflag:s26] =	ssyncadd.s32 $0xFFFFF800  }
0x127: {  	_ =	swait.ge [sflag:s28], $0x800  }
0x128: {  	[sflag:s28] =	ssyncset.done $0x0  }
0x129: {  	[sflag:s28] =	ssyncadd.s32 $0xFFFFF800  }
0x12a: {  	_ =	swait.ge [sflag:s24], $0x800  }
0x12b: {  	[sflag:s24] =	ssyncset.done $0x0  }
0x12c: {  	[sflag:s24] =	ssyncadd.s32 $0xFFFFF800  }
0x12d: {  	_ =	swait.ge [sflag:s25], $0x800  }
0x12e: {  	[sflag:s25] =	ssyncset.done $0x0  }
0x12f: {  	[sflag:s25] =	ssyncadd.s32 $0xFFFFF800  }
0x130: {  	_ =	swait.ge [sflag:s26], $0x800  }
0x131: {  	[sflag:s26] =	ssyncset.done $0x0  }
0x132: {  	[sflag:s26] =	ssyncadd.s32 $0xFFFFF800  }
0x133: {  	_ =	swait.ge [sflag:s28], $0x800  }
0x134: {  	[sflag:s28] =	ssyncset.done $0x0  }
0x135: {  	[sflag:s28] =	ssyncadd.s32 $0xFFFFF800  }
0x136: {  	v46 =	vld [tilespmem:s8+$0x0];
	_ =	sdelay $0x4  }
0x137: {  	v32 =	vand.u32 $0x7F, v46  }
0x138: {  	v33 =	vor.u32 v0, v32;
	_ =	sdelay $0x4  }
0x139: {  	v33 =	vld.idx.msk [tilespmem:v33+s16+$0x0], $0xffff  }
0x13a: {  	v34 =	vor.u32 v2, v32;
	_ =	sdelay $0x3  }
0x13b: {  	[tilespmem:v1+s29+$0x0] =	vst.idx.msk $0xffff, v33  }
0x13c: {  	v33 =	vld.idx.msk [tilespmem:v34+s16+$0x0], $0xffff  }
0x13d: {  	v47 =	vor.u32 v4, v32;
	_ =	sdelay $0x3  }
0x13e: {  	[tilespmem:v3+s29+$0x0] =	vst.idx.msk $0xffff, v33  }
0x13f: {  	v33 =	vld.idx.msk [tilespmem:v47+s16+$0x0], $0xffff  }
0x140: {  	v48 =	vor.u32 v6, v32;
	_ =	sdelay $0x3  }
0x141: {  	[tilespmem:v5+s29+$0x0] =	vst.idx.msk $0xffff, v33  }
0x142: {  	v33 =	vld.idx.msk [tilespmem:v48+s16+$0x0], $0xffff  }
0x143: {  	v49 =	vor.u32 v8, v32;
	_ =	sdelay $0x3  }
0x144: {  	[tilespmem:v7+s29+$0x0] =	vst.idx.msk $0xffff, v33  }
0x145: {  	v33 =	vld.idx.msk [tilespmem:v49+s16+$0x0], $0xffff  }
0x146: {  	v50 =	vor.u32 v10, v32;
	_ =	sdelay $0x3  }
0x147: {  	[tilespmem:v9+s29+$0x0] =	vst.idx.msk $0xffff, v33  }
0x148: {  	v33 =	vld.idx.msk [tilespmem:v50+s16+$0x0], $0xffff  }
0x149: {  	v51 =	vor.u32 v12, v32;
	_ =	sdelay $0x3  }
0x14a: {  	[tilespmem:v11+s29+$0x0] =	vst.idx.msk $0xffff, v33  }
0x14b: {  	v33 =	vld.idx.msk [tilespmem:v51+s16+$0x0], $0xffff  }
0x14c: {  	v52 =	vor.u32 v14, v32;
	_ =	sdelay $0x3  }
0x14d: {  	[tilespmem:v13+s29+$0x0] =	vst.idx.msk $0xffff, v33  }
0x14e: {  	v33 =	vld.idx.msk [tilespmem:v52+s16+$0x0], $0xffff  }
0x14f: {  	v53 =	vor.u32 v16, v32;
	_ =	sdelay $0x3  }
0x150: {  	[tilespmem:v15+s29+$0x0] =	vst.idx.msk $0xffff, v33  }
0x151: {  	v33 =	vld.idx.msk [tilespmem:v53+s16+$0x0], $0xffff  }
0x152: {  	v54 =	vor.u32 v18, v32;
	_ =	sdelay $0x3  }
0x153: {  	[tilespmem:v17+s29+$0x0] =	vst.idx.msk $0xffff, v33  }
0x154: {  	v33 =	vld.idx.msk [tilespmem:v54+s16+$0x0], $0xffff  }
0x155: {  	v55 =	vor.u32 v20, v32;
	_ =	sdelay $0x3  }
0x156: {  	[tilespmem:v19+s29+$0x0] =	vst.idx.msk $0xffff, v33  }
0x157: {  	v33 =	vld.idx.msk [tilespmem:v55+s16+$0x0], $0xffff  }
0x158: {  	v56 =	vor.u32 v22, v32;
	_ =	sdelay $0x3  }
0x159: {  	[tilespmem:v21+s29+$0x0] =	vst.idx.msk $0xffff, v33  }
0x15a: {  	v33 =	vld.idx.msk [tilespmem:v56+s16+$0x0], $0xffff  }
0x15b: {  	v57 =	vor.u32 v24, v32;
	_ =	sdelay $0x3  }
0x15c: {  	[tilespmem:v23+s29+$0x0] =	vst.idx.msk $0xffff, v33  }
0x15d: {  	v33 =	vld.idx.msk [tilespmem:v57+s16+$0x0], $0xffff  }
0x15e: {  	v58 =	vor.u32 v26, v32;
	_ =	sdelay $0x3  }
0x15f: {  	[tilespmem:v25+s29+$0x0] =	vst.idx.msk $0xffff, v33  }
0x160: {  	v33 =	vld.idx.msk [tilespmem:v58+s16+$0x0], $0xffff  }
0x161: {  	v59 =	vor.u32 v28, v32;
	_ =	sdelay $0x3  }
0x162: {  	[tilespmem:v27+s29+$0x0] =	vst.idx.msk $0xffff, v33  }
0x163: {  	v33 =	vld.idx.msk [tilespmem:v59+s16+$0x0], $0xffff  }
0x164: {  	v32 =	vor.u32 v30, v32;
	_ =	sdelay $0x3  }
0x165: {  	[tilespmem:v29+s29+$0x0] =	vst.idx.msk $0xffff, v33  }
0x166: {  	v32 =	vld.idx.msk [tilespmem:v32+s16+$0x0], $0xffff;
	_ =	sdelay $0x4  }
0x167: {  	[tilespmem:v31+s29+$0x0] =	vst.idx.msk $0xffff, v32  }
0x168: {  	v32 =	vld [tilespmem:s7+$0x0];
	_ =	sdelay $0x4  }
0x169: {  	s1 =	rddreg [dreg:$0x3];
	v32 =	vand.u32 $0xFFFFFF80, v32  }
0x16a: {  	v32 =	vadd.s32 s1, v32  }
0x16b: {  	(v2sf) =	vpush v32, $0x0;
	_ =	sdelay $0x1  }
0x16c: {  	(v2sf) =	vpush v32, $0x1;
	_ =	sdelay $0x1  }
0x16d: {  	(v2sf) =	vpush v32, $0x2;
	_ =	sdelay $0x1  }
0x16e: {  	(v2sf) =	vpush v32, $0x3;
	_ =	sdelay $0x1  }
0x16f: {  	(v2sf) =	vpush v32, $0x4;
	_ =	sdelay $0x1  }
0x170: {  	(v2sf) =	vpush v32, $0x5;
	_ =	sdelay $0x1  }
0x171: {  	(v2sf) =	vpush v32, $0x6;
	_ =	sdelay $0x1  }
0x172: {  	(v2sf) =	vpush v32, $0x7  }
0x173: {  	s1 =	spop (v2sf)  }
0x174: {  	(v2sf) =	vpush v32, $0x8;
	[tilespmem:s16], [sflag:$0x1] =	stream.strided.gather [hbm4b:s1+s16], $0x800, s15, s16, $0x38;
	[tilespmem:$0x12400] =	vst v63  }
0x175: {  	s14 =	spop (v2sf);
	s1 =	simm.s32 $0xC00  }
0x176: {  	(v2sf) =	vpush v32, $0x9;
	[tilespmem:s1], [sflag:$0x2] =	stream.strided.gather [hbm4b:s14+s16], $0x800, s15, s16, $0x38;
	[tilespmem:$0x12400] =	vst v63  }
0x177: {  	s14 =	spop (v2sf);
	s1 =	simm.s32 $0x1400  }
0x178: {  	(v2sf) =	vpush v32, $0xA;
	[tilespmem:s1], [sflag:$0x5] =	stream.strided.gather [hbm4b:s14+s16], $0x800, s15, s16, $0x38;
	[tilespmem:$0x12400] =	vst v63  }
0x179: {  	s14 =	spop (v2sf);
	s1 =	simm.s32 $0x1C00  }
0x17a: {  	(v2sf) =	vpush v32, $0xB;
	[tilespmem:s1], [sflag:$0x6] =	stream.strided.gather [hbm4b:s14+s16], $0x800, s15, s16, $0x38;
	[tilespmem:$0x12400] =	vst v63  }
0x17b: {  	s14 =	spop (v2sf);
	s1 =	simm.s32 $0x2400  }
0x17c: {  	(v2sf) =	vpush v32, $0xC;
	[tilespmem:s1], [sflag:$0x1] =	stream.strided.gather [hbm4b:s14+s16], $0x800, s15, s16, $0x38;
	[tilespmem:$0x12400] =	vst v63  }
0x17d: {  	s14 =	spop (v2sf);
	s1 =	simm.s32 $0x2C00  }
0x17e: {  	(v2sf) =	vpush v32, $0xD;
	[tilespmem:s1], [sflag:$0x2] =	stream.strided.gather [hbm4b:s14+s16], $0x800, s15, s16, $0x38;
	[tilespmem:$0x12400] =	vst v63  }
0x17f: {  	s14 =	spop (v2sf);
	s1 =	simm.s32 $0x3400  }
0x180: {  	(v2sf) =	vpush v32, $0xE;
	[tilespmem:s1], [sflag:$0x5] =	stream.strided.gather [hbm4b:s14+s16], $0x800, s15, s16, $0x38;
	[tilespmem:$0x12400] =	vst v63  }
0x181: {  	s14 =	spop (v2sf);
	s1 =	simm.s32 $0x3C00  }
0x182: {  	(v2sf) =	vpush v32, $0xF;
	[tilespmem:s1], [sflag:$0x6] =	stream.strided.gather [hbm4b:s14+s16], $0x800, s15, s16, $0x38;
	[tilespmem:$0x12400] =	vst v63  }
0x183: {  	s14 =	spop (v2sf);
	s1 =	simm.s32 $0x4400  }
0x184: {  	[tilespmem:s1], [sflag:$0x1] =	stream.strided.gather [hbm4b:s14+s16], $0x800, s15, s16, $0x38;
	[tilespmem:$0x12400] =	vst v63  }
0x185: {  	s14 =	spop (v2sf);
	s1 =	simm.s32 $0x4C00  }
0x186: {  	[tilespmem:s1], [sflag:$0x2] =	stream.strided.gather [hbm4b:s14+s16], $0x800, s15, s16, $0x38;
	[tilespmem:$0x12400] =	vst v63  }
0x187: {  	s14 =	spop (v2sf);
	s1 =	simm.s32 $0x5400  }
0x188: {  	[tilespmem:s1], [sflag:$0x5] =	stream.strided.gather [hbm4b:s14+s16], $0x800, s15, s16, $0x38;
	[tilespmem:$0x12400] =	vst v63  }
0x189: {  	s14 =	spop (v2sf);
	s1 =	simm.s32 $0x5C00  }
0x18a: {  	[tilespmem:s1], [sflag:$0x6] =	stream.strided.gather [hbm4b:s14+s16], $0x800, s15, s16, $0x38;
	[tilespmem:$0x12400] =	vst v63  }
0x18b: {  	s14 =	spop (v2sf);
	s1 =	simm.s32 $0x6400  }
0x18c: {  	[tilespmem:s1], [sflag:$0x1] =	stream.strided.gather [hbm4b:s14+s16], $0x800, s15, s16, $0x38;
	[tilespmem:$0x12400] =	vst v63  }
0x18d: {  	s14 =	spop (v2sf);
	s1 =	simm.s32 $0x6C00  }
0x18e: {  	[tilespmem:s1], [sflag:$0x2] =	stream.strided.gather [hbm4b:s14+s16], $0x800, s15, s16, $0x38;
	[tilespmem:$0x12400] =	vst v63  }
0x18f: {  	s14 =	spop (v2sf);
	s1 =	simm.s32 $0x7400  }
0x190: {  	[tilespmem:s1], [sflag:$0x5] =	stream.strided.gather [hbm4b:s14+s16], $0x800, s15, s16, $0x38;
	[tilespmem:$0x12400] =	vst v63  }
0x191: {  	s14 =	spop (v2sf);
	s1 =	simm.s32 $0x7C00  }
0x192: {  	[tilespmem:s1], [sflag:$0x6] =	stream.strided.gather [hbm4b:s14+s16], $0x800, s15, s16, $0x38;
	[tilespmem:$0x12400] =	vst v63  }
0x193: {  	_ =	swait.ge [sflag:s30], $0x800  }
0x194: {  	[sflag:s30] =	ssyncset.done $0x0  }
0x195: {  	[sflag:s30] =	ssyncadd.s32 $0xFFFFF800  }
0x196: {  	_ =	swait.ge [sflag:s31], $0x800  }
0x197: {  	[sflag:s31] =	ssyncset.done $0x0  }
0x198: {  	[sflag:s31] =	ssyncadd.s32 $0xFFFFF800  }
0x199: {  	_ =	swait.ge [sflag:s0], $0x800  }
0x19a: {  	[sflag:s0] =	ssyncset.done $0x0  }
0x19b: {  	[sflag:s0] =	ssyncadd.s32 $0xFFFFF800  }
0x19c: {  	_ =	swait.ge [sflag:s10], $0x800  }
0x19d: {  	[sflag:s10] =	ssyncset.done $0x0  }
0x19e: {  	[sflag:s10] =	ssyncadd.s32 $0xFFFFF800  }
0x19f: {  	_ =	swait.ge [sflag:s30], $0x800  }
0x1a0: {  	[sflag:s30] =	ssyncset.done $0x0  }
0x1a1: {  	[sflag:s30] =	ssyncadd.s32 $0xFFFFF800  }
0x1a2: {  	_ =	swait.ge [sflag:s31], $0x800  }
0x1a3: {  	[sflag:s31] =	ssyncset.done $0x0  }
0x1a4: {  	[sflag:s31] =	ssyncadd.s32 $0xFFFFF800  }
0x1a5: {  	_ =	swait.ge [sflag:s0], $0x800  }
0x1a6: {  	[sflag:s0] =	ssyncset.done $0x0  }
0x1a7: {  	[sflag:s0] =	ssyncadd.s32 $0xFFFFF800  }
0x1a8: {  	_ =	swait.ge [sflag:s10], $0x800  }
0x1a9: {  	[sflag:s10] =	ssyncset.done $0x0  }
0x1aa: {  	[sflag:s10] =	ssyncadd.s32 $0xFFFFF800  }
0x1ab: {  	_ =	swait.ge [sflag:s30], $0x800  }
0x1ac: {  	[sflag:s30] =	ssyncset.done $0x0  }
0x1ad: {  	[sflag:s30] =	ssyncadd.s32 $0xFFFFF800  }
0x1ae: {  	_ =	swait.ge [sflag:s31], $0x800  }
0x1af: {  	[sflag:s31] =	ssyncset.done $0x0  }
0x1b0: {  	[sflag:s31] =	ssyncadd.s32 $0xFFFFF800  }
0x1b1: {  	_ =	swait.ge [sflag:s0], $0x800  }
0x1b2: {  	[sflag:s0] =	ssyncset.done $0x0  }
0x1b3: {  	[sflag:s0] =	ssyncadd.s32 $0xFFFFF800  }
0x1b4: {  	_ =	swait.ge [sflag:s10], $0x800  }
0x1b5: {  	[sflag:s10] =	ssyncset.done $0x0  }
0x1b6: {  	[sflag:s10] =	ssyncadd.s32 $0xFFFFF800  }
0x1b7: {  	_ =	swait.ge [sflag:s30], $0x800  }
0x1b8: {  	[sflag:s30] =	ssyncset.done $0x0  }
0x1b9: {  	[sflag:s30] =	ssyncadd.s32 $0xFFFFF800  }
0x1ba: {  	_ =	swait.ge [sflag:s31], $0x800  }
0x1bb: {  	[sflag:s31] =	ssyncset.done $0x0  }
0x1bc: {  	[sflag:s31] =	ssyncadd.s32 $0xFFFFF800  }
0x1bd: {  	_ =	swait.ge [sflag:s0], $0x800  }
0x1be: {  	[sflag:s0] =	ssyncset.done $0x0  }
0x1bf: {  	[sflag:s0] =	ssyncadd.s32 $0xFFFFF800  }
0x1c0: {  	_ =	swait.ge [sflag:s10], $0x800  }
0x1c1: {  	[sflag:s10] =	ssyncset.done $0x0  }
0x1c2: {  	[sflag:s10] =	ssyncadd.s32 $0xFFFFF800  }
0x1c3: {  	v60 =	vld [tilespmem:s8+$0x0];
	_ =	sdelay $0x4  }
0x1c4: {  	v32 =	vand.u32 $0x7F, v60  }
0x1c5: {  	v61 =	vor.u32 v0, v32;
	_ =	sdelay $0x4  }
0x1c6: {  	v33 =	vld.idx.msk [tilespmem:v61+s5+$0x0], $0xffff  }
0x1c7: {  	v62 =	vor.u32 v2, v32;
	_ =	sdelay $0x3  }
0x1c8: {  	[tilespmem:v1+s11+$0x0] =	vst.idx.msk $0xffff, v33  }
0x1c9: {  	v33 =	vld.idx.msk [tilespmem:v62+s5+$0x0], $0xffff  }
0x1ca: {  	v63 =	vor.u32 v4, v32;
	_ =	sdelay $0x3  }
0x1cb: {  	[tilespmem:v3+s11+$0x0] =	vst.idx.msk $0xffff, v33  }
0x1cc: {  	v33 =	vld.idx.msk [tilespmem:v63+s5+$0x0], $0xffff  }
0x1cd: {  	v36 =	vor.u32 v6, v32;
	_ =	sdelay $0x3  }
0x1ce: {  	[tilespmem:v5+s11+$0x0] =	vst.idx.msk $0xffff, v33  }
0x1cf: {  	v33 =	vld.idx.msk [tilespmem:v36+s5+$0x0], $0xffff  }
0x1d0: {  	v37 =	vor.u32 v8, v32;
	_ =	sdelay $0x3  }
0x1d1: {  	[tilespmem:v7+s11+$0x0] =	vst.idx.msk $0xffff, v33  }
0x1d2: {  	v33 =	vld.idx.msk [tilespmem:v37+s5+$0x0], $0xffff  }
0x1d3: {  	v38 =	vor.u32 v10, v32;
	_ =	sdelay $0x3  }
0x1d4: {  	[tilespmem:v9+s11+$0x0] =	vst.idx.msk $0xffff, v33  }
0x1d5: {  	v33 =	vld.idx.msk [tilespmem:v38+s5+$0x0], $0xffff  }
0x1d6: {  	v39 =	vor.u32 v12, v32;
	_ =	sdelay $0x3  }
0x1d7: {  	[tilespmem:v11+s11+$0x0] =	vst.idx.msk $0xffff, v33  }
0x1d8: {  	v33 =	vld.idx.msk [tilespmem:v39+s5+$0x0], $0xffff  }
0x1d9: {  	v40 =	vor.u32 v14, v32;
	_ =	sdelay $0x3  }
0x1da: {  	[tilespmem:v13+s11+$0x0] =	vst.idx.msk $0xffff, v33  }
0x1db: {  	v33 =	vld.idx.msk [tilespmem:v40+s5+$0x0], $0xffff  }
0x1dc: {  	v41 =	vor.u32 v16, v32;
	_ =	sdelay $0x3  }
0x1dd: {  	[tilespmem:v15+s11+$0x0] =	vst.idx.msk $0xffff, v33  }
0x1de: {  	v33 =	vld.idx.msk [tilespmem:v41+s5+$0x0], $0xffff  }
0x1df: {  	v42 =	vor.u32 v18, v32;
	_ =	sdelay $0x3  }
0x1e0: {  	[tilespmem:v17+s11+$0x0] =	vst.idx.msk $0xffff, v33  }
0x1e1: {  	v33 =	vld.idx.msk [tilespmem:v42+s5+$0x0], $0xffff  }
0x1e2: {  	v43 =	vor.u32 v20, v32;
	_ =	sdelay $0x3  }
0x1e3: {  	[tilespmem:v19+s11+$0x0] =	vst.idx.msk $0xffff, v33  }
0x1e4: {  	v33 =	vld.idx.msk [tilespmem:v43+s5+$0x0], $0xffff  }
0x1e5: {  	v44 =	vor.u32 v22, v32;
	_ =	sdelay $0x3  }
0x1e6: {  	[tilespmem:v21+s11+$0x0] =	vst.idx.msk $0xffff, v33  }
0x1e7: {  	v33 =	vld.idx.msk [tilespmem:v44+s5+$0x0], $0xffff  }
0x1e8: {  	v45 =	vor.u32 v24, v32;
	_ =	sdelay $0x3  }
0x1e9: {  	[tilespmem:v23+s11+$0x0] =	vst.idx.msk $0xffff, v33  }
0x1ea: {  	v33 =	vld.idx.msk [tilespmem:v45+s5+$0x0], $0xffff  }
0x1eb: {  	v46 =	vor.u32 v26, v32;
	_ =	sdelay $0x3  }
0x1ec: {  	[tilespmem:v25+s11+$0x0] =	vst.idx.msk $0xffff, v33  }
0x1ed: {  	v33 =	vld.idx.msk [tilespmem:v46+s5+$0x0], $0xffff  }
0x1ee: {  	v47 =	vor.u32 v28, v32;
	_ =	sdelay $0x3  }
0x1ef: {  	[tilespmem:v27+s11+$0x0] =	vst.idx.msk $0xffff, v33  }
0x1f0: {  	v33 =	vld.idx.msk [tilespmem:v47+s5+$0x0], $0xffff  }
0x1f1: {  	v32 =	vor.u32 v30, v32;
	_ =	sdelay $0x3  }
0x1f2: {  	[tilespmem:v29+s11+$0x0] =	vst.idx.msk $0xffff, v33  }
0x1f3: {  	v32 =	vld.idx.msk [tilespmem:v32+s5+$0x0], $0xffff;
	_ =	sdelay $0x4  }
0x1f4: {  	[tilespmem:v31+s11+$0x0] =	vst.idx.msk $0xffff, v32  }
0x1f5: {  	v32 =	vld [tilespmem:s7+$0x0];
	_ =	sdelay $0x4  }
0x1f6: {  	s1 =	rddreg [dreg:$0x5];
	v32 =	vand.u32 $0xFFFFFF80, v32  }
0x1f7: {  	v32 =	vadd.s32 s1, v32  }
0x1f8: {  	(v2sf) =	vpush v32, $0x0;
	_ =	sdelay $0x1  }
0x1f9: {  	(v2sf) =	vpush v32, $0x1;
	_ =	sdelay $0x1  }
0x1fa: {  	(v2sf) =	vpush v32, $0x2;
	_ =	sdelay $0x1  }
0x1fb: {  	(v2sf) =	vpush v32, $0x3;
	_ =	sdelay $0x1  }
0x1fc: {  	(v2sf) =	vpush v32, $0x4;
	_ =	sdelay $0x1  }
0x1fd: {  	(v2sf) =	vpush v32, $0x5;
	_ =	sdelay $0x1  }
0x1fe: {  	(v2sf) =	vpush v32, $0x6;
	_ =	sdelay $0x1  }
0x1ff: {  	(v2sf) =	vpush v32, $0x7  }
0x200: {  	s1 =	spop (v2sf)  }
0x201: {  	(v2sf) =	vpush v32, $0x8;
	[tilespmem:s5], [sflag:$0x3] =	stream.strided.gather [hbm4b:s1+s16], $0x800, s15, s16, $0x38;
	[tilespmem:$0x12400] =	vst v63  }
0x202: {  	s1 =	spop (v2sf)  }
0x203: {  	(v2sf) =	vpush v32, $0x9;
	[tilespmem:s2], [sflag:$0x4] =	stream.strided.gather [hbm4b:s1+s16], $0x800, s15, s16, $0x38;
	[tilespmem:$0x12400] =	vst v63  }
0x204: {  	s1 =	spop (v2sf)  }
0x205: {  	(v2sf) =	vpush v32, $0xA;
	[tilespmem:s3], [sflag:$0x7] =	stream.strided.gather [hbm4b:s1+s16], $0x800, s15, s16, $0x38;
	[tilespmem:$0x12400] =	vst v63  }
0x206: {  	s2 =	spop (v2sf)  }
0x207: {  	(v2sf) =	vpush v32, $0xB;
	[tilespmem:s4], [sflag:$0x8] =	stream.strided.gather [hbm4b:s2+s16], $0x800, s15, s16, $0x38;
	[tilespmem:$0x12400] =	vst v63  }
0x208: {  	s1 =	spop (v2sf)  }
0x209: {  	(v2sf) =	vpush v32, $0xC;
	[tilespmem:s17], [sflag:$0x3] =	stream.strided.gather [hbm4b:s1+s16], $0x800, s15, s16, $0x38;
	[tilespmem:$0x12400] =	vst v63  }
0x20a: {  	s2 =	spop (v2sf)  }
0x20b: {  	(v2sf) =	vpush v32, $0xD;
	[tilespmem:s18], [sflag:$0x4] =	stream.strided.gather [hbm4b:s2+s16], $0x800, s15, s16, $0x38;
	[tilespmem:$0x12400] =	vst v63  }
0x20c: {  	s1 =	spop (v2sf)  }
0x20d: {  	(v2sf) =	vpush v32, $0xE;
	[tilespmem:s19], [sflag:$0x7] =	stream.strided.gather [hbm4b:s1+s16], $0x800, s15, s16, $0x38;
	[tilespmem:$0x12400] =	vst v63  }
0x20e: {  	s2 =	spop (v2sf)  }
0x20f: {  	(v2sf) =	vpush v32, $0xF;
	[tilespmem:s20], [sflag:$0x8] =	stream.strided.gather [hbm4b:s2+s16], $0x800, s15, s16, $0x38;
	[tilespmem:$0x12400] =	vst v63  }
0x210: {  	s1 =	spop (v2sf)  }
0x211: {  	[tilespmem:s21], [sflag:$0x3] =	stream.strided.gather [hbm4b:s1+s16], $0x800, s15, s16, $0x38;
	[tilespmem:$0x12400] =	vst v63  }
0x212: {  	s2 =	spop (v2sf)  }
0x213: {  	[tilespmem:s22], [sflag:$0x4] =	stream.strided.gather [hbm4b:s2+s16], $0x800, s15, s16, $0x38;
	[tilespmem:$0x12400] =	vst v63  }
0x214: {  	s1 =	spop (v2sf)  }
0x215: {  	[tilespmem:s23], [sflag:$0x7] =	stream.strided.gather [hbm4b:s1+s16], $0x800, s15, s16, $0x38;
	[tilespmem:$0x12400] =	vst v63  }
0x216: {  	s2 =	spop (v2sf)  }
0x217: {  	[tilespmem:s6], [sflag:$0x8] =	stream.strided.gather [hbm4b:s2+s16], $0x800, s15, s16, $0x38;
	[tilespmem:$0x12400] =	vst v63  }
0x218: {  	s1 =	spop (v2sf);
	s2 =	simm.s32 $0xE400  }
0x219: {  	[tilespmem:s2], [sflag:$0x3] =	stream.strided.gather [hbm4b:s1+s16], $0x800, s15, s16, $0x38;
	[tilespmem:$0x12400] =	vst v63  }
0x21a: {  	s1 =	spop (v2sf);
	s2 =	simm.s32 $0xEC00  }
0x21b: {  	[tilespmem:s2], [sflag:$0x4] =	stream.strided.gather [hbm4b:s1+s16], $0x800, s15, s16, $0x38;
	[tilespmem:$0x12400] =	vst v63  }
0x21c: {  	s1 =	spop (v2sf);
	s2 =	simm.s32 $0xF400  }
0x21d: {  	[tilespmem:s2], [sflag:$0x7] =	stream.strided.gather [hbm4b:s1+s16], $0x800, s15, s16, $0x38;
	[tilespmem:$0x12400] =	vst v63  }
0x21e: {  	s1 =	spop (v2sf);
	s2 =	simm.s32 $0xFC00  }
0x21f: {  	[tilespmem:s2], [sflag:$0x8] =	stream.strided.gather [hbm4b:s1+s16], $0x800, s15, s16, $0x38;
	[tilespmem:$0x12400] =	vst v63  }
0x220: {  	_ =	swait.ge [sflag:s24], $0x800  }
0x221: {  	[sflag:s24] =	ssyncset.done $0x0  }
0x222: {  	[sflag:s24] =	ssyncadd.s32 $0xFFFFF800  }
0x223: {  	_ =	swait.ge [sflag:s25], $0x800  }
0x224: {  	[sflag:s25] =	ssyncset.done $0x0  }
0x225: {  	[sflag:s25] =	ssyncadd.s32 $0xFFFFF800  }
0x226: {  	_ =	swait.ge [sflag:s26], $0x800  }
0x227: {  	[sflag:s26] =	ssyncset.done $0x0  }
0x228: {  	[sflag:s26] =	ssyncadd.s32 $0xFFFFF800  }
0x229: {  	_ =	swait.ge [sflag:s28], $0x800  }
0x22a: {  	[sflag:s28] =	ssyncset.done $0x0  }
0x22b: {  	[sflag:s28] =	ssyncadd.s32 $0xFFFFF800  }
0x22c: {  	_ =	swait.ge [sflag:s24], $0x800  }
0x22d: {  	[sflag:s24] =	ssyncset.done $0x0  }
0x22e: {  	[sflag:s24] =	ssyncadd.s32 $0xFFFFF800  }
0x22f: {  	_ =	swait.ge [sflag:s25], $0x800  }
0x230: {  	[sflag:s25] =	ssyncset.done $0x0  }
0x231: {  	[sflag:s25] =	ssyncadd.s32 $0xFFFFF800  }
0x232: {  	_ =	swait.ge [sflag:s26], $0x800  }
0x233: {  	[sflag:s26] =	ssyncset.done $0x0  }
0x234: {  	[sflag:s26] =	ssyncadd.s32 $0xFFFFF800  }
0x235: {  	_ =	swait.ge [sflag:s28], $0x800  }
0x236: {  	[sflag:s28] =	ssyncset.done $0x0  }
0x237: {  	[sflag:s28] =	ssyncadd.s32 $0xFFFFF800  }
0x238: {  	_ =	swait.ge [sflag:s24], $0x800  }
0x239: {  	[sflag:s24] =	ssyncset.done $0x0  }
0x23a: {  	[sflag:s24] =	ssyncadd.s32 $0xFFFFF800  }
0x23b: {  	_ =	swait.ge [sflag:s25], $0x800  }
0x23c: {  	[sflag:s25] =	ssyncset.done $0x0  }
0x23d: {  	[sflag:s25] =	ssyncadd.s32 $0xFFFFF800  }
0x23e: {  	_ =	swait.ge [sflag:s26], $0x800  }
0x23f: {  	[sflag:s26] =	ssyncset.done $0x0  }
0x240: {  	[sflag:s26] =	ssyncadd.s32 $0xFFFFF800  }
0x241: {  	_ =	swait.ge [sflag:s28], $0x800  }
0x242: {  	[sflag:s28] =	ssyncset.done $0x0  }
0x243: {  	[sflag:s28] =	ssyncadd.s32 $0xFFFFF800  }
0x244: {  	_ =	swait.ge [sflag:s24], $0x800  }
0x245: {  	[sflag:s24] =	ssyncset.done $0x0  }
0x246: {  	[sflag:s24] =	ssyncadd.s32 $0xFFFFF800  }
0x247: {  	_ =	swait.ge [sflag:s25], $0x800  }
0x248: {  	[sflag:s25] =	ssyncset.done $0x0  }
0x249: {  	[sflag:s25] =	ssyncadd.s32 $0xFFFFF800  }
0x24a: {  	_ =	swait.ge [sflag:s26], $0x800  }
0x24b: {  	[sflag:s26] =	ssyncset.done $0x0  }
0x24c: {  	[sflag:s26] =	ssyncadd.s32 $0xFFFFF800  }
0x24d: {  	_ =	swait.ge [sflag:s28], $0x800  }
0x24e: {  	[sflag:s28] =	ssyncset.done $0x0  }
0x24f: {  	[sflag:s28] =	ssyncadd.s32 $0xFFFFF800  }
0x250: {  	v48 =	vld [tilespmem:s7+$0x0];
	_ =	sdelay $0x4  }
0x251: {  	v32 =	vand.u32 $0x7F, v48  }
0x252: {  	v49 =	vor.u32 v0, v32;
	_ =	sdelay $0x4  }
0x253: {  	v33 =	vld.idx.msk [tilespmem:v49+s16+$0x0], $0xffff  }
0x254: {  	v50 =	vor.u32 v2, v32;
	_ =	sdelay $0x3  }
0x255: {  	[tilespmem:v1+s12+$0x0] =	vst.idx.msk $0xffff, v33  }
0x256: {  	v33 =	vld.idx.msk [tilespmem:v50+s16+$0x0], $0xffff  }
0x257: {  	v51 =	vor.u32 v4, v32;
	_ =	sdelay $0x3  }
0x258: {  	[tilespmem:v3+s12+$0x0] =	vst.idx.msk $0xffff, v33  }
0x259: {  	v33 =	vld.idx.msk [tilespmem:v51+s16+$0x0], $0xffff  }
0x25a: {  	v52 =	vor.u32 v6, v32;
	_ =	sdelay $0x3  }
0x25b: {  	[tilespmem:v5+s12+$0x0] =	vst.idx.msk $0xffff, v33  }
0x25c: {  	v33 =	vld.idx.msk [tilespmem:v52+s16+$0x0], $0xffff  }
0x25d: {  	v53 =	vor.u32 v8, v32;
	_ =	sdelay $0x3  }
0x25e: {  	[tilespmem:v7+s12+$0x0] =	vst.idx.msk $0xffff, v33  }
0x25f: {  	v33 =	vld.idx.msk [tilespmem:v53+s16+$0x0], $0xffff  }
0x260: {  	v54 =	vor.u32 v10, v32;
	_ =	sdelay $0x3  }
0x261: {  	[tilespmem:v9+s12+$0x0] =	vst.idx.msk $0xffff, v33  }
0x262: {  	v33 =	vld.idx.msk [tilespmem:v54+s16+$0x0], $0xffff  }
0x263: {  	v55 =	vor.u32 v12, v32;
	_ =	sdelay $0x3  }
0x264: {  	[tilespmem:v11+s12+$0x0] =	vst.idx.msk $0xffff, v33  }
0x265: {  	v33 =	vld.idx.msk [tilespmem:v55+s16+$0x0], $0xffff  }
0x266: {  	v56 =	vor.u32 v14, v32;
	_ =	sdelay $0x3  }
0x267: {  	[tilespmem:v13+s12+$0x0] =	vst.idx.msk $0xffff, v33  }
0x268: {  	v33 =	vld.idx.msk [tilespmem:v56+s16+$0x0], $0xffff  }
0x269: {  	v57 =	vor.u32 v16, v32;
	_ =	sdelay $0x3  }
0x26a: {  	[tilespmem:v15+s12+$0x0] =	vst.idx.msk $0xffff, v33  }
0x26b: {  	v33 =	vld.idx.msk [tilespmem:v57+s16+$0x0], $0xffff  }
0x26c: {  	v58 =	vor.u32 v18, v32;
	_ =	sdelay $0x3  }
0x26d: {  	[tilespmem:v17+s12+$0x0] =	vst.idx.msk $0xffff, v33  }
0x26e: {  	v33 =	vld.idx.msk [tilespmem:v58+s16+$0x0], $0xffff  }
0x26f: {  	v59 =	vor.u32 v20, v32;
	_ =	sdelay $0x3  }
0x270: {  	[tilespmem:v19+s12+$0x0] =	vst.idx.msk $0xffff, v33  }
0x271: {  	v33 =	vld.idx.msk [tilespmem:v59+s16+$0x0], $0xffff  }
0x272: {  	v60 =	vor.u32 v22, v32;
	_ =	sdelay $0x3  }
0x273: {  	[tilespmem:v21+s12+$0x0] =	vst.idx.msk $0xffff, v33  }
0x274: {  	v33 =	vld.idx.msk [tilespmem:v60+s16+$0x0], $0xffff  }
0x275: {  	v61 =	vor.u32 v24, v32;
	_ =	sdelay $0x3  }
0x276: {  	[tilespmem:v23+s12+$0x0] =	vst.idx.msk $0xffff, v33  }
0x277: {  	v33 =	vld.idx.msk [tilespmem:v61+s16+$0x0], $0xffff  }
0x278: {  	v62 =	vor.u32 v26, v32;
	_ =	sdelay $0x3  }
0x279: {  	[tilespmem:v25+s12+$0x0] =	vst.idx.msk $0xffff, v33  }
0x27a: {  	v33 =	vld.idx.msk [tilespmem:v62+s16+$0x0], $0xffff  }
0x27b: {  	v63 =	vor.u32 v28, v32;
	_ =	sdelay $0x3  }
0x27c: {  	[tilespmem:v27+s12+$0x0] =	vst.idx.msk $0xffff, v33  }
0x27d: {  	v33 =	vld.idx.msk [tilespmem:v63+s16+$0x0], $0xffff  }
0x27e: {  	v32 =	vor.u32 v30, v32;
	_ =	sdelay $0x3  }
0x27f: {  	[tilespmem:v29+s12+$0x0] =	vst.idx.msk $0xffff, v33  }
0x280: {  	p0 =	seq.s32 s9, $0x1F00;
	v32 =	vld.idx.msk [tilespmem:v32+s16+$0x0], $0xffff  }
.Ltmp4:
0x281: {  	_ = 	snop;
	(pc) =	sbr.rel @p0 .LBB2_4-.Ltmp4, $2  }
0x282: {  	_ =	sdelay $0x2  }
0x283: {  	[tilespmem:v31+s12+$0x0] =	vst.idx.msk $0xffff, v32  }
0x284: {  	v32 =	vld [tilespmem:s8+$0x10];
	_ =	sdelay $0x4  }
0x285: {  	s14 =	rddreg [dreg:$0x2];
	v32 =	vand.u32 $0xFFFFFF80, v32  }
0x286: {  	v32 =	vadd.s32 s14, v32  }
0x287: {  	(v2sf) =	vpush v32, $0x0;
	_ =	sdelay $0x1  }
0x288: {  	(v2sf) =	vpush v32, $0x1;
	_ =	sdelay $0x1  }
0x289: {  	(v2sf) =	vpush v32, $0x2;
	_ =	sdelay $0x1  }
0x28a: {  	(v2sf) =	vpush v32, $0x3;
	_ =	sdelay $0x1  }
0x28b: {  	(v2sf) =	vpush v32, $0x4;
	_ =	sdelay $0x1  }
0x28c: {  	(v2sf) =	vpush v32, $0x5;
	_ =	sdelay $0x1  }
0x28d: {  	(v2sf) =	vpush v32, $0x6;
	_ =	sdelay $0x1  }
0x28e: {  	(v2sf) =	vpush v32, $0x7  }
0x28f: {  	s1 =	spop (v2sf)  }
0x290: {  	(v2sf) =	vpush v32, $0x8;
	[tilespmem:s16], [sflag:$0x1] =	stream.strided.gather [hbm4b:s1+s16], $0x800, s15, s16, $0x38;
	[tilespmem:$0x12400] =	vst v63  }
0x291: {  	s2 =	spop (v2sf);
	s1 =	simm.s32 $0xC00  }
0x292: {  	(v2sf) =	vpush v32, $0x9;
	[tilespmem:s1], [sflag:$0x2] =	stream.strided.gather [hbm4b:s2+s16], $0x800, s15, s16, $0x38;
	[tilespmem:$0x12400] =	vst v63  }
0x293: {  	s1 =	spop (v2sf);
	s2 =	simm.s32 $0x1400  }
0x294: {  	(v2sf) =	vpush v32, $0xA;
	[tilespmem:s2], [sflag:$0x5] =	stream.strided.gather [hbm4b:s1+s16], $0x800, s15, s16, $0x38;
	[tilespmem:$0x12400] =	vst v63  }
0x295: {  	s1 =	spop (v2sf);
	s2 =	simm.s32 $0x1C00  }
0x296: {  	(v2sf) =	vpush v32, $0xB;
	[tilespmem:s2], [sflag:$0x6] =	stream.strided.gather [hbm4b:s1+s16], $0x800, s15, s16, $0x38;
	[tilespmem:$0x12400] =	vst v63  }
0x297: {  	s1 =	spop (v2sf);
	s2 =	simm.s32 $0x2400  }
0x298: {  	(v2sf) =	vpush v32, $0xC;
	[tilespmem:s2], [sflag:$0x1] =	stream.strided.gather [hbm4b:s1+s16], $0x800, s15, s16, $0x38;
	[tilespmem:$0x12400] =	vst v63  }
0x299: {  	s1 =	spop (v2sf);
	s2 =	simm.s32 $0x2C00  }
0x29a: {  	(v2sf) =	vpush v32, $0xD;
	[tilespmem:s2], [sflag:$0x2] =	stream.strided.gather [hbm4b:s1+s16], $0x800, s15, s16, $0x38;
	[tilespmem:$0x12400] =	vst v63  }
0x29b: {  	s1 =	spop (v2sf);
	s2 =	simm.s32 $0x3400  }
0x29c: {  	[tilespmem:s2], [sflag:$0x5] =	stream.strided.gather [hbm4b:s1+s16], $0x800, s15, s16, $0x38;
	[tilespmem:$0x12400] =	vst v63  }
0x29d: {  	(v2sf) =	vpush v32, $0xE;
	s1 =	spop (v2sf);
	s2 =	simm.s32 $0x3C00  }
0x29e: {  	[tilespmem:s2], [sflag:$0x6] =	stream.strided.gather [hbm4b:s1+s16], $0x800, s15, s16, $0x38;
	[tilespmem:$0x12400] =	vst v63  }
0x29f: {  	(v2sf) =	vpush v32, $0xF;
	s1 =	spop (v2sf);
	s2 =	simm.s32 $0x4400  }
0x2a0: {  	[tilespmem:s2], [sflag:$0x1] =	stream.strided.gather [hbm4b:s1+s16], $0x800, s15, s16, $0x38;
	[tilespmem:$0x12400] =	vst v63  }
0x2a1: {  	s1 =	spop (v2sf);
	s2 =	simm.s32 $0x4C00  }
0x2a2: {  	[tilespmem:s2], [sflag:$0x2] =	stream.strided.gather [hbm4b:s1+s16], $0x800, s15, s16, $0x38;
	[tilespmem:$0x12400] =	vst v63  }
0x2a3: {  	s1 =	spop (v2sf);
	s2 =	simm.s32 $0x5400  }
0x2a4: {  	[tilespmem:s2], [sflag:$0x5] =	stream.strided.gather [hbm4b:s1+s16], $0x800, s15, s16, $0x38;
	[tilespmem:$0x12400] =	vst v63  }
0x2a5: {  	s1 =	spop (v2sf);
	s2 =	simm.s32 $0x5C00  }
0x2a6: {  	[tilespmem:s2], [sflag:$0x6] =	stream.strided.gather [hbm4b:s1+s16], $0x800, s15, s16, $0x38;
	[tilespmem:$0x12400] =	vst v63  }
0x2a7: {  	s1 =	spop (v2sf);
	s2 =	simm.s32 $0x6400  }
0x2a8: {  	[tilespmem:s2], [sflag:$0x1] =	stream.strided.gather [hbm4b:s1+s16], $0x800, s15, s16, $0x38;
	[tilespmem:$0x12400] =	vst v63  }
0x2a9: {  	s1 =	spop (v2sf);
	s2 =	simm.s32 $0x6C00  }
0x2aa: {  	[tilespmem:s2], [sflag:$0x2] =	stream.strided.gather [hbm4b:s1+s16], $0x800, s15, s16, $0x38;
	[tilespmem:$0x12400] =	vst v63  }
.Ltmp5:
0x2ab: {  	_ = 	snop;
	(pc) =	sbr.rel .LBB2_4-.Ltmp5, $4  }
0x2ac: {  	s1 =	spop (v2sf);
	s2 =	simm.s32 $0x7400  }
0x2ad: {  	[tilespmem:s2], [sflag:$0x5] =	stream.strided.gather [hbm4b:s1+s16], $0x800, s15, s16, $0x38;
	[tilespmem:$0x12400] =	vst v63  }
0x2ae: {  	s1 =	spop (v2sf);
	s2 =	simm.s32 $0x7C00  }
0x2af: {  	[tilespmem:s2], [sflag:$0x6] =	stream.strided.gather [hbm4b:s1+s16], $0x800, s15, s16, $0x38;
	[tilespmem:$0x12400] =	vst v63  }
.LBB2_6:
0x2b0: {  	_ =	sfence.sel $0x180000  }
0x2b1: {  	[bflag:$0x0] =	sbarrier.arrive $0xFFFF  }
0x2b2: {  	_ =	strace $0x90000047  }
0x2b3: {  	s0 =	stileid.u32;
	[bflag:$0x2] =	sbarrier.arrive $0xFFFF  }
0x2b4: {  	p0 =	sne.s32 s0, $0x0;
	s0 =	rddreg [dreg:$0x7]  }
0x2b5: {  	s0 =	sadd.s32 @!p0 $0x100000, s0  }
0x2b6: {  	[sflag:s0] =	ssyncadd.tile.s32 @!p0 $0x1;
	_ =	shalt  }
.Lfunc_end2:
_tile_overlayer_lowered:
.L_overlay_start_2:
0x2b7: {  	(tag) =	ssettag $0x2  }
0x2b8: {  	s0 =	rddreg [dreg:$0x0];
	s2 =	stileid.u32  }
0x2b9: {  	s1 =	rddreg [dreg:$0x1];
	p0 =	sne.s32 s2, $0x0  }
0x2ba: {  	s3 =	rddreg [dreg:$0x2];
	[bflag:$0x3] =	sbarrier.arrive $0xFFFF;
	s2 =	simm.s32 @!p0 $0x1C0A  }
0x2bb: {  	[timem:s3], [sflag:s2] =	dma.local @!p0 [hbm:s0], s1  }
0x2bc: {  	s0 =	simm.s32 @!p0 $0xA  }
0x2bd: {  	_ =	swait.ge @!p0 [sflag:s0], s1  }
0x2be: {  	s1 =	ssub.s32 @!p0 $0x0, s1;
	[sflag:s0] =	ssyncset.done @!p0 $0x0  }
0x2bf: {  	[sflag:s0] =	ssyncadd.s32 @!p0 s1  }
0x2c0: {  	[bflag:$0x3] =	sbarrier.arrive $0xFFFF  }
0x2c1: {  	_ =	shalt  }

</sc_bundles>
